<compile_context>
chip_gen: v7x
topology: tpu7x:2x2x1
jax: 0.10.2.dev20260603
libtpu: 0.0.44.dev20260713+nightly
codegen_flags: <defaults>
</compile_context>

<pallas_src>
import jax
import jax.numpy as jnp
from jax import lax
from jax.experimental import pallas as pl
from jax.experimental.pallas import tpu as pltpu
from jax.experimental.pallas import tpu_sc as plsc

_B = 4096
_SL = 50
_L = 128
_NC, _NS = 2, 16
_NW = _NC * _NS
_IPW = _B // _NW
_HALO = 8
_J = 2
_NSTEP = _SL // _J
_NBUF = 3


def _sc_roll_body(x_ref, o_ref, *scratch):
    bufs = list(scratch[:_NBUF])
    rsems = list(scratch[_NBUF:2 * _NBUF])
    wsems = list(scratch[2 * _NBUF:])
    wid = lax.axis_index("s") * _NC + lax.axis_index("c")
    s0 = wid * _IPW
    h0 = lax.rem(s0 + _IPW, _B)

    def issue_read(g):
        b = g % _NBUF
        j = g * _J
        return [
            pltpu.async_copy(x_ref.at[pl.ds(j, _J), pl.ds(s0, _IPW)],
                             bufs[b].at[:, pl.ds(0, _IPW)], rsems[b]),
            pltpu.async_copy(x_ref.at[pl.ds(j, _J), pl.ds(h0, _HALO)],
                             bufs[b].at[:, pl.ds(_IPW, _HALO)], rsems[b]),
        ]

    def issue_write(g):
        b = g % _NBUF
        j = g * _J
        return [pltpu.async_copy(bufs[b].at[:, pl.ds(1, _IPW)],
                                 o_ref.at[pl.ds(j, _J), pl.ds(s0, _IPW)],
                                 wsems[b])]

    depth = _NBUF - 1
    reads, writes = {}, {}
    for g in range(min(depth, _NSTEP)):
        reads[g] = issue_read(g)
    for g in range(_NSTEP):
        nxt = g + depth
        if nxt < _NSTEP:
            if nxt >= _NBUF:
                for h in writes[nxt - _NBUF]:
                    h.wait()
            reads[nxt] = issue_read(nxt)
        for h in reads[g]:
            h.wait()
        writes[g] = issue_write(g)
    for g in range(max(_NSTEP - _NBUF, 0), _NSTEP):
        for h in writes[g]:
            h.wait()


def kernel(x):
    xt = jnp.transpose(x, (1, 0, 2))
    out_t = pl.kernel(
        _sc_roll_body,
        out_type=jax.ShapeDtypeStruct((_SL, _B, _L), jnp.float32),
        mesh=plsc.VectorSubcoreMesh(core_axis_name="c", subcore_axis_name="s"),
        scratch_types=[pltpu.VMEM((_J, _IPW + _HALO, _L), jnp.float32)] * _NBUF
                      + [pltpu.SemaphoreType.DMA] * (2 * _NBUF),
    )(xt)
    return jnp.transpose(out_t, (1, 0, 2))

# --- scband reference (transcript-rebuilt; emitter-appended) ---
"""Pipeline reference for scband-random-context-attention-11914239279765 (READ-ONLY COPY).

The authoritative reference and input builder live on the scoring server;
editing this copy changes nothing except your own understanding.
"""

import jax, jax.numpy as jnp
import numpy as np

def setup_inputs(seed: int = 0) -> dict:
    key = jax.random.key(seed)
    x = jax.random.normal(key, (4096, 50, 128), dtype=jnp.float32)
    return {"x": x}

def reference(x):
    bsz = x.shape[0]
    random_idxs = (jnp.arange(bsz) + 1) % bsz
    # torch: ctx = x.clone().detach(); ctx[arange(bsz)] = ctx[random_idxs]
    ctx = jax.lax.stop_gradient(x)
    gathered = jnp.take(ctx, random_idxs, axis=0)
    ctx = ctx.at[jnp.arange(bsz)].set(gathered)
    return ctx

if __name__ == "__main__":
    import jax
    _d = setup_inputs()
    print(jax.jit(kernel)(*tuple(_d.values())))

</pallas_src>

<mosaic_0001>
#map = affine_map<(d0, d1) -> (0, 0, 0)>
module attributes {stable_mosaic.version = 14 : i64} {
  func.func @_sc_roll_body(%arg0: i32, %arg1: i32, %arg2: memref<50x4096x128xf32, #tpu.memory_space<hbm>>, %arg3: memref<50x4096x128xf32, #tpu.memory_space<hbm>>, %arg4: memref<2x136x128xf32, #tpu.memory_space<vmem>>, %arg5: memref<2x136x128xf32, #tpu.memory_space<vmem>>, %arg6: memref<2x136x128xf32, #tpu.memory_space<vmem>>, %arg7: memref<!tpu.dma_semaphore, #tpu.memory_space<semaphore_mem>>, %arg8: memref<!tpu.dma_semaphore, #tpu.memory_space<semaphore_mem>>, %arg9: memref<!tpu.dma_semaphore, #tpu.memory_space<semaphore_mem>>, %arg10: memref<!tpu.dma_semaphore, #tpu.memory_space<semaphore_mem>>, %arg11: memref<!tpu.dma_semaphore, #tpu.memory_space<semaphore_mem>>, %arg12: memref<!tpu.dma_semaphore, #tpu.memory_space<semaphore_mem>>) attributes {dimension_semantics = [#tpu.dimension_semantics<core_parallel>, #tpu.dimension_semantics<subcore_parallel>], iteration_bounds = array<i64: 2, 16>, scalar_prefetch = 0 : i64, scratch_operands = 9 : i64, tpu.core_type = #tpu.core_type<sc_vector_subcore>, window_params = [{transform_indices = #map}, {transform_indices = #map}]} {
    %mul3A = arith.constant 2 : i32
    %mul3A_0 = arith.muli %arg1, %mul3A : i32
    %add3A = arith.addi %mul3A_0, %arg0 : i32
    %mul3A_1 = arith.constant 128 : i32
    %mul3A_2 = arith.muli %add3A, %mul3A_1 : i32
    %add3A_3 = arith.constant 128 : i32
    %add3A_4 = arith.addi %mul3A_2, %add3A_3 : i32
    %rem3A = arith.constant 4096 : i32
    %rem3A_5 = arith.remsi %add3A_4, %rem3A : i32
    %dma_start3A = arith.constant 0 : i32
    %dma_start3A_6 = arith.constant 0 : i32
    %dma_start3A_7 = arith.constant 0 : i32
    %dma_start3A_8 = tpu.memref_slice %arg4[%dma_start3A, %dma_start3A_6, %dma_start3A_7] : memref<2x136x128xf32, #tpu.memory_space<vmem>> -> memref<2x128x128xf32, #tpu.memory_space<vmem>>
    %dma_start3A_9 = arith.constant 0 : i32
    %dma_start3A_10 = arith.constant 0 : i32
    %dma_start3A_11 = tpu.memref_slice %arg2[%dma_start3A_9, %mul3A_2, %dma_start3A_10] : memref<50x4096x128xf32, #tpu.memory_space<hbm>> -> memref<2x128x128xf32, #tpu.memory_space<hbm>>
    %dma_start3A_12 = arith.constant 0 : i32
    %dma_start3A_13 = arith.constant 0 : i32
    %dma_start3A_14 = arith.constant 0 : i32
    %dma_start3A_15 = tpu.memref_slice %arg4[%dma_start3A_12, %dma_start3A_13, %dma_start3A_14] : memref<2x136x128xf32, #tpu.memory_space<vmem>> -> memref<2x128x128xf32, #tpu.memory_space<vmem>>
    %dma_start3A_16 = arith.constant 0 : i32
    %dma_start3A_17 = arith.constant 0 : i32
    %dma_start3A_18 = tpu.memref_slice %arg2[%dma_start3A_16, %mul3A_2, %dma_start3A_17] : memref<50x4096x128xf32, #tpu.memory_space<hbm>> -> memref<2x128x128xf32, #tpu.memory_space<hbm>>
    tpu.enqueue_dma source(%dma_start3A_18 : memref<2x128x128xf32, #tpu.memory_space<hbm>>) target(%dma_start3A_15 : memref<2x128x128xf32, #tpu.memory_space<vmem>>) target_semaphore(%arg7 : memref<!tpu.dma_semaphore, #tpu.memory_space<semaphore_mem>>)
    %dma_start3A_19 = arith.constant 0 : i32
    %dma_start3A_20 = arith.constant 128 : i32
    %dma_start3A_21 = arith.constant 0 : i32
    %dma_start3A_22 = tpu.memref_slice %arg4[%dma_start3A_19, %dma_start3A_20, %dma_start3A_21] : memref<2x136x128xf32, #tpu.memory_space<vmem>> -> memref<2x8x128xf32, #tpu.memory_space<vmem>>
    %dma_start3A_23 = arith.constant 0 : i32
    %dma_start3A_24 = arith.constant 0 : i32
    %dma_start3A_25 = tpu.memref_slice %arg2[%dma_start3A_23, %rem3A_5, %dma_start3A_24] : memref<50x4096x128xf32, #tpu.memory_space<hbm>> -> memref<2x8x128xf32, #tpu.memory_space<hbm>>
    %dma_start3A_26 = arith.constant 0 : i32
    %dma_start3A_27 = arith.constant 128 : i32
    %dma_start3A_28 = arith.constant 0 : i32
    %dma_start3A_29 = tpu.memref_slice %arg4[%dma_start3A_26, %dma_start3A_27, %dma_start3A_28] : memref<2x136x128xf32, #tpu.memory_space<vmem>> -> memref<2x8x128xf32, #tpu.memory_space<vmem>>
    %dma_start3A_30 = arith.constant 0 : i32
    %dma_start3A_31 = arith.constant 0 : i32
    %dma_start3A_32 = tpu.memref_slice %arg2[%dma_start3A_30, %rem3A_5, %dma_start3A_31] : memref<50x4096x128xf32, #tpu.memory_space<hbm>> -> memref<2x8x128xf32, #tpu.memory_space<hbm>>
    tpu.enqueue_dma source(%dma_start3A_32 : memref<2x8x128xf32, #tpu.memory_space<hbm>>) target(%dma_start3A_29 : memref<2x8x128xf32, #tpu.memory_space<vmem>>) target_semaphore(%arg7 : memref<!tpu.dma_semaphore, #tpu.memory_space<semaphore_mem>>)
    %dma_start3A_33 = arith.constant 0 : i32
    %dma_start3A_34 = arith.constant 0 : i32
    %dma_start3A_35 = arith.constant 0 : i32
    %dma_start3A_36 = tpu.memref_slice %arg5[%dma_start3A_33, %dma_start3A_34, %dma_start3A_35] : memref<2x136x128xf32, #tpu.memory_space<vmem>> -> memref<2x128x128xf32, #tpu.memory_space<vmem>>
    %dma_start3A_37 = arith.constant 2 : i32
    %dma_start3A_38 = arith.constant 0 : i32
    %dma_start3A_39 = tpu.memref_slice %arg2[%dma_start3A_37, %mul3A_2, %dma_start3A_38] : memref<50x4096x128xf32, #tpu.memory_space<hbm>> -> memref<2x128x128xf32, #tpu.memory_space<hbm>>
    %dma_start3A_40 = arith.constant 0 : i32
    %dma_start3A_41 = arith.constant 0 : i32
    %dma_start3A_42 = arith.constant 0 : i32
    %dma_start3A_43 = tpu.memref_slice %arg5[%dma_start3A_40, %dma_start3A_41, %dma_start3A_42] : memref<2x136x128xf32, #tpu.memory_space<vmem>> -> memref<2x128x128xf32, #tpu.memory_space<vmem>>
    %dma_start3A_44 = arith.constant 2 : i32
    %dma_start3A_45 = arith.constant 0 : i32
    %dma_start3A_46 = tpu.memref_slice %arg2[%dma_start3A_44, %mul3A_2, %dma_start3A_45] : memref<50x4096x128xf32, #tpu.memory_space<hbm>> -> memref<2x128x128xf32, #tpu.memory_space<hbm>>
    tpu.enqueue_dma source(%dma_start3A_46 : memref<2x128x128xf32, #tpu.memory_space<hbm>>) target(%dma_start3A_43 : memref<2x128x128xf32, #tpu.memory_space<vmem>>) target_semaphore(%arg8 : memref<!tpu.dma_semaphore, #tpu.memory_space<semaphore_mem>>)
    %dma_start3A_47 = arith.constant 0 : i32
    %dma_start3A_48 = arith.constant 128 : i32
    %dma_start3A_49 = arith.constant 0 : i32
    %dma_start3A_50 = tpu.memref_slice %arg5[%dma_start3A_47, %dma_start3A_48, %dma_start3A_49] : memref<2x136x128xf32, #tpu.memory_space<vmem>> -> memref<2x8x128xf32, #tpu.memory_space<vmem>>
    %dma_start3A_51 = arith.constant 2 : i32
    %dma_start3A_52 = arith.constant 0 : i32
    %dma_start3A_53 = tpu.memref_slice %arg2[%dma_start3A_51, %rem3A_5, %dma_start3A_52] : memref<50x4096x128xf32, #tpu.memory_space<hbm>> -> memref<2x8x128xf32, #tpu.memory_space<hbm>>
    %dma_start3A_54 = arith.constant 0 : i32
    %dma_start3A_55 = arith.constant 128 : i32
    %dma_start3A_56 = arith.constant 0 : i32
    %dma_start3A_57 = tpu.memref_slice %arg5[%dma_start3A_54, %dma_start3A_55, %dma_start3A_56] : memref<2x136x128xf32, #tpu.memory_space<vmem>> -> memref<2x8x128xf32, #tpu.memory_space<vmem>>
    %dma_start3A_58 = arith.constant 2 : i32
    %dma_start3A_59 = arith.constant 0 : i32
    %dma_start3A_60 = tpu.memref_slice %arg2[%dma_start3A_58, %rem3A_5, %dma_start3A_59] : memref<50x4096x128xf32, #tpu.memory_space<hbm>> -> memref<2x8x128xf32, #tpu.memory_space<hbm>>
    tpu.enqueue_dma source(%dma_start3A_60 : memref<2x8x128xf32, #tpu.memory_space<hbm>>) target(%dma_start3A_57 : memref<2x8x128xf32, #tpu.memory_space<vmem>>) target_semaphore(%arg8 : memref<!tpu.dma_semaphore, #tpu.memory_space<semaphore_mem>>)
    %dma_start3A_61 = arith.constant 0 : i32
    %dma_start3A_62 = arith.constant 0 : i32
    %dma_start3A_63 = arith.constant 0 : i32
    %dma_start3A_64 = tpu.memref_slice %arg6[%dma_start3A_61, %dma_start3A_62, %dma_start3A_63] : memref<2x136x128xf32, #tpu.memory_space<vmem>> -> memref<2x128x128xf32, #tpu.memory_space<vmem>>
    %dma_start3A_65 = arith.constant 4 : i32
    %dma_start3A_66 = arith.constant 0 : i32
    %dma_start3A_67 = tpu.memref_slice %arg2[%dma_start3A_65, %mul3A_2, %dma_start3A_66] : memref<50x4096x128xf32, #tpu.memory_space<hbm>> -> memref<2x128x128xf32, #tpu.memory_space<hbm>>
    %dma_start3A_68 = arith.constant 0 : i32
    %dma_start3A_69 = arith.constant 0 : i32
    %dma_start3A_70 = arith.constant 0 : i32
    %dma_start3A_71 = tpu.memref_slice %arg6[%dma_start3A_68, %dma_start3A_69, %dma_start3A_70] : memref<2x136x128xf32, #tpu.memory_space<vmem>> -> memref<2x128x128xf32, #tpu.memory_space<vmem>>
    %dma_start3A_72 = arith.constant 4 : i32
    %dma_start3A_73 = arith.constant 0 : i32
    %dma_start3A_74 = tpu.memref_slice %arg2[%dma_start3A_72, %mul3A_2, %dma_start3A_73] : memref<50x4096x128xf32, #tpu.memory_space<hbm>> -> memref<2x128x128xf32, #tpu.memory_space<hbm>>
    tpu.enqueue_dma source(%dma_start3A_74 : memref<2x128x128xf32, #tpu.memory_space<hbm>>) target(%dma_start3A_71 : memref<2x128x128xf32, #tpu.memory_space<vmem>>) target_semaphore(%arg9 : memref<!tpu.dma_semaphore, #tpu.memory_space<semaphore_mem>>)
    %dma_start3A_75 = arith.constant 0 : i32
    %dma_start3A_76 = arith.constant 128 : i32
    %dma_start3A_77 = arith.constant 0 : i32
    %dma_start3A_78 = tpu.memref_slice %arg6[%dma_start3A_75, %dma_start3A_76, %dma_start3A_77] : memref<2x136x128xf32, #tpu.memory_space<vmem>> -> memref<2x8x128xf32, #tpu.memory_space<vmem>>
    %dma_start3A_79 = arith.constant 4 : i32
    %dma_start3A_80 = arith.constant 0 : i32
    %dma_start3A_81 = tpu.memref_slice %arg2[%dma_start3A_79, %rem3A_5, %dma_start3A_80] : memref<50x4096x128xf32, #tpu.memory_space<hbm>> -> memref<2x8x128xf32, #tpu.memory_space<hbm>>
    %dma_start3A_82 = arith.constant 0 : i32
    %dma_start3A_83 = arith.constant 128 : i32
    %dma_start3A_84 = arith.constant 0 : i32
    %dma_start3A_85 = tpu.memref_slice %arg6[%dma_start3A_82, %dma_start3A_83, %dma_start3A_84] : memref<2x136x128xf32, #tpu.memory_space<vmem>> -> memref<2x8x128xf32, #tpu.memory_space<vmem>>
    %dma_start3A_86 = arith.constant 4 : i32
    %dma_start3A_87 = arith.constant 0 : i32
    %dma_start3A_88 = tpu.memref_slice %arg2[%dma_start3A_86, %rem3A_5, %dma_start3A_87] : memref<50x4096x128xf32, #tpu.memory_space<hbm>> -> memref<2x8x128xf32, #tpu.memory_space<hbm>>
    tpu.enqueue_dma source(%dma_start3A_88 : memref<2x8x128xf32, #tpu.memory_space<hbm>>) target(%dma_start3A_85 : memref<2x8x128xf32, #tpu.memory_space<vmem>>) target_semaphore(%arg9 : memref<!tpu.dma_semaphore, #tpu.memory_space<semaphore_mem>>)
    %dma_wait3A = arith.constant 0 : i32
    %dma_wait3A_89 = arith.constant 0 : i32
    %dma_wait3A_90 = arith.constant 0 : i32
    %dma_wait3A_91 = tpu.memref_slice %arg4[%dma_wait3A, %dma_wait3A_89, %dma_wait3A_90] : memref<2x136x128xf32, #tpu.memory_space<vmem>> -> memref<2x128x128xf32, #tpu.memory_space<vmem>>
    %dma_wait3A_92 = arith.constant 0 : i32
    %dma_wait3A_93 = arith.constant 0 : i32
    %dma_wait3A_94 = tpu.memref_slice %arg2[%dma_wait3A_92, %mul3A_2, %dma_wait3A_93] : memref<50x4096x128xf32, #tpu.memory_space<hbm>> -> memref<2x128x128xf32, #tpu.memory_space<hbm>>
    %dma_wait3A_95 = arith.constant 0 : i32
    %dma_wait3A_96 = arith.constant 0 : i32
    %dma_wait3A_97 = arith.constant 0 : i32
    %dma_wait3A_98 = tpu.memref_slice %arg4[%dma_wait3A_95, %dma_wait3A_96, %dma_wait3A_97] : memref<2x136x128xf32, #tpu.memory_space<vmem>> -> memref<2x128x128xf32, #tpu.memory_space<vmem>>
    %dma_wait3A_99 = arith.constant 0 : i32
    %dma_wait3A_100 = arith.constant 0 : i32
    %dma_wait3A_101 = tpu.memref_slice %arg2[%dma_wait3A_99, %mul3A_2, %dma_wait3A_100] : memref<50x4096x128xf32, #tpu.memory_space<hbm>> -> memref<2x128x128xf32, #tpu.memory_space<hbm>>
    tpu.wait_dma2 semaphore(%arg7 : memref<!tpu.dma_semaphore, #tpu.memory_space<semaphore_mem>>) src(%dma_wait3A_101 : memref<2x128x128xf32, #tpu.memory_space<hbm>>) dst(%dma_wait3A_98 : memref<2x128x128xf32, #tpu.memory_space<vmem>>)
    %dma_wait3A_102 = arith.constant 0 : i32
    %dma_wait3A_103 = arith.constant 128 : i32
    %dma_wait3A_104 = arith.constant 0 : i32
    %dma_wait3A_105 = tpu.memref_slice %arg4[%dma_wait3A_102, %dma_wait3A_103, %dma_wait3A_104] : memref<2x136x128xf32, #tpu.memory_space<vmem>> -> memref<2x8x128xf32, #tpu.memory_space<vmem>>
    %dma_wait3A_106 = arith.constant 0 : i32
    %dma_wait3A_107 = arith.constant 0 : i32
    %dma_wait3A_108 = tpu.memref_slice %arg2[%dma_wait3A_106, %rem3A_5, %dma_wait3A_107] : memref<50x4096x128xf32, #tpu.memory_space<hbm>> -> memref<2x8x128xf32, #tpu.memory_space<hbm>>
    %dma_wait3A_109 = arith.constant 0 : i32
    %dma_wait3A_110 = arith.constant 128 : i32
    %dma_wait3A_111 = arith.constant 0 : i32
    %dma_wait3A_112 = tpu.memref_slice %arg4[%dma_wait3A_109, %dma_wait3A_110, %dma_wait3A_111] : memref<2x136x128xf32, #tpu.memory_space<vmem>> -> memref<2x8x128xf32, #tpu.memory_space<vmem>>
    %dma_wait3A_113 = arith.constant 0 : i32
    %dma_wait3A_114 = arith.constant 0 : i32
    %dma_wait3A_115 = tpu.memref_slice %arg2[%dma_wait3A_113, %rem3A_5, %dma_wait3A_114] : memref<50x4096x128xf32, #tpu.memory_space<hbm>> -> memref<2x8x128xf32, #tpu.memory_space<hbm>>
    tpu.wait_dma2 semaphore(%arg7 : memref<!tpu.dma_semaphore, #tpu.memory_space<semaphore_mem>>) src(%dma_wait3A_115 : memref<2x8x128xf32, #tpu.memory_space<hbm>>) dst(%dma_wait3A_112 : memref<2x8x128xf32, #tpu.memory_space<vmem>>)
    %dma_start3A_116 = arith.constant 0 : i32
    %dma_start3A_117 = arith.constant 1 : i32
    %dma_start3A_118 = arith.constant 0 : i32
    %dma_start3A_119 = tpu.memref_slice %arg4[%dma_start3A_116, %dma_start3A_117, %dma_start3A_118] : memref<2x136x128xf32, #tpu.memory_space<vmem>> -> memref<2x128x128xf32, #tpu.memory_space<vmem>>
    %dma_start3A_120 = arith.constant 0 : i32
    %dma_start3A_121 = arith.constant 0 : i32
    %dma_start3A_122 = tpu.memref_slice %arg3[%dma_start3A_120, %mul3A_2, %dma_start3A_121] : memref<50x4096x128xf32, #tpu.memory_space<hbm>> -> memref<2x128x128xf32, #tpu.memory_space<hbm>>
    %dma_start3A_123 = arith.constant 0 : i32
    %dma_start3A_124 = arith.constant 0 : i32
    %dma_start3A_125 = tpu.memref_slice %arg3[%dma_start3A_123, %mul3A_2, %dma_start3A_124] : memref<50x4096x128xf32, #tpu.memory_space<hbm>> -> memref<2x128x128xf32, #tpu.memory_space<hbm>>
    %dma_start3A_126 = arith.constant 0 : i32
    %dma_start3A_127 = arith.constant 1 : i32
    %dma_start3A_128 = arith.constant 0 : i32
    %dma_start3A_129 = tpu.memref_slice %arg4[%dma_start3A_126, %dma_start3A_127, %dma_start3A_128] : memref<2x136x128xf32, #tpu.memory_space<vmem>> -> memref<2x128x128xf32, #tpu.memory_space<vmem>>
    tpu.enqueue_dma source(%dma_start3A_129 : memref<2x128x128xf32, #tpu.memory_space<vmem>>) target(%dma_start3A_125 : memref<2x128x128xf32, #tpu.memory_space<hbm>>) target_semaphore(%arg10 : memref<!tpu.dma_semaphore, #tpu.memory_space<semaphore_mem>>)
    %dma_wait3A_130 = arith.constant 0 : i32
    %dma_wait3A_131 = arith.constant 1 : i32
    %dma_wait3A_132 = arith.constant 0 : i32
    %dma_wait3A_133 = tpu.memref_slice %arg4[%dma_wait3A_130, %dma_wait3A_131, %dma_wait3A_132] : memref<2x136x128xf32, #tpu.memory_space<vmem>> -> memref<2x128x128xf32, #tpu.memory_space<vmem>>
    %dma_wait3A_134 = arith.constant 0 : i32
    %dma_wait3A_135 = arith.constant 0 : i32
    %dma_wait3A_136 = tpu.memref_slice %arg3[%dma_wait3A_134, %mul3A_2, %dma_wait3A_135] : memref<50x4096x128xf32, #tpu.memory_space<hbm>> -> memref<2x128x128xf32, #tpu.memory_space<hbm>>
    %dma_wait3A_137 = arith.constant 0 : i32
    %dma_wait3A_138 = arith.constant 0 : i32
    %dma_wait3A_139 = tpu.memref_slice %arg3[%dma_wait3A_137, %mul3A_2, %dma_wait3A_138] : memref<50x4096x128xf32, #tpu.memory_space<hbm>> -> memref<2x128x128xf32, #tpu.memory_space<hbm>>
    %dma_wait3A_140 = arith.constant 0 : i32
    %dma_wait3A_141 = arith.constant 1 : i32
    %dma_wait3A_142 = arith.constant 0 : i32
    %dma_wait3A_143 = tpu.memref_slice %arg4[%dma_wait3A_140, %dma_wait3A_141, %dma_wait3A_142] : memref<2x136x128xf32, #tpu.memory_space<vmem>> -> memref<2x128x128xf32, #tpu.memory_space<vmem>>
    tpu.wait_dma2 semaphore(%arg10 : memref<!tpu.dma_semaphore, #tpu.memory_space<semaphore_mem>>) src(%dma_wait3A_143 : memref<2x128x128xf32, #tpu.memory_space<vmem>>) dst(%dma_wait3A_139 : memref<2x128x128xf32, #tpu.memory_space<hbm>>)
    %dma_start3A_144 = arith.constant 0 : i32
    %dma_start3A_145 = arith.constant 0 : i32
    %dma_start3A_146 = arith.constant 0 : i32
    %dma_start3A_147 = tpu.memref_slice %arg4[%dma_start3A_144, %dma_start3A_145, %dma_start3A_146] : memref<2x136x128xf32, #tpu.memory_space<vmem>> -> memref<2x128x128xf32, #tpu.memory_space<vmem>>
    %dma_start3A_148 = arith.constant 6 : i32
    %dma_start3A_149 = arith.constant 0 : i32
    %dma_start3A_150 = tpu.memref_slice %arg2[%dma_start3A_148, %mul3A_2, %dma_start3A_149] : memref<50x4096x128xf32, #tpu.memory_space<hbm>> -> memref<2x128x128xf32, #tpu.memory_space<hbm>>
    %dma_start3A_151 = arith.constant 0 : i32
    %dma_start3A_152 = arith.constant 0 : i32
    %dma_start3A_153 = arith.constant 0 : i32
    %dma_start3A_154 = tpu.memref_slice %arg4[%dma_start3A_151, %dma_start3A_152, %dma_start3A_153] : memref<2x136x128xf32, #tpu.memory_space<vmem>> -> memref<2x128x128xf32, #tpu.memory_space<vmem>>
    %dma_start3A_155 = arith.constant 6 : i32
    %dma_start3A_156 = arith.constant 0 : i32
    %dma_start3A_157 = tpu.memref_slice %arg2[%dma_start3A_155, %mul3A_2, %dma_start3A_156] : memref<50x4096x128xf32, #tpu.memory_space<hbm>> -> memref<2x128x128xf32, #tpu.memory_space<hbm>>
    tpu.enqueue_dma source(%dma_start3A_157 : memref<2x128x128xf32, #tpu.memory_space<hbm>>) target(%dma_start3A_154 : memref<2x128x128xf32, #tpu.memory_space<vmem>>) target_semaphore(%arg7 : memref<!tpu.dma_semaphore, #tpu.memory_space<semaphore_mem>>)
    %dma_start3A_158 = arith.constant 0 : i32
    %dma_start3A_159 = arith.constant 128 : i32
    %dma_start3A_160 = arith.constant 0 : i32
    %dma_start3A_161 = tpu.memref_slice %arg4[%dma_start3A_158, %dma_start3A_159, %dma_start3A_160] : memref<2x136x128xf32, #tpu.memory_space<vmem>> -> memref<2x8x128xf32, #tpu.memory_space<vmem>>
    %dma_start3A_162 = arith.constant 6 : i32
    %dma_start3A_163 = arith.constant 0 : i32
    %dma_start3A_164 = tpu.memref_slice %arg2[%dma_start3A_162, %rem3A_5, %dma_start3A_163] : memref<50x4096x128xf32, #tpu.memory_space<hbm>> -> memref<2x8x128xf32, #tpu.memory_space<hbm>>
    %dma_start3A_165 = arith.constant 0 : i32
    %dma_start3A_166 = arith.constant 128 : i32
    %dma_start3A_167 = arith.constant 0 : i32
    %dma_start3A_168 = tpu.memref_slice %arg4[%dma_start3A_165, %dma_start3A_166, %dma_start3A_167] : memref<2x136x128xf32, #tpu.memory_space<vmem>> -> memref<2x8x128xf32, #tpu.memory_space<vmem>>
    %dma_start3A_169 = arith.constant 6 : i32
    %dma_start3A_170 = arith.constant 0 : i32
    %dma_start3A_171 = tpu.memref_slice %arg2[%dma_start3A_169, %rem3A_5, %dma_start3A_170] : memref<50x4096x128xf32, #tpu.memory_space<hbm>> -> memref<2x8x128xf32, #tpu.memory_space<hbm>>
    tpu.enqueue_dma source(%dma_start3A_171 : memref<2x8x128xf32, #tpu.memory_space<hbm>>) target(%dma_start3A_168 : memref<2x8x128xf32, #tpu.memory_space<vmem>>) target_semaphore(%arg7 : memref<!tpu.dma_semaphore, #tpu.memory_space<semaphore_mem>>)
    %dma_wait3A_172 = arith.constant 0 : i32
    %dma_wait3A_173 = arith.constant 0 : i32
    %dma_wait3A_174 = arith.constant 0 : i32
    %dma_wait3A_175 = tpu.memref_slice %arg5[%dma_wait3A_172, %dma_wait3A_173, %dma_wait3A_174] : memref<2x136x128xf32, #tpu.memory_space<vmem>> -> memref<2x128x128xf32, #tpu.memory_space<vmem>>
    %dma_wait3A_176 = arith.constant 2 : i32
    %dma_wait3A_177 = arith.constant 0 : i32
    %dma_wait3A_178 = tpu.memref_slice %arg2[%dma_wait3A_176, %mul3A_2, %dma_wait3A_177] : memref<50x4096x128xf32, #tpu.memory_space<hbm>> -> memref<2x128x128xf32, #tpu.memory_space<hbm>>
    %dma_wait3A_179 = arith.constant 0 : i32
    %dma_wait3A_180 = arith.constant 0 : i32
    %dma_wait3A_181 = arith.constant 0 : i32
    %dma_wait3A_182 = tpu.memref_slice %arg5[%dma_wait3A_179, %dma_wait3A_180, %dma_wait3A_181] : memref<2x136x128xf32, #tpu.memory_space<vmem>> -> memref<2x128x128xf32, #tpu.memory_space<vmem>>
    %dma_wait3A_183 = arith.constant 2 : i32
    %dma_wait3A_184 = arith.constant 0 : i32
    %dma_wait3A_185 = tpu.memref_slice %arg2[%dma_wait3A_183, %mul3A_2, %dma_wait3A_184] : memref<50x4096x128xf32, #tpu.memory_space<hbm>> -> memref<2x128x128xf32, #tpu.memory_space<hbm>>
    tpu.wait_dma2 semaphore(%arg8 : memref<!tpu.dma_semaphore, #tpu.memory_space<semaphore_mem>>) src(%dma_wait3A_185 : memref<2x128x128xf32, #tpu.memory_space<hbm>>) dst(%dma_wait3A_182 : memref<2x128x128xf32, #tpu.memory_space<vmem>>)
    %dma_wait3A_186 = arith.constant 0 : i32
    %dma_wait3A_187 = arith.constant 128 : i32
    %dma_wait3A_188 = arith.constant 0 : i32
    %dma_wait3A_189 = tpu.memref_slice %arg5[%dma_wait3A_186, %dma_wait3A_187, %dma_wait3A_188] : memref<2x136x128xf32, #tpu.memory_space<vmem>> -> memref<2x8x128xf32, #tpu.memory_space<vmem>>
    %dma_wait3A_190 = arith.constant 2 : i32
    %dma_wait3A_191 = arith.constant 0 : i32
    %dma_wait3A_192 = tpu.memref_slice %arg2[%dma_wait3A_190, %rem3A_5, %dma_wait3A_191] : memref<50x4096x128xf32, #tpu.memory_space<hbm>> -> memref<2x8x128xf32, #tpu.memory_space<hbm>>
    %dma_wait3A_193 = arith.constant 0 : i32
    %dma_wait3A_194 = arith.constant 128 : i32
    %dma_wait3A_195 = arith.constant 0 : i32
    %dma_wait3A_196 = tpu.memref_slice %arg5[%dma_wait3A_193, %dma_wait3A_194, %dma_wait3A_195] : memref<2x136x128xf32, #tpu.memory_space<vmem>> -> memref<2x8x128xf32, #tpu.memory_space<vmem>>
    %dma_wait3A_197 = arith.constant 2 : i32
    %dma_wait3A_198 = arith.constant 0 : i32
    %dma_wait3A_199 = tpu.memref_slice %arg2[%dma_wait3A_197, %rem3A_5, %dma_wait3A_198] : memref<50x4096x128xf32, #tpu.memory_space<hbm>> -> memref<2x8x128xf32, #tpu.memory_space<hbm>>
    tpu.wait_dma2 semaphore(%arg8 : memref<!tpu.dma_semaphore, #tpu.memory_space<semaphore_mem>>) src(%dma_wait3A_199 : memref<2x8x128xf32, #tpu.memory_space<hbm>>) dst(%dma_wait3A_196 : memref<2x8x128xf32, #tpu.memory_space<vmem>>)
    %dma_start3A_200 = arith.constant 0 : i32
    %dma_start3A_201 = arith.constant 1 : i32
    %dma_start3A_202 = arith.constant 0 : i32
    %dma_start3A_203 = tpu.memref_slice %arg5[%dma_start3A_200, %dma_start3A_201, %dma_start3A_202] : memref<2x136x128xf32, #tpu.memory_space<vmem>> -> memref<2x128x128xf32, #tpu.memory_space<vmem>>
    %dma_start3A_204 = arith.constant 2 : i32
    %dma_start3A_205 = arith.constant 0 : i32
    %dma_start3A_206 = tpu.memref_slice %arg3[%dma_start3A_204, %mul3A_2, %dma_start3A_205] : memref<50x4096x128xf32, #tpu.memory_space<hbm>> -> memref<2x128x128xf32, #tpu.memory_space<hbm>>
    %dma_start3A_207 = arith.constant 2 : i32
    %dma_start3A_208 = arith.constant 0 : i32
    %dma_start3A_209 = tpu.memref_slice %arg3[%dma_start3A_207, %mul3A_2, %dma_start3A_208] : memref<50x4096x128xf32, #tpu.memory_space<hbm>> -> memref<2x128x128xf32, #tpu.memory_space<hbm>>
    %dma_start3A_210 = arith.constant 0 : i32
    %dma_start3A_211 = arith.constant 1 : i32
    %dma_start3A_212 = arith.constant 0 : i32
    %dma_start3A_213 = tpu.memref_slice %arg5[%dma_start3A_210, %dma_start3A_211, %dma_start3A_212] : memref<2x136x128xf32, #tpu.memory_space<vmem>> -> memref<2x128x128xf32, #tpu.memory_space<vmem>>
    tpu.enqueue_dma source(%dma_start3A_213 : memref<2x128x128xf32, #tpu.memory_space<vmem>>) target(%dma_start3A_209 : memref<2x128x128xf32, #tpu.memory_space<hbm>>) target_semaphore(%arg11 : memref<!tpu.dma_semaphore, #tpu.memory_space<semaphore_mem>>)
    %dma_wait3A_214 = arith.constant 0 : i32
    %dma_wait3A_215 = arith.constant 1 : i32
    %dma_wait3A_216 = arith.constant 0 : i32
    %dma_wait3A_217 = tpu.memref_slice %arg5[%dma_wait3A_214, %dma_wait3A_215, %dma_wait3A_216] : memref<2x136x128xf32, #tpu.memory_space<vmem>> -> memref<2x128x128xf32, #tpu.memory_space<vmem>>
    %dma_wait3A_218 = arith.constant 2 : i32
    %dma_wait3A_219 = arith.constant 0 : i32
    %dma_wait3A_220 = tpu.memref_slice %arg3[%dma_wait3A_218, %mul3A_2, %dma_wait3A_219] : memref<50x4096x128xf32, #tpu.memory_space<hbm>> -> memref<2x128x128xf32, #tpu.memory_space<hbm>>
    %dma_wait3A_221 = arith.constant 2 : i32
    %dma_wait3A_222 = arith.constant 0 : i32
    %dma_wait3A_223 = tpu.memref_slice %arg3[%dma_wait3A_221, %mul3A_2, %dma_wait3A_222] : memref<50x4096x128xf32, #tpu.memory_space<hbm>> -> memref<2x128x128xf32, #tpu.memory_space<hbm>>
    %dma_wait3A_224 = arith.constant 0 : i32
    %dma_wait3A_225 = arith.constant 1 : i32
    %dma_wait3A_226 = arith.constant 0 : i32
    %dma_wait3A_227 = tpu.memref_slice %arg5[%dma_wait3A_224, %dma_wait3A_225, %dma_wait3A_226] : memref<2x136x128xf32, #tpu.memory_space<vmem>> -> memref<2x128x128xf32, #tpu.memory_space<vmem>>
    tpu.wait_dma2 semaphore(%arg11 : memref<!tpu.dma_semaphore, #tpu.memory_space<semaphore_mem>>) src(%dma_wait3A_227 : memref<2x128x128xf32, #tpu.memory_space<vmem>>) dst(%dma_wait3A_223 : memref<2x128x128xf32, #tpu.memory_space<hbm>>)
    %dma_start3A_228 = arith.constant 0 : i32
    %dma_start3A_229 = arith.constant 0 : i32
    %dma_start3A_230 = arith.constant 0 : i32
    %dma_start3A_231 = tpu.memref_slice %arg5[%dma_start3A_228, %dma_start3A_229, %dma_start3A_230] : memref<2x136x128xf32, #tpu.memory_space<vmem>> -> memref<2x128x128xf32, #tpu.memory_space<vmem>>
    %dma_start3A_232 = arith.constant 8 : i32
    %dma_start3A_233 = arith.constant 0 : i32
    %dma_start3A_234 = tpu.memref_slice %arg2[%dma_start3A_232, %mul3A_2, %dma_start3A_233] : memref<50x4096x128xf32, #tpu.memory_space<hbm>> -> memref<2x128x128xf32, #tpu.memory_space<hbm>>
    %dma_start3A_235 = arith.constant 0 : i32
    %dma_start3A_236 = arith.constant 0 : i32
    %dma_start3A_237 = arith.constant 0 : i32
    %dma_start3A_238 = tpu.memref_slice %arg5[%dma_start3A_235, %dma_start3A_236, %dma_start3A_237] : memref<2x136x128xf32, #tpu.memory_space<vmem>> -> memref<2x128x128xf32, #tpu.memory_space<vmem>>
    %dma_start3A_239 = arith.constant 8 : i32
    %dma_start3A_240 = arith.constant 0 : i32
    %dma_start3A_241 = tpu.memref_slice %arg2[%dma_start3A_239, %mul3A_2, %dma_start3A_240] : memref<50x4096x128xf32, #tpu.memory_space<hbm>> -> memref<2x128x128xf32, #tpu.memory_space<hbm>>
    tpu.enqueue_dma source(%dma_start3A_241 : memref<2x128x128xf32, #tpu.memory_space<hbm>>) target(%dma_start3A_238 : memref<2x128x128xf32, #tpu.memory_space<vmem>>) target_semaphore(%arg8 : memref<!tpu.dma_semaphore, #tpu.memory_space<semaphore_mem>>)
    %dma_start3A_242 = arith.constant 0 : i32
    %dma_start3A_243 = arith.constant 128 : i32
    %dma_start3A_244 = arith.constant 0 : i32
    %dma_start3A_245 = tpu.memref_slice %arg5[%dma_start3A_242, %dma_start3A_243, %dma_start3A_244] : memref<2x136x128xf32, #tpu.memory_space<vmem>> -> memref<2x8x128xf32, #tpu.memory_space<vmem>>
    %dma_start3A_246 = arith.constant 8 : i32
    %dma_start3A_247 = arith.constant 0 : i32
    %dma_start3A_248 = tpu.memref_slice %arg2[%dma_start3A_246, %rem3A_5, %dma_start3A_247] : memref<50x4096x128xf32, #tpu.memory_space<hbm>> -> memref<2x8x128xf32, #tpu.memory_space<hbm>>
    %dma_start3A_249 = arith.constant 0 : i32
    %dma_start3A_250 = arith.constant 128 : i32
    %dma_start3A_251 = arith.constant 0 : i32
    %dma_start3A_252 = tpu.memref_slice %arg5[%dma_start3A_249, %dma_start3A_250, %dma_start3A_251] : memref<2x136x128xf32, #tpu.memory_space<vmem>> -> memref<2x8x128xf32, #tpu.memory_space<vmem>>
    %dma_start3A_253 = arith.constant 8 : i32
    %dma_start3A_254 = arith.constant 0 : i32
    %dma_start3A_255 = tpu.memref_slice %arg2[%dma_start3A_253, %rem3A_5, %dma_start3A_254] : memref<50x4096x128xf32, #tpu.memory_space<hbm>> -> memref<2x8x128xf32, #tpu.memory_space<hbm>>
    tpu.enqueue_dma source(%dma_start3A_255 : memref<2x8x128xf32, #tpu.memory_space<hbm>>) target(%dma_start3A_252 : memref<2x8x128xf32, #tpu.memory_space<vmem>>) target_semaphore(%arg8 : memref<!tpu.dma_semaphore, #tpu.memory_space<semaphore_mem>>)
    %dma_wait3A_256 = arith.constant 0 : i32
    %dma_wait3A_257 = arith.constant 0 : i32
    %dma_wait3A_258 = arith.constant 0 : i32
    %dma_wait3A_259 = tpu.memref_slice %arg6[%dma_wait3A_256, %dma_wait3A_257, %dma_wait3A_258] : memref<2x136x128xf32, #tpu.memory_space<vmem>> -> memref<2x128x128xf32, #tpu.memory_space<vmem>>
    %dma_wait3A_260 = arith.constant 4 : i32
    %dma_wait3A_261 = arith.constant 0 : i32
    %dma_wait3A_262 = tpu.memref_slice %arg2[%dma_wait3A_260, %mul3A_2, %dma_wait3A_261] : memref<50x4096x128xf32, #tpu.memory_space<hbm>> -> memref<2x128x128xf32, #tpu.memory_space<hbm>>
    %dma_wait3A_263 = arith.constant 0 : i32
    %dma_wait3A_264 = arith.constant 0 : i32
    %dma_wait3A_265 = arith.constant 0 : i32
    %dma_wait3A_266 = tpu.memref_slice %arg6[%dma_wait3A_263, %dma_wait3A_264, %dma_wait3A_265] : memref<2x136x128xf32, #tpu.memory_space<vmem>> -> memref<2x128x128xf32, #tpu.memory_space<vmem>>
    %dma_wait3A_267 = arith.constant 4 : i32
    %dma_wait3A_268 = arith.constant 0 : i32
    %dma_wait3A_269 = tpu.memref_slice %arg2[%dma_wait3A_267, %mul3A_2, %dma_wait3A_268] : memref<50x4096x128xf32, #tpu.memory_space<hbm>> -> memref<2x128x128xf32, #tpu.memory_space<hbm>>
    tpu.wait_dma2 semaphore(%arg9 : memref<!tpu.dma_semaphore, #tpu.memory_space<semaphore_mem>>) src(%dma_wait3A_269 : memref<2x128x128xf32, #tpu.memory_space<hbm>>) dst(%dma_wait3A_266 : memref<2x128x128xf32, #tpu.memory_space<vmem>>)
    %dma_wait3A_270 = arith.constant 0 : i32
    %dma_wait3A_271 = arith.constant 128 : i32
    %dma_wait3A_272 = arith.constant 0 : i32
    %dma_wait3A_273 = tpu.memref_slice %arg6[%dma_wait3A_270, %dma_wait3A_271, %dma_wait3A_272] : memref<2x136x128xf32, #tpu.memory_space<vmem>> -> memref<2x8x128xf32, #tpu.memory_space<vmem>>
    %dma_wait3A_274 = arith.constant 4 : i32
    %dma_wait3A_275 = arith.constant 0 : i32
    %dma_wait3A_276 = tpu.memref_slice %arg2[%dma_wait3A_274, %rem3A_5, %dma_wait3A_275] : memref<50x4096x128xf32, #tpu.memory_space<hbm>> -> memref<2x8x128xf32, #tpu.memory_space<hbm>>
    %dma_wait3A_277 = arith.constant 0 : i32
    %dma_wait3A_278 = arith.constant 128 : i32
    %dma_wait3A_279 = arith.constant 0 : i32
    %dma_wait3A_280 = tpu.memref_slice %arg6[%dma_wait3A_277, %dma_wait3A_278, %dma_wait3A_279] : memref<2x136x128xf32, #tpu.memory_space<vmem>> -> memref<2x8x128xf32, #tpu.memory_space<vmem>>
    %dma_wait3A_281 = arith.constant 4 : i32
    %dma_wait3A_282 = arith.constant 0 : i32
    %dma_wait3A_283 = tpu.memref_slice %arg2[%dma_wait3A_281, %rem3A_5, %dma_wait3A_282] : memref<50x4096x128xf32, #tpu.memory_space<hbm>> -> memref<2x8x128xf32, #tpu.memory_space<hbm>>
    tpu.wait_dma2 semaphore(%arg9 : memref<!tpu.dma_semaphore, #tpu.memory_space<semaphore_mem>>) src(%dma_wait3A_283 : memref<2x8x128xf32, #tpu.memory_space<hbm>>) dst(%dma_wait3A_280 : memref<2x8x128xf32, #tpu.memory_space<vmem>>)
    %dma_start3A_284 = arith.constant 0 : i32
    %dma_start3A_285 = arith.constant 1 : i32
    %dma_start3A_286 = arith.constant 0 : i32
    %dma_start3A_287 = tpu.memref_slice %arg6[%dma_start3A_284, %dma_start3A_285, %dma_start3A_286] : memref<2x136x128xf32, #tpu.memory_space<vmem>> -> memref<2x128x128xf32, #tpu.memory_space<vmem>>
    %dma_start3A_288 = arith.constant 4 : i32
    %dma_start3A_289 = arith.constant 0 : i32
    %dma_start3A_290 = tpu.memref_slice %arg3[%dma_start3A_288, %mul3A_2, %dma_start3A_289] : memref<50x4096x128xf32, #tpu.memory_space<hbm>> -> memref<2x128x128xf32, #tpu.memory_space<hbm>>
    %dma_start3A_291 = arith.constant 4 : i32
    %dma_start3A_292 = arith.constant 0 : i32
    %dma_start3A_293 = tpu.memref_slice %arg3[%dma_start3A_291, %mul3A_2, %dma_start3A_292] : memref<50x4096x128xf32, #tpu.memory_space<hbm>> -> memref<2x128x128xf32, #tpu.memory_space<hbm>>
    %dma_start3A_294 = arith.constant 0 : i32
    %dma_start3A_295 = arith.constant 1 : i32
    %dma_start3A_296 = arith.constant 0 : i32
    %dma_start3A_297 = tpu.memref_slice %arg6[%dma_start3A_294, %dma_start3A_295, %dma_start3A_296] : memref<2x136x128xf32, #tpu.memory_space<vmem>> -> memref<2x128x128xf32, #tpu.memory_space<vmem>>
    tpu.enqueue_dma source(%dma_start3A_297 : memref<2x128x128xf32, #tpu.memory_space<vmem>>) target(%dma_start3A_293 : memref<2x128x128xf32, #tpu.memory_space<hbm>>) target_semaphore(%arg12 : memref<!tpu.dma_semaphore, #tpu.memory_space<semaphore_mem>>)
    %dma_wait3A_298 = arith.constant 0 : i32
    %dma_wait3A_299 = arith.constant 1 : i32
    %dma_wait3A_300 = arith.constant 0 : i32
    %dma_wait3A_301 = tpu.memref_slice %arg6[%dma_wait3A_298, %dma_wait3A_299, %dma_wait3A_300] : memref<2x136x128xf32, #tpu.memory_space<vmem>> -> memref<2x128x128xf32, #tpu.memory_space<vmem>>
    %dma_wait3A_302 = arith.constant 4 : i32
    %dma_wait3A_303 = arith.constant 0 : i32
    %dma_wait3A_304 = tpu.memref_slice %arg3[%dma_wait3A_302, %mul3A_2, %dma_wait3A_303] : memref<50x4096x128xf32, #tpu.memory_space<hbm>> -> memref<2x128x128xf32, #tpu.memory_space<hbm>>
    %dma_wait3A_305 = arith.constant 4 : i32
    %dma_wait3A_306 = arith.constant 0 : i32
    %dma_wait3A_307 = tpu.memref_slice %arg3[%dma_wait3A_305, %mul3A_2, %dma_wait3A_306] : memref<50x4096x128xf32, #tpu.memory_space<hbm>> -> memref<2x128x128xf32, #tpu.memory_space<hbm>>
    %dma_wait3A_308 = arith.constant 0 : i32
    %dma_wait3A_309 = arith.constant 1 : i32
    %dma_wait3A_310 = arith.constant 0 : i32
    %dma_wait3A_311 = tpu.memref_slice %arg6[%dma_wait3A_308, %dma_wait3A_309, %dma_wait3A_310] : memref<2x136x128xf32, #tpu.memory_space<vmem>> -> memref<2x128x128xf32, #tpu.memory_space<vmem>>
    tpu.wait_dma2 semaphore(%arg12 : memref<!tpu.dma_semaphore, #tpu.memory_space<semaphore_mem>>) src(%dma_wait3A_311 : memref<2x128x128xf32, #tpu.memory_space<vmem>>) dst(%dma_wait3A_307 : memref<2x128x128xf32, #tpu.memory_space<hbm>>)
    %dma_start3A_312 = arith.constant 0 : i32
    %dma_start3A_313 = arith.constant 0 : i32
    %dma_start3A_314 = arith.constant 0 : i32
    %dma_start3A_315 = tpu.memref_slice %arg6[%dma_start3A_312, %dma_start3A_313, %dma_start3A_314] : memref<2x136x128xf32, #tpu.memory_space<vmem>> -> memref<2x128x128xf32, #tpu.memory_space<vmem>>
    %dma_start3A_316 = arith.constant 10 : i32
    %dma_start3A_317 = arith.constant 0 : i32
    %dma_start3A_318 = tpu.memref_slice %arg2[%dma_start3A_316, %mul3A_2, %dma_start3A_317] : memref<50x4096x128xf32, #tpu.memory_space<hbm>> -> memref<2x128x128xf32, #tpu.memory_space<hbm>>
    %dma_start3A_319 = arith.constant 0 : i32
    %dma_start3A_320 = arith.constant 0 : i32
    %dma_start3A_321 = arith.constant 0 : i32
    %dma_start3A_322 = tpu.memref_slice %arg6[%dma_start3A_319, %dma_start3A_320, %dma_start3A_321] : memref<2x136x128xf32, #tpu.memory_space<vmem>> -> memref<2x128x128xf32, #tpu.memory_space<vmem>>
    %dma_start3A_323 = arith.constant 10 : i32
    %dma_start3A_324 = arith.constant 0 : i32
    %dma_start3A_325 = tpu.memref_slice %arg2[%dma_start3A_323, %mul3A_2, %dma_start3A_324] : memref<50x4096x128xf32, #tpu.memory_space<hbm>> -> memref<2x128x128xf32, #tpu.memory_space<hbm>>
    tpu.enqueue_dma source(%dma_start3A_325 : memref<2x128x128xf32, #tpu.memory_space<hbm>>) target(%dma_start3A_322 : memref<2x128x128xf32, #tpu.memory_space<vmem>>) target_semaphore(%arg9 : memref<!tpu.dma_semaphore, #tpu.memory_space<semaphore_mem>>)
    %dma_start3A_326 = arith.constant 0 : i32
    %dma_start3A_327 = arith.constant 128 : i32
    %dma_start3A_328 = arith.constant 0 : i32
    %dma_start3A_329 = tpu.memref_slice %arg6[%dma_start3A_326, %dma_start3A_327, %dma_start3A_328] : memref<2x136x128xf32, #tpu.memory_space<vmem>> -> memref<2x8x128xf32, #tpu.memory_space<vmem>>
    %dma_start3A_330 = arith.constant 10 : i32
    %dma_start3A_331 = arith.constant 0 : i32
    %dma_start3A_332 = tpu.memref_slice %arg2[%dma_start3A_330, %rem3A_5, %dma_start3A_331] : memref<50x4096x128xf32, #tpu.memory_space<hbm>> -> memref<2x8x128xf32, #tpu.memory_space<hbm>>
    %dma_start3A_333 = arith.constant 0 : i32
    %dma_start3A_334 = arith.constant 128 : i32
    %dma_start3A_335 = arith.constant 0 : i32
    %dma_start3A_336 = tpu.memref_slice %arg6[%dma_start3A_333, %dma_start3A_334, %dma_start3A_335] : memref<2x136x128xf32, #tpu.memory_space<vmem>> -> memref<2x8x128xf32, #tpu.memory_space<vmem>>
    %dma_start3A_337 = arith.constant 10 : i32
    %dma_start3A_338 = arith.constant 0 : i32
    %dma_start3A_339 = tpu.memref_slice %arg2[%dma_start3A_337, %rem3A_5, %dma_start3A_338] : memref<50x4096x128xf32, #tpu.memory_space<hbm>> -> memref<2x8x128xf32, #tpu.memory_space<hbm>>
    tpu.enqueue_dma source(%dma_start3A_339 : memref<2x8x128xf32, #tpu.memory_space<hbm>>) target(%dma_start3A_336 : memref<2x8x128xf32, #tpu.memory_space<vmem>>) target_semaphore(%arg9 : memref<!tpu.dma_semaphore, #tpu.memory_space<semaphore_mem>>)
    %dma_wait3A_340 = arith.constant 0 : i32
    %dma_wait3A_341 = arith.constant 0 : i32
    %dma_wait3A_342 = arith.constant 0 : i32
    %dma_wait3A_343 = tpu.memref_slice %arg4[%dma_wait3A_340, %dma_wait3A_341, %dma_wait3A_342] : memref<2x136x128xf32, #tpu.memory_space<vmem>> -> memref<2x128x128xf32, #tpu.memory_space<vmem>>
    %dma_wait3A_344 = arith.constant 6 : i32
    %dma_wait3A_345 = arith.constant 0 : i32
    %dma_wait3A_346 = tpu.memref_slice %arg2[%dma_wait3A_344, %mul3A_2, %dma_wait3A_345] : memref<50x4096x128xf32, #tpu.memory_space<hbm>> -> memref<2x128x128xf32, #tpu.memory_space<hbm>>
    %dma_wait3A_347 = arith.constant 0 : i32
    %dma_wait3A_348 = arith.constant 0 : i32
    %dma_wait3A_349 = arith.constant 0 : i32
    %dma_wait3A_350 = tpu.memref_slice %arg4[%dma_wait3A_347, %dma_wait3A_348, %dma_wait3A_349] : memref<2x136x128xf32, #tpu.memory_space<vmem>> -> memref<2x128x128xf32, #tpu.memory_space<vmem>>
    %dma_wait3A_351 = arith.constant 6 : i32
    %dma_wait3A_352 = arith.constant 0 : i32
    %dma_wait3A_353 = tpu.memref_slice %arg2[%dma_wait3A_351, %mul3A_2, %dma_wait3A_352] : memref<50x4096x128xf32, #tpu.memory_space<hbm>> -> memref<2x128x128xf32, #tpu.memory_space<hbm>>
    tpu.wait_dma2 semaphore(%arg7 : memref<!tpu.dma_semaphore, #tpu.memory_space<semaphore_mem>>) src(%dma_wait3A_353 : memref<2x128x128xf32, #tpu.memory_space<hbm>>) dst(%dma_wait3A_350 : memref<2x128x128xf32, #tpu.memory_space<vmem>>)
    %dma_wait3A_354 = arith.constant 0 : i32
    %dma_wait3A_355 = arith.constant 128 : i32
    %dma_wait3A_356 = arith.constant 0 : i32
    %dma_wait3A_357 = tpu.memref_slice %arg4[%dma_wait3A_354, %dma_wait3A_355, %dma_wait3A_356] : memref<2x136x128xf32, #tpu.memory_space<vmem>> -> memref<2x8x128xf32, #tpu.memory_space<vmem>>
    %dma_wait3A_358 = arith.constant 6 : i32
    %dma_wait3A_359 = arith.constant 0 : i32
    %dma_wait3A_360 = tpu.memref_slice %arg2[%dma_wait3A_358, %rem3A_5, %dma_wait3A_359] : memref<50x4096x128xf32, #tpu.memory_space<hbm>> -> memref<2x8x128xf32, #tpu.memory_space<hbm>>
    %dma_wait3A_361 = arith.constant 0 : i32
    %dma_wait3A_362 = arith.constant 128 : i32
    %dma_wait3A_363 = arith.constant 0 : i32
    %dma_wait3A_364 = tpu.memref_slice %arg4[%dma_wait3A_361, %dma_wait3A_362, %dma_wait3A_363] : memref<2x136x128xf32, #tpu.memory_space<vmem>> -> memref<2x8x128xf32, #tpu.memory_space<vmem>>
    %dma_wait3A_365 = arith.constant 6 : i32
    %dma_wait3A_366 = arith.constant 0 : i32
    %dma_wait3A_367 = tpu.memref_slice %arg2[%dma_wait3A_365, %rem3A_5, %dma_wait3A_366] : memref<50x4096x128xf32, #tpu.memory_space<hbm>> -> memref<2x8x128xf32, #tpu.memory_space<hbm>>
    tpu.wait_dma2 semaphore(%arg7 : memref<!tpu.dma_semaphore, #tpu.memory_space<semaphore_mem>>) src(%dma_wait3A_367 : memref<2x8x128xf32, #tpu.memory_space<hbm>>) dst(%dma_wait3A_364 : memref<2x8x128xf32, #tpu.memory_space<vmem>>)
    %dma_start3A_368 = arith.constant 0 : i32
    %dma_start3A_369 = arith.constant 1 : i32
    %dma_start3A_370 = arith.constant 0 : i32
    %dma_start3A_371 = tpu.memref_slice %arg4[%dma_start3A_368, %dma_start3A_369, %dma_start3A_370] : memref<2x136x128xf32, #tpu.memory_space<vmem>> -> memref<2x128x128xf32, #tpu.memory_space<vmem>>
    %dma_start3A_372 = arith.constant 6 : i32
    %dma_start3A_373 = arith.constant 0 : i32
    %dma_start3A_374 = tpu.memref_slice %arg3[%dma_start3A_372, %mul3A_2, %dma_start3A_373] : memref<50x4096x128xf32, #tpu.memory_space<hbm>> -> memref<2x128x128xf32, #tpu.memory_space<hbm>>
    %dma_start3A_375 = arith.constant 6 : i32
    %dma_start3A_376 = arith.constant 0 : i32
    %dma_start3A_377 = tpu.memref_slice %arg3[%dma_start3A_375, %mul3A_2, %dma_start3A_376] : memref<50x4096x128xf32, #tpu.memory_space<hbm>> -> memref<2x128x128xf32, #tpu.memory_space<hbm>>
    %dma_start3A_378 = arith.constant 0 : i32
    %dma_start3A_379 = arith.constant 1 : i32
    %dma_start3A_380 = arith.constant 0 : i32
    %dma_start3A_381 = tpu.memref_slice %arg4[%dma_start3A_378, %dma_start3A_379, %dma_start3A_380] : memref<2x136x128xf32, #tpu.memory_space<vmem>> -> memref<2x128x128xf32, #tpu.memory_space<vmem>>
    tpu.enqueue_dma source(%dma_start3A_381 : memref<2x128x128xf32, #tpu.memory_space<vmem>>) target(%dma_start3A_377 : memref<2x128x128xf32, #tpu.memory_space<hbm>>) target_semaphore(%arg10 : memref<!tpu.dma_semaphore, #tpu.memory_space<semaphore_mem>>)
    %dma_wait3A_382 = arith.constant 0 : i32
    %dma_wait3A_383 = arith.constant 1 : i32
    %dma_wait3A_384 = arith.constant 0 : i32
    %dma_wait3A_385 = tpu.memref_slice %arg4[%dma_wait3A_382, %dma_wait3A_383, %dma_wait3A_384] : memref<2x136x128xf32, #tpu.memory_space<vmem>> -> memref<2x128x128xf32, #tpu.memory_space<vmem>>
    %dma_wait3A_386 = arith.constant 6 : i32
    %dma_wait3A_387 = arith.constant 0 : i32
    %dma_wait3A_388 = tpu.memref_slice %arg3[%dma_wait3A_386, %mul3A_2, %dma_wait3A_387] : memref<50x4096x128xf32, #tpu.memory_space<hbm>> -> memref<2x128x128xf32, #tpu.memory_space<hbm>>
    %dma_wait3A_389 = arith.constant 6 : i32
    %dma_wait3A_390 = arith.constant 0 : i32
    %dma_wait3A_391 = tpu.memref_slice %arg3[%dma_wait3A_389, %mul3A_2, %dma_wait3A_390] : memref<50x4096x128xf32, #tpu.memory_space<hbm>> -> memref<2x128x128xf32, #tpu.memory_space<hbm>>
    %dma_wait3A_392 = arith.constant 0 : i32
    %dma_wait3A_393 = arith.constant 1 : i32
    %dma_wait3A_394 = arith.constant 0 : i32
    %dma_wait3A_395 = tpu.memref_slice %arg4[%dma_wait3A_392, %dma_wait3A_393, %dma_wait3A_394] : memref<2x136x128xf32, #tpu.memory_space<vmem>> -> memref<2x128x128xf32, #tpu.memory_space<vmem>>
    tpu.wait_dma2 semaphore(%arg10 : memref<!tpu.dma_semaphore, #tpu.memory_space<semaphore_mem>>) src(%dma_wait3A_395 : memref<2x128x128xf32, #tpu.memory_space<vmem>>) dst(%dma_wait3A_391 : memref<2x128x128xf32, #tpu.memory_space<hbm>>)
    %dma_start3A_396 = arith.constant 0 : i32
    %dma_start3A_397 = arith.constant 0 : i32
    %dma_start3A_398 = arith.constant 0 : i32
    %dma_start3A_399 = tpu.memref_slice %arg4[%dma_start3A_396, %dma_start3A_397, %dma_start3A_398] : memref<2x136x128xf32, #tpu.memory_space<vmem>> -> memref<2x128x128xf32, #tpu.memory_space<vmem>>
    %dma_start3A_400 = arith.constant 12 : i32
    %dma_start3A_401 = arith.constant 0 : i32
    %dma_start3A_402 = tpu.memref_slice %arg2[%dma_start3A_400, %mul3A_2, %dma_start3A_401] : memref<50x4096x128xf32, #tpu.memory_space<hbm>> -> memref<2x128x128xf32, #tpu.memory_space<hbm>>
    %dma_start3A_403 = arith.constant 0 : i32
    %dma_start3A_404 = arith.constant 0 : i32
    %dma_start3A_405 = arith.constant 0 : i32
    %dma_start3A_406 = tpu.memref_slice %arg4[%dma_start3A_403, %dma_start3A_404, %dma_start3A_405] : memref<2x136x128xf32, #tpu.memory_space<vmem>> -> memref<2x128x128xf32, #tpu.memory_space<vmem>>
    %dma_start3A_407 = arith.constant 12 : i32
    %dma_start3A_408 = arith.constant 0 : i32
    %dma_start3A_409 = tpu.memref_slice %arg2[%dma_start3A_407, %mul3A_2, %dma_start3A_408] : memref<50x4096x128xf32, #tpu.memory_space<hbm>> -> memref<2x128x128xf32, #tpu.memory_space<hbm>>
    tpu.enqueue_dma source(%dma_start3A_409 : memref<2x128x128xf32, #tpu.memory_space<hbm>>) target(%dma_start3A_406 : memref<2x128x128xf32, #tpu.memory_space<vmem>>) target_semaphore(%arg7 : memref<!tpu.dma_semaphore, #tpu.memory_space<semaphore_mem>>)
    %dma_start3A_410 = arith.constant 0 : i32
    %dma_start3A_411 = arith.constant 128 : i32
    %dma_start3A_412 = arith.constant 0 : i32
    %dma_start3A_413 = tpu.memref_slice %arg4[%dma_start3A_410, %dma_start3A_411, %dma_start3A_412] : memref<2x136x128xf32, #tpu.memory_space<vmem>> -> memref<2x8x128xf32, #tpu.memory_space<vmem>>
    %dma_start3A_414 = arith.constant 12 : i32
    %dma_start3A_415 = arith.constant 0 : i32
    %dma_start3A_416 = tpu.memref_slice %arg2[%dma_start3A_414, %rem3A_5, %dma_start3A_415] : memref<50x4096x128xf32, #tpu.memory_space<hbm>> -> memref<2x8x128xf32, #tpu.memory_space<hbm>>
    %dma_start3A_417 = arith.constant 0 : i32
    %dma_start3A_418 = arith.constant 128 : i32
    %dma_start3A_419 = arith.constant 0 : i32
    %dma_start3A_420 = tpu.memref_slice %arg4[%dma_start3A_417, %dma_start3A_418, %dma_start3A_419] : memref<2x136x128xf32, #tpu.memory_space<vmem>> -> memref<2x8x128xf32, #tpu.memory_space<vmem>>
    %dma_start3A_421 = arith.constant 12 : i32
    %dma_start3A_422 = arith.constant 0 : i32
    %dma_start3A_423 = tpu.memref_slice %arg2[%dma_start3A_421, %rem3A_5, %dma_start3A_422] : memref<50x4096x128xf32, #tpu.memory_space<hbm>> -> memref<2x8x128xf32, #tpu.memory_space<hbm>>
    tpu.enqueue_dma source(%dma_start3A_423 : memref<2x8x128xf32, #tpu.memory_space<hbm>>) target(%dma_start3A_420 : memref<2x8x128xf32, #tpu.memory_space<vmem>>) target_semaphore(%arg7 : memref<!tpu.dma_semaphore, #tpu.memory_space<semaphore_mem>>)
    %dma_wait3A_424 = arith.constant 0 : i32
    %dma_wait3A_425 = arith.constant 0 : i32
    %dma_wait3A_426 = arith.constant 0 : i32
    %dma_wait3A_427 = tpu.memref_slice %arg5[%dma_wait3A_424, %dma_wait3A_425, %dma_wait3A_426] : memref<2x136x128xf32, #tpu.memory_space<vmem>> -> memref<2x128x128xf32, #tpu.memory_space<vmem>>
    %dma_wait3A_428 = arith.constant 8 : i32
    %dma_wait3A_429 = arith.constant 0 : i32
    %dma_wait3A_430 = tpu.memref_slice %arg2[%dma_wait3A_428, %mul3A_2, %dma_wait3A_429] : memref<50x4096x128xf32, #tpu.memory_space<hbm>> -> memref<2x128x128xf32, #tpu.memory_space<hbm>>
    %dma_wait3A_431 = arith.constant 0 : i32
    %dma_wait3A_432 = arith.constant 0 : i32
    %dma_wait3A_433 = arith.constant 0 : i32
    %dma_wait3A_434 = tpu.memref_slice %arg5[%dma_wait3A_431, %dma_wait3A_432, %dma_wait3A_433] : memref<2x136x128xf32, #tpu.memory_space<vmem>> -> memref<2x128x128xf32, #tpu.memory_space<vmem>>
    %dma_wait3A_435 = arith.constant 8 : i32
    %dma_wait3A_436 = arith.constant 0 : i32
    %dma_wait3A_437 = tpu.memref_slice %arg2[%dma_wait3A_435, %mul3A_2, %dma_wait3A_436] : memref<50x4096x128xf32, #tpu.memory_space<hbm>> -> memref<2x128x128xf32, #tpu.memory_space<hbm>>
    tpu.wait_dma2 semaphore(%arg8 : memref<!tpu.dma_semaphore, #tpu.memory_space<semaphore_mem>>) src(%dma_wait3A_437 : memref<2x128x128xf32, #tpu.memory_space<hbm>>) dst(%dma_wait3A_434 : memref<2x128x128xf32, #tpu.memory_space<vmem>>)
    %dma_wait3A_438 = arith.constant 0 : i32
    %dma_wait3A_439 = arith.constant 128 : i32
    %dma_wait3A_440 = arith.constant 0 : i32
    %dma_wait3A_441 = tpu.memref_slice %arg5[%dma_wait3A_438, %dma_wait3A_439, %dma_wait3A_440] : memref<2x136x128xf32, #tpu.memory_space<vmem>> -> memref<2x8x128xf32, #tpu.memory_space<vmem>>
    %dma_wait3A_442 = arith.constant 8 : i32
    %dma_wait3A_443 = arith.constant 0 : i32
    %dma_wait3A_444 = tpu.memref_slice %arg2[%dma_wait3A_442, %rem3A_5, %dma_wait3A_443] : memref<50x4096x128xf32, #tpu.memory_space<hbm>> -> memref<2x8x128xf32, #tpu.memory_space<hbm>>
    %dma_wait3A_445 = arith.constant 0 : i32
    %dma_wait3A_446 = arith.constant 128 : i32
    %dma_wait3A_447 = arith.constant 0 : i32
    %dma_wait3A_448 = tpu.memref_slice %arg5[%dma_wait3A_445, %dma_wait3A_446, %dma_wait3A_447] : memref<2x136x128xf32, #tpu.memory_space<vmem>> -> memref<2x8x128xf32, #tpu.memory_space<vmem>>
    %dma_wait3A_449 = arith.constant 8 : i32
    %dma_wait3A_450 = arith.constant 0 : i32
    %dma_wait3A_451 = tpu.memref_slice %arg2[%dma_wait3A_449, %rem3A_5, %dma_wait3A_450] : memref<50x4096x128xf32, #tpu.memory_space<hbm>> -> memref<2x8x128xf32, #tpu.memory_space<hbm>>
    tpu.wait_dma2 semaphore(%arg8 : memref<!tpu.dma_semaphore, #tpu.memory_space<semaphore_mem>>) src(%dma_wait3A_451 : memref<2x8x128xf32, #tpu.memory_space<hbm>>) dst(%dma_wait3A_448 : memref<2x8x128xf32, #tpu.memory_space<vmem>>)
    %dma_start3A_452 = arith.constant 0 : i32
    %dma_start3A_453 = arith.constant 1 : i32
    %dma_start3A_454 = arith.constant 0 : i32
    %dma_start3A_455 = tpu.memref_slice %arg5[%dma_start3A_452, %dma_start3A_453, %dma_start3A_454] : memref<2x136x128xf32, #tpu.memory_space<vmem>> -> memref<2x128x128xf32, #tpu.memory_space<vmem>>
    %dma_start3A_456 = arith.constant 8 : i32
    %dma_start3A_457 = arith.constant 0 : i32
    %dma_start3A_458 = tpu.memref_slice %arg3[%dma_start3A_456, %mul3A_2, %dma_start3A_457] : memref<50x4096x128xf32, #tpu.memory_space<hbm>> -> memref<2x128x128xf32, #tpu.memory_space<hbm>>
    %dma_start3A_459 = arith.constant 8 : i32
    %dma_start3A_460 = arith.constant 0 : i32
    %dma_start3A_461 = tpu.memref_slice %arg3[%dma_start3A_459, %mul3A_2, %dma_start3A_460] : memref<50x4096x128xf32, #tpu.memory_space<hbm>> -> memref<2x128x128xf32, #tpu.memory_space<hbm>>
    %dma_start3A_462 = arith.constant 0 : i32
    %dma_start3A_463 = arith.constant 1 : i32
    %dma_start3A_464 = arith.constant 0 : i32
    %dma_start3A_465 = tpu.memref_slice %arg5[%dma_start3A_462, %dma_start3A_463, %dma_start3A_464] : memref<2x136x128xf32, #tpu.memory_space<vmem>> -> memref<2x128x128xf32, #tpu.memory_space<vmem>>
    tpu.enqueue_dma source(%dma_start3A_465 : memref<2x128x128xf32, #tpu.memory_space<vmem>>) target(%dma_start3A_461 : memref<2x128x128xf32, #tpu.memory_space<hbm>>) target_semaphore(%arg11 : memref<!tpu.dma_semaphore, #tpu.memory_space<semaphore_mem>>)
    %dma_wait3A_466 = arith.constant 0 : i32
    %dma_wait3A_467 = arith.constant 1 : i32
    %dma_wait3A_468 = arith.constant 0 : i32
    %dma_wait3A_469 = tpu.memref_slice %arg5[%dma_wait3A_466, %dma_wait3A_467, %dma_wait3A_468] : memref<2x136x128xf32, #tpu.memory_space<vmem>> -> memref<2x128x128xf32, #tpu.memory_space<vmem>>
    %dma_wait3A_470 = arith.constant 8 : i32
    %dma_wait3A_471 = arith.constant 0 : i32
    %dma_wait3A_472 = tpu.memref_slice %arg3[%dma_wait3A_470, %mul3A_2, %dma_wait3A_471] : memref<50x4096x128xf32, #tpu.memory_space<hbm>> -> memref<2x128x128xf32, #tpu.memory_space<hbm>>
    %dma_wait3A_473 = arith.constant 8 : i32
    %dma_wait3A_474 = arith.constant 0 : i32
    %dma_wait3A_475 = tpu.memref_slice %arg3[%dma_wait3A_473, %mul3A_2, %dma_wait3A_474] : memref<50x4096x128xf32, #tpu.memory_space<hbm>> -> memref<2x128x128xf32, #tpu.memory_space<hbm>>
    %dma_wait3A_476 = arith.constant 0 : i32
    %dma_wait3A_477 = arith.constant 1 : i32
    %dma_wait3A_478 = arith.constant 0 : i32
    %dma_wait3A_479 = tpu.memref_slice %arg5[%dma_wait3A_476, %dma_wait3A_477, %dma_wait3A_478] : memref<2x136x128xf32, #tpu.memory_space<vmem>> -> memref<2x128x128xf32, #tpu.memory_space<vmem>>
    tpu.wait_dma2 semaphore(%arg11 : memref<!tpu.dma_semaphore, #tpu.memory_space<semaphore_mem>>) src(%dma_wait3A_479 : memref<2x128x128xf32, #tpu.memory_space<vmem>>) dst(%dma_wait3A_475 : memref<2x128x128xf32, #tpu.memory_space<hbm>>)
    %dma_start3A_480 = arith.constant 0 : i32
    %dma_start3A_481 = arith.constant 0 : i32
    %dma_start3A_482 = arith.constant 0 : i32
    %dma_start3A_483 = tpu.memref_slice %arg5[%dma_start3A_480, %dma_start3A_481, %dma_start3A_482] : memref<2x136x128xf32, #tpu.memory_space<vmem>> -> memref<2x128x128xf32, #tpu.memory_space<vmem>>
    %dma_start3A_484 = arith.constant 14 : i32
    %dma_start3A_485 = arith.constant 0 : i32
    %dma_start3A_486 = tpu.memref_slice %arg2[%dma_start3A_484, %mul3A_2, %dma_start3A_485] : memref<50x4096x128xf32, #tpu.memory_space<hbm>> -> memref<2x128x128xf32, #tpu.memory_space<hbm>>
    %dma_start3A_487 = arith.constant 0 : i32
    %dma_start3A_488 = arith.constant 0 : i32
    %dma_start3A_489 = arith.constant 0 : i32
    %dma_start3A_490 = tpu.memref_slice %arg5[%dma_start3A_487, %dma_start3A_488, %dma_start3A_489] : memref<2x136x128xf32, #tpu.memory_space<vmem>> -> memref<2x128x128xf32, #tpu.memory_space<vmem>>
    %dma_start3A_491 = arith.constant 14 : i32
    %dma_start3A_492 = arith.constant 0 : i32
    %dma_start3A_493 = tpu.memref_slice %arg2[%dma_start3A_491, %mul3A_2, %dma_start3A_492] : memref<50x4096x128xf32, #tpu.memory_space<hbm>> -> memref<2x128x128xf32, #tpu.memory_space<hbm>>
    tpu.enqueue_dma source(%dma_start3A_493 : memref<2x128x128xf32, #tpu.memory_space<hbm>>) target(%dma_start3A_490 : memref<2x128x128xf32, #tpu.memory_space<vmem>>) target_semaphore(%arg8 : memref<!tpu.dma_semaphore, #tpu.memory_space<semaphore_mem>>)
    %dma_start3A_494 = arith.constant 0 : i32
    %dma_start3A_495 = arith.constant 128 : i32
    %dma_start3A_496 = arith.constant 0 : i32
    %dma_start3A_497 = tpu.memref_slice %arg5[%dma_start3A_494, %dma_start3A_495, %dma_start3A_496] : memref<2x136x128xf32, #tpu.memory_space<vmem>> -> memref<2x8x128xf32, #tpu.memory_space<vmem>>
    %dma_start3A_498 = arith.constant 14 : i32
    %dma_start3A_499 = arith.constant 0 : i32
    %dma_start3A_500 = tpu.memref_slice %arg2[%dma_start3A_498, %rem3A_5, %dma_start3A_499] : memref<50x4096x128xf32, #tpu.memory_space<hbm>> -> memref<2x8x128xf32, #tpu.memory_space<hbm>>
    %dma_start3A_501 = arith.constant 0 : i32
    %dma_start3A_502 = arith.constant 128 : i32
    %dma_start3A_503 = arith.constant 0 : i32
    %dma_start3A_504 = tpu.memref_slice %arg5[%dma_start3A_501, %dma_start3A_502, %dma_start3A_503] : memref<2x136x128xf32, #tpu.memory_space<vmem>> -> memref<2x8x128xf32, #tpu.memory_space<vmem>>
    %dma_start3A_505 = arith.constant 14 : i32
    %dma_start3A_506 = arith.constant 0 : i32
    %dma_start3A_507 = tpu.memref_slice %arg2[%dma_start3A_505, %rem3A_5, %dma_start3A_506] : memref<50x4096x128xf32, #tpu.memory_space<hbm>> -> memref<2x8x128xf32, #tpu.memory_space<hbm>>
    tpu.enqueue_dma source(%dma_start3A_507 : memref<2x8x128xf32, #tpu.memory_space<hbm>>) target(%dma_start3A_504 : memref<2x8x128xf32, #tpu.memory_space<vmem>>) target_semaphore(%arg8 : memref<!tpu.dma_semaphore, #tpu.memory_space<semaphore_mem>>)
    %dma_wait3A_508 = arith.constant 0 : i32
    %dma_wait3A_509 = arith.constant 0 : i32
    %dma_wait3A_510 = arith.constant 0 : i32
    %dma_wait3A_511 = tpu.memref_slice %arg6[%dma_wait3A_508, %dma_wait3A_509, %dma_wait3A_510] : memref<2x136x128xf32, #tpu.memory_space<vmem>> -> memref<2x128x128xf32, #tpu.memory_space<vmem>>
    %dma_wait3A_512 = arith.constant 10 : i32
    %dma_wait3A_513 = arith.constant 0 : i32
    %dma_wait3A_514 = tpu.memref_slice %arg2[%dma_wait3A_512, %mul3A_2, %dma_wait3A_513] : memref<50x4096x128xf32, #tpu.memory_space<hbm>> -> memref<2x128x128xf32, #tpu.memory_space<hbm>>
    %dma_wait3A_515 = arith.constant 0 : i32
    %dma_wait3A_516 = arith.constant 0 : i32
    %dma_wait3A_517 = arith.constant 0 : i32
    %dma_wait3A_518 = tpu.memref_slice %arg6[%dma_wait3A_515, %dma_wait3A_516, %dma_wait3A_517] : memref<2x136x128xf32, #tpu.memory_space<vmem>> -> memref<2x128x128xf32, #tpu.memory_space<vmem>>
    %dma_wait3A_519 = arith.constant 10 : i32
    %dma_wait3A_520 = arith.constant 0 : i32
    %dma_wait3A_521 = tpu.memref_slice %arg2[%dma_wait3A_519, %mul3A_2, %dma_wait3A_520] : memref<50x4096x128xf32, #tpu.memory_space<hbm>> -> memref<2x128x128xf32, #tpu.memory_space<hbm>>
    tpu.wait_dma2 semaphore(%arg9 : memref<!tpu.dma_semaphore, #tpu.memory_space<semaphore_mem>>) src(%dma_wait3A_521 : memref<2x128x128xf32, #tpu.memory_space<hbm>>) dst(%dma_wait3A_518 : memref<2x128x128xf32, #tpu.memory_space<vmem>>)
    %dma_wait3A_522 = arith.constant 0 : i32
    %dma_wait3A_523 = arith.constant 128 : i32
    %dma_wait3A_524 = arith.constant 0 : i32
    %dma_wait3A_525 = tpu.memref_slice %arg6[%dma_wait3A_522, %dma_wait3A_523, %dma_wait3A_524] : memref<2x136x128xf32, #tpu.memory_space<vmem>> -> memref<2x8x128xf32, #tpu.memory_space<vmem>>
    %dma_wait3A_526 = arith.constant 10 : i32
    %dma_wait3A_527 = arith.constant 0 : i32
    %dma_wait3A_528 = tpu.memref_slice %arg2[%dma_wait3A_526, %rem3A_5, %dma_wait3A_527] : memref<50x4096x128xf32, #tpu.memory_space<hbm>> -> memref<2x8x128xf32, #tpu.memory_space<hbm>>
    %dma_wait3A_529 = arith.constant 0 : i32
    %dma_wait3A_530 = arith.constant 128 : i32
    %dma_wait3A_531 = arith.constant 0 : i32
    %dma_wait3A_532 = tpu.memref_slice %arg6[%dma_wait3A_529, %dma_wait3A_530, %dma_wait3A_531] : memref<2x136x128xf32, #tpu.memory_space<vmem>> -> memref<2x8x128xf32, #tpu.memory_space<vmem>>
    %dma_wait3A_533 = arith.constant 10 : i32
    %dma_wait3A_534 = arith.constant 0 : i32
    %dma_wait3A_535 = tpu.memref_slice %arg2[%dma_wait3A_533, %rem3A_5, %dma_wait3A_534] : memref<50x4096x128xf32, #tpu.memory_space<hbm>> -> memref<2x8x128xf32, #tpu.memory_space<hbm>>
    tpu.wait_dma2 semaphore(%arg9 : memref<!tpu.dma_semaphore, #tpu.memory_space<semaphore_mem>>) src(%dma_wait3A_535 : memref<2x8x128xf32, #tpu.memory_space<hbm>>) dst(%dma_wait3A_532 : memref<2x8x128xf32, #tpu.memory_space<vmem>>)
    %dma_start3A_536 = arith.constant 0 : i32
    %dma_start3A_537 = arith.constant 1 : i32
    %dma_start3A_538 = arith.constant 0 : i32
    %dma_start3A_539 = tpu.memref_slice %arg6[%dma_start3A_536, %dma_start3A_537, %dma_start3A_538] : memref<2x136x128xf32, #tpu.memory_space<vmem>> -> memref<2x128x128xf32, #tpu.memory_space<vmem>>
    %dma_start3A_540 = arith.constant 10 : i32
    %dma_start3A_541 = arith.constant 0 : i32
    %dma_start3A_542 = tpu.memref_slice %arg3[%dma_start3A_540, %mul3A_2, %dma_start3A_541] : memref<50x4096x128xf32, #tpu.memory_space<hbm>> -> memref<2x128x128xf32, #tpu.memory_space<hbm>>
    %dma_start3A_543 = arith.constant 10 : i32
    %dma_start3A_544 = arith.constant 0 : i32
    %dma_start3A_545 = tpu.memref_slice %arg3[%dma_start3A_543, %mul3A_2, %dma_start3A_544] : memref<50x4096x128xf32, #tpu.memory_space<hbm>> -> memref<2x128x128xf32, #tpu.memory_space<hbm>>
    %dma_start3A_546 = arith.constant 0 : i32
    %dma_start3A_547 = arith.constant 1 : i32
    %dma_start3A_548 = arith.constant 0 : i32
    %dma_start3A_549 = tpu.memref_slice %arg6[%dma_start3A_546, %dma_start3A_547, %dma_start3A_548] : memref<2x136x128xf32, #tpu.memory_space<vmem>> -> memref<2x128x128xf32, #tpu.memory_space<vmem>>
    tpu.enqueue_dma source(%dma_start3A_549 : memref<2x128x128xf32, #tpu.memory_space<vmem>>) target(%dma_start3A_545 : memref<2x128x128xf32, #tpu.memory_space<hbm>>) target_semaphore(%arg12 : memref<!tpu.dma_semaphore, #tpu.memory_space<semaphore_mem>>)
    %dma_wait3A_550 = arith.constant 0 : i32
    %dma_wait3A_551 = arith.constant 1 : i32
    %dma_wait3A_552 = arith.constant 0 : i32
    %dma_wait3A_553 = tpu.memref_slice %arg6[%dma_wait3A_550, %dma_wait3A_551, %dma_wait3A_552] : memref<2x136x128xf32, #tpu.memory_space<vmem>> -> memref<2x128x128xf32, #tpu.memory_space<vmem>>
    %dma_wait3A_554 = arith.constant 10 : i32
    %dma_wait3A_555 = arith.constant 0 : i32
    %dma_wait3A_556 = tpu.memref_slice %arg3[%dma_wait3A_554, %mul3A_2, %dma_wait3A_555] : memref<50x4096x128xf32, #tpu.memory_space<hbm>> -> memref<2x128x128xf32, #tpu.memory_space<hbm>>
    %dma_wait3A_557 = arith.constant 10 : i32
    %dma_wait3A_558 = arith.constant 0 : i32
    %dma_wait3A_559 = tpu.memref_slice %arg3[%dma_wait3A_557, %mul3A_2, %dma_wait3A_558] : memref<50x4096x128xf32, #tpu.memory_space<hbm>> -> memref<2x128x128xf32, #tpu.memory_space<hbm>>
    %dma_wait3A_560 = arith.constant 0 : i32
    %dma_wait3A_561 = arith.constant 1 : i32
    %dma_wait3A_562 = arith.constant 0 : i32
    %dma_wait3A_563 = tpu.memref_slice %arg6[%dma_wait3A_560, %dma_wait3A_561, %dma_wait3A_562] : memref<2x136x128xf32, #tpu.memory_space<vmem>> -> memref<2x128x128xf32, #tpu.memory_space<vmem>>
    tpu.wait_dma2 semaphore(%arg12 : memref<!tpu.dma_semaphore, #tpu.memory_space<semaphore_mem>>) src(%dma_wait3A_563 : memref<2x128x128xf32, #tpu.memory_space<vmem>>) dst(%dma_wait3A_559 : memref<2x128x128xf32, #tpu.memory_space<hbm>>)
    %dma_start3A_564 = arith.constant 0 : i32
    %dma_start3A_565 = arith.constant 0 : i32
    %dma_start3A_566 = arith.constant 0 : i32
    %dma_start3A_567 = tpu.memref_slice %arg6[%dma_start3A_564, %dma_start3A_565, %dma_start3A_566] : memref<2x136x128xf32, #tpu.memory_space<vmem>> -> memref<2x128x128xf32, #tpu.memory_space<vmem>>
    %dma_start3A_568 = arith.constant 16 : i32
    %dma_start3A_569 = arith.constant 0 : i32
    %dma_start3A_570 = tpu.memref_slice %arg2[%dma_start3A_568, %mul3A_2, %dma_start3A_569] : memref<50x4096x128xf32, #tpu.memory_space<hbm>> -> memref<2x128x128xf32, #tpu.memory_space<hbm>>
    %dma_start3A_571 = arith.constant 0 : i32
    %dma_start3A_572 = arith.constant 0 : i32
    %dma_start3A_573 = arith.constant 0 : i32
    %dma_start3A_574 = tpu.memref_slice %arg6[%dma_start3A_571, %dma_start3A_572, %dma_start3A_573] : memref<2x136x128xf32, #tpu.memory_space<vmem>> -> memref<2x128x128xf32, #tpu.memory_space<vmem>>
    %dma_start3A_575 = arith.constant 16 : i32
    %dma_start3A_576 = arith.constant 0 : i32
    %dma_start3A_577 = tpu.memref_slice %arg2[%dma_start3A_575, %mul3A_2, %dma_start3A_576] : memref<50x4096x128xf32, #tpu.memory_space<hbm>> -> memref<2x128x128xf32, #tpu.memory_space<hbm>>
    tpu.enqueue_dma source(%dma_start3A_577 : memref<2x128x128xf32, #tpu.memory_space<hbm>>) target(%dma_start3A_574 : memref<2x128x128xf32, #tpu.memory_space<vmem>>) target_semaphore(%arg9 : memref<!tpu.dma_semaphore, #tpu.memory_space<semaphore_mem>>)
    %dma_start3A_578 = arith.constant 0 : i32
    %dma_start3A_579 = arith.constant 128 : i32
    %dma_start3A_580 = arith.constant 0 : i32
    %dma_start3A_581 = tpu.memref_slice %arg6[%dma_start3A_578, %dma_start3A_579, %dma_start3A_580] : memref<2x136x128xf32, #tpu.memory_space<vmem>> -> memref<2x8x128xf32, #tpu.memory_space<vmem>>
    %dma_start3A_582 = arith.constant 16 : i32
    %dma_start3A_583 = arith.constant 0 : i32
    %dma_start3A_584 = tpu.memref_slice %arg2[%dma_start3A_582, %rem3A_5, %dma_start3A_583] : memref<50x4096x128xf32, #tpu.memory_space<hbm>> -> memref<2x8x128xf32, #tpu.memory_space<hbm>>
    %dma_start3A_585 = arith.constant 0 : i32
    %dma_start3A_586 = arith.constant 128 : i32
    %dma_start3A_587 = arith.constant 0 : i32
    %dma_start3A_588 = tpu.memref_slice %arg6[%dma_start3A_585, %dma_start3A_586, %dma_start3A_587] : memref<2x136x128xf32, #tpu.memory_space<vmem>> -> memref<2x8x128xf32, #tpu.memory_space<vmem>>
    %dma_start3A_589 = arith.constant 16 : i32
    %dma_start3A_590 = arith.constant 0 : i32
    %dma_start3A_591 = tpu.memref_slice %arg2[%dma_start3A_589, %rem3A_5, %dma_start3A_590] : memref<50x4096x128xf32, #tpu.memory_space<hbm>> -> memref<2x8x128xf32, #tpu.memory_space<hbm>>
    tpu.enqueue_dma source(%dma_start3A_591 : memref<2x8x128xf32, #tpu.memory_space<hbm>>) target(%dma_start3A_588 : memref<2x8x128xf32, #tpu.memory_space<vmem>>) target_semaphore(%arg9 : memref<!tpu.dma_semaphore, #tpu.memory_space<semaphore_mem>>)
    %dma_wait3A_592 = arith.constant 0 : i32
    %dma_wait3A_593 = arith.constant 0 : i32
    %dma_wait3A_594 = arith.constant 0 : i32
    %dma_wait3A_595 = tpu.memref_slice %arg4[%dma_wait3A_592, %dma_wait3A_593, %dma_wait3A_594] : memref<2x136x128xf32, #tpu.memory_space<vmem>> -> memref<2x128x128xf32, #tpu.memory_space<vmem>>
    %dma_wait3A_596 = arith.constant 12 : i32
    %dma_wait3A_597 = arith.constant 0 : i32
    %dma_wait3A_598 = tpu.memref_slice %arg2[%dma_wait3A_596, %mul3A_2, %dma_wait3A_597] : memref<50x4096x128xf32, #tpu.memory_space<hbm>> -> memref<2x128x128xf32, #tpu.memory_space<hbm>>
    %dma_wait3A_599 = arith.constant 0 : i32
    %dma_wait3A_600 = arith.constant 0 : i32
    %dma_wait3A_601 = arith.constant 0 : i32
    %dma_wait3A_602 = tpu.memref_slice %arg4[%dma_wait3A_599, %dma_wait3A_600, %dma_wait3A_601] : memref<2x136x128xf32, #tpu.memory_space<vmem>> -> memref<2x128x128xf32, #tpu.memory_space<vmem>>
    %dma_wait3A_603 = arith.constant 12 : i32
    %dma_wait3A_604 = arith.constant 0 : i32
    %dma_wait3A_605 = tpu.memref_slice %arg2[%dma_wait3A_603, %mul3A_2, %dma_wait3A_604] : memref<50x4096x128xf32, #tpu.memory_space<hbm>> -> memref<2x128x128xf32, #tpu.memory_space<hbm>>
    tpu.wait_dma2 semaphore(%arg7 : memref<!tpu.dma_semaphore, #tpu.memory_space<semaphore_mem>>) src(%dma_wait3A_605 : memref<2x128x128xf32, #tpu.memory_space<hbm>>) dst(%dma_wait3A_602 : memref<2x128x128xf32, #tpu.memory_space<vmem>>)
    %dma_wait3A_606 = arith.constant 0 : i32
    %dma_wait3A_607 = arith.constant 128 : i32
    %dma_wait3A_608 = arith.constant 0 : i32
    %dma_wait3A_609 = tpu.memref_slice %arg4[%dma_wait3A_606, %dma_wait3A_607, %dma_wait3A_608] : memref<2x136x128xf32, #tpu.memory_space<vmem>> -> memref<2x8x128xf32, #tpu.memory_space<vmem>>
    %dma_wait3A_610 = arith.constant 12 : i32
    %dma_wait3A_611 = arith.constant 0 : i32
    %dma_wait3A_612 = tpu.memref_slice %arg2[%dma_wait3A_610, %rem3A_5, %dma_wait3A_611] : memref<50x4096x128xf32, #tpu.memory_space<hbm>> -> memref<2x8x128xf32, #tpu.memory_space<hbm>>
    %dma_wait3A_613 = arith.constant 0 : i32
    %dma_wait3A_614 = arith.constant 128 : i32
    %dma_wait3A_615 = arith.constant 0 : i32
    %dma_wait3A_616 = tpu.memref_slice %arg4[%dma_wait3A_613, %dma_wait3A_614, %dma_wait3A_615] : memref<2x136x128xf32, #tpu.memory_space<vmem>> -> memref<2x8x128xf32, #tpu.memory_space<vmem>>
    %dma_wait3A_617 = arith.constant 12 : i32
    %dma_wait3A_618 = arith.constant 0 : i32
    %dma_wait3A_619 = tpu.memref_slice %arg2[%dma_wait3A_617, %rem3A_5, %dma_wait3A_618] : memref<50x4096x128xf32, #tpu.memory_space<hbm>> -> memref<2x8x128xf32, #tpu.memory_space<hbm>>
    tpu.wait_dma2 semaphore(%arg7 : memref<!tpu.dma_semaphore, #tpu.memory_space<semaphore_mem>>) src(%dma_wait3A_619 : memref<2x8x128xf32, #tpu.memory_space<hbm>>) dst(%dma_wait3A_616 : memref<2x8x128xf32, #tpu.memory_space<vmem>>)
    %dma_start3A_620 = arith.constant 0 : i32
    %dma_start3A_621 = arith.constant 1 : i32
    %dma_start3A_622 = arith.constant 0 : i32
    %dma_start3A_623 = tpu.memref_slice %arg4[%dma_start3A_620, %dma_start3A_621, %dma_start3A_622] : memref<2x136x128xf32, #tpu.memory_space<vmem>> -> memref<2x128x128xf32, #tpu.memory_space<vmem>>
    %dma_start3A_624 = arith.constant 12 : i32
    %dma_start3A_625 = arith.constant 0 : i32
    %dma_start3A_626 = tpu.memref_slice %arg3[%dma_start3A_624, %mul3A_2, %dma_start3A_625] : memref<50x4096x128xf32, #tpu.memory_space<hbm>> -> memref<2x128x128xf32, #tpu.memory_space<hbm>>
    %dma_start3A_627 = arith.constant 12 : i32
    %dma_start3A_628 = arith.constant 0 : i32
    %dma_start3A_629 = tpu.memref_slice %arg3[%dma_start3A_627, %mul3A_2, %dma_start3A_628] : memref<50x4096x128xf32, #tpu.memory_space<hbm>> -> memref<2x128x128xf32, #tpu.memory_space<hbm>>
    %dma_start3A_630 = arith.constant 0 : i32
    %dma_start3A_631 = arith.constant 1 : i32
    %dma_start3A_632 = arith.constant 0 : i32
    %dma_start3A_633 = tpu.memref_slice %arg4[%dma_start3A_630, %dma_start3A_631, %dma_start3A_632] : memref<2x136x128xf32, #tpu.memory_space<vmem>> -> memref<2x128x128xf32, #tpu.memory_space<vmem>>
    tpu.enqueue_dma source(%dma_start3A_633 : memref<2x128x128xf32, #tpu.memory_space<vmem>>) target(%dma_start3A_629 : memref<2x128x128xf32, #tpu.memory_space<hbm>>) target_semaphore(%arg10 : memref<!tpu.dma_semaphore, #tpu.memory_space<semaphore_mem>>)
    %dma_wait3A_634 = arith.constant 0 : i32
    %dma_wait3A_635 = arith.constant 1 : i32
    %dma_wait3A_636 = arith.constant 0 : i32
    %dma_wait3A_637 = tpu.memref_slice %arg4[%dma_wait3A_634, %dma_wait3A_635, %dma_wait3A_636] : memref<2x136x128xf32, #tpu.memory_space<vmem>> -> memref<2x128x128xf32, #tpu.memory_space<vmem>>
    %dma_wait3A_638 = arith.constant 12 : i32
    %dma_wait3A_639 = arith.constant 0 : i32
    %dma_wait3A_640 = tpu.memref_slice %arg3[%dma_wait3A_638, %mul3A_2, %dma_wait3A_639] : memref<50x4096x128xf32, #tpu.memory_space<hbm>> -> memref<2x128x128xf32, #tpu.memory_space<hbm>>
    %dma_wait3A_641 = arith.constant 12 : i32
    %dma_wait3A_642 = arith.constant 0 : i32
    %dma_wait3A_643 = tpu.memref_slice %arg3[%dma_wait3A_641, %mul3A_2, %dma_wait3A_642] : memref<50x4096x128xf32, #tpu.memory_space<hbm>> -> memref<2x128x128xf32, #tpu.memory_space<hbm>>
    %dma_wait3A_644 = arith.constant 0 : i32
    %dma_wait3A_645 = arith.constant 1 : i32
    %dma_wait3A_646 = arith.constant 0 : i32
    %dma_wait3A_647 = tpu.memref_slice %arg4[%dma_wait3A_644, %dma_wait3A_645, %dma_wait3A_646] : memref<2x136x128xf32, #tpu.memory_space<vmem>> -> memref<2x128x128xf32, #tpu.memory_space<vmem>>
    tpu.wait_dma2 semaphore(%arg10 : memref<!tpu.dma_semaphore, #tpu.memory_space<semaphore_mem>>) src(%dma_wait3A_647 : memref<2x128x128xf32, #tpu.memory_space<vmem>>) dst(%dma_wait3A_643 : memref<2x128x128xf32, #tpu.memory_space<hbm>>)
    %dma_start3A_648 = arith.constant 0 : i32
    %dma_start3A_649 = arith.constant 0 : i32
    %dma_start3A_650 = arith.constant 0 : i32
    %dma_start3A_651 = tpu.memref_slice %arg4[%dma_start3A_648, %dma_start3A_649, %dma_start3A_650] : memref<2x136x128xf32, #tpu.memory_space<vmem>> -> memref<2x128x128xf32, #tpu.memory_space<vmem>>
    %dma_start3A_652 = arith.constant 18 : i32
    %dma_start3A_653 = arith.constant 0 : i32
    %dma_start3A_654 = tpu.memref_slice %arg2[%dma_start3A_652, %mul3A_2, %dma_start3A_653] : memref<50x4096x128xf32, #tpu.memory_space<hbm>> -> memref<2x128x128xf32, #tpu.memory_space<hbm>>
    %dma_start3A_655 = arith.constant 0 : i32
    %dma_start3A_656 = arith.constant 0 : i32
    %dma_start3A_657 = arith.constant 0 : i32
    %dma_start3A_658 = tpu.memref_slice %arg4[%dma_start3A_655, %dma_start3A_656, %dma_start3A_657] : memref<2x136x128xf32, #tpu.memory_space<vmem>> -> memref<2x128x128xf32, #tpu.memory_space<vmem>>
    %dma_start3A_659 = arith.constant 18 : i32
    %dma_start3A_660 = arith.constant 0 : i32
    %dma_start3A_661 = tpu.memref_slice %arg2[%dma_start3A_659, %mul3A_2, %dma_start3A_660] : memref<50x4096x128xf32, #tpu.memory_space<hbm>> -> memref<2x128x128xf32, #tpu.memory_space<hbm>>
    tpu.enqueue_dma source(%dma_start3A_661 : memref<2x128x128xf32, #tpu.memory_space<hbm>>) target(%dma_start3A_658 : memref<2x128x128xf32, #tpu.memory_space<vmem>>) target_semaphore(%arg7 : memref<!tpu.dma_semaphore, #tpu.memory_space<semaphore_mem>>)
    %dma_start3A_662 = arith.constant 0 : i32
    %dma_start3A_663 = arith.constant 128 : i32
    %dma_start3A_664 = arith.constant 0 : i32
    %dma_start3A_665 = tpu.memref_slice %arg4[%dma_start3A_662, %dma_start3A_663, %dma_start3A_664] : memref<2x136x128xf32, #tpu.memory_space<vmem>> -> memref<2x8x128xf32, #tpu.memory_space<vmem>>
    %dma_start3A_666 = arith.constant 18 : i32
    %dma_start3A_667 = arith.constant 0 : i32
    %dma_start3A_668 = tpu.memref_slice %arg2[%dma_start3A_666, %rem3A_5, %dma_start3A_667] : memref<50x4096x128xf32, #tpu.memory_space<hbm>> -> memref<2x8x128xf32, #tpu.memory_space<hbm>>
    %dma_start3A_669 = arith.constant 0 : i32
    %dma_start3A_670 = arith.constant 128 : i32
    %dma_start3A_671 = arith.constant 0 : i32
    %dma_start3A_672 = tpu.memref_slice %arg4[%dma_start3A_669, %dma_start3A_670, %dma_start3A_671] : memref<2x136x128xf32, #tpu.memory_space<vmem>> -> memref<2x8x128xf32, #tpu.memory_space<vmem>>
    %dma_start3A_673 = arith.constant 18 : i32
    %dma_start3A_674 = arith.constant 0 : i32
    %dma_start3A_675 = tpu.memref_slice %arg2[%dma_start3A_673, %rem3A_5, %dma_start3A_674] : memref<50x4096x128xf32, #tpu.memory_space<hbm>> -> memref<2x8x128xf32, #tpu.memory_space<hbm>>
    tpu.enqueue_dma source(%dma_start3A_675 : memref<2x8x128xf32, #tpu.memory_space<hbm>>) target(%dma_start3A_672 : memref<2x8x128xf32, #tpu.memory_space<vmem>>) target_semaphore(%arg7 : memref<!tpu.dma_semaphore, #tpu.memory_space<semaphore_mem>>)
    %dma_wait3A_676 = arith.constant 0 : i32
    %dma_wait3A_677 = arith.constant 0 : i32
    %dma_wait3A_678 = arith.constant 0 : i32
    %dma_wait3A_679 = tpu.memref_slice %arg5[%dma_wait3A_676, %dma_wait3A_677, %dma_wait3A_678] : memref<2x136x128xf32, #tpu.memory_space<vmem>> -> memref<2x128x128xf32, #tpu.memory_space<vmem>>
    %dma_wait3A_680 = arith.constant 14 : i32
    %dma_wait3A_681 = arith.constant 0 : i32
    %dma_wait3A_682 = tpu.memref_slice %arg2[%dma_wait3A_680, %mul3A_2, %dma_wait3A_681] : memref<50x4096x128xf32, #tpu.memory_space<hbm>> -> memref<2x128x128xf32, #tpu.memory_space<hbm>>
    %dma_wait3A_683 = arith.constant 0 : i32
    %dma_wait3A_684 = arith.constant 0 : i32
    %dma_wait3A_685 = arith.constant 0 : i32
    %dma_wait3A_686 = tpu.memref_slice %arg5[%dma_wait3A_683, %dma_wait3A_684, %dma_wait3A_685] : memref<2x136x128xf32, #tpu.memory_space<vmem>> -> memref<2x128x128xf32, #tpu.memory_space<vmem>>
    %dma_wait3A_687 = arith.constant 14 : i32
    %dma_wait3A_688 = arith.constant 0 : i32
    %dma_wait3A_689 = tpu.memref_slice %arg2[%dma_wait3A_687, %mul3A_2, %dma_wait3A_688] : memref<50x4096x128xf32, #tpu.memory_space<hbm>> -> memref<2x128x128xf32, #tpu.memory_space<hbm>>
    tpu.wait_dma2 semaphore(%arg8 : memref<!tpu.dma_semaphore, #tpu.memory_space<semaphore_mem>>) src(%dma_wait3A_689 : memref<2x128x128xf32, #tpu.memory_space<hbm>>) dst(%dma_wait3A_686 : memref<2x128x128xf32, #tpu.memory_space<vmem>>)
    %dma_wait3A_690 = arith.constant 0 : i32
    %dma_wait3A_691 = arith.constant 128 : i32
    %dma_wait3A_692 = arith.constant 0 : i32
    %dma_wait3A_693 = tpu.memref_slice %arg5[%dma_wait3A_690, %dma_wait3A_691, %dma_wait3A_692] : memref<2x136x128xf32, #tpu.memory_space<vmem>> -> memref<2x8x128xf32, #tpu.memory_space<vmem>>
    %dma_wait3A_694 = arith.constant 14 : i32
    %dma_wait3A_695 = arith.constant 0 : i32
    %dma_wait3A_696 = tpu.memref_slice %arg2[%dma_wait3A_694, %rem3A_5, %dma_wait3A_695] : memref<50x4096x128xf32, #tpu.memory_space<hbm>> -> memref<2x8x128xf32, #tpu.memory_space<hbm>>
    %dma_wait3A_697 = arith.constant 0 : i32
    %dma_wait3A_698 = arith.constant 128 : i32
    %dma_wait3A_699 = arith.constant 0 : i32
    %dma_wait3A_700 = tpu.memref_slice %arg5[%dma_wait3A_697, %dma_wait3A_698, %dma_wait3A_699] : memref<2x136x128xf32, #tpu.memory_space<vmem>> -> memref<2x8x128xf32, #tpu.memory_space<vmem>>
    %dma_wait3A_701 = arith.constant 14 : i32
    %dma_wait3A_702 = arith.constant 0 : i32
    %dma_wait3A_703 = tpu.memref_slice %arg2[%dma_wait3A_701, %rem3A_5, %dma_wait3A_702] : memref<50x4096x128xf32, #tpu.memory_space<hbm>> -> memref<2x8x128xf32, #tpu.memory_space<hbm>>
    tpu.wait_dma2 semaphore(%arg8 : memref<!tpu.dma_semaphore, #tpu.memory_space<semaphore_mem>>) src(%dma_wait3A_703 : memref<2x8x128xf32, #tpu.memory_space<hbm>>) dst(%dma_wait3A_700 : memref<2x8x128xf32, #tpu.memory_space<vmem>>)
    %dma_start3A_704 = arith.constant 0 : i32
    %dma_start3A_705 = arith.constant 1 : i32
    %dma_start3A_706 = arith.constant 0 : i32
    %dma_start3A_707 = tpu.memref_slice %arg5[%dma_start3A_704, %dma_start3A_705, %dma_start3A_706] : memref<2x136x128xf32, #tpu.memory_space<vmem>> -> memref<2x128x128xf32, #tpu.memory_space<vmem>>
    %dma_start3A_708 = arith.constant 14 : i32
    %dma_start3A_709 = arith.constant 0 : i32
    %dma_start3A_710 = tpu.memref_slice %arg3[%dma_start3A_708, %mul3A_2, %dma_start3A_709] : memref<50x4096x128xf32, #tpu.memory_space<hbm>> -> memref<2x128x128xf32, #tpu.memory_space<hbm>>
    %dma_start3A_711 = arith.constant 14 : i32
    %dma_start3A_712 = arith.constant 0 : i32
    %dma_start3A_713 = tpu.memref_slice %arg3[%dma_start3A_711, %mul3A_2, %dma_start3A_712] : memref<50x4096x128xf32, #tpu.memory_space<hbm>> -> memref<2x128x128xf32, #tpu.memory_space<hbm>>
    %dma_start3A_714 = arith.constant 0 : i32
    %dma_start3A_715 = arith.constant 1 : i32
    %dma_start3A_716 = arith.constant 0 : i32
    %dma_start3A_717 = tpu.memref_slice %arg5[%dma_start3A_714, %dma_start3A_715, %dma_start3A_716] : memref<2x136x128xf32, #tpu.memory_space<vmem>> -> memref<2x128x128xf32, #tpu.memory_space<vmem>>
    tpu.enqueue_dma source(%dma_start3A_717 : memref<2x128x128xf32, #tpu.memory_space<vmem>>) target(%dma_start3A_713 : memref<2x128x128xf32, #tpu.memory_space<hbm>>) target_semaphore(%arg11 : memref<!tpu.dma_semaphore, #tpu.memory_space<semaphore_mem>>)
    %dma_wait3A_718 = arith.constant 0 : i32
    %dma_wait3A_719 = arith.constant 1 : i32
    %dma_wait3A_720 = arith.constant 0 : i32
    %dma_wait3A_721 = tpu.memref_slice %arg5[%dma_wait3A_718, %dma_wait3A_719, %dma_wait3A_720] : memref<2x136x128xf32, #tpu.memory_space<vmem>> -> memref<2x128x128xf32, #tpu.memory_space<vmem>>
    %dma_wait3A_722 = arith.constant 14 : i32
    %dma_wait3A_723 = arith.constant 0 : i32
    %dma_wait3A_724 = tpu.memref_slice %arg3[%dma_wait3A_722, %mul3A_2, %dma_wait3A_723] : memref<50x4096x128xf32, #tpu.memory_space<hbm>> -> memref<2x128x128xf32, #tpu.memory_space<hbm>>
    %dma_wait3A_725 = arith.constant 14 : i32
    %dma_wait3A_726 = arith.constant 0 : i32
    %dma_wait3A_727 = tpu.memref_slice %arg3[%dma_wait3A_725, %mul3A_2, %dma_wait3A_726] : memref<50x4096x128xf32, #tpu.memory_space<hbm>> -> memref<2x128x128xf32, #tpu.memory_space<hbm>>
    %dma_wait3A_728 = arith.constant 0 : i32
    %dma_wait3A_729 = arith.constant 1 : i32
    %dma_wait3A_730 = arith.constant 0 : i32
    %dma_wait3A_731 = tpu.memref_slice %arg5[%dma_wait3A_728, %dma_wait3A_729, %dma_wait3A_730] : memref<2x136x128xf32, #tpu.memory_space<vmem>> -> memref<2x128x128xf32, #tpu.memory_space<vmem>>
    tpu.wait_dma2 semaphore(%arg11 : memref<!tpu.dma_semaphore, #tpu.memory_space<semaphore_mem>>) src(%dma_wait3A_731 : memref<2x128x128xf32, #tpu.memory_space<vmem>>) dst(%dma_wait3A_727 : memref<2x128x128xf32, #tpu.memory_space<hbm>>)
    %dma_start3A_732 = arith.constant 0 : i32
    %dma_start3A_733 = arith.constant 0 : i32
    %dma_start3A_734 = arith.constant 0 : i32
    %dma_start3A_735 = tpu.memref_slice %arg5[%dma_start3A_732, %dma_start3A_733, %dma_start3A_734] : memref<2x136x128xf32, #tpu.memory_space<vmem>> -> memref<2x128x128xf32, #tpu.memory_space<vmem>>
    %dma_start3A_736 = arith.constant 20 : i32
    %dma_start3A_737 = arith.constant 0 : i32
    %dma_start3A_738 = tpu.memref_slice %arg2[%dma_start3A_736, %mul3A_2, %dma_start3A_737] : memref<50x4096x128xf32, #tpu.memory_space<hbm>> -> memref<2x128x128xf32, #tpu.memory_space<hbm>>
    %dma_start3A_739 = arith.constant 0 : i32
    %dma_start3A_740 = arith.constant 0 : i32
    %dma_start3A_741 = arith.constant 0 : i32
    %dma_start3A_742 = tpu.memref_slice %arg5[%dma_start3A_739, %dma_start3A_740, %dma_start3A_741] : memref<2x136x128xf32, #tpu.memory_space<vmem>> -> memref<2x128x128xf32, #tpu.memory_space<vmem>>
    %dma_start3A_743 = arith.constant 20 : i32
    %dma_start3A_744 = arith.constant 0 : i32
    %dma_start3A_745 = tpu.memref_slice %arg2[%dma_start3A_743, %mul3A_2, %dma_start3A_744] : memref<50x4096x128xf32, #tpu.memory_space<hbm>> -> memref<2x128x128xf32, #tpu.memory_space<hbm>>
    tpu.enqueue_dma source(%dma_start3A_745 : memref<2x128x128xf32, #tpu.memory_space<hbm>>) target(%dma_start3A_742 : memref<2x128x128xf32, #tpu.memory_space<vmem>>) target_semaphore(%arg8 : memref<!tpu.dma_semaphore, #tpu.memory_space<semaphore_mem>>)
    %dma_start3A_746 = arith.constant 0 : i32
    %dma_start3A_747 = arith.constant 128 : i32
    %dma_start3A_748 = arith.constant 0 : i32
    %dma_start3A_749 = tpu.memref_slice %arg5[%dma_start3A_746, %dma_start3A_747, %dma_start3A_748] : memref<2x136x128xf32, #tpu.memory_space<vmem>> -> memref<2x8x128xf32, #tpu.memory_space<vmem>>
    %dma_start3A_750 = arith.constant 20 : i32
    %dma_start3A_751 = arith.constant 0 : i32
    %dma_start3A_752 = tpu.memref_slice %arg2[%dma_start3A_750, %rem3A_5, %dma_start3A_751] : memref<50x4096x128xf32, #tpu.memory_space<hbm>> -> memref<2x8x128xf32, #tpu.memory_space<hbm>>
    %dma_start3A_753 = arith.constant 0 : i32
    %dma_start3A_754 = arith.constant 128 : i32
    %dma_start3A_755 = arith.constant 0 : i32
    %dma_start3A_756 = tpu.memref_slice %arg5[%dma_start3A_753, %dma_start3A_754, %dma_start3A_755] : memref<2x136x128xf32, #tpu.memory_space<vmem>> -> memref<2x8x128xf32, #tpu.memory_space<vmem>>
    %dma_start3A_757 = arith.constant 20 : i32
    %dma_start3A_758 = arith.constant 0 : i32
    %dma_start3A_759 = tpu.memref_slice %arg2[%dma_start3A_757, %rem3A_5, %dma_start3A_758] : memref<50x4096x128xf32, #tpu.memory_space<hbm>> -> memref<2x8x128xf32, #tpu.memory_space<hbm>>
    tpu.enqueue_dma source(%dma_start3A_759 : memref<2x8x128xf32, #tpu.memory_space<hbm>>) target(%dma_start3A_756 : memref<2x8x128xf32, #tpu.memory_space<vmem>>) target_semaphore(%arg8 : memref<!tpu.dma_semaphore, #tpu.memory_space<semaphore_mem>>)
    %dma_wait3A_760 = arith.constant 0 : i32
    %dma_wait3A_761 = arith.constant 0 : i32
    %dma_wait3A_762 = arith.constant 0 : i32
    %dma_wait3A_763 = tpu.memref_slice %arg6[%dma_wait3A_760, %dma_wait3A_761, %dma_wait3A_762] : memref<2x136x128xf32, #tpu.memory_space<vmem>> -> memref<2x128x128xf32, #tpu.memory_space<vmem>>
    %dma_wait3A_764 = arith.constant 16 : i32
    %dma_wait3A_765 = arith.constant 0 : i32
    %dma_wait3A_766 = tpu.memref_slice %arg2[%dma_wait3A_764, %mul3A_2, %dma_wait3A_765] : memref<50x4096x128xf32, #tpu.memory_space<hbm>> -> memref<2x128x128xf32, #tpu.memory_space<hbm>>
    %dma_wait3A_767 = arith.constant 0 : i32
    %dma_wait3A_768 = arith.constant 0 : i32
    %dma_wait3A_769 = arith.constant 0 : i32
    %dma_wait3A_770 = tpu.memref_slice %arg6[%dma_wait3A_767, %dma_wait3A_768, %dma_wait3A_769] : memref<2x136x128xf32, #tpu.memory_space<vmem>> -> memref<2x128x128xf32, #tpu.memory_space<vmem>>
    %dma_wait3A_771 = arith.constant 16 : i32
    %dma_wait3A_772 = arith.constant 0 : i32
    %dma_wait3A_773 = tpu.memref_slice %arg2[%dma_wait3A_771, %mul3A_2, %dma_wait3A_772] : memref<50x4096x128xf32, #tpu.memory_space<hbm>> -> memref<2x128x128xf32, #tpu.memory_space<hbm>>
    tpu.wait_dma2 semaphore(%arg9 : memref<!tpu.dma_semaphore, #tpu.memory_space<semaphore_mem>>) src(%dma_wait3A_773 : memref<2x128x128xf32, #tpu.memory_space<hbm>>) dst(%dma_wait3A_770 : memref<2x128x128xf32, #tpu.memory_space<vmem>>)
    %dma_wait3A_774 = arith.constant 0 : i32
    %dma_wait3A_775 = arith.constant 128 : i32
    %dma_wait3A_776 = arith.constant 0 : i32
    %dma_wait3A_777 = tpu.memref_slice %arg6[%dma_wait3A_774, %dma_wait3A_775, %dma_wait3A_776] : memref<2x136x128xf32, #tpu.memory_space<vmem>> -> memref<2x8x128xf32, #tpu.memory_space<vmem>>
    %dma_wait3A_778 = arith.constant 16 : i32
    %dma_wait3A_779 = arith.constant 0 : i32
    %dma_wait3A_780 = tpu.memref_slice %arg2[%dma_wait3A_778, %rem3A_5, %dma_wait3A_779] : memref<50x4096x128xf32, #tpu.memory_space<hbm>> -> memref<2x8x128xf32, #tpu.memory_space<hbm>>
    %dma_wait3A_781 = arith.constant 0 : i32
    %dma_wait3A_782 = arith.constant 128 : i32
    %dma_wait3A_783 = arith.constant 0 : i32
    %dma_wait3A_784 = tpu.memref_slice %arg6[%dma_wait3A_781, %dma_wait3A_782, %dma_wait3A_783] : memref<2x136x128xf32, #tpu.memory_space<vmem>> -> memref<2x8x128xf32, #tpu.memory_space<vmem>>
    %dma_wait3A_785 = arith.constant 16 : i32
    %dma_wait3A_786 = arith.constant 0 : i32
    %dma_wait3A_787 = tpu.memref_slice %arg2[%dma_wait3A_785, %rem3A_5, %dma_wait3A_786] : memref<50x4096x128xf32, #tpu.memory_space<hbm>> -> memref<2x8x128xf32, #tpu.memory_space<hbm>>
    tpu.wait_dma2 semaphore(%arg9 : memref<!tpu.dma_semaphore, #tpu.memory_space<semaphore_mem>>) src(%dma_wait3A_787 : memref<2x8x128xf32, #tpu.memory_space<hbm>>) dst(%dma_wait3A_784 : memref<2x8x128xf32, #tpu.memory_space<vmem>>)
    %dma_start3A_788 = arith.constant 0 : i32
    %dma_start3A_789 = arith.constant 1 : i32
    %dma_start3A_790 = arith.constant 0 : i32
    %dma_start3A_791 = tpu.memref_slice %arg6[%dma_start3A_788, %dma_start3A_789, %dma_start3A_790] : memref<2x136x128xf32, #tpu.memory_space<vmem>> -> memref<2x128x128xf32, #tpu.memory_space<vmem>>
    %dma_start3A_792 = arith.constant 16 : i32
    %dma_start3A_793 = arith.constant 0 : i32
    %dma_start3A_794 = tpu.memref_slice %arg3[%dma_start3A_792, %mul3A_2, %dma_start3A_793] : memref<50x4096x128xf32, #tpu.memory_space<hbm>> -> memref<2x128x128xf32, #tpu.memory_space<hbm>>
    %dma_start3A_795 = arith.constant 16 : i32
    %dma_start3A_796 = arith.constant 0 : i32
    %dma_start3A_797 = tpu.memref_slice %arg3[%dma_start3A_795, %mul3A_2, %dma_start3A_796] : memref<50x4096x128xf32, #tpu.memory_space<hbm>> -> memref<2x128x128xf32, #tpu.memory_space<hbm>>
    %dma_start3A_798 = arith.constant 0 : i32
    %dma_start3A_799 = arith.constant 1 : i32
    %dma_start3A_800 = arith.constant 0 : i32
    %dma_start3A_801 = tpu.memref_slice %arg6[%dma_start3A_798, %dma_start3A_799, %dma_start3A_800] : memref<2x136x128xf32, #tpu.memory_space<vmem>> -> memref<2x128x128xf32, #tpu.memory_space<vmem>>
    tpu.enqueue_dma source(%dma_start3A_801 : memref<2x128x128xf32, #tpu.memory_space<vmem>>) target(%dma_start3A_797 : memref<2x128x128xf32, #tpu.memory_space<hbm>>) target_semaphore(%arg12 : memref<!tpu.dma_semaphore, #tpu.memory_space<semaphore_mem>>)
    %dma_wait3A_802 = arith.constant 0 : i32
    %dma_wait3A_803 = arith.constant 1 : i32
    %dma_wait3A_804 = arith.constant 0 : i32
    %dma_wait3A_805 = tpu.memref_slice %arg6[%dma_wait3A_802, %dma_wait3A_803, %dma_wait3A_804] : memref<2x136x128xf32, #tpu.memory_space<vmem>> -> memref<2x128x128xf32, #tpu.memory_space<vmem>>
    %dma_wait3A_806 = arith.constant 16 : i32
    %dma_wait3A_807 = arith.constant 0 : i32
    %dma_wait3A_808 = tpu.memref_slice %arg3[%dma_wait3A_806, %mul3A_2, %dma_wait3A_807] : memref<50x4096x128xf32, #tpu.memory_space<hbm>> -> memref<2x128x128xf32, #tpu.memory_space<hbm>>
    %dma_wait3A_809 = arith.constant 16 : i32
    %dma_wait3A_810 = arith.constant 0 : i32
    %dma_wait3A_811 = tpu.memref_slice %arg3[%dma_wait3A_809, %mul3A_2, %dma_wait3A_810] : memref<50x4096x128xf32, #tpu.memory_space<hbm>> -> memref<2x128x128xf32, #tpu.memory_space<hbm>>
    %dma_wait3A_812 = arith.constant 0 : i32
    %dma_wait3A_813 = arith.constant 1 : i32
    %dma_wait3A_814 = arith.constant 0 : i32
    %dma_wait3A_815 = tpu.memref_slice %arg6[%dma_wait3A_812, %dma_wait3A_813, %dma_wait3A_814] : memref<2x136x128xf32, #tpu.memory_space<vmem>> -> memref<2x128x128xf32, #tpu.memory_space<vmem>>
    tpu.wait_dma2 semaphore(%arg12 : memref<!tpu.dma_semaphore, #tpu.memory_space<semaphore_mem>>) src(%dma_wait3A_815 : memref<2x128x128xf32, #tpu.memory_space<vmem>>) dst(%dma_wait3A_811 : memref<2x128x128xf32, #tpu.memory_space<hbm>>)
    %dma_start3A_816 = arith.constant 0 : i32
    %dma_start3A_817 = arith.constant 0 : i32
    %dma_start3A_818 = arith.constant 0 : i32
    %dma_start3A_819 = tpu.memref_slice %arg6[%dma_start3A_816, %dma_start3A_817, %dma_start3A_818] : memref<2x136x128xf32, #tpu.memory_space<vmem>> -> memref<2x128x128xf32, #tpu.memory_space<vmem>>
    %dma_start3A_820 = arith.constant 22 : i32
    %dma_start3A_821 = arith.constant 0 : i32
    %dma_start3A_822 = tpu.memref_slice %arg2[%dma_start3A_820, %mul3A_2, %dma_start3A_821] : memref<50x4096x128xf32, #tpu.memory_space<hbm>> -> memref<2x128x128xf32, #tpu.memory_space<hbm>>
    %dma_start3A_823 = arith.constant 0 : i32
    %dma_start3A_824 = arith.constant 0 : i32
    %dma_start3A_825 = arith.constant 0 : i32
    %dma_start3A_826 = tpu.memref_slice %arg6[%dma_start3A_823, %dma_start3A_824, %dma_start3A_825] : memref<2x136x128xf32, #tpu.memory_space<vmem>> -> memref<2x128x128xf32, #tpu.memory_space<vmem>>
    %dma_start3A_827 = arith.constant 22 : i32
    %dma_start3A_828 = arith.constant 0 : i32
    %dma_start3A_829 = tpu.memref_slice %arg2[%dma_start3A_827, %mul3A_2, %dma_start3A_828] : memref<50x4096x128xf32, #tpu.memory_space<hbm>> -> memref<2x128x128xf32, #tpu.memory_space<hbm>>
    tpu.enqueue_dma source(%dma_start3A_829 : memref<2x128x128xf32, #tpu.memory_space<hbm>>) target(%dma_start3A_826 : memref<2x128x128xf32, #tpu.memory_space<vmem>>) target_semaphore(%arg9 : memref<!tpu.dma_semaphore, #tpu.memory_space<semaphore_mem>>)
    %dma_start3A_830 = arith.constant 0 : i32
    %dma_start3A_831 = arith.constant 128 : i32
    %dma_start3A_832 = arith.constant 0 : i32
    %dma_start3A_833 = tpu.memref_slice %arg6[%dma_start3A_830, %dma_start3A_831, %dma_start3A_832] : memref<2x136x128xf32, #tpu.memory_space<vmem>> -> memref<2x8x128xf32, #tpu.memory_space<vmem>>
    %dma_start3A_834 = arith.constant 22 : i32
    %dma_start3A_835 = arith.constant 0 : i32
    %dma_start3A_836 = tpu.memref_slice %arg2[%dma_start3A_834, %rem3A_5, %dma_start3A_835] : memref<50x4096x128xf32, #tpu.memory_space<hbm>> -> memref<2x8x128xf32, #tpu.memory_space<hbm>>
    %dma_start3A_837 = arith.constant 0 : i32
    %dma_start3A_838 = arith.constant 128 : i32
    %dma_start3A_839 = arith.constant 0 : i32
    %dma_start3A_840 = tpu.memref_slice %arg6[%dma_start3A_837, %dma_start3A_838, %dma_start3A_839] : memref<2x136x128xf32, #tpu.memory_space<vmem>> -> memref<2x8x128xf32, #tpu.memory_space<vmem>>
    %dma_start3A_841 = arith.constant 22 : i32
    %dma_start3A_842 = arith.constant 0 : i32
    %dma_start3A_843 = tpu.memref_slice %arg2[%dma_start3A_841, %rem3A_5, %dma_start3A_842] : memref<50x4096x128xf32, #tpu.memory_space<hbm>> -> memref<2x8x128xf32, #tpu.memory_space<hbm>>
    tpu.enqueue_dma source(%dma_start3A_843 : memref<2x8x128xf32, #tpu.memory_space<hbm>>) target(%dma_start3A_840 : memref<2x8x128xf32, #tpu.memory_space<vmem>>) target_semaphore(%arg9 : memref<!tpu.dma_semaphore, #tpu.memory_space<semaphore_mem>>)
    %dma_wait3A_844 = arith.constant 0 : i32
    %dma_wait3A_845 = arith.constant 0 : i32
    %dma_wait3A_846 = arith.constant 0 : i32
    %dma_wait3A_847 = tpu.memref_slice %arg4[%dma_wait3A_844, %dma_wait3A_845, %dma_wait3A_846] : memref<2x136x128xf32, #tpu.memory_space<vmem>> -> memref<2x128x128xf32, #tpu.memory_space<vmem>>
    %dma_wait3A_848 = arith.constant 18 : i32
    %dma_wait3A_849 = arith.constant 0 : i32
    %dma_wait3A_850 = tpu.memref_slice %arg2[%dma_wait3A_848, %mul3A_2, %dma_wait3A_849] : memref<50x4096x128xf32, #tpu.memory_space<hbm>> -> memref<2x128x128xf32, #tpu.memory_space<hbm>>
    %dma_wait3A_851 = arith.constant 0 : i32
    %dma_wait3A_852 = arith.constant 0 : i32
    %dma_wait3A_853 = arith.constant 0 : i32
    %dma_wait3A_854 = tpu.memref_slice %arg4[%dma_wait3A_851, %dma_wait3A_852, %dma_wait3A_853] : memref<2x136x128xf32, #tpu.memory_space<vmem>> -> memref<2x128x128xf32, #tpu.memory_space<vmem>>
    %dma_wait3A_855 = arith.constant 18 : i32
    %dma_wait3A_856 = arith.constant 0 : i32
    %dma_wait3A_857 = tpu.memref_slice %arg2[%dma_wait3A_855, %mul3A_2, %dma_wait3A_856] : memref<50x4096x128xf32, #tpu.memory_space<hbm>> -> memref<2x128x128xf32, #tpu.memory_space<hbm>>
    tpu.wait_dma2 semaphore(%arg7 : memref<!tpu.dma_semaphore, #tpu.memory_space<semaphore_mem>>) src(%dma_wait3A_857 : memref<2x128x128xf32, #tpu.memory_space<hbm>>) dst(%dma_wait3A_854 : memref<2x128x128xf32, #tpu.memory_space<vmem>>)
    %dma_wait3A_858 = arith.constant 0 : i32
    %dma_wait3A_859 = arith.constant 128 : i32
    %dma_wait3A_860 = arith.constant 0 : i32
    %dma_wait3A_861 = tpu.memref_slice %arg4[%dma_wait3A_858, %dma_wait3A_859, %dma_wait3A_860] : memref<2x136x128xf32, #tpu.memory_space<vmem>> -> memref<2x8x128xf32, #tpu.memory_space<vmem>>
    %dma_wait3A_862 = arith.constant 18 : i32
    %dma_wait3A_863 = arith.constant 0 : i32
    %dma_wait3A_864 = tpu.memref_slice %arg2[%dma_wait3A_862, %rem3A_5, %dma_wait3A_863] : memref<50x4096x128xf32, #tpu.memory_space<hbm>> -> memref<2x8x128xf32, #tpu.memory_space<hbm>>
    %dma_wait3A_865 = arith.constant 0 : i32
    %dma_wait3A_866 = arith.constant 128 : i32
    %dma_wait3A_867 = arith.constant 0 : i32
    %dma_wait3A_868 = tpu.memref_slice %arg4[%dma_wait3A_865, %dma_wait3A_866, %dma_wait3A_867] : memref<2x136x128xf32, #tpu.memory_space<vmem>> -> memref<2x8x128xf32, #tpu.memory_space<vmem>>
    %dma_wait3A_869 = arith.constant 18 : i32
    %dma_wait3A_870 = arith.constant 0 : i32
    %dma_wait3A_871 = tpu.memref_slice %arg2[%dma_wait3A_869, %rem3A_5, %dma_wait3A_870] : memref<50x4096x128xf32, #tpu.memory_space<hbm>> -> memref<2x8x128xf32, #tpu.memory_space<hbm>>
    tpu.wait_dma2 semaphore(%arg7 : memref<!tpu.dma_semaphore, #tpu.memory_space<semaphore_mem>>) src(%dma_wait3A_871 : memref<2x8x128xf32, #tpu.memory_space<hbm>>) dst(%dma_wait3A_868 : memref<2x8x128xf32, #tpu.memory_space<vmem>>)
    %dma_start3A_872 = arith.constant 0 : i32
    %dma_start3A_873 = arith.constant 1 : i32
    %dma_start3A_874 = arith.constant 0 : i32
    %dma_start3A_875 = tpu.memref_slice %arg4[%dma_start3A_872, %dma_start3A_873, %dma_start3A_874] : memref<2x136x128xf32, #tpu.memory_space<vmem>> -> memref<2x128x128xf32, #tpu.memory_space<vmem>>
    %dma_start3A_876 = arith.constant 18 : i32
    %dma_start3A_877 = arith.constant 0 : i32
    %dma_start3A_878 = tpu.memref_slice %arg3[%dma_start3A_876, %mul3A_2, %dma_start3A_877] : memref<50x4096x128xf32, #tpu.memory_space<hbm>> -> memref<2x128x128xf32, #tpu.memory_space<hbm>>
    %dma_start3A_879 = arith.constant 18 : i32
    %dma_start3A_880 = arith.constant 0 : i32
    %dma_start3A_881 = tpu.memref_slice %arg3[%dma_start3A_879, %mul3A_2, %dma_start3A_880] : memref<50x4096x128xf32, #tpu.memory_space<hbm>> -> memref<2x128x128xf32, #tpu.memory_space<hbm>>
    %dma_start3A_882 = arith.constant 0 : i32
    %dma_start3A_883 = arith.constant 1 : i32
    %dma_start3A_884 = arith.constant 0 : i32
    %dma_start3A_885 = tpu.memref_slice %arg4[%dma_start3A_882, %dma_start3A_883, %dma_start3A_884] : memref<2x136x128xf32, #tpu.memory_space<vmem>> -> memref<2x128x128xf32, #tpu.memory_space<vmem>>
    tpu.enqueue_dma source(%dma_start3A_885 : memref<2x128x128xf32, #tpu.memory_space<vmem>>) target(%dma_start3A_881 : memref<2x128x128xf32, #tpu.memory_space<hbm>>) target_semaphore(%arg10 : memref<!tpu.dma_semaphore, #tpu.memory_space<semaphore_mem>>)
    %dma_wait3A_886 = arith.constant 0 : i32
    %dma_wait3A_887 = arith.constant 1 : i32
    %dma_wait3A_888 = arith.constant 0 : i32
    %dma_wait3A_889 = tpu.memref_slice %arg4[%dma_wait3A_886, %dma_wait3A_887, %dma_wait3A_888] : memref<2x136x128xf32, #tpu.memory_space<vmem>> -> memref<2x128x128xf32, #tpu.memory_space<vmem>>
    %dma_wait3A_890 = arith.constant 18 : i32
    %dma_wait3A_891 = arith.constant 0 : i32
    %dma_wait3A_892 = tpu.memref_slice %arg3[%dma_wait3A_890, %mul3A_2, %dma_wait3A_891] : memref<50x4096x128xf32, #tpu.memory_space<hbm>> -> memref<2x128x128xf32, #tpu.memory_space<hbm>>
    %dma_wait3A_893 = arith.constant 18 : i32
    %dma_wait3A_894 = arith.constant 0 : i32
    %dma_wait3A_895 = tpu.memref_slice %arg3[%dma_wait3A_893, %mul3A_2, %dma_wait3A_894] : memref<50x4096x128xf32, #tpu.memory_space<hbm>> -> memref<2x128x128xf32, #tpu.memory_space<hbm>>
    %dma_wait3A_896 = arith.constant 0 : i32
    %dma_wait3A_897 = arith.constant 1 : i32
    %dma_wait3A_898 = arith.constant 0 : i32
    %dma_wait3A_899 = tpu.memref_slice %arg4[%dma_wait3A_896, %dma_wait3A_897, %dma_wait3A_898] : memref<2x136x128xf32, #tpu.memory_space<vmem>> -> memref<2x128x128xf32, #tpu.memory_space<vmem>>
    tpu.wait_dma2 semaphore(%arg10 : memref<!tpu.dma_semaphore, #tpu.memory_space<semaphore_mem>>) src(%dma_wait3A_899 : memref<2x128x128xf32, #tpu.memory_space<vmem>>) dst(%dma_wait3A_895 : memref<2x128x128xf32, #tpu.memory_space<hbm>>)
    %dma_start3A_900 = arith.constant 0 : i32
    %dma_start3A_901 = arith.constant 0 : i32
    %dma_start3A_902 = arith.constant 0 : i32
    %dma_start3A_903 = tpu.memref_slice %arg4[%dma_start3A_900, %dma_start3A_901, %dma_start3A_902] : memref<2x136x128xf32, #tpu.memory_space<vmem>> -> memref<2x128x128xf32, #tpu.memory_space<vmem>>
    %dma_start3A_904 = arith.constant 24 : i32
    %dma_start3A_905 = arith.constant 0 : i32
    %dma_start3A_906 = tpu.memref_slice %arg2[%dma_start3A_904, %mul3A_2, %dma_start3A_905] : memref<50x4096x128xf32, #tpu.memory_space<hbm>> -> memref<2x128x128xf32, #tpu.memory_space<hbm>>
    %dma_start3A_907 = arith.constant 0 : i32
    %dma_start3A_908 = arith.constant 0 : i32
    %dma_start3A_909 = arith.constant 0 : i32
    %dma_start3A_910 = tpu.memref_slice %arg4[%dma_start3A_907, %dma_start3A_908, %dma_start3A_909] : memref<2x136x128xf32, #tpu.memory_space<vmem>> -> memref<2x128x128xf32, #tpu.memory_space<vmem>>
    %dma_start3A_911 = arith.constant 24 : i32
    %dma_start3A_912 = arith.constant 0 : i32
    %dma_start3A_913 = tpu.memref_slice %arg2[%dma_start3A_911, %mul3A_2, %dma_start3A_912] : memref<50x4096x128xf32, #tpu.memory_space<hbm>> -> memref<2x128x128xf32, #tpu.memory_space<hbm>>
    tpu.enqueue_dma source(%dma_start3A_913 : memref<2x128x128xf32, #tpu.memory_space<hbm>>) target(%dma_start3A_910 : memref<2x128x128xf32, #tpu.memory_space<vmem>>) target_semaphore(%arg7 : memref<!tpu.dma_semaphore, #tpu.memory_space<semaphore_mem>>)
    %dma_start3A_914 = arith.constant 0 : i32
    %dma_start3A_915 = arith.constant 128 : i32
    %dma_start3A_916 = arith.constant 0 : i32
    %dma_start3A_917 = tpu.memref_slice %arg4[%dma_start3A_914, %dma_start3A_915, %dma_start3A_916] : memref<2x136x128xf32, #tpu.memory_space<vmem>> -> memref<2x8x128xf32, #tpu.memory_space<vmem>>
    %dma_start3A_918 = arith.constant 24 : i32
    %dma_start3A_919 = arith.constant 0 : i32
    %dma_start3A_920 = tpu.memref_slice %arg2[%dma_start3A_918, %rem3A_5, %dma_start3A_919] : memref<50x4096x128xf32, #tpu.memory_space<hbm>> -> memref<2x8x128xf32, #tpu.memory_space<hbm>>
    %dma_start3A_921 = arith.constant 0 : i32
    %dma_start3A_922 = arith.constant 128 : i32
    %dma_start3A_923 = arith.constant 0 : i32
    %dma_start3A_924 = tpu.memref_slice %arg4[%dma_start3A_921, %dma_start3A_922, %dma_start3A_923] : memref<2x136x128xf32, #tpu.memory_space<vmem>> -> memref<2x8x128xf32, #tpu.memory_space<vmem>>
    %dma_start3A_925 = arith.constant 24 : i32
    %dma_start3A_926 = arith.constant 0 : i32
    %dma_start3A_927 = tpu.memref_slice %arg2[%dma_start3A_925, %rem3A_5, %dma_start3A_926] : memref<50x4096x128xf32, #tpu.memory_space<hbm>> -> memref<2x8x128xf32, #tpu.memory_space<hbm>>
    tpu.enqueue_dma source(%dma_start3A_927 : memref<2x8x128xf32, #tpu.memory_space<hbm>>) target(%dma_start3A_924 : memref<2x8x128xf32, #tpu.memory_space<vmem>>) target_semaphore(%arg7 : memref<!tpu.dma_semaphore, #tpu.memory_space<semaphore_mem>>)
    %dma_wait3A_928 = arith.constant 0 : i32
    %dma_wait3A_929 = arith.constant 0 : i32
    %dma_wait3A_930 = arith.constant 0 : i32
    %dma_wait3A_931 = tpu.memref_slice %arg5[%dma_wait3A_928, %dma_wait3A_929, %dma_wait3A_930] : memref<2x136x128xf32, #tpu.memory_space<vmem>> -> memref<2x128x128xf32, #tpu.memory_space<vmem>>
    %dma_wait3A_932 = arith.constant 20 : i32
    %dma_wait3A_933 = arith.constant 0 : i32
    %dma_wait3A_934 = tpu.memref_slice %arg2[%dma_wait3A_932, %mul3A_2, %dma_wait3A_933] : memref<50x4096x128xf32, #tpu.memory_space<hbm>> -> memref<2x128x128xf32, #tpu.memory_space<hbm>>
    %dma_wait3A_935 = arith.constant 0 : i32
    %dma_wait3A_936 = arith.constant 0 : i32
    %dma_wait3A_937 = arith.constant 0 : i32
    %dma_wait3A_938 = tpu.memref_slice %arg5[%dma_wait3A_935, %dma_wait3A_936, %dma_wait3A_937] : memref<2x136x128xf32, #tpu.memory_space<vmem>> -> memref<2x128x128xf32, #tpu.memory_space<vmem>>
    %dma_wait3A_939 = arith.constant 20 : i32
    %dma_wait3A_940 = arith.constant 0 : i32
    %dma_wait3A_941 = tpu.memref_slice %arg2[%dma_wait3A_939, %mul3A_2, %dma_wait3A_940] : memref<50x4096x128xf32, #tpu.memory_space<hbm>> -> memref<2x128x128xf32, #tpu.memory_space<hbm>>
    tpu.wait_dma2 semaphore(%arg8 : memref<!tpu.dma_semaphore, #tpu.memory_space<semaphore_mem>>) src(%dma_wait3A_941 : memref<2x128x128xf32, #tpu.memory_space<hbm>>) dst(%dma_wait3A_938 : memref<2x128x128xf32, #tpu.memory_space<vmem>>)
    %dma_wait3A_942 = arith.constant 0 : i32
    %dma_wait3A_943 = arith.constant 128 : i32
    %dma_wait3A_944 = arith.constant 0 : i32
    %dma_wait3A_945 = tpu.memref_slice %arg5[%dma_wait3A_942, %dma_wait3A_943, %dma_wait3A_944] : memref<2x136x128xf32, #tpu.memory_space<vmem>> -> memref<2x8x128xf32, #tpu.memory_space<vmem>>
    %dma_wait3A_946 = arith.constant 20 : i32
    %dma_wait3A_947 = arith.constant 0 : i32
    %dma_wait3A_948 = tpu.memref_slice %arg2[%dma_wait3A_946, %rem3A_5, %dma_wait3A_947] : memref<50x4096x128xf32, #tpu.memory_space<hbm>> -> memref<2x8x128xf32, #tpu.memory_space<hbm>>
    %dma_wait3A_949 = arith.constant 0 : i32
    %dma_wait3A_950 = arith.constant 128 : i32
    %dma_wait3A_951 = arith.constant 0 : i32
    %dma_wait3A_952 = tpu.memref_slice %arg5[%dma_wait3A_949, %dma_wait3A_950, %dma_wait3A_951] : memref<2x136x128xf32, #tpu.memory_space<vmem>> -> memref<2x8x128xf32, #tpu.memory_space<vmem>>
    %dma_wait3A_953 = arith.constant 20 : i32
    %dma_wait3A_954 = arith.constant 0 : i32
    %dma_wait3A_955 = tpu.memref_slice %arg2[%dma_wait3A_953, %rem3A_5, %dma_wait3A_954] : memref<50x4096x128xf32, #tpu.memory_space<hbm>> -> memref<2x8x128xf32, #tpu.memory_space<hbm>>
    tpu.wait_dma2 semaphore(%arg8 : memref<!tpu.dma_semaphore, #tpu.memory_space<semaphore_mem>>) src(%dma_wait3A_955 : memref<2x8x128xf32, #tpu.memory_space<hbm>>) dst(%dma_wait3A_952 : memref<2x8x128xf32, #tpu.memory_space<vmem>>)
    %dma_start3A_956 = arith.constant 0 : i32
    %dma_start3A_957 = arith.constant 1 : i32
    %dma_start3A_958 = arith.constant 0 : i32
    %dma_start3A_959 = tpu.memref_slice %arg5[%dma_start3A_956, %dma_start3A_957, %dma_start3A_958] : memref<2x136x128xf32, #tpu.memory_space<vmem>> -> memref<2x128x128xf32, #tpu.memory_space<vmem>>
    %dma_start3A_960 = arith.constant 20 : i32
    %dma_start3A_961 = arith.constant 0 : i32
    %dma_start3A_962 = tpu.memref_slice %arg3[%dma_start3A_960, %mul3A_2, %dma_start3A_961] : memref<50x4096x128xf32, #tpu.memory_space<hbm>> -> memref<2x128x128xf32, #tpu.memory_space<hbm>>
    %dma_start3A_963 = arith.constant 20 : i32
    %dma_start3A_964 = arith.constant 0 : i32
    %dma_start3A_965 = tpu.memref_slice %arg3[%dma_start3A_963, %mul3A_2, %dma_start3A_964] : memref<50x4096x128xf32, #tpu.memory_space<hbm>> -> memref<2x128x128xf32, #tpu.memory_space<hbm>>
    %dma_start3A_966 = arith.constant 0 : i32
    %dma_start3A_967 = arith.constant 1 : i32
    %dma_start3A_968 = arith.constant 0 : i32
    %dma_start3A_969 = tpu.memref_slice %arg5[%dma_start3A_966, %dma_start3A_967, %dma_start3A_968] : memref<2x136x128xf32, #tpu.memory_space<vmem>> -> memref<2x128x128xf32, #tpu.memory_space<vmem>>
    tpu.enqueue_dma source(%dma_start3A_969 : memref<2x128x128xf32, #tpu.memory_space<vmem>>) target(%dma_start3A_965 : memref<2x128x128xf32, #tpu.memory_space<hbm>>) target_semaphore(%arg11 : memref<!tpu.dma_semaphore, #tpu.memory_space<semaphore_mem>>)
    %dma_wait3A_970 = arith.constant 0 : i32
    %dma_wait3A_971 = arith.constant 1 : i32
    %dma_wait3A_972 = arith.constant 0 : i32
    %dma_wait3A_973 = tpu.memref_slice %arg5[%dma_wait3A_970, %dma_wait3A_971, %dma_wait3A_972] : memref<2x136x128xf32, #tpu.memory_space<vmem>> -> memref<2x128x128xf32, #tpu.memory_space<vmem>>
    %dma_wait3A_974 = arith.constant 20 : i32
    %dma_wait3A_975 = arith.constant 0 : i32
    %dma_wait3A_976 = tpu.memref_slice %arg3[%dma_wait3A_974, %mul3A_2, %dma_wait3A_975] : memref<50x4096x128xf32, #tpu.memory_space<hbm>> -> memref<2x128x128xf32, #tpu.memory_space<hbm>>
    %dma_wait3A_977 = arith.constant 20 : i32
    %dma_wait3A_978 = arith.constant 0 : i32
    %dma_wait3A_979 = tpu.memref_slice %arg3[%dma_wait3A_977, %mul3A_2, %dma_wait3A_978] : memref<50x4096x128xf32, #tpu.memory_space<hbm>> -> memref<2x128x128xf32, #tpu.memory_space<hbm>>
    %dma_wait3A_980 = arith.constant 0 : i32
    %dma_wait3A_981 = arith.constant 1 : i32
    %dma_wait3A_982 = arith.constant 0 : i32
    %dma_wait3A_983 = tpu.memref_slice %arg5[%dma_wait3A_980, %dma_wait3A_981, %dma_wait3A_982] : memref<2x136x128xf32, #tpu.memory_space<vmem>> -> memref<2x128x128xf32, #tpu.memory_space<vmem>>
    tpu.wait_dma2 semaphore(%arg11 : memref<!tpu.dma_semaphore, #tpu.memory_space<semaphore_mem>>) src(%dma_wait3A_983 : memref<2x128x128xf32, #tpu.memory_space<vmem>>) dst(%dma_wait3A_979 : memref<2x128x128xf32, #tpu.memory_space<hbm>>)
    %dma_start3A_984 = arith.constant 0 : i32
    %dma_start3A_985 = arith.constant 0 : i32
    %dma_start3A_986 = arith.constant 0 : i32
    %dma_start3A_987 = tpu.memref_slice %arg5[%dma_start3A_984, %dma_start3A_985, %dma_start3A_986] : memref<2x136x128xf32, #tpu.memory_space<vmem>> -> memref<2x128x128xf32, #tpu.memory_space<vmem>>
    %dma_start3A_988 = arith.constant 26 : i32
    %dma_start3A_989 = arith.constant 0 : i32
    %dma_start3A_990 = tpu.memref_slice %arg2[%dma_start3A_988, %mul3A_2, %dma_start3A_989] : memref<50x4096x128xf32, #tpu.memory_space<hbm>> -> memref<2x128x128xf32, #tpu.memory_space<hbm>>
    %dma_start3A_991 = arith.constant 0 : i32
    %dma_start3A_992 = arith.constant 0 : i32
    %dma_start3A_993 = arith.constant 0 : i32
    %dma_start3A_994 = tpu.memref_slice %arg5[%dma_start3A_991, %dma_start3A_992, %dma_start3A_993] : memref<2x136x128xf32, #tpu.memory_space<vmem>> -> memref<2x128x128xf32, #tpu.memory_space<vmem>>
    %dma_start3A_995 = arith.constant 26 : i32
    %dma_start3A_996 = arith.constant 0 : i32
    %dma_start3A_997 = tpu.memref_slice %arg2[%dma_start3A_995, %mul3A_2, %dma_start3A_996] : memref<50x4096x128xf32, #tpu.memory_space<hbm>> -> memref<2x128x128xf32, #tpu.memory_space<hbm>>
    tpu.enqueue_dma source(%dma_start3A_997 : memref<2x128x128xf32, #tpu.memory_space<hbm>>) target(%dma_start3A_994 : memref<2x128x128xf32, #tpu.memory_space<vmem>>) target_semaphore(%arg8 : memref<!tpu.dma_semaphore, #tpu.memory_space<semaphore_mem>>)
    %dma_start3A_998 = arith.constant 0 : i32
    %dma_start3A_999 = arith.constant 128 : i32
    %dma_start3A_1000 = arith.constant 0 : i32
    %dma_start3A_1001 = tpu.memref_slice %arg5[%dma_start3A_998, %dma_start3A_999, %dma_start3A_1000] : memref<2x136x128xf32, #tpu.memory_space<vmem>> -> memref<2x8x128xf32, #tpu.memory_space<vmem>>
    %dma_start3A_1002 = arith.constant 26 : i32
    %dma_start3A_1003 = arith.constant 0 : i32
    %dma_start3A_1004 = tpu.memref_slice %arg2[%dma_start3A_1002, %rem3A_5, %dma_start3A_1003] : memref<50x4096x128xf32, #tpu.memory_space<hbm>> -> memref<2x8x128xf32, #tpu.memory_space<hbm>>
    %dma_start3A_1005 = arith.constant 0 : i32
    %dma_start3A_1006 = arith.constant 128 : i32
    %dma_start3A_1007 = arith.constant 0 : i32
    %dma_start3A_1008 = tpu.memref_slice %arg5[%dma_start3A_1005, %dma_start3A_1006, %dma_start3A_1007] : memref<2x136x128xf32, #tpu.memory_space<vmem>> -> memref<2x8x128xf32, #tpu.memory_space<vmem>>
    %dma_start3A_1009 = arith.constant 26 : i32
    %dma_start3A_1010 = arith.constant 0 : i32
    %dma_start3A_1011 = tpu.memref_slice %arg2[%dma_start3A_1009, %rem3A_5, %dma_start3A_1010] : memref<50x4096x128xf32, #tpu.memory_space<hbm>> -> memref<2x8x128xf32, #tpu.memory_space<hbm>>
    tpu.enqueue_dma source(%dma_start3A_1011 : memref<2x8x128xf32, #tpu.memory_space<hbm>>) target(%dma_start3A_1008 : memref<2x8x128xf32, #tpu.memory_space<vmem>>) target_semaphore(%arg8 : memref<!tpu.dma_semaphore, #tpu.memory_space<semaphore_mem>>)
    %dma_wait3A_1012 = arith.constant 0 : i32
    %dma_wait3A_1013 = arith.constant 0 : i32
    %dma_wait3A_1014 = arith.constant 0 : i32
    %dma_wait3A_1015 = tpu.memref_slice %arg6[%dma_wait3A_1012, %dma_wait3A_1013, %dma_wait3A_1014] : memref<2x136x128xf32, #tpu.memory_space<vmem>> -> memref<2x128x128xf32, #tpu.memory_space<vmem>>
    %dma_wait3A_1016 = arith.constant 22 : i32
    %dma_wait3A_1017 = arith.constant 0 : i32
    %dma_wait3A_1018 = tpu.memref_slice %arg2[%dma_wait3A_1016, %mul3A_2, %dma_wait3A_1017] : memref<50x4096x128xf32, #tpu.memory_space<hbm>> -> memref<2x128x128xf32, #tpu.memory_space<hbm>>
    %dma_wait3A_1019 = arith.constant 0 : i32
    %dma_wait3A_1020 = arith.constant 0 : i32
    %dma_wait3A_1021 = arith.constant 0 : i32
    %dma_wait3A_1022 = tpu.memref_slice %arg6[%dma_wait3A_1019, %dma_wait3A_1020, %dma_wait3A_1021] : memref<2x136x128xf32, #tpu.memory_space<vmem>> -> memref<2x128x128xf32, #tpu.memory_space<vmem>>
    %dma_wait3A_1023 = arith.constant 22 : i32
    %dma_wait3A_1024 = arith.constant 0 : i32
    %dma_wait3A_1025 = tpu.memref_slice %arg2[%dma_wait3A_1023, %mul3A_2, %dma_wait3A_1024] : memref<50x4096x128xf32, #tpu.memory_space<hbm>> -> memref<2x128x128xf32, #tpu.memory_space<hbm>>
    tpu.wait_dma2 semaphore(%arg9 : memref<!tpu.dma_semaphore, #tpu.memory_space<semaphore_mem>>) src(%dma_wait3A_1025 : memref<2x128x128xf32, #tpu.memory_space<hbm>>) dst(%dma_wait3A_1022 : memref<2x128x128xf32, #tpu.memory_space<vmem>>)
    %dma_wait3A_1026 = arith.constant 0 : i32
    %dma_wait3A_1027 = arith.constant 128 : i32
    %dma_wait3A_1028 = arith.constant 0 : i32
    %dma_wait3A_1029 = tpu.memref_slice %arg6[%dma_wait3A_1026, %dma_wait3A_1027, %dma_wait3A_1028] : memref<2x136x128xf32, #tpu.memory_space<vmem>> -> memref<2x8x128xf32, #tpu.memory_space<vmem>>
    %dma_wait3A_1030 = arith.constant 22 : i32
    %dma_wait3A_1031 = arith.constant 0 : i32
    %dma_wait3A_1032 = tpu.memref_slice %arg2[%dma_wait3A_1030, %rem3A_5, %dma_wait3A_1031] : memref<50x4096x128xf32, #tpu.memory_space<hbm>> -> memref<2x8x128xf32, #tpu.memory_space<hbm>>
    %dma_wait3A_1033 = arith.constant 0 : i32
    %dma_wait3A_1034 = arith.constant 128 : i32
    %dma_wait3A_1035 = arith.constant 0 : i32
    %dma_wait3A_1036 = tpu.memref_slice %arg6[%dma_wait3A_1033, %dma_wait3A_1034, %dma_wait3A_1035] : memref<2x136x128xf32, #tpu.memory_space<vmem>> -> memref<2x8x128xf32, #tpu.memory_space<vmem>>
    %dma_wait3A_1037 = arith.constant 22 : i32
    %dma_wait3A_1038 = arith.constant 0 : i32
    %dma_wait3A_1039 = tpu.memref_slice %arg2[%dma_wait3A_1037, %rem3A_5, %dma_wait3A_1038] : memref<50x4096x128xf32, #tpu.memory_space<hbm>> -> memref<2x8x128xf32, #tpu.memory_space<hbm>>
    tpu.wait_dma2 semaphore(%arg9 : memref<!tpu.dma_semaphore, #tpu.memory_space<semaphore_mem>>) src(%dma_wait3A_1039 : memref<2x8x128xf32, #tpu.memory_space<hbm>>) dst(%dma_wait3A_1036 : memref<2x8x128xf32, #tpu.memory_space<vmem>>)
    %dma_start3A_1040 = arith.constant 0 : i32
    %dma_start3A_1041 = arith.constant 1 : i32
    %dma_start3A_1042 = arith.constant 0 : i32
    %dma_start3A_1043 = tpu.memref_slice %arg6[%dma_start3A_1040, %dma_start3A_1041, %dma_start3A_1042] : memref<2x136x128xf32, #tpu.memory_space<vmem>> -> memref<2x128x128xf32, #tpu.memory_space<vmem>>
    %dma_start3A_1044 = arith.constant 22 : i32
    %dma_start3A_1045 = arith.constant 0 : i32
    %dma_start3A_1046 = tpu.memref_slice %arg3[%dma_start3A_1044, %mul3A_2, %dma_start3A_1045] : memref<50x4096x128xf32, #tpu.memory_space<hbm>> -> memref<2x128x128xf32, #tpu.memory_space<hbm>>
    %dma_start3A_1047 = arith.constant 22 : i32
    %dma_start3A_1048 = arith.constant 0 : i32
    %dma_start3A_1049 = tpu.memref_slice %arg3[%dma_start3A_1047, %mul3A_2, %dma_start3A_1048] : memref<50x4096x128xf32, #tpu.memory_space<hbm>> -> memref<2x128x128xf32, #tpu.memory_space<hbm>>
    %dma_start3A_1050 = arith.constant 0 : i32
    %dma_start3A_1051 = arith.constant 1 : i32
    %dma_start3A_1052 = arith.constant 0 : i32
    %dma_start3A_1053 = tpu.memref_slice %arg6[%dma_start3A_1050, %dma_start3A_1051, %dma_start3A_1052] : memref<2x136x128xf32, #tpu.memory_space<vmem>> -> memref<2x128x128xf32, #tpu.memory_space<vmem>>
    tpu.enqueue_dma source(%dma_start3A_1053 : memref<2x128x128xf32, #tpu.memory_space<vmem>>) target(%dma_start3A_1049 : memref<2x128x128xf32, #tpu.memory_space<hbm>>) target_semaphore(%arg12 : memref<!tpu.dma_semaphore, #tpu.memory_space<semaphore_mem>>)
    %dma_wait3A_1054 = arith.constant 0 : i32
    %dma_wait3A_1055 = arith.constant 1 : i32
    %dma_wait3A_1056 = arith.constant 0 : i32
    %dma_wait3A_1057 = tpu.memref_slice %arg6[%dma_wait3A_1054, %dma_wait3A_1055, %dma_wait3A_1056] : memref<2x136x128xf32, #tpu.memory_space<vmem>> -> memref<2x128x128xf32, #tpu.memory_space<vmem>>
    %dma_wait3A_1058 = arith.constant 22 : i32
    %dma_wait3A_1059 = arith.constant 0 : i32
    %dma_wait3A_1060 = tpu.memref_slice %arg3[%dma_wait3A_1058, %mul3A_2, %dma_wait3A_1059] : memref<50x4096x128xf32, #tpu.memory_space<hbm>> -> memref<2x128x128xf32, #tpu.memory_space<hbm>>
    %dma_wait3A_1061 = arith.constant 22 : i32
    %dma_wait3A_1062 = arith.constant 0 : i32
    %dma_wait3A_1063 = tpu.memref_slice %arg3[%dma_wait3A_1061, %mul3A_2, %dma_wait3A_1062] : memref<50x4096x128xf32, #tpu.memory_space<hbm>> -> memref<2x128x128xf32, #tpu.memory_space<hbm>>
    %dma_wait3A_1064 = arith.constant 0 : i32
    %dma_wait3A_1065 = arith.constant 1 : i32
    %dma_wait3A_1066 = arith.constant 0 : i32
    %dma_wait3A_1067 = tpu.memref_slice %arg6[%dma_wait3A_1064, %dma_wait3A_1065, %dma_wait3A_1066] : memref<2x136x128xf32, #tpu.memory_space<vmem>> -> memref<2x128x128xf32, #tpu.memory_space<vmem>>
    tpu.wait_dma2 semaphore(%arg12 : memref<!tpu.dma_semaphore, #tpu.memory_space<semaphore_mem>>) src(%dma_wait3A_1067 : memref<2x128x128xf32, #tpu.memory_space<vmem>>) dst(%dma_wait3A_1063 : memref<2x128x128xf32, #tpu.memory_space<hbm>>)
    %dma_start3A_1068 = arith.constant 0 : i32
    %dma_start3A_1069 = arith.constant 0 : i32
    %dma_start3A_1070 = arith.constant 0 : i32
    %dma_start3A_1071 = tpu.memref_slice %arg6[%dma_start3A_1068, %dma_start3A_1069, %dma_start3A_1070] : memref<2x136x128xf32, #tpu.memory_space<vmem>> -> memref<2x128x128xf32, #tpu.memory_space<vmem>>
    %dma_start3A_1072 = arith.constant 28 : i32
    %dma_start3A_1073 = arith.constant 0 : i32
    %dma_start3A_1074 = tpu.memref_slice %arg2[%dma_start3A_1072, %mul3A_2, %dma_start3A_1073] : memref<50x4096x128xf32, #tpu.memory_space<hbm>> -> memref<2x128x128xf32, #tpu.memory_space<hbm>>
    %dma_start3A_1075 = arith.constant 0 : i32
    %dma_start3A_1076 = arith.constant 0 : i32
    %dma_start3A_1077 = arith.constant 0 : i32
    %dma_start3A_1078 = tpu.memref_slice %arg6[%dma_start3A_1075, %dma_start3A_1076, %dma_start3A_1077] : memref<2x136x128xf32, #tpu.memory_space<vmem>> -> memref<2x128x128xf32, #tpu.memory_space<vmem>>
    %dma_start3A_1079 = arith.constant 28 : i32
    %dma_start3A_1080 = arith.constant 0 : i32
    %dma_start3A_1081 = tpu.memref_slice %arg2[%dma_start3A_1079, %mul3A_2, %dma_start3A_1080] : memref<50x4096x128xf32, #tpu.memory_space<hbm>> -> memref<2x128x128xf32, #tpu.memory_space<hbm>>
    tpu.enqueue_dma source(%dma_start3A_1081 : memref<2x128x128xf32, #tpu.memory_space<hbm>>) target(%dma_start3A_1078 : memref<2x128x128xf32, #tpu.memory_space<vmem>>) target_semaphore(%arg9 : memref<!tpu.dma_semaphore, #tpu.memory_space<semaphore_mem>>)
    %dma_start3A_1082 = arith.constant 0 : i32
    %dma_start3A_1083 = arith.constant 128 : i32
    %dma_start3A_1084 = arith.constant 0 : i32
    %dma_start3A_1085 = tpu.memref_slice %arg6[%dma_start3A_1082, %dma_start3A_1083, %dma_start3A_1084] : memref<2x136x128xf32, #tpu.memory_space<vmem>> -> memref<2x8x128xf32, #tpu.memory_space<vmem>>
    %dma_start3A_1086 = arith.constant 28 : i32
    %dma_start3A_1087 = arith.constant 0 : i32
    %dma_start3A_1088 = tpu.memref_slice %arg2[%dma_start3A_1086, %rem3A_5, %dma_start3A_1087] : memref<50x4096x128xf32, #tpu.memory_space<hbm>> -> memref<2x8x128xf32, #tpu.memory_space<hbm>>
    %dma_start3A_1089 = arith.constant 0 : i32
    %dma_start3A_1090 = arith.constant 128 : i32
    %dma_start3A_1091 = arith.constant 0 : i32
    %dma_start3A_1092 = tpu.memref_slice %arg6[%dma_start3A_1089, %dma_start3A_1090, %dma_start3A_1091] : memref<2x136x128xf32, #tpu.memory_space<vmem>> -> memref<2x8x128xf32, #tpu.memory_space<vmem>>
    %dma_start3A_1093 = arith.constant 28 : i32
    %dma_start3A_1094 = arith.constant 0 : i32
    %dma_start3A_1095 = tpu.memref_slice %arg2[%dma_start3A_1093, %rem3A_5, %dma_start3A_1094] : memref<50x4096x128xf32, #tpu.memory_space<hbm>> -> memref<2x8x128xf32, #tpu.memory_space<hbm>>
    tpu.enqueue_dma source(%dma_start3A_1095 : memref<2x8x128xf32, #tpu.memory_space<hbm>>) target(%dma_start3A_1092 : memref<2x8x128xf32, #tpu.memory_space<vmem>>) target_semaphore(%arg9 : memref<!tpu.dma_semaphore, #tpu.memory_space<semaphore_mem>>)
    %dma_wait3A_1096 = arith.constant 0 : i32
    %dma_wait3A_1097 = arith.constant 0 : i32
    %dma_wait3A_1098 = arith.constant 0 : i32
    %dma_wait3A_1099 = tpu.memref_slice %arg4[%dma_wait3A_1096, %dma_wait3A_1097, %dma_wait3A_1098] : memref<2x136x128xf32, #tpu.memory_space<vmem>> -> memref<2x128x128xf32, #tpu.memory_space<vmem>>
    %dma_wait3A_1100 = arith.constant 24 : i32
    %dma_wait3A_1101 = arith.constant 0 : i32
    %dma_wait3A_1102 = tpu.memref_slice %arg2[%dma_wait3A_1100, %mul3A_2, %dma_wait3A_1101] : memref<50x4096x128xf32, #tpu.memory_space<hbm>> -> memref<2x128x128xf32, #tpu.memory_space<hbm>>
    %dma_wait3A_1103 = arith.constant 0 : i32
    %dma_wait3A_1104 = arith.constant 0 : i32
    %dma_wait3A_1105 = arith.constant 0 : i32
    %dma_wait3A_1106 = tpu.memref_slice %arg4[%dma_wait3A_1103, %dma_wait3A_1104, %dma_wait3A_1105] : memref<2x136x128xf32, #tpu.memory_space<vmem>> -> memref<2x128x128xf32, #tpu.memory_space<vmem>>
    %dma_wait3A_1107 = arith.constant 24 : i32
    %dma_wait3A_1108 = arith.constant 0 : i32
    %dma_wait3A_1109 = tpu.memref_slice %arg2[%dma_wait3A_1107, %mul3A_2, %dma_wait3A_1108] : memref<50x4096x128xf32, #tpu.memory_space<hbm>> -> memref<2x128x128xf32, #tpu.memory_space<hbm>>
    tpu.wait_dma2 semaphore(%arg7 : memref<!tpu.dma_semaphore, #tpu.memory_space<semaphore_mem>>) src(%dma_wait3A_1109 : memref<2x128x128xf32, #tpu.memory_space<hbm>>) dst(%dma_wait3A_1106 : memref<2x128x128xf32, #tpu.memory_space<vmem>>)
    %dma_wait3A_1110 = arith.constant 0 : i32
    %dma_wait3A_1111 = arith.constant 128 : i32
    %dma_wait3A_1112 = arith.constant 0 : i32
    %dma_wait3A_1113 = tpu.memref_slice %arg4[%dma_wait3A_1110, %dma_wait3A_1111, %dma_wait3A_1112] : memref<2x136x128xf32, #tpu.memory_space<vmem>> -> memref<2x8x128xf32, #tpu.memory_space<vmem>>
    %dma_wait3A_1114 = arith.constant 24 : i32
    %dma_wait3A_1115 = arith.constant 0 : i32
    %dma_wait3A_1116 = tpu.memref_slice %arg2[%dma_wait3A_1114, %rem3A_5, %dma_wait3A_1115] : memref<50x4096x128xf32, #tpu.memory_space<hbm>> -> memref<2x8x128xf32, #tpu.memory_space<hbm>>
    %dma_wait3A_1117 = arith.constant 0 : i32
    %dma_wait3A_1118 = arith.constant 128 : i32
    %dma_wait3A_1119 = arith.constant 0 : i32
    %dma_wait3A_1120 = tpu.memref_slice %arg4[%dma_wait3A_1117, %dma_wait3A_1118, %dma_wait3A_1119] : memref<2x136x128xf32, #tpu.memory_space<vmem>> -> memref<2x8x128xf32, #tpu.memory_space<vmem>>
    %dma_wait3A_1121 = arith.constant 24 : i32
    %dma_wait3A_1122 = arith.constant 0 : i32
    %dma_wait3A_1123 = tpu.memref_slice %arg2[%dma_wait3A_1121, %rem3A_5, %dma_wait3A_1122] : memref<50x4096x128xf32, #tpu.memory_space<hbm>> -> memref<2x8x128xf32, #tpu.memory_space<hbm>>
    tpu.wait_dma2 semaphore(%arg7 : memref<!tpu.dma_semaphore, #tpu.memory_space<semaphore_mem>>) src(%dma_wait3A_1123 : memref<2x8x128xf32, #tpu.memory_space<hbm>>) dst(%dma_wait3A_1120 : memref<2x8x128xf32, #tpu.memory_space<vmem>>)
    %dma_start3A_1124 = arith.constant 0 : i32
    %dma_start3A_1125 = arith.constant 1 : i32
    %dma_start3A_1126 = arith.constant 0 : i32
    %dma_start3A_1127 = tpu.memref_slice %arg4[%dma_start3A_1124, %dma_start3A_1125, %dma_start3A_1126] : memref<2x136x128xf32, #tpu.memory_space<vmem>> -> memref<2x128x128xf32, #tpu.memory_space<vmem>>
    %dma_start3A_1128 = arith.constant 24 : i32
    %dma_start3A_1129 = arith.constant 0 : i32
    %dma_start3A_1130 = tpu.memref_slice %arg3[%dma_start3A_1128, %mul3A_2, %dma_start3A_1129] : memref<50x4096x128xf32, #tpu.memory_space<hbm>> -> memref<2x128x128xf32, #tpu.memory_space<hbm>>
    %dma_start3A_1131 = arith.constant 24 : i32
    %dma_start3A_1132 = arith.constant 0 : i32
    %dma_start3A_1133 = tpu.memref_slice %arg3[%dma_start3A_1131, %mul3A_2, %dma_start3A_1132] : memref<50x4096x128xf32, #tpu.memory_space<hbm>> -> memref<2x128x128xf32, #tpu.memory_space<hbm>>
    %dma_start3A_1134 = arith.constant 0 : i32
    %dma_start3A_1135 = arith.constant 1 : i32
    %dma_start3A_1136 = arith.constant 0 : i32
    %dma_start3A_1137 = tpu.memref_slice %arg4[%dma_start3A_1134, %dma_start3A_1135, %dma_start3A_1136] : memref<2x136x128xf32, #tpu.memory_space<vmem>> -> memref<2x128x128xf32, #tpu.memory_space<vmem>>
    tpu.enqueue_dma source(%dma_start3A_1137 : memref<2x128x128xf32, #tpu.memory_space<vmem>>) target(%dma_start3A_1133 : memref<2x128x128xf32, #tpu.memory_space<hbm>>) target_semaphore(%arg10 : memref<!tpu.dma_semaphore, #tpu.memory_space<semaphore_mem>>)
    %dma_wait3A_1138 = arith.constant 0 : i32
    %dma_wait3A_1139 = arith.constant 1 : i32
    %dma_wait3A_1140 = arith.constant 0 : i32
    %dma_wait3A_1141 = tpu.memref_slice %arg4[%dma_wait3A_1138, %dma_wait3A_1139, %dma_wait3A_1140] : memref<2x136x128xf32, #tpu.memory_space<vmem>> -> memref<2x128x128xf32, #tpu.memory_space<vmem>>
    %dma_wait3A_1142 = arith.constant 24 : i32
    %dma_wait3A_1143 = arith.constant 0 : i32
    %dma_wait3A_1144 = tpu.memref_slice %arg3[%dma_wait3A_1142, %mul3A_2, %dma_wait3A_1143] : memref<50x4096x128xf32, #tpu.memory_space<hbm>> -> memref<2x128x128xf32, #tpu.memory_space<hbm>>
    %dma_wait3A_1145 = arith.constant 24 : i32
    %dma_wait3A_1146 = arith.constant 0 : i32
    %dma_wait3A_1147 = tpu.memref_slice %arg3[%dma_wait3A_1145, %mul3A_2, %dma_wait3A_1146] : memref<50x4096x128xf32, #tpu.memory_space<hbm>> -> memref<2x128x128xf32, #tpu.memory_space<hbm>>
    %dma_wait3A_1148 = arith.constant 0 : i32
    %dma_wait3A_1149 = arith.constant 1 : i32
    %dma_wait3A_1150 = arith.constant 0 : i32
    %dma_wait3A_1151 = tpu.memref_slice %arg4[%dma_wait3A_1148, %dma_wait3A_1149, %dma_wait3A_1150] : memref<2x136x128xf32, #tpu.memory_space<vmem>> -> memref<2x128x128xf32, #tpu.memory_space<vmem>>
    tpu.wait_dma2 semaphore(%arg10 : memref<!tpu.dma_semaphore, #tpu.memory_space<semaphore_mem>>) src(%dma_wait3A_1151 : memref<2x128x128xf32, #tpu.memory_space<vmem>>) dst(%dma_wait3A_1147 : memref<2x128x128xf32, #tpu.memory_space<hbm>>)
    %dma_start3A_1152 = arith.constant 0 : i32
    %dma_start3A_1153 = arith.constant 0 : i32
    %dma_start3A_1154 = arith.constant 0 : i32
    %dma_start3A_1155 = tpu.memref_slice %arg4[%dma_start3A_1152, %dma_start3A_1153, %dma_start3A_1154] : memref<2x136x128xf32, #tpu.memory_space<vmem>> -> memref<2x128x128xf32, #tpu.memory_space<vmem>>
    %dma_start3A_1156 = arith.constant 30 : i32
    %dma_start3A_1157 = arith.constant 0 : i32
    %dma_start3A_1158 = tpu.memref_slice %arg2[%dma_start3A_1156, %mul3A_2, %dma_start3A_1157] : memref<50x4096x128xf32, #tpu.memory_space<hbm>> -> memref<2x128x128xf32, #tpu.memory_space<hbm>>
    %dma_start3A_1159 = arith.constant 0 : i32
    %dma_start3A_1160 = arith.constant 0 : i32
    %dma_start3A_1161 = arith.constant 0 : i32
    %dma_start3A_1162 = tpu.memref_slice %arg4[%dma_start3A_1159, %dma_start3A_1160, %dma_start3A_1161] : memref<2x136x128xf32, #tpu.memory_space<vmem>> -> memref<2x128x128xf32, #tpu.memory_space<vmem>>
    %dma_start3A_1163 = arith.constant 30 : i32
    %dma_start3A_1164 = arith.constant 0 : i32
    %dma_start3A_1165 = tpu.memref_slice %arg2[%dma_start3A_1163, %mul3A_2, %dma_start3A_1164] : memref<50x4096x128xf32, #tpu.memory_space<hbm>> -> memref<2x128x128xf32, #tpu.memory_space<hbm>>
    tpu.enqueue_dma source(%dma_start3A_1165 : memref<2x128x128xf32, #tpu.memory_space<hbm>>) target(%dma_start3A_1162 : memref<2x128x128xf32, #tpu.memory_space<vmem>>) target_semaphore(%arg7 : memref<!tpu.dma_semaphore, #tpu.memory_space<semaphore_mem>>)
    %dma_start3A_1166 = arith.constant 0 : i32
    %dma_start3A_1167 = arith.constant 128 : i32
    %dma_start3A_1168 = arith.constant 0 : i32
    %dma_start3A_1169 = tpu.memref_slice %arg4[%dma_start3A_1166, %dma_start3A_1167, %dma_start3A_1168] : memref<2x136x128xf32, #tpu.memory_space<vmem>> -> memref<2x8x128xf32, #tpu.memory_space<vmem>>
    %dma_start3A_1170 = arith.constant 30 : i32
    %dma_start3A_1171 = arith.constant 0 : i32
    %dma_start3A_1172 = tpu.memref_slice %arg2[%dma_start3A_1170, %rem3A_5, %dma_start3A_1171] : memref<50x4096x128xf32, #tpu.memory_space<hbm>> -> memref<2x8x128xf32, #tpu.memory_space<hbm>>
    %dma_start3A_1173 = arith.constant 0 : i32
    %dma_start3A_1174 = arith.constant 128 : i32
    %dma_start3A_1175 = arith.constant 0 : i32
    %dma_start3A_1176 = tpu.memref_slice %arg4[%dma_start3A_1173, %dma_start3A_1174, %dma_start3A_1175] : memref<2x136x128xf32, #tpu.memory_space<vmem>> -> memref<2x8x128xf32, #tpu.memory_space<vmem>>
    %dma_start3A_1177 = arith.constant 30 : i32
    %dma_start3A_1178 = arith.constant 0 : i32
    %dma_start3A_1179 = tpu.memref_slice %arg2[%dma_start3A_1177, %rem3A_5, %dma_start3A_1178] : memref<50x4096x128xf32, #tpu.memory_space<hbm>> -> memref<2x8x128xf32, #tpu.memory_space<hbm>>
    tpu.enqueue_dma source(%dma_start3A_1179 : memref<2x8x128xf32, #tpu.memory_space<hbm>>) target(%dma_start3A_1176 : memref<2x8x128xf32, #tpu.memory_space<vmem>>) target_semaphore(%arg7 : memref<!tpu.dma_semaphore, #tpu.memory_space<semaphore_mem>>)
    %dma_wait3A_1180 = arith.constant 0 : i32
    %dma_wait3A_1181 = arith.constant 0 : i32
    %dma_wait3A_1182 = arith.constant 0 : i32
    %dma_wait3A_1183 = tpu.memref_slice %arg5[%dma_wait3A_1180, %dma_wait3A_1181, %dma_wait3A_1182] : memref<2x136x128xf32, #tpu.memory_space<vmem>> -> memref<2x128x128xf32, #tpu.memory_space<vmem>>
    %dma_wait3A_1184 = arith.constant 26 : i32
    %dma_wait3A_1185 = arith.constant 0 : i32
    %dma_wait3A_1186 = tpu.memref_slice %arg2[%dma_wait3A_1184, %mul3A_2, %dma_wait3A_1185] : memref<50x4096x128xf32, #tpu.memory_space<hbm>> -> memref<2x128x128xf32, #tpu.memory_space<hbm>>
    %dma_wait3A_1187 = arith.constant 0 : i32
    %dma_wait3A_1188 = arith.constant 0 : i32
    %dma_wait3A_1189 = arith.constant 0 : i32
    %dma_wait3A_1190 = tpu.memref_slice %arg5[%dma_wait3A_1187, %dma_wait3A_1188, %dma_wait3A_1189] : memref<2x136x128xf32, #tpu.memory_space<vmem>> -> memref<2x128x128xf32, #tpu.memory_space<vmem>>
    %dma_wait3A_1191 = arith.constant 26 : i32
    %dma_wait3A_1192 = arith.constant 0 : i32
    %dma_wait3A_1193 = tpu.memref_slice %arg2[%dma_wait3A_1191, %mul3A_2, %dma_wait3A_1192] : memref<50x4096x128xf32, #tpu.memory_space<hbm>> -> memref<2x128x128xf32, #tpu.memory_space<hbm>>
    tpu.wait_dma2 semaphore(%arg8 : memref<!tpu.dma_semaphore, #tpu.memory_space<semaphore_mem>>) src(%dma_wait3A_1193 : memref<2x128x128xf32, #tpu.memory_space<hbm>>) dst(%dma_wait3A_1190 : memref<2x128x128xf32, #tpu.memory_space<vmem>>)
    %dma_wait3A_1194 = arith.constant 0 : i32
    %dma_wait3A_1195 = arith.constant 128 : i32
    %dma_wait3A_1196 = arith.constant 0 : i32
    %dma_wait3A_1197 = tpu.memref_slice %arg5[%dma_wait3A_1194, %dma_wait3A_1195, %dma_wait3A_1196] : memref<2x136x128xf32, #tpu.memory_space<vmem>> -> memref<2x8x128xf32, #tpu.memory_space<vmem>>
    %dma_wait3A_1198 = arith.constant 26 : i32
    %dma_wait3A_1199 = arith.constant 0 : i32
    %dma_wait3A_1200 = tpu.memref_slice %arg2[%dma_wait3A_1198, %rem3A_5, %dma_wait3A_1199] : memref<50x4096x128xf32, #tpu.memory_space<hbm>> -> memref<2x8x128xf32, #tpu.memory_space<hbm>>
    %dma_wait3A_1201 = arith.constant 0 : i32
    %dma_wait3A_1202 = arith.constant 128 : i32
    %dma_wait3A_1203 = arith.constant 0 : i32
    %dma_wait3A_1204 = tpu.memref_slice %arg5[%dma_wait3A_1201, %dma_wait3A_1202, %dma_wait3A_1203] : memref<2x136x128xf32, #tpu.memory_space<vmem>> -> memref<2x8x128xf32, #tpu.memory_space<vmem>>
    %dma_wait3A_1205 = arith.constant 26 : i32
    %dma_wait3A_1206 = arith.constant 0 : i32
    %dma_wait3A_1207 = tpu.memref_slice %arg2[%dma_wait3A_1205, %rem3A_5, %dma_wait3A_1206] : memref<50x4096x128xf32, #tpu.memory_space<hbm>> -> memref<2x8x128xf32, #tpu.memory_space<hbm>>
    tpu.wait_dma2 semaphore(%arg8 : memref<!tpu.dma_semaphore, #tpu.memory_space<semaphore_mem>>) src(%dma_wait3A_1207 : memref<2x8x128xf32, #tpu.memory_space<hbm>>) dst(%dma_wait3A_1204 : memref<2x8x128xf32, #tpu.memory_space<vmem>>)
    %dma_start3A_1208 = arith.constant 0 : i32
    %dma_start3A_1209 = arith.constant 1 : i32
    %dma_start3A_1210 = arith.constant 0 : i32
    %dma_start3A_1211 = tpu.memref_slice %arg5[%dma_start3A_1208, %dma_start3A_1209, %dma_start3A_1210] : memref<2x136x128xf32, #tpu.memory_space<vmem>> -> memref<2x128x128xf32, #tpu.memory_space<vmem>>
    %dma_start3A_1212 = arith.constant 26 : i32
    %dma_start3A_1213 = arith.constant 0 : i32
    %dma_start3A_1214 = tpu.memref_slice %arg3[%dma_start3A_1212, %mul3A_2, %dma_start3A_1213] : memref<50x4096x128xf32, #tpu.memory_space<hbm>> -> memref<2x128x128xf32, #tpu.memory_space<hbm>>
    %dma_start3A_1215 = arith.constant 26 : i32
    %dma_start3A_1216 = arith.constant 0 : i32
    %dma_start3A_1217 = tpu.memref_slice %arg3[%dma_start3A_1215, %mul3A_2, %dma_start3A_1216] : memref<50x4096x128xf32, #tpu.memory_space<hbm>> -> memref<2x128x128xf32, #tpu.memory_space<hbm>>
    %dma_start3A_1218 = arith.constant 0 : i32
    %dma_start3A_1219 = arith.constant 1 : i32
    %dma_start3A_1220 = arith.constant 0 : i32
    %dma_start3A_1221 = tpu.memref_slice %arg5[%dma_start3A_1218, %dma_start3A_1219, %dma_start3A_1220] : memref<2x136x128xf32, #tpu.memory_space<vmem>> -> memref<2x128x128xf32, #tpu.memory_space<vmem>>
    tpu.enqueue_dma source(%dma_start3A_1221 : memref<2x128x128xf32, #tpu.memory_space<vmem>>) target(%dma_start3A_1217 : memref<2x128x128xf32, #tpu.memory_space<hbm>>) target_semaphore(%arg11 : memref<!tpu.dma_semaphore, #tpu.memory_space<semaphore_mem>>)
    %dma_wait3A_1222 = arith.constant 0 : i32
    %dma_wait3A_1223 = arith.constant 1 : i32
    %dma_wait3A_1224 = arith.constant 0 : i32
    %dma_wait3A_1225 = tpu.memref_slice %arg5[%dma_wait3A_1222, %dma_wait3A_1223, %dma_wait3A_1224] : memref<2x136x128xf32, #tpu.memory_space<vmem>> -> memref<2x128x128xf32, #tpu.memory_space<vmem>>
    %dma_wait3A_1226 = arith.constant 26 : i32
    %dma_wait3A_1227 = arith.constant 0 : i32
    %dma_wait3A_1228 = tpu.memref_slice %arg3[%dma_wait3A_1226, %mul3A_2, %dma_wait3A_1227] : memref<50x4096x128xf32, #tpu.memory_space<hbm>> -> memref<2x128x128xf32, #tpu.memory_space<hbm>>
    %dma_wait3A_1229 = arith.constant 26 : i32
    %dma_wait3A_1230 = arith.constant 0 : i32
    %dma_wait3A_1231 = tpu.memref_slice %arg3[%dma_wait3A_1229, %mul3A_2, %dma_wait3A_1230] : memref<50x4096x128xf32, #tpu.memory_space<hbm>> -> memref<2x128x128xf32, #tpu.memory_space<hbm>>
    %dma_wait3A_1232 = arith.constant 0 : i32
    %dma_wait3A_1233 = arith.constant 1 : i32
    %dma_wait3A_1234 = arith.constant 0 : i32
    %dma_wait3A_1235 = tpu.memref_slice %arg5[%dma_wait3A_1232, %dma_wait3A_1233, %dma_wait3A_1234] : memref<2x136x128xf32, #tpu.memory_space<vmem>> -> memref<2x128x128xf32, #tpu.memory_space<vmem>>
    tpu.wait_dma2 semaphore(%arg11 : memref<!tpu.dma_semaphore, #tpu.memory_space<semaphore_mem>>) src(%dma_wait3A_1235 : memref<2x128x128xf32, #tpu.memory_space<vmem>>) dst(%dma_wait3A_1231 : memref<2x128x128xf32, #tpu.memory_space<hbm>>)
    %dma_start3A_1236 = arith.constant 0 : i32
    %dma_start3A_1237 = arith.constant 0 : i32
    %dma_start3A_1238 = arith.constant 0 : i32
    %dma_start3A_1239 = tpu.memref_slice %arg5[%dma_start3A_1236, %dma_start3A_1237, %dma_start3A_1238] : memref<2x136x128xf32, #tpu.memory_space<vmem>> -> memref<2x128x128xf32, #tpu.memory_space<vmem>>
    %dma_start3A_1240 = arith.constant 32 : i32
    %dma_start3A_1241 = arith.constant 0 : i32
    %dma_start3A_1242 = tpu.memref_slice %arg2[%dma_start3A_1240, %mul3A_2, %dma_start3A_1241] : memref<50x4096x128xf32, #tpu.memory_space<hbm>> -> memref<2x128x128xf32, #tpu.memory_space<hbm>>
    %dma_start3A_1243 = arith.constant 0 : i32
    %dma_start3A_1244 = arith.constant 0 : i32
    %dma_start3A_1245 = arith.constant 0 : i32
    %dma_start3A_1246 = tpu.memref_slice %arg5[%dma_start3A_1243, %dma_start3A_1244, %dma_start3A_1245] : memref<2x136x128xf32, #tpu.memory_space<vmem>> -> memref<2x128x128xf32, #tpu.memory_space<vmem>>
    %dma_start3A_1247 = arith.constant 32 : i32
    %dma_start3A_1248 = arith.constant 0 : i32
    %dma_start3A_1249 = tpu.memref_slice %arg2[%dma_start3A_1247, %mul3A_2, %dma_start3A_1248] : memref<50x4096x128xf32, #tpu.memory_space<hbm>> -> memref<2x128x128xf32, #tpu.memory_space<hbm>>
    tpu.enqueue_dma source(%dma_start3A_1249 : memref<2x128x128xf32, #tpu.memory_space<hbm>>) target(%dma_start3A_1246 : memref<2x128x128xf32, #tpu.memory_space<vmem>>) target_semaphore(%arg8 : memref<!tpu.dma_semaphore, #tpu.memory_space<semaphore_mem>>)
    %dma_start3A_1250 = arith.constant 0 : i32
    %dma_start3A_1251 = arith.constant 128 : i32
    %dma_start3A_1252 = arith.constant 0 : i32
    %dma_start3A_1253 = tpu.memref_slice %arg5[%dma_start3A_1250, %dma_start3A_1251, %dma_start3A_1252] : memref<2x136x128xf32, #tpu.memory_space<vmem>> -> memref<2x8x128xf32, #tpu.memory_space<vmem>>
    %dma_start3A_1254 = arith.constant 32 : i32
    %dma_start3A_1255 = arith.constant 0 : i32
    %dma_start3A_1256 = tpu.memref_slice %arg2[%dma_start3A_1254, %rem3A_5, %dma_start3A_1255] : memref<50x4096x128xf32, #tpu.memory_space<hbm>> -> memref<2x8x128xf32, #tpu.memory_space<hbm>>
    %dma_start3A_1257 = arith.constant 0 : i32
    %dma_start3A_1258 = arith.constant 128 : i32
    %dma_start3A_1259 = arith.constant 0 : i32
    %dma_start3A_1260 = tpu.memref_slice %arg5[%dma_start3A_1257, %dma_start3A_1258, %dma_start3A_1259] : memref<2x136x128xf32, #tpu.memory_space<vmem>> -> memref<2x8x128xf32, #tpu.memory_space<vmem>>
    %dma_start3A_1261 = arith.constant 32 : i32
    %dma_start3A_1262 = arith.constant 0 : i32
    %dma_start3A_1263 = tpu.memref_slice %arg2[%dma_start3A_1261, %rem3A_5, %dma_start3A_1262] : memref<50x4096x128xf32, #tpu.memory_space<hbm>> -> memref<2x8x128xf32, #tpu.memory_space<hbm>>
    tpu.enqueue_dma source(%dma_start3A_1263 : memref<2x8x128xf32, #tpu.memory_space<hbm>>) target(%dma_start3A_1260 : memref<2x8x128xf32, #tpu.memory_space<vmem>>) target_semaphore(%arg8 : memref<!tpu.dma_semaphore, #tpu.memory_space<semaphore_mem>>)
    %dma_wait3A_1264 = arith.constant 0 : i32
    %dma_wait3A_1265 = arith.constant 0 : i32
    %dma_wait3A_1266 = arith.constant 0 : i32
    %dma_wait3A_1267 = tpu.memref_slice %arg6[%dma_wait3A_1264, %dma_wait3A_1265, %dma_wait3A_1266] : memref<2x136x128xf32, #tpu.memory_space<vmem>> -> memref<2x128x128xf32, #tpu.memory_space<vmem>>
    %dma_wait3A_1268 = arith.constant 28 : i32
    %dma_wait3A_1269 = arith.constant 0 : i32
    %dma_wait3A_1270 = tpu.memref_slice %arg2[%dma_wait3A_1268, %mul3A_2, %dma_wait3A_1269] : memref<50x4096x128xf32, #tpu.memory_space<hbm>> -> memref<2x128x128xf32, #tpu.memory_space<hbm>>
    %dma_wait3A_1271 = arith.constant 0 : i32
    %dma_wait3A_1272 = arith.constant 0 : i32
    %dma_wait3A_1273 = arith.constant 0 : i32
    %dma_wait3A_1274 = tpu.memref_slice %arg6[%dma_wait3A_1271, %dma_wait3A_1272, %dma_wait3A_1273] : memref<2x136x128xf32, #tpu.memory_space<vmem>> -> memref<2x128x128xf32, #tpu.memory_space<vmem>>
    %dma_wait3A_1275 = arith.constant 28 : i32
    %dma_wait3A_1276 = arith.constant 0 : i32
    %dma_wait3A_1277 = tpu.memref_slice %arg2[%dma_wait3A_1275, %mul3A_2, %dma_wait3A_1276] : memref<50x4096x128xf32, #tpu.memory_space<hbm>> -> memref<2x128x128xf32, #tpu.memory_space<hbm>>
    tpu.wait_dma2 semaphore(%arg9 : memref<!tpu.dma_semaphore, #tpu.memory_space<semaphore_mem>>) src(%dma_wait3A_1277 : memref<2x128x128xf32, #tpu.memory_space<hbm>>) dst(%dma_wait3A_1274 : memref<2x128x128xf32, #tpu.memory_space<vmem>>)
    %dma_wait3A_1278 = arith.constant 0 : i32
    %dma_wait3A_1279 = arith.constant 128 : i32
    %dma_wait3A_1280 = arith.constant 0 : i32
    %dma_wait3A_1281 = tpu.memref_slice %arg6[%dma_wait3A_1278, %dma_wait3A_1279, %dma_wait3A_1280] : memref<2x136x128xf32, #tpu.memory_space<vmem>> -> memref<2x8x128xf32, #tpu.memory_space<vmem>>
    %dma_wait3A_1282 = arith.constant 28 : i32
    %dma_wait3A_1283 = arith.constant 0 : i32
    %dma_wait3A_1284 = tpu.memref_slice %arg2[%dma_wait3A_1282, %rem3A_5, %dma_wait3A_1283] : memref<50x4096x128xf32, #tpu.memory_space<hbm>> -> memref<2x8x128xf32, #tpu.memory_space<hbm>>
    %dma_wait3A_1285 = arith.constant 0 : i32
    %dma_wait3A_1286 = arith.constant 128 : i32
    %dma_wait3A_1287 = arith.constant 0 : i32
    %dma_wait3A_1288 = tpu.memref_slice %arg6[%dma_wait3A_1285, %dma_wait3A_1286, %dma_wait3A_1287] : memref<2x136x128xf32, #tpu.memory_space<vmem>> -> memref<2x8x128xf32, #tpu.memory_space<vmem>>
    %dma_wait3A_1289 = arith.constant 28 : i32
    %dma_wait3A_1290 = arith.constant 0 : i32
    %dma_wait3A_1291 = tpu.memref_slice %arg2[%dma_wait3A_1289, %rem3A_5, %dma_wait3A_1290] : memref<50x4096x128xf32, #tpu.memory_space<hbm>> -> memref<2x8x128xf32, #tpu.memory_space<hbm>>
    tpu.wait_dma2 semaphore(%arg9 : memref<!tpu.dma_semaphore, #tpu.memory_space<semaphore_mem>>) src(%dma_wait3A_1291 : memref<2x8x128xf32, #tpu.memory_space<hbm>>) dst(%dma_wait3A_1288 : memref<2x8x128xf32, #tpu.memory_space<vmem>>)
    %dma_start3A_1292 = arith.constant 0 : i32
    %dma_start3A_1293 = arith.constant 1 : i32
    %dma_start3A_1294 = arith.constant 0 : i32
    %dma_start3A_1295 = tpu.memref_slice %arg6[%dma_start3A_1292, %dma_start3A_1293, %dma_start3A_1294] : memref<2x136x128xf32, #tpu.memory_space<vmem>> -> memref<2x128x128xf32, #tpu.memory_space<vmem>>
    %dma_start3A_1296 = arith.constant 28 : i32
    %dma_start3A_1297 = arith.constant 0 : i32
    %dma_start3A_1298 = tpu.memref_slice %arg3[%dma_start3A_1296, %mul3A_2, %dma_start3A_1297] : memref<50x4096x128xf32, #tpu.memory_space<hbm>> -> memref<2x128x128xf32, #tpu.memory_space<hbm>>
    %dma_start3A_1299 = arith.constant 28 : i32
    %dma_start3A_1300 = arith.constant 0 : i32
    %dma_start3A_1301 = tpu.memref_slice %arg3[%dma_start3A_1299, %mul3A_2, %dma_start3A_1300] : memref<50x4096x128xf32, #tpu.memory_space<hbm>> -> memref<2x128x128xf32, #tpu.memory_space<hbm>>
    %dma_start3A_1302 = arith.constant 0 : i32
    %dma_start3A_1303 = arith.constant 1 : i32
    %dma_start3A_1304 = arith.constant 0 : i32
    %dma_start3A_1305 = tpu.memref_slice %arg6[%dma_start3A_1302, %dma_start3A_1303, %dma_start3A_1304] : memref<2x136x128xf32, #tpu.memory_space<vmem>> -> memref<2x128x128xf32, #tpu.memory_space<vmem>>
    tpu.enqueue_dma source(%dma_start3A_1305 : memref<2x128x128xf32, #tpu.memory_space<vmem>>) target(%dma_start3A_1301 : memref<2x128x128xf32, #tpu.memory_space<hbm>>) target_semaphore(%arg12 : memref<!tpu.dma_semaphore, #tpu.memory_space<semaphore_mem>>)
    %dma_wait3A_1306 = arith.constant 0 : i32
    %dma_wait3A_1307 = arith.constant 1 : i32
    %dma_wait3A_1308 = arith.constant 0 : i32
    %dma_wait3A_1309 = tpu.memref_slice %arg6[%dma_wait3A_1306, %dma_wait3A_1307, %dma_wait3A_1308] : memref<2x136x128xf32, #tpu.memory_space<vmem>> -> memref<2x128x128xf32, #tpu.memory_space<vmem>>
    %dma_wait3A_1310 = arith.constant 28 : i32
    %dma_wait3A_1311 = arith.constant 0 : i32
    %dma_wait3A_1312 = tpu.memref_slice %arg3[%dma_wait3A_1310, %mul3A_2, %dma_wait3A_1311] : memref<50x4096x128xf32, #tpu.memory_space<hbm>> -> memref<2x128x128xf32, #tpu.memory_space<hbm>>
    %dma_wait3A_1313 = arith.constant 28 : i32
    %dma_wait3A_1314 = arith.constant 0 : i32
    %dma_wait3A_1315 = tpu.memref_slice %arg3[%dma_wait3A_1313, %mul3A_2, %dma_wait3A_1314] : memref<50x4096x128xf32, #tpu.memory_space<hbm>> -> memref<2x128x128xf32, #tpu.memory_space<hbm>>
    %dma_wait3A_1316 = arith.constant 0 : i32
    %dma_wait3A_1317 = arith.constant 1 : i32
    %dma_wait3A_1318 = arith.constant 0 : i32
    %dma_wait3A_1319 = tpu.memref_slice %arg6[%dma_wait3A_1316, %dma_wait3A_1317, %dma_wait3A_1318] : memref<2x136x128xf32, #tpu.memory_space<vmem>> -> memref<2x128x128xf32, #tpu.memory_space<vmem>>
    tpu.wait_dma2 semaphore(%arg12 : memref<!tpu.dma_semaphore, #tpu.memory_space<semaphore_mem>>) src(%dma_wait3A_1319 : memref<2x128x128xf32, #tpu.memory_space<vmem>>) dst(%dma_wait3A_1315 : memref<2x128x128xf32, #tpu.memory_space<hbm>>)
    %dma_start3A_1320 = arith.constant 0 : i32
    %dma_start3A_1321 = arith.constant 0 : i32
    %dma_start3A_1322 = arith.constant 0 : i32
    %dma_start3A_1323 = tpu.memref_slice %arg6[%dma_start3A_1320, %dma_start3A_1321, %dma_start3A_1322] : memref<2x136x128xf32, #tpu.memory_space<vmem>> -> memref<2x128x128xf32, #tpu.memory_space<vmem>>
    %dma_start3A_1324 = arith.constant 34 : i32
    %dma_start3A_1325 = arith.constant 0 : i32
    %dma_start3A_1326 = tpu.memref_slice %arg2[%dma_start3A_1324, %mul3A_2, %dma_start3A_1325] : memref<50x4096x128xf32, #tpu.memory_space<hbm>> -> memref<2x128x128xf32, #tpu.memory_space<hbm>>
    %dma_start3A_1327 = arith.constant 0 : i32
    %dma_start3A_1328 = arith.constant 0 : i32
    %dma_start3A_1329 = arith.constant 0 : i32
    %dma_start3A_1330 = tpu.memref_slice %arg6[%dma_start3A_1327, %dma_start3A_1328, %dma_start3A_1329] : memref<2x136x128xf32, #tpu.memory_space<vmem>> -> memref<2x128x128xf32, #tpu.memory_space<vmem>>
    %dma_start3A_1331 = arith.constant 34 : i32
    %dma_start3A_1332 = arith.constant 0 : i32
    %dma_start3A_1333 = tpu.memref_slice %arg2[%dma_start3A_1331, %mul3A_2, %dma_start3A_1332] : memref<50x4096x128xf32, #tpu.memory_space<hbm>> -> memref<2x128x128xf32, #tpu.memory_space<hbm>>
    tpu.enqueue_dma source(%dma_start3A_1333 : memref<2x128x128xf32, #tpu.memory_space<hbm>>) target(%dma_start3A_1330 : memref<2x128x128xf32, #tpu.memory_space<vmem>>) target_semaphore(%arg9 : memref<!tpu.dma_semaphore, #tpu.memory_space<semaphore_mem>>)
    %dma_start3A_1334 = arith.constant 0 : i32
    %dma_start3A_1335 = arith.constant 128 : i32
    %dma_start3A_1336 = arith.constant 0 : i32
    %dma_start3A_1337 = tpu.memref_slice %arg6[%dma_start3A_1334, %dma_start3A_1335, %dma_start3A_1336] : memref<2x136x128xf32, #tpu.memory_space<vmem>> -> memref<2x8x128xf32, #tpu.memory_space<vmem>>
    %dma_start3A_1338 = arith.constant 34 : i32
    %dma_start3A_1339 = arith.constant 0 : i32
    %dma_start3A_1340 = tpu.memref_slice %arg2[%dma_start3A_1338, %rem3A_5, %dma_start3A_1339] : memref<50x4096x128xf32, #tpu.memory_space<hbm>> -> memref<2x8x128xf32, #tpu.memory_space<hbm>>
    %dma_start3A_1341 = arith.constant 0 : i32
    %dma_start3A_1342 = arith.constant 128 : i32
    %dma_start3A_1343 = arith.constant 0 : i32
    %dma_start3A_1344 = tpu.memref_slice %arg6[%dma_start3A_1341, %dma_start3A_1342, %dma_start3A_1343] : memref<2x136x128xf32, #tpu.memory_space<vmem>> -> memref<2x8x128xf32, #tpu.memory_space<vmem>>
    %dma_start3A_1345 = arith.constant 34 : i32
    %dma_start3A_1346 = arith.constant 0 : i32
    %dma_start3A_1347 = tpu.memref_slice %arg2[%dma_start3A_1345, %rem3A_5, %dma_start3A_1346] : memref<50x4096x128xf32, #tpu.memory_space<hbm>> -> memref<2x8x128xf32, #tpu.memory_space<hbm>>
    tpu.enqueue_dma source(%dma_start3A_1347 : memref<2x8x128xf32, #tpu.memory_space<hbm>>) target(%dma_start3A_1344 : memref<2x8x128xf32, #tpu.memory_space<vmem>>) target_semaphore(%arg9 : memref<!tpu.dma_semaphore, #tpu.memory_space<semaphore_mem>>)
    %dma_wait3A_1348 = arith.constant 0 : i32
    %dma_wait3A_1349 = arith.constant 0 : i32
    %dma_wait3A_1350 = arith.constant 0 : i32
    %dma_wait3A_1351 = tpu.memref_slice %arg4[%dma_wait3A_1348, %dma_wait3A_1349, %dma_wait3A_1350] : memref<2x136x128xf32, #tpu.memory_space<vmem>> -> memref<2x128x128xf32, #tpu.memory_space<vmem>>
    %dma_wait3A_1352 = arith.constant 30 : i32
    %dma_wait3A_1353 = arith.constant 0 : i32
    %dma_wait3A_1354 = tpu.memref_slice %arg2[%dma_wait3A_1352, %mul3A_2, %dma_wait3A_1353] : memref<50x4096x128xf32, #tpu.memory_space<hbm>> -> memref<2x128x128xf32, #tpu.memory_space<hbm>>
    %dma_wait3A_1355 = arith.constant 0 : i32
    %dma_wait3A_1356 = arith.constant 0 : i32
    %dma_wait3A_1357 = arith.constant 0 : i32
    %dma_wait3A_1358 = tpu.memref_slice %arg4[%dma_wait3A_1355, %dma_wait3A_1356, %dma_wait3A_1357] : memref<2x136x128xf32, #tpu.memory_space<vmem>> -> memref<2x128x128xf32, #tpu.memory_space<vmem>>
    %dma_wait3A_1359 = arith.constant 30 : i32
    %dma_wait3A_1360 = arith.constant 0 : i32
    %dma_wait3A_1361 = tpu.memref_slice %arg2[%dma_wait3A_1359, %mul3A_2, %dma_wait3A_1360] : memref<50x4096x128xf32, #tpu.memory_space<hbm>> -> memref<2x128x128xf32, #tpu.memory_space<hbm>>
    tpu.wait_dma2 semaphore(%arg7 : memref<!tpu.dma_semaphore, #tpu.memory_space<semaphore_mem>>) src(%dma_wait3A_1361 : memref<2x128x128xf32, #tpu.memory_space<hbm>>) dst(%dma_wait3A_1358 : memref<2x128x128xf32, #tpu.memory_space<vmem>>)
    %dma_wait3A_1362 = arith.constant 0 : i32
    %dma_wait3A_1363 = arith.constant 128 : i32
    %dma_wait3A_1364 = arith.constant 0 : i32
    %dma_wait3A_1365 = tpu.memref_slice %arg4[%dma_wait3A_1362, %dma_wait3A_1363, %dma_wait3A_1364] : memref<2x136x128xf32, #tpu.memory_space<vmem>> -> memref<2x8x128xf32, #tpu.memory_space<vmem>>
    %dma_wait3A_1366 = arith.constant 30 : i32
    %dma_wait3A_1367 = arith.constant 0 : i32
    %dma_wait3A_1368 = tpu.memref_slice %arg2[%dma_wait3A_1366, %rem3A_5, %dma_wait3A_1367] : memref<50x4096x128xf32, #tpu.memory_space<hbm>> -> memref<2x8x128xf32, #tpu.memory_space<hbm>>
    %dma_wait3A_1369 = arith.constant 0 : i32
    %dma_wait3A_1370 = arith.constant 128 : i32
    %dma_wait3A_1371 = arith.constant 0 : i32
    %dma_wait3A_1372 = tpu.memref_slice %arg4[%dma_wait3A_1369, %dma_wait3A_1370, %dma_wait3A_1371] : memref<2x136x128xf32, #tpu.memory_space<vmem>> -> memref<2x8x128xf32, #tpu.memory_space<vmem>>
    %dma_wait3A_1373 = arith.constant 30 : i32
    %dma_wait3A_1374 = arith.constant 0 : i32
    %dma_wait3A_1375 = tpu.memref_slice %arg2[%dma_wait3A_1373, %rem3A_5, %dma_wait3A_1374] : memref<50x4096x128xf32, #tpu.memory_space<hbm>> -> memref<2x8x128xf32, #tpu.memory_space<hbm>>
    tpu.wait_dma2 semaphore(%arg7 : memref<!tpu.dma_semaphore, #tpu.memory_space<semaphore_mem>>) src(%dma_wait3A_1375 : memref<2x8x128xf32, #tpu.memory_space<hbm>>) dst(%dma_wait3A_1372 : memref<2x8x128xf32, #tpu.memory_space<vmem>>)
    %dma_start3A_1376 = arith.constant 0 : i32
    %dma_start3A_1377 = arith.constant 1 : i32
    %dma_start3A_1378 = arith.constant 0 : i32
    %dma_start3A_1379 = tpu.memref_slice %arg4[%dma_start3A_1376, %dma_start3A_1377, %dma_start3A_1378] : memref<2x136x128xf32, #tpu.memory_space<vmem>> -> memref<2x128x128xf32, #tpu.memory_space<vmem>>
    %dma_start3A_1380 = arith.constant 30 : i32
    %dma_start3A_1381 = arith.constant 0 : i32
    %dma_start3A_1382 = tpu.memref_slice %arg3[%dma_start3A_1380, %mul3A_2, %dma_start3A_1381] : memref<50x4096x128xf32, #tpu.memory_space<hbm>> -> memref<2x128x128xf32, #tpu.memory_space<hbm>>
    %dma_start3A_1383 = arith.constant 30 : i32
    %dma_start3A_1384 = arith.constant 0 : i32
    %dma_start3A_1385 = tpu.memref_slice %arg3[%dma_start3A_1383, %mul3A_2, %dma_start3A_1384] : memref<50x4096x128xf32, #tpu.memory_space<hbm>> -> memref<2x128x128xf32, #tpu.memory_space<hbm>>
    %dma_start3A_1386 = arith.constant 0 : i32
    %dma_start3A_1387 = arith.constant 1 : i32
    %dma_start3A_1388 = arith.constant 0 : i32
    %dma_start3A_1389 = tpu.memref_slice %arg4[%dma_start3A_1386, %dma_start3A_1387, %dma_start3A_1388] : memref<2x136x128xf32, #tpu.memory_space<vmem>> -> memref<2x128x128xf32, #tpu.memory_space<vmem>>
    tpu.enqueue_dma source(%dma_start3A_1389 : memref<2x128x128xf32, #tpu.memory_space<vmem>>) target(%dma_start3A_1385 : memref<2x128x128xf32, #tpu.memory_space<hbm>>) target_semaphore(%arg10 : memref<!tpu.dma_semaphore, #tpu.memory_space<semaphore_mem>>)
    %dma_wait3A_1390 = arith.constant 0 : i32
    %dma_wait3A_1391 = arith.constant 1 : i32
    %dma_wait3A_1392 = arith.constant 0 : i32
    %dma_wait3A_1393 = tpu.memref_slice %arg4[%dma_wait3A_1390, %dma_wait3A_1391, %dma_wait3A_1392] : memref<2x136x128xf32, #tpu.memory_space<vmem>> -> memref<2x128x128xf32, #tpu.memory_space<vmem>>
    %dma_wait3A_1394 = arith.constant 30 : i32
    %dma_wait3A_1395 = arith.constant 0 : i32
    %dma_wait3A_1396 = tpu.memref_slice %arg3[%dma_wait3A_1394, %mul3A_2, %dma_wait3A_1395] : memref<50x4096x128xf32, #tpu.memory_space<hbm>> -> memref<2x128x128xf32, #tpu.memory_space<hbm>>
    %dma_wait3A_1397 = arith.constant 30 : i32
    %dma_wait3A_1398 = arith.constant 0 : i32
    %dma_wait3A_1399 = tpu.memref_slice %arg3[%dma_wait3A_1397, %mul3A_2, %dma_wait3A_1398] : memref<50x4096x128xf32, #tpu.memory_space<hbm>> -> memref<2x128x128xf32, #tpu.memory_space<hbm>>
    %dma_wait3A_1400 = arith.constant 0 : i32
    %dma_wait3A_1401 = arith.constant 1 : i32
    %dma_wait3A_1402 = arith.constant 0 : i32
    %dma_wait3A_1403 = tpu.memref_slice %arg4[%dma_wait3A_1400, %dma_wait3A_1401, %dma_wait3A_1402] : memref<2x136x128xf32, #tpu.memory_space<vmem>> -> memref<2x128x128xf32, #tpu.memory_space<vmem>>
    tpu.wait_dma2 semaphore(%arg10 : memref<!tpu.dma_semaphore, #tpu.memory_space<semaphore_mem>>) src(%dma_wait3A_1403 : memref<2x128x128xf32, #tpu.memory_space<vmem>>) dst(%dma_wait3A_1399 : memref<2x128x128xf32, #tpu.memory_space<hbm>>)
    %dma_start3A_1404 = arith.constant 0 : i32
    %dma_start3A_1405 = arith.constant 0 : i32
    %dma_start3A_1406 = arith.constant 0 : i32
    %dma_start3A_1407 = tpu.memref_slice %arg4[%dma_start3A_1404, %dma_start3A_1405, %dma_start3A_1406] : memref<2x136x128xf32, #tpu.memory_space<vmem>> -> memref<2x128x128xf32, #tpu.memory_space<vmem>>
    %dma_start3A_1408 = arith.constant 36 : i32
    %dma_start3A_1409 = arith.constant 0 : i32
    %dma_start3A_1410 = tpu.memref_slice %arg2[%dma_start3A_1408, %mul3A_2, %dma_start3A_1409] : memref<50x4096x128xf32, #tpu.memory_space<hbm>> -> memref<2x128x128xf32, #tpu.memory_space<hbm>>
    %dma_start3A_1411 = arith.constant 0 : i32
    %dma_start3A_1412 = arith.constant 0 : i32
    %dma_start3A_1413 = arith.constant 0 : i32
    %dma_start3A_1414 = tpu.memref_slice %arg4[%dma_start3A_1411, %dma_start3A_1412, %dma_start3A_1413] : memref<2x136x128xf32, #tpu.memory_space<vmem>> -> memref<2x128x128xf32, #tpu.memory_space<vmem>>
    %dma_start3A_1415 = arith.constant 36 : i32
    %dma_start3A_1416 = arith.constant 0 : i32
    %dma_start3A_1417 = tpu.memref_slice %arg2[%dma_start3A_1415, %mul3A_2, %dma_start3A_1416] : memref<50x4096x128xf32, #tpu.memory_space<hbm>> -> memref<2x128x128xf32, #tpu.memory_space<hbm>>
    tpu.enqueue_dma source(%dma_start3A_1417 : memref<2x128x128xf32, #tpu.memory_space<hbm>>) target(%dma_start3A_1414 : memref<2x128x128xf32, #tpu.memory_space<vmem>>) target_semaphore(%arg7 : memref<!tpu.dma_semaphore, #tpu.memory_space<semaphore_mem>>)
    %dma_start3A_1418 = arith.constant 0 : i32
    %dma_start3A_1419 = arith.constant 128 : i32
    %dma_start3A_1420 = arith.constant 0 : i32
    %dma_start3A_1421 = tpu.memref_slice %arg4[%dma_start3A_1418, %dma_start3A_1419, %dma_start3A_1420] : memref<2x136x128xf32, #tpu.memory_space<vmem>> -> memref<2x8x128xf32, #tpu.memory_space<vmem>>
    %dma_start3A_1422 = arith.constant 36 : i32
    %dma_start3A_1423 = arith.constant 0 : i32
    %dma_start3A_1424 = tpu.memref_slice %arg2[%dma_start3A_1422, %rem3A_5, %dma_start3A_1423] : memref<50x4096x128xf32, #tpu.memory_space<hbm>> -> memref<2x8x128xf32, #tpu.memory_space<hbm>>
    %dma_start3A_1425 = arith.constant 0 : i32
    %dma_start3A_1426 = arith.constant 128 : i32
    %dma_start3A_1427 = arith.constant 0 : i32
    %dma_start3A_1428 = tpu.memref_slice %arg4[%dma_start3A_1425, %dma_start3A_1426, %dma_start3A_1427] : memref<2x136x128xf32, #tpu.memory_space<vmem>> -> memref<2x8x128xf32, #tpu.memory_space<vmem>>
    %dma_start3A_1429 = arith.constant 36 : i32
    %dma_start3A_1430 = arith.constant 0 : i32
    %dma_start3A_1431 = tpu.memref_slice %arg2[%dma_start3A_1429, %rem3A_5, %dma_start3A_1430] : memref<50x4096x128xf32, #tpu.memory_space<hbm>> -> memref<2x8x128xf32, #tpu.memory_space<hbm>>
    tpu.enqueue_dma source(%dma_start3A_1431 : memref<2x8x128xf32, #tpu.memory_space<hbm>>) target(%dma_start3A_1428 : memref<2x8x128xf32, #tpu.memory_space<vmem>>) target_semaphore(%arg7 : memref<!tpu.dma_semaphore, #tpu.memory_space<semaphore_mem>>)
    %dma_wait3A_1432 = arith.constant 0 : i32
    %dma_wait3A_1433 = arith.constant 0 : i32
    %dma_wait3A_1434 = arith.constant 0 : i32
    %dma_wait3A_1435 = tpu.memref_slice %arg5[%dma_wait3A_1432, %dma_wait3A_1433, %dma_wait3A_1434] : memref<2x136x128xf32, #tpu.memory_space<vmem>> -> memref<2x128x128xf32, #tpu.memory_space<vmem>>
    %dma_wait3A_1436 = arith.constant 32 : i32
    %dma_wait3A_1437 = arith.constant 0 : i32
    %dma_wait3A_1438 = tpu.memref_slice %arg2[%dma_wait3A_1436, %mul3A_2, %dma_wait3A_1437] : memref<50x4096x128xf32, #tpu.memory_space<hbm>> -> memref<2x128x128xf32, #tpu.memory_space<hbm>>
    %dma_wait3A_1439 = arith.constant 0 : i32
    %dma_wait3A_1440 = arith.constant 0 : i32
    %dma_wait3A_1441 = arith.constant 0 : i32
    %dma_wait3A_1442 = tpu.memref_slice %arg5[%dma_wait3A_1439, %dma_wait3A_1440, %dma_wait3A_1441] : memref<2x136x128xf32, #tpu.memory_space<vmem>> -> memref<2x128x128xf32, #tpu.memory_space<vmem>>
    %dma_wait3A_1443 = arith.constant 32 : i32
    %dma_wait3A_1444 = arith.constant 0 : i32
    %dma_wait3A_1445 = tpu.memref_slice %arg2[%dma_wait3A_1443, %mul3A_2, %dma_wait3A_1444] : memref<50x4096x128xf32, #tpu.memory_space<hbm>> -> memref<2x128x128xf32, #tpu.memory_space<hbm>>
    tpu.wait_dma2 semaphore(%arg8 : memref<!tpu.dma_semaphore, #tpu.memory_space<semaphore_mem>>) src(%dma_wait3A_1445 : memref<2x128x128xf32, #tpu.memory_space<hbm>>) dst(%dma_wait3A_1442 : memref<2x128x128xf32, #tpu.memory_space<vmem>>)
    %dma_wait3A_1446 = arith.constant 0 : i32
    %dma_wait3A_1447 = arith.constant 128 : i32
    %dma_wait3A_1448 = arith.constant 0 : i32
    %dma_wait3A_1449 = tpu.memref_slice %arg5[%dma_wait3A_1446, %dma_wait3A_1447, %dma_wait3A_1448] : memref<2x136x128xf32, #tpu.memory_space<vmem>> -> memref<2x8x128xf32, #tpu.memory_space<vmem>>
    %dma_wait3A_1450 = arith.constant 32 : i32
    %dma_wait3A_1451 = arith.constant 0 : i32
    %dma_wait3A_1452 = tpu.memref_slice %arg2[%dma_wait3A_1450, %rem3A_5, %dma_wait3A_1451] : memref<50x4096x128xf32, #tpu.memory_space<hbm>> -> memref<2x8x128xf32, #tpu.memory_space<hbm>>
    %dma_wait3A_1453 = arith.constant 0 : i32
    %dma_wait3A_1454 = arith.constant 128 : i32
    %dma_wait3A_1455 = arith.constant 0 : i32
    %dma_wait3A_1456 = tpu.memref_slice %arg5[%dma_wait3A_1453, %dma_wait3A_1454, %dma_wait3A_1455] : memref<2x136x128xf32, #tpu.memory_space<vmem>> -> memref<2x8x128xf32, #tpu.memory_space<vmem>>
    %dma_wait3A_1457 = arith.constant 32 : i32
    %dma_wait3A_1458 = arith.constant 0 : i32
    %dma_wait3A_1459 = tpu.memref_slice %arg2[%dma_wait3A_1457, %rem3A_5, %dma_wait3A_1458] : memref<50x4096x128xf32, #tpu.memory_space<hbm>> -> memref<2x8x128xf32, #tpu.memory_space<hbm>>
    tpu.wait_dma2 semaphore(%arg8 : memref<!tpu.dma_semaphore, #tpu.memory_space<semaphore_mem>>) src(%dma_wait3A_1459 : memref<2x8x128xf32, #tpu.memory_space<hbm>>) dst(%dma_wait3A_1456 : memref<2x8x128xf32, #tpu.memory_space<vmem>>)
    %dma_start3A_1460 = arith.constant 0 : i32
    %dma_start3A_1461 = arith.constant 1 : i32
    %dma_start3A_1462 = arith.constant 0 : i32
    %dma_start3A_1463 = tpu.memref_slice %arg5[%dma_start3A_1460, %dma_start3A_1461, %dma_start3A_1462] : memref<2x136x128xf32, #tpu.memory_space<vmem>> -> memref<2x128x128xf32, #tpu.memory_space<vmem>>
    %dma_start3A_1464 = arith.constant 32 : i32
    %dma_start3A_1465 = arith.constant 0 : i32
    %dma_start3A_1466 = tpu.memref_slice %arg3[%dma_start3A_1464, %mul3A_2, %dma_start3A_1465] : memref<50x4096x128xf32, #tpu.memory_space<hbm>> -> memref<2x128x128xf32, #tpu.memory_space<hbm>>
    %dma_start3A_1467 = arith.constant 32 : i32
    %dma_start3A_1468 = arith.constant 0 : i32
    %dma_start3A_1469 = tpu.memref_slice %arg3[%dma_start3A_1467, %mul3A_2, %dma_start3A_1468] : memref<50x4096x128xf32, #tpu.memory_space<hbm>> -> memref<2x128x128xf32, #tpu.memory_space<hbm>>
    %dma_start3A_1470 = arith.constant 0 : i32
    %dma_start3A_1471 = arith.constant 1 : i32
    %dma_start3A_1472 = arith.constant 0 : i32
    %dma_start3A_1473 = tpu.memref_slice %arg5[%dma_start3A_1470, %dma_start3A_1471, %dma_start3A_1472] : memref<2x136x128xf32, #tpu.memory_space<vmem>> -> memref<2x128x128xf32, #tpu.memory_space<vmem>>
    tpu.enqueue_dma source(%dma_start3A_1473 : memref<2x128x128xf32, #tpu.memory_space<vmem>>) target(%dma_start3A_1469 : memref<2x128x128xf32, #tpu.memory_space<hbm>>) target_semaphore(%arg11 : memref<!tpu.dma_semaphore, #tpu.memory_space<semaphore_mem>>)
    %dma_wait3A_1474 = arith.constant 0 : i32
    %dma_wait3A_1475 = arith.constant 1 : i32
    %dma_wait3A_1476 = arith.constant 0 : i32
    %dma_wait3A_1477 = tpu.memref_slice %arg5[%dma_wait3A_1474, %dma_wait3A_1475, %dma_wait3A_1476] : memref<2x136x128xf32, #tpu.memory_space<vmem>> -> memref<2x128x128xf32, #tpu.memory_space<vmem>>
    %dma_wait3A_1478 = arith.constant 32 : i32
    %dma_wait3A_1479 = arith.constant 0 : i32
    %dma_wait3A_1480 = tpu.memref_slice %arg3[%dma_wait3A_1478, %mul3A_2, %dma_wait3A_1479] : memref<50x4096x128xf32, #tpu.memory_space<hbm>> -> memref<2x128x128xf32, #tpu.memory_space<hbm>>
    %dma_wait3A_1481 = arith.constant 32 : i32
    %dma_wait3A_1482 = arith.constant 0 : i32
    %dma_wait3A_1483 = tpu.memref_slice %arg3[%dma_wait3A_1481, %mul3A_2, %dma_wait3A_1482] : memref<50x4096x128xf32, #tpu.memory_space<hbm>> -> memref<2x128x128xf32, #tpu.memory_space<hbm>>
    %dma_wait3A_1484 = arith.constant 0 : i32
    %dma_wait3A_1485 = arith.constant 1 : i32
    %dma_wait3A_1486 = arith.constant 0 : i32
    %dma_wait3A_1487 = tpu.memref_slice %arg5[%dma_wait3A_1484, %dma_wait3A_1485, %dma_wait3A_1486] : memref<2x136x128xf32, #tpu.memory_space<vmem>> -> memref<2x128x128xf32, #tpu.memory_space<vmem>>
    tpu.wait_dma2 semaphore(%arg11 : memref<!tpu.dma_semaphore, #tpu.memory_space<semaphore_mem>>) src(%dma_wait3A_1487 : memref<2x128x128xf32, #tpu.memory_space<vmem>>) dst(%dma_wait3A_1483 : memref<2x128x128xf32, #tpu.memory_space<hbm>>)
    %dma_start3A_1488 = arith.constant 0 : i32
    %dma_start3A_1489 = arith.constant 0 : i32
    %dma_start3A_1490 = arith.constant 0 : i32
    %dma_start3A_1491 = tpu.memref_slice %arg5[%dma_start3A_1488, %dma_start3A_1489, %dma_start3A_1490] : memref<2x136x128xf32, #tpu.memory_space<vmem>> -> memref<2x128x128xf32, #tpu.memory_space<vmem>>
    %dma_start3A_1492 = arith.constant 38 : i32
    %dma_start3A_1493 = arith.constant 0 : i32
    %dma_start3A_1494 = tpu.memref_slice %arg2[%dma_start3A_1492, %mul3A_2, %dma_start3A_1493] : memref<50x4096x128xf32, #tpu.memory_space<hbm>> -> memref<2x128x128xf32, #tpu.memory_space<hbm>>
    %dma_start3A_1495 = arith.constant 0 : i32
    %dma_start3A_1496 = arith.constant 0 : i32
    %dma_start3A_1497 = arith.constant 0 : i32
    %dma_start3A_1498 = tpu.memref_slice %arg5[%dma_start3A_1495, %dma_start3A_1496, %dma_start3A_1497] : memref<2x136x128xf32, #tpu.memory_space<vmem>> -> memref<2x128x128xf32, #tpu.memory_space<vmem>>
    %dma_start3A_1499 = arith.constant 38 : i32
    %dma_start3A_1500 = arith.constant 0 : i32
    %dma_start3A_1501 = tpu.memref_slice %arg2[%dma_start3A_1499, %mul3A_2, %dma_start3A_1500] : memref<50x4096x128xf32, #tpu.memory_space<hbm>> -> memref<2x128x128xf32, #tpu.memory_space<hbm>>
    tpu.enqueue_dma source(%dma_start3A_1501 : memref<2x128x128xf32, #tpu.memory_space<hbm>>) target(%dma_start3A_1498 : memref<2x128x128xf32, #tpu.memory_space<vmem>>) target_semaphore(%arg8 : memref<!tpu.dma_semaphore, #tpu.memory_space<semaphore_mem>>)
    %dma_start3A_1502 = arith.constant 0 : i32
    %dma_start3A_1503 = arith.constant 128 : i32
    %dma_start3A_1504 = arith.constant 0 : i32
    %dma_start3A_1505 = tpu.memref_slice %arg5[%dma_start3A_1502, %dma_start3A_1503, %dma_start3A_1504] : memref<2x136x128xf32, #tpu.memory_space<vmem>> -> memref<2x8x128xf32, #tpu.memory_space<vmem>>
    %dma_start3A_1506 = arith.constant 38 : i32
    %dma_start3A_1507 = arith.constant 0 : i32
    %dma_start3A_1508 = tpu.memref_slice %arg2[%dma_start3A_1506, %rem3A_5, %dma_start3A_1507] : memref<50x4096x128xf32, #tpu.memory_space<hbm>> -> memref<2x8x128xf32, #tpu.memory_space<hbm>>
    %dma_start3A_1509 = arith.constant 0 : i32
    %dma_start3A_1510 = arith.constant 128 : i32
    %dma_start3A_1511 = arith.constant 0 : i32
    %dma_start3A_1512 = tpu.memref_slice %arg5[%dma_start3A_1509, %dma_start3A_1510, %dma_start3A_1511] : memref<2x136x128xf32, #tpu.memory_space<vmem>> -> memref<2x8x128xf32, #tpu.memory_space<vmem>>
    %dma_start3A_1513 = arith.constant 38 : i32
    %dma_start3A_1514 = arith.constant 0 : i32
    %dma_start3A_1515 = tpu.memref_slice %arg2[%dma_start3A_1513, %rem3A_5, %dma_start3A_1514] : memref<50x4096x128xf32, #tpu.memory_space<hbm>> -> memref<2x8x128xf32, #tpu.memory_space<hbm>>
    tpu.enqueue_dma source(%dma_start3A_1515 : memref<2x8x128xf32, #tpu.memory_space<hbm>>) target(%dma_start3A_1512 : memref<2x8x128xf32, #tpu.memory_space<vmem>>) target_semaphore(%arg8 : memref<!tpu.dma_semaphore, #tpu.memory_space<semaphore_mem>>)
    %dma_wait3A_1516 = arith.constant 0 : i32
    %dma_wait3A_1517 = arith.constant 0 : i32
    %dma_wait3A_1518 = arith.constant 0 : i32
    %dma_wait3A_1519 = tpu.memref_slice %arg6[%dma_wait3A_1516, %dma_wait3A_1517, %dma_wait3A_1518] : memref<2x136x128xf32, #tpu.memory_space<vmem>> -> memref<2x128x128xf32, #tpu.memory_space<vmem>>
    %dma_wait3A_1520 = arith.constant 34 : i32
    %dma_wait3A_1521 = arith.constant 0 : i32
    %dma_wait3A_1522 = tpu.memref_slice %arg2[%dma_wait3A_1520, %mul3A_2, %dma_wait3A_1521] : memref<50x4096x128xf32, #tpu.memory_space<hbm>> -> memref<2x128x128xf32, #tpu.memory_space<hbm>>
    %dma_wait3A_1523 = arith.constant 0 : i32
    %dma_wait3A_1524 = arith.constant 0 : i32
    %dma_wait3A_1525 = arith.constant 0 : i32
    %dma_wait3A_1526 = tpu.memref_slice %arg6[%dma_wait3A_1523, %dma_wait3A_1524, %dma_wait3A_1525] : memref<2x136x128xf32, #tpu.memory_space<vmem>> -> memref<2x128x128xf32, #tpu.memory_space<vmem>>
    %dma_wait3A_1527 = arith.constant 34 : i32
    %dma_wait3A_1528 = arith.constant 0 : i32
    %dma_wait3A_1529 = tpu.memref_slice %arg2[%dma_wait3A_1527, %mul3A_2, %dma_wait3A_1528] : memref<50x4096x128xf32, #tpu.memory_space<hbm>> -> memref<2x128x128xf32, #tpu.memory_space<hbm>>
    tpu.wait_dma2 semaphore(%arg9 : memref<!tpu.dma_semaphore, #tpu.memory_space<semaphore_mem>>) src(%dma_wait3A_1529 : memref<2x128x128xf32, #tpu.memory_space<hbm>>) dst(%dma_wait3A_1526 : memref<2x128x128xf32, #tpu.memory_space<vmem>>)
    %dma_wait3A_1530 = arith.constant 0 : i32
    %dma_wait3A_1531 = arith.constant 128 : i32
    %dma_wait3A_1532 = arith.constant 0 : i32
    %dma_wait3A_1533 = tpu.memref_slice %arg6[%dma_wait3A_1530, %dma_wait3A_1531, %dma_wait3A_1532] : memref<2x136x128xf32, #tpu.memory_space<vmem>> -> memref<2x8x128xf32, #tpu.memory_space<vmem>>
    %dma_wait3A_1534 = arith.constant 34 : i32
    %dma_wait3A_1535 = arith.constant 0 : i32
    %dma_wait3A_1536 = tpu.memref_slice %arg2[%dma_wait3A_1534, %rem3A_5, %dma_wait3A_1535] : memref<50x4096x128xf32, #tpu.memory_space<hbm>> -> memref<2x8x128xf32, #tpu.memory_space<hbm>>
    %dma_wait3A_1537 = arith.constant 0 : i32
    %dma_wait3A_1538 = arith.constant 128 : i32
    %dma_wait3A_1539 = arith.constant 0 : i32
    %dma_wait3A_1540 = tpu.memref_slice %arg6[%dma_wait3A_1537, %dma_wait3A_1538, %dma_wait3A_1539] : memref<2x136x128xf32, #tpu.memory_space<vmem>> -> memref<2x8x128xf32, #tpu.memory_space<vmem>>
    %dma_wait3A_1541 = arith.constant 34 : i32
    %dma_wait3A_1542 = arith.constant 0 : i32
    %dma_wait3A_1543 = tpu.memref_slice %arg2[%dma_wait3A_1541, %rem3A_5, %dma_wait3A_1542] : memref<50x4096x128xf32, #tpu.memory_space<hbm>> -> memref<2x8x128xf32, #tpu.memory_space<hbm>>
    tpu.wait_dma2 semaphore(%arg9 : memref<!tpu.dma_semaphore, #tpu.memory_space<semaphore_mem>>) src(%dma_wait3A_1543 : memref<2x8x128xf32, #tpu.memory_space<hbm>>) dst(%dma_wait3A_1540 : memref<2x8x128xf32, #tpu.memory_space<vmem>>)
    %dma_start3A_1544 = arith.constant 0 : i32
    %dma_start3A_1545 = arith.constant 1 : i32
    %dma_start3A_1546 = arith.constant 0 : i32
    %dma_start3A_1547 = tpu.memref_slice %arg6[%dma_start3A_1544, %dma_start3A_1545, %dma_start3A_1546] : memref<2x136x128xf32, #tpu.memory_space<vmem>> -> memref<2x128x128xf32, #tpu.memory_space<vmem>>
    %dma_start3A_1548 = arith.constant 34 : i32
    %dma_start3A_1549 = arith.constant 0 : i32
    %dma_start3A_1550 = tpu.memref_slice %arg3[%dma_start3A_1548, %mul3A_2, %dma_start3A_1549] : memref<50x4096x128xf32, #tpu.memory_space<hbm>> -> memref<2x128x128xf32, #tpu.memory_space<hbm>>
    %dma_start3A_1551 = arith.constant 34 : i32
    %dma_start3A_1552 = arith.constant 0 : i32
    %dma_start3A_1553 = tpu.memref_slice %arg3[%dma_start3A_1551, %mul3A_2, %dma_start3A_1552] : memref<50x4096x128xf32, #tpu.memory_space<hbm>> -> memref<2x128x128xf32, #tpu.memory_space<hbm>>
    %dma_start3A_1554 = arith.constant 0 : i32
    %dma_start3A_1555 = arith.constant 1 : i32
    %dma_start3A_1556 = arith.constant 0 : i32
    %dma_start3A_1557 = tpu.memref_slice %arg6[%dma_start3A_1554, %dma_start3A_1555, %dma_start3A_1556] : memref<2x136x128xf32, #tpu.memory_space<vmem>> -> memref<2x128x128xf32, #tpu.memory_space<vmem>>
    tpu.enqueue_dma source(%dma_start3A_1557 : memref<2x128x128xf32, #tpu.memory_space<vmem>>) target(%dma_start3A_1553 : memref<2x128x128xf32, #tpu.memory_space<hbm>>) target_semaphore(%arg12 : memref<!tpu.dma_semaphore, #tpu.memory_space<semaphore_mem>>)
    %dma_wait3A_1558 = arith.constant 0 : i32
    %dma_wait3A_1559 = arith.constant 1 : i32
    %dma_wait3A_1560 = arith.constant 0 : i32
    %dma_wait3A_1561 = tpu.memref_slice %arg6[%dma_wait3A_1558, %dma_wait3A_1559, %dma_wait3A_1560] : memref<2x136x128xf32, #tpu.memory_space<vmem>> -> memref<2x128x128xf32, #tpu.memory_space<vmem>>
    %dma_wait3A_1562 = arith.constant 34 : i32
    %dma_wait3A_1563 = arith.constant 0 : i32
    %dma_wait3A_1564 = tpu.memref_slice %arg3[%dma_wait3A_1562, %mul3A_2, %dma_wait3A_1563] : memref<50x4096x128xf32, #tpu.memory_space<hbm>> -> memref<2x128x128xf32, #tpu.memory_space<hbm>>
    %dma_wait3A_1565 = arith.constant 34 : i32
    %dma_wait3A_1566 = arith.constant 0 : i32
    %dma_wait3A_1567 = tpu.memref_slice %arg3[%dma_wait3A_1565, %mul3A_2, %dma_wait3A_1566] : memref<50x4096x128xf32, #tpu.memory_space<hbm>> -> memref<2x128x128xf32, #tpu.memory_space<hbm>>
    %dma_wait3A_1568 = arith.constant 0 : i32
    %dma_wait3A_1569 = arith.constant 1 : i32
    %dma_wait3A_1570 = arith.constant 0 : i32
    %dma_wait3A_1571 = tpu.memref_slice %arg6[%dma_wait3A_1568, %dma_wait3A_1569, %dma_wait3A_1570] : memref<2x136x128xf32, #tpu.memory_space<vmem>> -> memref<2x128x128xf32, #tpu.memory_space<vmem>>
    tpu.wait_dma2 semaphore(%arg12 : memref<!tpu.dma_semaphore, #tpu.memory_space<semaphore_mem>>) src(%dma_wait3A_1571 : memref<2x128x128xf32, #tpu.memory_space<vmem>>) dst(%dma_wait3A_1567 : memref<2x128x128xf32, #tpu.memory_space<hbm>>)
    %dma_start3A_1572 = arith.constant 0 : i32
    %dma_start3A_1573 = arith.constant 0 : i32
    %dma_start3A_1574 = arith.constant 0 : i32
    %dma_start3A_1575 = tpu.memref_slice %arg6[%dma_start3A_1572, %dma_start3A_1573, %dma_start3A_1574] : memref<2x136x128xf32, #tpu.memory_space<vmem>> -> memref<2x128x128xf32, #tpu.memory_space<vmem>>
    %dma_start3A_1576 = arith.constant 40 : i32
    %dma_start3A_1577 = arith.constant 0 : i32
    %dma_start3A_1578 = tpu.memref_slice %arg2[%dma_start3A_1576, %mul3A_2, %dma_start3A_1577] : memref<50x4096x128xf32, #tpu.memory_space<hbm>> -> memref<2x128x128xf32, #tpu.memory_space<hbm>>
    %dma_start3A_1579 = arith.constant 0 : i32
    %dma_start3A_1580 = arith.constant 0 : i32
    %dma_start3A_1581 = arith.constant 0 : i32
    %dma_start3A_1582 = tpu.memref_slice %arg6[%dma_start3A_1579, %dma_start3A_1580, %dma_start3A_1581] : memref<2x136x128xf32, #tpu.memory_space<vmem>> -> memref<2x128x128xf32, #tpu.memory_space<vmem>>
    %dma_start3A_1583 = arith.constant 40 : i32
    %dma_start3A_1584 = arith.constant 0 : i32
    %dma_start3A_1585 = tpu.memref_slice %arg2[%dma_start3A_1583, %mul3A_2, %dma_start3A_1584] : memref<50x4096x128xf32, #tpu.memory_space<hbm>> -> memref<2x128x128xf32, #tpu.memory_space<hbm>>
    tpu.enqueue_dma source(%dma_start3A_1585 : memref<2x128x128xf32, #tpu.memory_space<hbm>>) target(%dma_start3A_1582 : memref<2x128x128xf32, #tpu.memory_space<vmem>>) target_semaphore(%arg9 : memref<!tpu.dma_semaphore, #tpu.memory_space<semaphore_mem>>)
    %dma_start3A_1586 = arith.constant 0 : i32
    %dma_start3A_1587 = arith.constant 128 : i32
    %dma_start3A_1588 = arith.constant 0 : i32
    %dma_start3A_1589 = tpu.memref_slice %arg6[%dma_start3A_1586, %dma_start3A_1587, %dma_start3A_1588] : memref<2x136x128xf32, #tpu.memory_space<vmem>> -> memref<2x8x128xf32, #tpu.memory_space<vmem>>
    %dma_start3A_1590 = arith.constant 40 : i32
    %dma_start3A_1591 = arith.constant 0 : i32
    %dma_start3A_1592 = tpu.memref_slice %arg2[%dma_start3A_1590, %rem3A_5, %dma_start3A_1591] : memref<50x4096x128xf32, #tpu.memory_space<hbm>> -> memref<2x8x128xf32, #tpu.memory_space<hbm>>
    %dma_start3A_1593 = arith.constant 0 : i32
    %dma_start3A_1594 = arith.constant 128 : i32
    %dma_start3A_1595 = arith.constant 0 : i32
    %dma_start3A_1596 = tpu.memref_slice %arg6[%dma_start3A_1593, %dma_start3A_1594, %dma_start3A_1595] : memref<2x136x128xf32, #tpu.memory_space<vmem>> -> memref<2x8x128xf32, #tpu.memory_space<vmem>>
    %dma_start3A_1597 = arith.constant 40 : i32
    %dma_start3A_1598 = arith.constant 0 : i32
    %dma_start3A_1599 = tpu.memref_slice %arg2[%dma_start3A_1597, %rem3A_5, %dma_start3A_1598] : memref<50x4096x128xf32, #tpu.memory_space<hbm>> -> memref<2x8x128xf32, #tpu.memory_space<hbm>>
    tpu.enqueue_dma source(%dma_start3A_1599 : memref<2x8x128xf32, #tpu.memory_space<hbm>>) target(%dma_start3A_1596 : memref<2x8x128xf32, #tpu.memory_space<vmem>>) target_semaphore(%arg9 : memref<!tpu.dma_semaphore, #tpu.memory_space<semaphore_mem>>)
    %dma_wait3A_1600 = arith.constant 0 : i32
    %dma_wait3A_1601 = arith.constant 0 : i32
    %dma_wait3A_1602 = arith.constant 0 : i32
    %dma_wait3A_1603 = tpu.memref_slice %arg4[%dma_wait3A_1600, %dma_wait3A_1601, %dma_wait3A_1602] : memref<2x136x128xf32, #tpu.memory_space<vmem>> -> memref<2x128x128xf32, #tpu.memory_space<vmem>>
    %dma_wait3A_1604 = arith.constant 36 : i32
    %dma_wait3A_1605 = arith.constant 0 : i32
    %dma_wait3A_1606 = tpu.memref_slice %arg2[%dma_wait3A_1604, %mul3A_2, %dma_wait3A_1605] : memref<50x4096x128xf32, #tpu.memory_space<hbm>> -> memref<2x128x128xf32, #tpu.memory_space<hbm>>
    %dma_wait3A_1607 = arith.constant 0 : i32
    %dma_wait3A_1608 = arith.constant 0 : i32
    %dma_wait3A_1609 = arith.constant 0 : i32
    %dma_wait3A_1610 = tpu.memref_slice %arg4[%dma_wait3A_1607, %dma_wait3A_1608, %dma_wait3A_1609] : memref<2x136x128xf32, #tpu.memory_space<vmem>> -> memref<2x128x128xf32, #tpu.memory_space<vmem>>
    %dma_wait3A_1611 = arith.constant 36 : i32
    %dma_wait3A_1612 = arith.constant 0 : i32
    %dma_wait3A_1613 = tpu.memref_slice %arg2[%dma_wait3A_1611, %mul3A_2, %dma_wait3A_1612] : memref<50x4096x128xf32, #tpu.memory_space<hbm>> -> memref<2x128x128xf32, #tpu.memory_space<hbm>>
    tpu.wait_dma2 semaphore(%arg7 : memref<!tpu.dma_semaphore, #tpu.memory_space<semaphore_mem>>) src(%dma_wait3A_1613 : memref<2x128x128xf32, #tpu.memory_space<hbm>>) dst(%dma_wait3A_1610 : memref<2x128x128xf32, #tpu.memory_space<vmem>>)
    %dma_wait3A_1614 = arith.constant 0 : i32
    %dma_wait3A_1615 = arith.constant 128 : i32
    %dma_wait3A_1616 = arith.constant 0 : i32
    %dma_wait3A_1617 = tpu.memref_slice %arg4[%dma_wait3A_1614, %dma_wait3A_1615, %dma_wait3A_1616] : memref<2x136x128xf32, #tpu.memory_space<vmem>> -> memref<2x8x128xf32, #tpu.memory_space<vmem>>
    %dma_wait3A_1618 = arith.constant 36 : i32
    %dma_wait3A_1619 = arith.constant 0 : i32
    %dma_wait3A_1620 = tpu.memref_slice %arg2[%dma_wait3A_1618, %rem3A_5, %dma_wait3A_1619] : memref<50x4096x128xf32, #tpu.memory_space<hbm>> -> memref<2x8x128xf32, #tpu.memory_space<hbm>>
    %dma_wait3A_1621 = arith.constant 0 : i32
    %dma_wait3A_1622 = arith.constant 128 : i32
    %dma_wait3A_1623 = arith.constant 0 : i32
    %dma_wait3A_1624 = tpu.memref_slice %arg4[%dma_wait3A_1621, %dma_wait3A_1622, %dma_wait3A_1623] : memref<2x136x128xf32, #tpu.memory_space<vmem>> -> memref<2x8x128xf32, #tpu.memory_space<vmem>>
    %dma_wait3A_1625 = arith.constant 36 : i32
    %dma_wait3A_1626 = arith.constant 0 : i32
    %dma_wait3A_1627 = tpu.memref_slice %arg2[%dma_wait3A_1625, %rem3A_5, %dma_wait3A_1626] : memref<50x4096x128xf32, #tpu.memory_space<hbm>> -> memref<2x8x128xf32, #tpu.memory_space<hbm>>
    tpu.wait_dma2 semaphore(%arg7 : memref<!tpu.dma_semaphore, #tpu.memory_space<semaphore_mem>>) src(%dma_wait3A_1627 : memref<2x8x128xf32, #tpu.memory_space<hbm>>) dst(%dma_wait3A_1624 : memref<2x8x128xf32, #tpu.memory_space<vmem>>)
    %dma_start3A_1628 = arith.constant 0 : i32
    %dma_start3A_1629 = arith.constant 1 : i32
    %dma_start3A_1630 = arith.constant 0 : i32
    %dma_start3A_1631 = tpu.memref_slice %arg4[%dma_start3A_1628, %dma_start3A_1629, %dma_start3A_1630] : memref<2x136x128xf32, #tpu.memory_space<vmem>> -> memref<2x128x128xf32, #tpu.memory_space<vmem>>
    %dma_start3A_1632 = arith.constant 36 : i32
    %dma_start3A_1633 = arith.constant 0 : i32
    %dma_start3A_1634 = tpu.memref_slice %arg3[%dma_start3A_1632, %mul3A_2, %dma_start3A_1633] : memref<50x4096x128xf32, #tpu.memory_space<hbm>> -> memref<2x128x128xf32, #tpu.memory_space<hbm>>
    %dma_start3A_1635 = arith.constant 36 : i32
    %dma_start3A_1636 = arith.constant 0 : i32
    %dma_start3A_1637 = tpu.memref_slice %arg3[%dma_start3A_1635, %mul3A_2, %dma_start3A_1636] : memref<50x4096x128xf32, #tpu.memory_space<hbm>> -> memref<2x128x128xf32, #tpu.memory_space<hbm>>
    %dma_start3A_1638 = arith.constant 0 : i32
    %dma_start3A_1639 = arith.constant 1 : i32
    %dma_start3A_1640 = arith.constant 0 : i32
    %dma_start3A_1641 = tpu.memref_slice %arg4[%dma_start3A_1638, %dma_start3A_1639, %dma_start3A_1640] : memref<2x136x128xf32, #tpu.memory_space<vmem>> -> memref<2x128x128xf32, #tpu.memory_space<vmem>>
    tpu.enqueue_dma source(%dma_start3A_1641 : memref<2x128x128xf32, #tpu.memory_space<vmem>>) target(%dma_start3A_1637 : memref<2x128x128xf32, #tpu.memory_space<hbm>>) target_semaphore(%arg10 : memref<!tpu.dma_semaphore, #tpu.memory_space<semaphore_mem>>)
    %dma_wait3A_1642 = arith.constant 0 : i32
    %dma_wait3A_1643 = arith.constant 1 : i32
    %dma_wait3A_1644 = arith.constant 0 : i32
    %dma_wait3A_1645 = tpu.memref_slice %arg4[%dma_wait3A_1642, %dma_wait3A_1643, %dma_wait3A_1644] : memref<2x136x128xf32, #tpu.memory_space<vmem>> -> memref<2x128x128xf32, #tpu.memory_space<vmem>>
    %dma_wait3A_1646 = arith.constant 36 : i32
    %dma_wait3A_1647 = arith.constant 0 : i32
    %dma_wait3A_1648 = tpu.memref_slice %arg3[%dma_wait3A_1646, %mul3A_2, %dma_wait3A_1647] : memref<50x4096x128xf32, #tpu.memory_space<hbm>> -> memref<2x128x128xf32, #tpu.memory_space<hbm>>
    %dma_wait3A_1649 = arith.constant 36 : i32
    %dma_wait3A_1650 = arith.constant 0 : i32
    %dma_wait3A_1651 = tpu.memref_slice %arg3[%dma_wait3A_1649, %mul3A_2, %dma_wait3A_1650] : memref<50x4096x128xf32, #tpu.memory_space<hbm>> -> memref<2x128x128xf32, #tpu.memory_space<hbm>>
    %dma_wait3A_1652 = arith.constant 0 : i32
    %dma_wait3A_1653 = arith.constant 1 : i32
    %dma_wait3A_1654 = arith.constant 0 : i32
    %dma_wait3A_1655 = tpu.memref_slice %arg4[%dma_wait3A_1652, %dma_wait3A_1653, %dma_wait3A_1654] : memref<2x136x128xf32, #tpu.memory_space<vmem>> -> memref<2x128x128xf32, #tpu.memory_space<vmem>>
    tpu.wait_dma2 semaphore(%arg10 : memref<!tpu.dma_semaphore, #tpu.memory_space<semaphore_mem>>) src(%dma_wait3A_1655 : memref<2x128x128xf32, #tpu.memory_space<vmem>>) dst(%dma_wait3A_1651 : memref<2x128x128xf32, #tpu.memory_space<hbm>>)
    %dma_start3A_1656 = arith.constant 0 : i32
    %dma_start3A_1657 = arith.constant 0 : i32
    %dma_start3A_1658 = arith.constant 0 : i32
    %dma_start3A_1659 = tpu.memref_slice %arg4[%dma_start3A_1656, %dma_start3A_1657, %dma_start3A_1658] : memref<2x136x128xf32, #tpu.memory_space<vmem>> -> memref<2x128x128xf32, #tpu.memory_space<vmem>>
    %dma_start3A_1660 = arith.constant 42 : i32
    %dma_start3A_1661 = arith.constant 0 : i32
    %dma_start3A_1662 = tpu.memref_slice %arg2[%dma_start3A_1660, %mul3A_2, %dma_start3A_1661] : memref<50x4096x128xf32, #tpu.memory_space<hbm>> -> memref<2x128x128xf32, #tpu.memory_space<hbm>>
    %dma_start3A_1663 = arith.constant 0 : i32
    %dma_start3A_1664 = arith.constant 0 : i32
    %dma_start3A_1665 = arith.constant 0 : i32
    %dma_start3A_1666 = tpu.memref_slice %arg4[%dma_start3A_1663, %dma_start3A_1664, %dma_start3A_1665] : memref<2x136x128xf32, #tpu.memory_space<vmem>> -> memref<2x128x128xf32, #tpu.memory_space<vmem>>
    %dma_start3A_1667 = arith.constant 42 : i32
    %dma_start3A_1668 = arith.constant 0 : i32
    %dma_start3A_1669 = tpu.memref_slice %arg2[%dma_start3A_1667, %mul3A_2, %dma_start3A_1668] : memref<50x4096x128xf32, #tpu.memory_space<hbm>> -> memref<2x128x128xf32, #tpu.memory_space<hbm>>
    tpu.enqueue_dma source(%dma_start3A_1669 : memref<2x128x128xf32, #tpu.memory_space<hbm>>) target(%dma_start3A_1666 : memref<2x128x128xf32, #tpu.memory_space<vmem>>) target_semaphore(%arg7 : memref<!tpu.dma_semaphore, #tpu.memory_space<semaphore_mem>>)
    %dma_start3A_1670 = arith.constant 0 : i32
    %dma_start3A_1671 = arith.constant 128 : i32
    %dma_start3A_1672 = arith.constant 0 : i32
    %dma_start3A_1673 = tpu.memref_slice %arg4[%dma_start3A_1670, %dma_start3A_1671, %dma_start3A_1672] : memref<2x136x128xf32, #tpu.memory_space<vmem>> -> memref<2x8x128xf32, #tpu.memory_space<vmem>>
    %dma_start3A_1674 = arith.constant 42 : i32
    %dma_start3A_1675 = arith.constant 0 : i32
    %dma_start3A_1676 = tpu.memref_slice %arg2[%dma_start3A_1674, %rem3A_5, %dma_start3A_1675] : memref<50x4096x128xf32, #tpu.memory_space<hbm>> -> memref<2x8x128xf32, #tpu.memory_space<hbm>>
    %dma_start3A_1677 = arith.constant 0 : i32
    %dma_start3A_1678 = arith.constant 128 : i32
    %dma_start3A_1679 = arith.constant 0 : i32
    %dma_start3A_1680 = tpu.memref_slice %arg4[%dma_start3A_1677, %dma_start3A_1678, %dma_start3A_1679] : memref<2x136x128xf32, #tpu.memory_space<vmem>> -> memref<2x8x128xf32, #tpu.memory_space<vmem>>
    %dma_start3A_1681 = arith.constant 42 : i32
    %dma_start3A_1682 = arith.constant 0 : i32
    %dma_start3A_1683 = tpu.memref_slice %arg2[%dma_start3A_1681, %rem3A_5, %dma_start3A_1682] : memref<50x4096x128xf32, #tpu.memory_space<hbm>> -> memref<2x8x128xf32, #tpu.memory_space<hbm>>
    tpu.enqueue_dma source(%dma_start3A_1683 : memref<2x8x128xf32, #tpu.memory_space<hbm>>) target(%dma_start3A_1680 : memref<2x8x128xf32, #tpu.memory_space<vmem>>) target_semaphore(%arg7 : memref<!tpu.dma_semaphore, #tpu.memory_space<semaphore_mem>>)
    %dma_wait3A_1684 = arith.constant 0 : i32
    %dma_wait3A_1685 = arith.constant 0 : i32
    %dma_wait3A_1686 = arith.constant 0 : i32
    %dma_wait3A_1687 = tpu.memref_slice %arg5[%dma_wait3A_1684, %dma_wait3A_1685, %dma_wait3A_1686] : memref<2x136x128xf32, #tpu.memory_space<vmem>> -> memref<2x128x128xf32, #tpu.memory_space<vmem>>
    %dma_wait3A_1688 = arith.constant 38 : i32
    %dma_wait3A_1689 = arith.constant 0 : i32
    %dma_wait3A_1690 = tpu.memref_slice %arg2[%dma_wait3A_1688, %mul3A_2, %dma_wait3A_1689] : memref<50x4096x128xf32, #tpu.memory_space<hbm>> -> memref<2x128x128xf32, #tpu.memory_space<hbm>>
    %dma_wait3A_1691 = arith.constant 0 : i32
    %dma_wait3A_1692 = arith.constant 0 : i32
    %dma_wait3A_1693 = arith.constant 0 : i32
    %dma_wait3A_1694 = tpu.memref_slice %arg5[%dma_wait3A_1691, %dma_wait3A_1692, %dma_wait3A_1693] : memref<2x136x128xf32, #tpu.memory_space<vmem>> -> memref<2x128x128xf32, #tpu.memory_space<vmem>>
    %dma_wait3A_1695 = arith.constant 38 : i32
    %dma_wait3A_1696 = arith.constant 0 : i32
    %dma_wait3A_1697 = tpu.memref_slice %arg2[%dma_wait3A_1695, %mul3A_2, %dma_wait3A_1696] : memref<50x4096x128xf32, #tpu.memory_space<hbm>> -> memref<2x128x128xf32, #tpu.memory_space<hbm>>
    tpu.wait_dma2 semaphore(%arg8 : memref<!tpu.dma_semaphore, #tpu.memory_space<semaphore_mem>>) src(%dma_wait3A_1697 : memref<2x128x128xf32, #tpu.memory_space<hbm>>) dst(%dma_wait3A_1694 : memref<2x128x128xf32, #tpu.memory_space<vmem>>)
    %dma_wait3A_1698 = arith.constant 0 : i32
    %dma_wait3A_1699 = arith.constant 128 : i32
    %dma_wait3A_1700 = arith.constant 0 : i32
    %dma_wait3A_1701 = tpu.memref_slice %arg5[%dma_wait3A_1698, %dma_wait3A_1699, %dma_wait3A_1700] : memref<2x136x128xf32, #tpu.memory_space<vmem>> -> memref<2x8x128xf32, #tpu.memory_space<vmem>>
    %dma_wait3A_1702 = arith.constant 38 : i32
    %dma_wait3A_1703 = arith.constant 0 : i32
    %dma_wait3A_1704 = tpu.memref_slice %arg2[%dma_wait3A_1702, %rem3A_5, %dma_wait3A_1703] : memref<50x4096x128xf32, #tpu.memory_space<hbm>> -> memref<2x8x128xf32, #tpu.memory_space<hbm>>
    %dma_wait3A_1705 = arith.constant 0 : i32
    %dma_wait3A_1706 = arith.constant 128 : i32
    %dma_wait3A_1707 = arith.constant 0 : i32
    %dma_wait3A_1708 = tpu.memref_slice %arg5[%dma_wait3A_1705, %dma_wait3A_1706, %dma_wait3A_1707] : memref<2x136x128xf32, #tpu.memory_space<vmem>> -> memref<2x8x128xf32, #tpu.memory_space<vmem>>
    %dma_wait3A_1709 = arith.constant 38 : i32
    %dma_wait3A_1710 = arith.constant 0 : i32
    %dma_wait3A_1711 = tpu.memref_slice %arg2[%dma_wait3A_1709, %rem3A_5, %dma_wait3A_1710] : memref<50x4096x128xf32, #tpu.memory_space<hbm>> -> memref<2x8x128xf32, #tpu.memory_space<hbm>>
    tpu.wait_dma2 semaphore(%arg8 : memref<!tpu.dma_semaphore, #tpu.memory_space<semaphore_mem>>) src(%dma_wait3A_1711 : memref<2x8x128xf32, #tpu.memory_space<hbm>>) dst(%dma_wait3A_1708 : memref<2x8x128xf32, #tpu.memory_space<vmem>>)
    %dma_start3A_1712 = arith.constant 0 : i32
    %dma_start3A_1713 = arith.constant 1 : i32
    %dma_start3A_1714 = arith.constant 0 : i32
    %dma_start3A_1715 = tpu.memref_slice %arg5[%dma_start3A_1712, %dma_start3A_1713, %dma_start3A_1714] : memref<2x136x128xf32, #tpu.memory_space<vmem>> -> memref<2x128x128xf32, #tpu.memory_space<vmem>>
    %dma_start3A_1716 = arith.constant 38 : i32
    %dma_start3A_1717 = arith.constant 0 : i32
    %dma_start3A_1718 = tpu.memref_slice %arg3[%dma_start3A_1716, %mul3A_2, %dma_start3A_1717] : memref<50x4096x128xf32, #tpu.memory_space<hbm>> -> memref<2x128x128xf32, #tpu.memory_space<hbm>>
    %dma_start3A_1719 = arith.constant 38 : i32
    %dma_start3A_1720 = arith.constant 0 : i32
    %dma_start3A_1721 = tpu.memref_slice %arg3[%dma_start3A_1719, %mul3A_2, %dma_start3A_1720] : memref<50x4096x128xf32, #tpu.memory_space<hbm>> -> memref<2x128x128xf32, #tpu.memory_space<hbm>>
    %dma_start3A_1722 = arith.constant 0 : i32
    %dma_start3A_1723 = arith.constant 1 : i32
    %dma_start3A_1724 = arith.constant 0 : i32
    %dma_start3A_1725 = tpu.memref_slice %arg5[%dma_start3A_1722, %dma_start3A_1723, %dma_start3A_1724] : memref<2x136x128xf32, #tpu.memory_space<vmem>> -> memref<2x128x128xf32, #tpu.memory_space<vmem>>
    tpu.enqueue_dma source(%dma_start3A_1725 : memref<2x128x128xf32, #tpu.memory_space<vmem>>) target(%dma_start3A_1721 : memref<2x128x128xf32, #tpu.memory_space<hbm>>) target_semaphore(%arg11 : memref<!tpu.dma_semaphore, #tpu.memory_space<semaphore_mem>>)
    %dma_wait3A_1726 = arith.constant 0 : i32
    %dma_wait3A_1727 = arith.constant 1 : i32
    %dma_wait3A_1728 = arith.constant 0 : i32
    %dma_wait3A_1729 = tpu.memref_slice %arg5[%dma_wait3A_1726, %dma_wait3A_1727, %dma_wait3A_1728] : memref<2x136x128xf32, #tpu.memory_space<vmem>> -> memref<2x128x128xf32, #tpu.memory_space<vmem>>
    %dma_wait3A_1730 = arith.constant 38 : i32
    %dma_wait3A_1731 = arith.constant 0 : i32
    %dma_wait3A_1732 = tpu.memref_slice %arg3[%dma_wait3A_1730, %mul3A_2, %dma_wait3A_1731] : memref<50x4096x128xf32, #tpu.memory_space<hbm>> -> memref<2x128x128xf32, #tpu.memory_space<hbm>>
    %dma_wait3A_1733 = arith.constant 38 : i32
    %dma_wait3A_1734 = arith.constant 0 : i32
    %dma_wait3A_1735 = tpu.memref_slice %arg3[%dma_wait3A_1733, %mul3A_2, %dma_wait3A_1734] : memref<50x4096x128xf32, #tpu.memory_space<hbm>> -> memref<2x128x128xf32, #tpu.memory_space<hbm>>
    %dma_wait3A_1736 = arith.constant 0 : i32
    %dma_wait3A_1737 = arith.constant 1 : i32
    %dma_wait3A_1738 = arith.constant 0 : i32
    %dma_wait3A_1739 = tpu.memref_slice %arg5[%dma_wait3A_1736, %dma_wait3A_1737, %dma_wait3A_1738] : memref<2x136x128xf32, #tpu.memory_space<vmem>> -> memref<2x128x128xf32, #tpu.memory_space<vmem>>
    tpu.wait_dma2 semaphore(%arg11 : memref<!tpu.dma_semaphore, #tpu.memory_space<semaphore_mem>>) src(%dma_wait3A_1739 : memref<2x128x128xf32, #tpu.memory_space<vmem>>) dst(%dma_wait3A_1735 : memref<2x128x128xf32, #tpu.memory_space<hbm>>)
    %dma_start3A_1740 = arith.constant 0 : i32
    %dma_start3A_1741 = arith.constant 0 : i32
    %dma_start3A_1742 = arith.constant 0 : i32
    %dma_start3A_1743 = tpu.memref_slice %arg5[%dma_start3A_1740, %dma_start3A_1741, %dma_start3A_1742] : memref<2x136x128xf32, #tpu.memory_space<vmem>> -> memref<2x128x128xf32, #tpu.memory_space<vmem>>
    %dma_start3A_1744 = arith.constant 44 : i32
    %dma_start3A_1745 = arith.constant 0 : i32
    %dma_start3A_1746 = tpu.memref_slice %arg2[%dma_start3A_1744, %mul3A_2, %dma_start3A_1745] : memref<50x4096x128xf32, #tpu.memory_space<hbm>> -> memref<2x128x128xf32, #tpu.memory_space<hbm>>
    %dma_start3A_1747 = arith.constant 0 : i32
    %dma_start3A_1748 = arith.constant 0 : i32
    %dma_start3A_1749 = arith.constant 0 : i32
    %dma_start3A_1750 = tpu.memref_slice %arg5[%dma_start3A_1747, %dma_start3A_1748, %dma_start3A_1749] : memref<2x136x128xf32, #tpu.memory_space<vmem>> -> memref<2x128x128xf32, #tpu.memory_space<vmem>>
    %dma_start3A_1751 = arith.constant 44 : i32
    %dma_start3A_1752 = arith.constant 0 : i32
    %dma_start3A_1753 = tpu.memref_slice %arg2[%dma_start3A_1751, %mul3A_2, %dma_start3A_1752] : memref<50x4096x128xf32, #tpu.memory_space<hbm>> -> memref<2x128x128xf32, #tpu.memory_space<hbm>>
    tpu.enqueue_dma source(%dma_start3A_1753 : memref<2x128x128xf32, #tpu.memory_space<hbm>>) target(%dma_start3A_1750 : memref<2x128x128xf32, #tpu.memory_space<vmem>>) target_semaphore(%arg8 : memref<!tpu.dma_semaphore, #tpu.memory_space<semaphore_mem>>)
    %dma_start3A_1754 = arith.constant 0 : i32
    %dma_start3A_1755 = arith.constant 128 : i32
    %dma_start3A_1756 = arith.constant 0 : i32
    %dma_start3A_1757 = tpu.memref_slice %arg5[%dma_start3A_1754, %dma_start3A_1755, %dma_start3A_1756] : memref<2x136x128xf32, #tpu.memory_space<vmem>> -> memref<2x8x128xf32, #tpu.memory_space<vmem>>
    %dma_start3A_1758 = arith.constant 44 : i32
    %dma_start3A_1759 = arith.constant 0 : i32
    %dma_start3A_1760 = tpu.memref_slice %arg2[%dma_start3A_1758, %rem3A_5, %dma_start3A_1759] : memref<50x4096x128xf32, #tpu.memory_space<hbm>> -> memref<2x8x128xf32, #tpu.memory_space<hbm>>
    %dma_start3A_1761 = arith.constant 0 : i32
    %dma_start3A_1762 = arith.constant 128 : i32
    %dma_start3A_1763 = arith.constant 0 : i32
    %dma_start3A_1764 = tpu.memref_slice %arg5[%dma_start3A_1761, %dma_start3A_1762, %dma_start3A_1763] : memref<2x136x128xf32, #tpu.memory_space<vmem>> -> memref<2x8x128xf32, #tpu.memory_space<vmem>>
    %dma_start3A_1765 = arith.constant 44 : i32
    %dma_start3A_1766 = arith.constant 0 : i32
    %dma_start3A_1767 = tpu.memref_slice %arg2[%dma_start3A_1765, %rem3A_5, %dma_start3A_1766] : memref<50x4096x128xf32, #tpu.memory_space<hbm>> -> memref<2x8x128xf32, #tpu.memory_space<hbm>>
    tpu.enqueue_dma source(%dma_start3A_1767 : memref<2x8x128xf32, #tpu.memory_space<hbm>>) target(%dma_start3A_1764 : memref<2x8x128xf32, #tpu.memory_space<vmem>>) target_semaphore(%arg8 : memref<!tpu.dma_semaphore, #tpu.memory_space<semaphore_mem>>)
    %dma_wait3A_1768 = arith.constant 0 : i32
    %dma_wait3A_1769 = arith.constant 0 : i32
    %dma_wait3A_1770 = arith.constant 0 : i32
    %dma_wait3A_1771 = tpu.memref_slice %arg6[%dma_wait3A_1768, %dma_wait3A_1769, %dma_wait3A_1770] : memref<2x136x128xf32, #tpu.memory_space<vmem>> -> memref<2x128x128xf32, #tpu.memory_space<vmem>>
    %dma_wait3A_1772 = arith.constant 40 : i32
    %dma_wait3A_1773 = arith.constant 0 : i32
    %dma_wait3A_1774 = tpu.memref_slice %arg2[%dma_wait3A_1772, %mul3A_2, %dma_wait3A_1773] : memref<50x4096x128xf32, #tpu.memory_space<hbm>> -> memref<2x128x128xf32, #tpu.memory_space<hbm>>
    %dma_wait3A_1775 = arith.constant 0 : i32
    %dma_wait3A_1776 = arith.constant 0 : i32
    %dma_wait3A_1777 = arith.constant 0 : i32
    %dma_wait3A_1778 = tpu.memref_slice %arg6[%dma_wait3A_1775, %dma_wait3A_1776, %dma_wait3A_1777] : memref<2x136x128xf32, #tpu.memory_space<vmem>> -> memref<2x128x128xf32, #tpu.memory_space<vmem>>
    %dma_wait3A_1779 = arith.constant 40 : i32
    %dma_wait3A_1780 = arith.constant 0 : i32
    %dma_wait3A_1781 = tpu.memref_slice %arg2[%dma_wait3A_1779, %mul3A_2, %dma_wait3A_1780] : memref<50x4096x128xf32, #tpu.memory_space<hbm>> -> memref<2x128x128xf32, #tpu.memory_space<hbm>>
    tpu.wait_dma2 semaphore(%arg9 : memref<!tpu.dma_semaphore, #tpu.memory_space<semaphore_mem>>) src(%dma_wait3A_1781 : memref<2x128x128xf32, #tpu.memory_space<hbm>>) dst(%dma_wait3A_1778 : memref<2x128x128xf32, #tpu.memory_space<vmem>>)
    %dma_wait3A_1782 = arith.constant 0 : i32
    %dma_wait3A_1783 = arith.constant 128 : i32
    %dma_wait3A_1784 = arith.constant 0 : i32
    %dma_wait3A_1785 = tpu.memref_slice %arg6[%dma_wait3A_1782, %dma_wait3A_1783, %dma_wait3A_1784] : memref<2x136x128xf32, #tpu.memory_space<vmem>> -> memref<2x8x128xf32, #tpu.memory_space<vmem>>
    %dma_wait3A_1786 = arith.constant 40 : i32
    %dma_wait3A_1787 = arith.constant 0 : i32
    %dma_wait3A_1788 = tpu.memref_slice %arg2[%dma_wait3A_1786, %rem3A_5, %dma_wait3A_1787] : memref<50x4096x128xf32, #tpu.memory_space<hbm>> -> memref<2x8x128xf32, #tpu.memory_space<hbm>>
    %dma_wait3A_1789 = arith.constant 0 : i32
    %dma_wait3A_1790 = arith.constant 128 : i32
    %dma_wait3A_1791 = arith.constant 0 : i32
    %dma_wait3A_1792 = tpu.memref_slice %arg6[%dma_wait3A_1789, %dma_wait3A_1790, %dma_wait3A_1791] : memref<2x136x128xf32, #tpu.memory_space<vmem>> -> memref<2x8x128xf32, #tpu.memory_space<vmem>>
    %dma_wait3A_1793 = arith.constant 40 : i32
    %dma_wait3A_1794 = arith.constant 0 : i32
    %dma_wait3A_1795 = tpu.memref_slice %arg2[%dma_wait3A_1793, %rem3A_5, %dma_wait3A_1794] : memref<50x4096x128xf32, #tpu.memory_space<hbm>> -> memref<2x8x128xf32, #tpu.memory_space<hbm>>
    tpu.wait_dma2 semaphore(%arg9 : memref<!tpu.dma_semaphore, #tpu.memory_space<semaphore_mem>>) src(%dma_wait3A_1795 : memref<2x8x128xf32, #tpu.memory_space<hbm>>) dst(%dma_wait3A_1792 : memref<2x8x128xf32, #tpu.memory_space<vmem>>)
    %dma_start3A_1796 = arith.constant 0 : i32
    %dma_start3A_1797 = arith.constant 1 : i32
    %dma_start3A_1798 = arith.constant 0 : i32
    %dma_start3A_1799 = tpu.memref_slice %arg6[%dma_start3A_1796, %dma_start3A_1797, %dma_start3A_1798] : memref<2x136x128xf32, #tpu.memory_space<vmem>> -> memref<2x128x128xf32, #tpu.memory_space<vmem>>
    %dma_start3A_1800 = arith.constant 40 : i32
    %dma_start3A_1801 = arith.constant 0 : i32
    %dma_start3A_1802 = tpu.memref_slice %arg3[%dma_start3A_1800, %mul3A_2, %dma_start3A_1801] : memref<50x4096x128xf32, #tpu.memory_space<hbm>> -> memref<2x128x128xf32, #tpu.memory_space<hbm>>
    %dma_start3A_1803 = arith.constant 40 : i32
    %dma_start3A_1804 = arith.constant 0 : i32
    %dma_start3A_1805 = tpu.memref_slice %arg3[%dma_start3A_1803, %mul3A_2, %dma_start3A_1804] : memref<50x4096x128xf32, #tpu.memory_space<hbm>> -> memref<2x128x128xf32, #tpu.memory_space<hbm>>
    %dma_start3A_1806 = arith.constant 0 : i32
    %dma_start3A_1807 = arith.constant 1 : i32
    %dma_start3A_1808 = arith.constant 0 : i32
    %dma_start3A_1809 = tpu.memref_slice %arg6[%dma_start3A_1806, %dma_start3A_1807, %dma_start3A_1808] : memref<2x136x128xf32, #tpu.memory_space<vmem>> -> memref<2x128x128xf32, #tpu.memory_space<vmem>>
    tpu.enqueue_dma source(%dma_start3A_1809 : memref<2x128x128xf32, #tpu.memory_space<vmem>>) target(%dma_start3A_1805 : memref<2x128x128xf32, #tpu.memory_space<hbm>>) target_semaphore(%arg12 : memref<!tpu.dma_semaphore, #tpu.memory_space<semaphore_mem>>)
    %dma_wait3A_1810 = arith.constant 0 : i32
    %dma_wait3A_1811 = arith.constant 1 : i32
    %dma_wait3A_1812 = arith.constant 0 : i32
    %dma_wait3A_1813 = tpu.memref_slice %arg6[%dma_wait3A_1810, %dma_wait3A_1811, %dma_wait3A_1812] : memref<2x136x128xf32, #tpu.memory_space<vmem>> -> memref<2x128x128xf32, #tpu.memory_space<vmem>>
    %dma_wait3A_1814 = arith.constant 40 : i32
    %dma_wait3A_1815 = arith.constant 0 : i32
    %dma_wait3A_1816 = tpu.memref_slice %arg3[%dma_wait3A_1814, %mul3A_2, %dma_wait3A_1815] : memref<50x4096x128xf32, #tpu.memory_space<hbm>> -> memref<2x128x128xf32, #tpu.memory_space<hbm>>
    %dma_wait3A_1817 = arith.constant 40 : i32
    %dma_wait3A_1818 = arith.constant 0 : i32
    %dma_wait3A_1819 = tpu.memref_slice %arg3[%dma_wait3A_1817, %mul3A_2, %dma_wait3A_1818] : memref<50x4096x128xf32, #tpu.memory_space<hbm>> -> memref<2x128x128xf32, #tpu.memory_space<hbm>>
    %dma_wait3A_1820 = arith.constant 0 : i32
    %dma_wait3A_1821 = arith.constant 1 : i32
    %dma_wait3A_1822 = arith.constant 0 : i32
    %dma_wait3A_1823 = tpu.memref_slice %arg6[%dma_wait3A_1820, %dma_wait3A_1821, %dma_wait3A_1822] : memref<2x136x128xf32, #tpu.memory_space<vmem>> -> memref<2x128x128xf32, #tpu.memory_space<vmem>>
    tpu.wait_dma2 semaphore(%arg12 : memref<!tpu.dma_semaphore, #tpu.memory_space<semaphore_mem>>) src(%dma_wait3A_1823 : memref<2x128x128xf32, #tpu.memory_space<vmem>>) dst(%dma_wait3A_1819 : memref<2x128x128xf32, #tpu.memory_space<hbm>>)
    %dma_start3A_1824 = arith.constant 0 : i32
    %dma_start3A_1825 = arith.constant 0 : i32
    %dma_start3A_1826 = arith.constant 0 : i32
    %dma_start3A_1827 = tpu.memref_slice %arg6[%dma_start3A_1824, %dma_start3A_1825, %dma_start3A_1826] : memref<2x136x128xf32, #tpu.memory_space<vmem>> -> memref<2x128x128xf32, #tpu.memory_space<vmem>>
    %dma_start3A_1828 = arith.constant 46 : i32
    %dma_start3A_1829 = arith.constant 0 : i32
    %dma_start3A_1830 = tpu.memref_slice %arg2[%dma_start3A_1828, %mul3A_2, %dma_start3A_1829] : memref<50x4096x128xf32, #tpu.memory_space<hbm>> -> memref<2x128x128xf32, #tpu.memory_space<hbm>>
    %dma_start3A_1831 = arith.constant 0 : i32
    %dma_start3A_1832 = arith.constant 0 : i32
    %dma_start3A_1833 = arith.constant 0 : i32
    %dma_start3A_1834 = tpu.memref_slice %arg6[%dma_start3A_1831, %dma_start3A_1832, %dma_start3A_1833] : memref<2x136x128xf32, #tpu.memory_space<vmem>> -> memref<2x128x128xf32, #tpu.memory_space<vmem>>
    %dma_start3A_1835 = arith.constant 46 : i32
    %dma_start3A_1836 = arith.constant 0 : i32
    %dma_start3A_1837 = tpu.memref_slice %arg2[%dma_start3A_1835, %mul3A_2, %dma_start3A_1836] : memref<50x4096x128xf32, #tpu.memory_space<hbm>> -> memref<2x128x128xf32, #tpu.memory_space<hbm>>
    tpu.enqueue_dma source(%dma_start3A_1837 : memref<2x128x128xf32, #tpu.memory_space<hbm>>) target(%dma_start3A_1834 : memref<2x128x128xf32, #tpu.memory_space<vmem>>) target_semaphore(%arg9 : memref<!tpu.dma_semaphore, #tpu.memory_space<semaphore_mem>>)
    %dma_start3A_1838 = arith.constant 0 : i32
    %dma_start3A_1839 = arith.constant 128 : i32
    %dma_start3A_1840 = arith.constant 0 : i32
    %dma_start3A_1841 = tpu.memref_slice %arg6[%dma_start3A_1838, %dma_start3A_1839, %dma_start3A_1840] : memref<2x136x128xf32, #tpu.memory_space<vmem>> -> memref<2x8x128xf32, #tpu.memory_space<vmem>>
    %dma_start3A_1842 = arith.constant 46 : i32
    %dma_start3A_1843 = arith.constant 0 : i32
    %dma_start3A_1844 = tpu.memref_slice %arg2[%dma_start3A_1842, %rem3A_5, %dma_start3A_1843] : memref<50x4096x128xf32, #tpu.memory_space<hbm>> -> memref<2x8x128xf32, #tpu.memory_space<hbm>>
    %dma_start3A_1845 = arith.constant 0 : i32
    %dma_start3A_1846 = arith.constant 128 : i32
    %dma_start3A_1847 = arith.constant 0 : i32
    %dma_start3A_1848 = tpu.memref_slice %arg6[%dma_start3A_1845, %dma_start3A_1846, %dma_start3A_1847] : memref<2x136x128xf32, #tpu.memory_space<vmem>> -> memref<2x8x128xf32, #tpu.memory_space<vmem>>
    %dma_start3A_1849 = arith.constant 46 : i32
    %dma_start3A_1850 = arith.constant 0 : i32
    %dma_start3A_1851 = tpu.memref_slice %arg2[%dma_start3A_1849, %rem3A_5, %dma_start3A_1850] : memref<50x4096x128xf32, #tpu.memory_space<hbm>> -> memref<2x8x128xf32, #tpu.memory_space<hbm>>
    tpu.enqueue_dma source(%dma_start3A_1851 : memref<2x8x128xf32, #tpu.memory_space<hbm>>) target(%dma_start3A_1848 : memref<2x8x128xf32, #tpu.memory_space<vmem>>) target_semaphore(%arg9 : memref<!tpu.dma_semaphore, #tpu.memory_space<semaphore_mem>>)
    %dma_wait3A_1852 = arith.constant 0 : i32
    %dma_wait3A_1853 = arith.constant 0 : i32
    %dma_wait3A_1854 = arith.constant 0 : i32
    %dma_wait3A_1855 = tpu.memref_slice %arg4[%dma_wait3A_1852, %dma_wait3A_1853, %dma_wait3A_1854] : memref<2x136x128xf32, #tpu.memory_space<vmem>> -> memref<2x128x128xf32, #tpu.memory_space<vmem>>
    %dma_wait3A_1856 = arith.constant 42 : i32
    %dma_wait3A_1857 = arith.constant 0 : i32
    %dma_wait3A_1858 = tpu.memref_slice %arg2[%dma_wait3A_1856, %mul3A_2, %dma_wait3A_1857] : memref<50x4096x128xf32, #tpu.memory_space<hbm>> -> memref<2x128x128xf32, #tpu.memory_space<hbm>>
    %dma_wait3A_1859 = arith.constant 0 : i32
    %dma_wait3A_1860 = arith.constant 0 : i32
    %dma_wait3A_1861 = arith.constant 0 : i32
    %dma_wait3A_1862 = tpu.memref_slice %arg4[%dma_wait3A_1859, %dma_wait3A_1860, %dma_wait3A_1861] : memref<2x136x128xf32, #tpu.memory_space<vmem>> -> memref<2x128x128xf32, #tpu.memory_space<vmem>>
    %dma_wait3A_1863 = arith.constant 42 : i32
    %dma_wait3A_1864 = arith.constant 0 : i32
    %dma_wait3A_1865 = tpu.memref_slice %arg2[%dma_wait3A_1863, %mul3A_2, %dma_wait3A_1864] : memref<50x4096x128xf32, #tpu.memory_space<hbm>> -> memref<2x128x128xf32, #tpu.memory_space<hbm>>
    tpu.wait_dma2 semaphore(%arg7 : memref<!tpu.dma_semaphore, #tpu.memory_space<semaphore_mem>>) src(%dma_wait3A_1865 : memref<2x128x128xf32, #tpu.memory_space<hbm>>) dst(%dma_wait3A_1862 : memref<2x128x128xf32, #tpu.memory_space<vmem>>)
    %dma_wait3A_1866 = arith.constant 0 : i32
    %dma_wait3A_1867 = arith.constant 128 : i32
    %dma_wait3A_1868 = arith.constant 0 : i32
    %dma_wait3A_1869 = tpu.memref_slice %arg4[%dma_wait3A_1866, %dma_wait3A_1867, %dma_wait3A_1868] : memref<2x136x128xf32, #tpu.memory_space<vmem>> -> memref<2x8x128xf32, #tpu.memory_space<vmem>>
    %dma_wait3A_1870 = arith.constant 42 : i32
    %dma_wait3A_1871 = arith.constant 0 : i32
    %dma_wait3A_1872 = tpu.memref_slice %arg2[%dma_wait3A_1870, %rem3A_5, %dma_wait3A_1871] : memref<50x4096x128xf32, #tpu.memory_space<hbm>> -> memref<2x8x128xf32, #tpu.memory_space<hbm>>
    %dma_wait3A_1873 = arith.constant 0 : i32
    %dma_wait3A_1874 = arith.constant 128 : i32
    %dma_wait3A_1875 = arith.constant 0 : i32
    %dma_wait3A_1876 = tpu.memref_slice %arg4[%dma_wait3A_1873, %dma_wait3A_1874, %dma_wait3A_1875] : memref<2x136x128xf32, #tpu.memory_space<vmem>> -> memref<2x8x128xf32, #tpu.memory_space<vmem>>
    %dma_wait3A_1877 = arith.constant 42 : i32
    %dma_wait3A_1878 = arith.constant 0 : i32
    %dma_wait3A_1879 = tpu.memref_slice %arg2[%dma_wait3A_1877, %rem3A_5, %dma_wait3A_1878] : memref<50x4096x128xf32, #tpu.memory_space<hbm>> -> memref<2x8x128xf32, #tpu.memory_space<hbm>>
    tpu.wait_dma2 semaphore(%arg7 : memref<!tpu.dma_semaphore, #tpu.memory_space<semaphore_mem>>) src(%dma_wait3A_1879 : memref<2x8x128xf32, #tpu.memory_space<hbm>>) dst(%dma_wait3A_1876 : memref<2x8x128xf32, #tpu.memory_space<vmem>>)
    %dma_start3A_1880 = arith.constant 0 : i32
    %dma_start3A_1881 = arith.constant 1 : i32
    %dma_start3A_1882 = arith.constant 0 : i32
    %dma_start3A_1883 = tpu.memref_slice %arg4[%dma_start3A_1880, %dma_start3A_1881, %dma_start3A_1882] : memref<2x136x128xf32, #tpu.memory_space<vmem>> -> memref<2x128x128xf32, #tpu.memory_space<vmem>>
    %dma_start3A_1884 = arith.constant 42 : i32
    %dma_start3A_1885 = arith.constant 0 : i32
    %dma_start3A_1886 = tpu.memref_slice %arg3[%dma_start3A_1884, %mul3A_2, %dma_start3A_1885] : memref<50x4096x128xf32, #tpu.memory_space<hbm>> -> memref<2x128x128xf32, #tpu.memory_space<hbm>>
    %dma_start3A_1887 = arith.constant 42 : i32
    %dma_start3A_1888 = arith.constant 0 : i32
    %dma_start3A_1889 = tpu.memref_slice %arg3[%dma_start3A_1887, %mul3A_2, %dma_start3A_1888] : memref<50x4096x128xf32, #tpu.memory_space<hbm>> -> memref<2x128x128xf32, #tpu.memory_space<hbm>>
    %dma_start3A_1890 = arith.constant 0 : i32
    %dma_start3A_1891 = arith.constant 1 : i32
    %dma_start3A_1892 = arith.constant 0 : i32
    %dma_start3A_1893 = tpu.memref_slice %arg4[%dma_start3A_1890, %dma_start3A_1891, %dma_start3A_1892] : memref<2x136x128xf32, #tpu.memory_space<vmem>> -> memref<2x128x128xf32, #tpu.memory_space<vmem>>
    tpu.enqueue_dma source(%dma_start3A_1893 : memref<2x128x128xf32, #tpu.memory_space<vmem>>) target(%dma_start3A_1889 : memref<2x128x128xf32, #tpu.memory_space<hbm>>) target_semaphore(%arg10 : memref<!tpu.dma_semaphore, #tpu.memory_space<semaphore_mem>>)
    %dma_wait3A_1894 = arith.constant 0 : i32
    %dma_wait3A_1895 = arith.constant 1 : i32
    %dma_wait3A_1896 = arith.constant 0 : i32
    %dma_wait3A_1897 = tpu.memref_slice %arg4[%dma_wait3A_1894, %dma_wait3A_1895, %dma_wait3A_1896] : memref<2x136x128xf32, #tpu.memory_space<vmem>> -> memref<2x128x128xf32, #tpu.memory_space<vmem>>
    %dma_wait3A_1898 = arith.constant 42 : i32
    %dma_wait3A_1899 = arith.constant 0 : i32
    %dma_wait3A_1900 = tpu.memref_slice %arg3[%dma_wait3A_1898, %mul3A_2, %dma_wait3A_1899] : memref<50x4096x128xf32, #tpu.memory_space<hbm>> -> memref<2x128x128xf32, #tpu.memory_space<hbm>>
    %dma_wait3A_1901 = arith.constant 42 : i32
    %dma_wait3A_1902 = arith.constant 0 : i32
    %dma_wait3A_1903 = tpu.memref_slice %arg3[%dma_wait3A_1901, %mul3A_2, %dma_wait3A_1902] : memref<50x4096x128xf32, #tpu.memory_space<hbm>> -> memref<2x128x128xf32, #tpu.memory_space<hbm>>
    %dma_wait3A_1904 = arith.constant 0 : i32
    %dma_wait3A_1905 = arith.constant 1 : i32
    %dma_wait3A_1906 = arith.constant 0 : i32
    %dma_wait3A_1907 = tpu.memref_slice %arg4[%dma_wait3A_1904, %dma_wait3A_1905, %dma_wait3A_1906] : memref<2x136x128xf32, #tpu.memory_space<vmem>> -> memref<2x128x128xf32, #tpu.memory_space<vmem>>
    tpu.wait_dma2 semaphore(%arg10 : memref<!tpu.dma_semaphore, #tpu.memory_space<semaphore_mem>>) src(%dma_wait3A_1907 : memref<2x128x128xf32, #tpu.memory_space<vmem>>) dst(%dma_wait3A_1903 : memref<2x128x128xf32, #tpu.memory_space<hbm>>)
    %dma_start3A_1908 = arith.constant 0 : i32
    %dma_start3A_1909 = arith.constant 0 : i32
    %dma_start3A_1910 = arith.constant 0 : i32
    %dma_start3A_1911 = tpu.memref_slice %arg4[%dma_start3A_1908, %dma_start3A_1909, %dma_start3A_1910] : memref<2x136x128xf32, #tpu.memory_space<vmem>> -> memref<2x128x128xf32, #tpu.memory_space<vmem>>
    %dma_start3A_1912 = arith.constant 48 : i32
    %dma_start3A_1913 = arith.constant 0 : i32
    %dma_start3A_1914 = tpu.memref_slice %arg2[%dma_start3A_1912, %mul3A_2, %dma_start3A_1913] : memref<50x4096x128xf32, #tpu.memory_space<hbm>> -> memref<2x128x128xf32, #tpu.memory_space<hbm>>
    %dma_start3A_1915 = arith.constant 0 : i32
    %dma_start3A_1916 = arith.constant 0 : i32
    %dma_start3A_1917 = arith.constant 0 : i32
    %dma_start3A_1918 = tpu.memref_slice %arg4[%dma_start3A_1915, %dma_start3A_1916, %dma_start3A_1917] : memref<2x136x128xf32, #tpu.memory_space<vmem>> -> memref<2x128x128xf32, #tpu.memory_space<vmem>>
    %dma_start3A_1919 = arith.constant 48 : i32
    %dma_start3A_1920 = arith.constant 0 : i32
    %dma_start3A_1921 = tpu.memref_slice %arg2[%dma_start3A_1919, %mul3A_2, %dma_start3A_1920] : memref<50x4096x128xf32, #tpu.memory_space<hbm>> -> memref<2x128x128xf32, #tpu.memory_space<hbm>>
    tpu.enqueue_dma source(%dma_start3A_1921 : memref<2x128x128xf32, #tpu.memory_space<hbm>>) target(%dma_start3A_1918 : memref<2x128x128xf32, #tpu.memory_space<vmem>>) target_semaphore(%arg7 : memref<!tpu.dma_semaphore, #tpu.memory_space<semaphore_mem>>)
    %dma_start3A_1922 = arith.constant 0 : i32
    %dma_start3A_1923 = arith.constant 128 : i32
    %dma_start3A_1924 = arith.constant 0 : i32
    %dma_start3A_1925 = tpu.memref_slice %arg4[%dma_start3A_1922, %dma_start3A_1923, %dma_start3A_1924] : memref<2x136x128xf32, #tpu.memory_space<vmem>> -> memref<2x8x128xf32, #tpu.memory_space<vmem>>
    %dma_start3A_1926 = arith.constant 48 : i32
    %dma_start3A_1927 = arith.constant 0 : i32
    %dma_start3A_1928 = tpu.memref_slice %arg2[%dma_start3A_1926, %rem3A_5, %dma_start3A_1927] : memref<50x4096x128xf32, #tpu.memory_space<hbm>> -> memref<2x8x128xf32, #tpu.memory_space<hbm>>
    %dma_start3A_1929 = arith.constant 0 : i32
    %dma_start3A_1930 = arith.constant 128 : i32
    %dma_start3A_1931 = arith.constant 0 : i32
    %dma_start3A_1932 = tpu.memref_slice %arg4[%dma_start3A_1929, %dma_start3A_1930, %dma_start3A_1931] : memref<2x136x128xf32, #tpu.memory_space<vmem>> -> memref<2x8x128xf32, #tpu.memory_space<vmem>>
    %dma_start3A_1933 = arith.constant 48 : i32
    %dma_start3A_1934 = arith.constant 0 : i32
    %dma_start3A_1935 = tpu.memref_slice %arg2[%dma_start3A_1933, %rem3A_5, %dma_start3A_1934] : memref<50x4096x128xf32, #tpu.memory_space<hbm>> -> memref<2x8x128xf32, #tpu.memory_space<hbm>>
    tpu.enqueue_dma source(%dma_start3A_1935 : memref<2x8x128xf32, #tpu.memory_space<hbm>>) target(%dma_start3A_1932 : memref<2x8x128xf32, #tpu.memory_space<vmem>>) target_semaphore(%arg7 : memref<!tpu.dma_semaphore, #tpu.memory_space<semaphore_mem>>)
    %dma_wait3A_1936 = arith.constant 0 : i32
    %dma_wait3A_1937 = arith.constant 0 : i32
    %dma_wait3A_1938 = arith.constant 0 : i32
    %dma_wait3A_1939 = tpu.memref_slice %arg5[%dma_wait3A_1936, %dma_wait3A_1937, %dma_wait3A_1938] : memref<2x136x128xf32, #tpu.memory_space<vmem>> -> memref<2x128x128xf32, #tpu.memory_space<vmem>>
    %dma_wait3A_1940 = arith.constant 44 : i32
    %dma_wait3A_1941 = arith.constant 0 : i32
    %dma_wait3A_1942 = tpu.memref_slice %arg2[%dma_wait3A_1940, %mul3A_2, %dma_wait3A_1941] : memref<50x4096x128xf32, #tpu.memory_space<hbm>> -> memref<2x128x128xf32, #tpu.memory_space<hbm>>
    %dma_wait3A_1943 = arith.constant 0 : i32
    %dma_wait3A_1944 = arith.constant 0 : i32
    %dma_wait3A_1945 = arith.constant 0 : i32
    %dma_wait3A_1946 = tpu.memref_slice %arg5[%dma_wait3A_1943, %dma_wait3A_1944, %dma_wait3A_1945] : memref<2x136x128xf32, #tpu.memory_space<vmem>> -> memref<2x128x128xf32, #tpu.memory_space<vmem>>
    %dma_wait3A_1947 = arith.constant 44 : i32
    %dma_wait3A_1948 = arith.constant 0 : i32
    %dma_wait3A_1949 = tpu.memref_slice %arg2[%dma_wait3A_1947, %mul3A_2, %dma_wait3A_1948] : memref<50x4096x128xf32, #tpu.memory_space<hbm>> -> memref<2x128x128xf32, #tpu.memory_space<hbm>>
    tpu.wait_dma2 semaphore(%arg8 : memref<!tpu.dma_semaphore, #tpu.memory_space<semaphore_mem>>) src(%dma_wait3A_1949 : memref<2x128x128xf32, #tpu.memory_space<hbm>>) dst(%dma_wait3A_1946 : memref<2x128x128xf32, #tpu.memory_space<vmem>>)
    %dma_wait3A_1950 = arith.constant 0 : i32
    %dma_wait3A_1951 = arith.constant 128 : i32
    %dma_wait3A_1952 = arith.constant 0 : i32
    %dma_wait3A_1953 = tpu.memref_slice %arg5[%dma_wait3A_1950, %dma_wait3A_1951, %dma_wait3A_1952] : memref<2x136x128xf32, #tpu.memory_space<vmem>> -> memref<2x8x128xf32, #tpu.memory_space<vmem>>
    %dma_wait3A_1954 = arith.constant 44 : i32
    %dma_wait3A_1955 = arith.constant 0 : i32
    %dma_wait3A_1956 = tpu.memref_slice %arg2[%dma_wait3A_1954, %rem3A_5, %dma_wait3A_1955] : memref<50x4096x128xf32, #tpu.memory_space<hbm>> -> memref<2x8x128xf32, #tpu.memory_space<hbm>>
    %dma_wait3A_1957 = arith.constant 0 : i32
    %dma_wait3A_1958 = arith.constant 128 : i32
    %dma_wait3A_1959 = arith.constant 0 : i32
    %dma_wait3A_1960 = tpu.memref_slice %arg5[%dma_wait3A_1957, %dma_wait3A_1958, %dma_wait3A_1959] : memref<2x136x128xf32, #tpu.memory_space<vmem>> -> memref<2x8x128xf32, #tpu.memory_space<vmem>>
    %dma_wait3A_1961 = arith.constant 44 : i32
    %dma_wait3A_1962 = arith.constant 0 : i32
    %dma_wait3A_1963 = tpu.memref_slice %arg2[%dma_wait3A_1961, %rem3A_5, %dma_wait3A_1962] : memref<50x4096x128xf32, #tpu.memory_space<hbm>> -> memref<2x8x128xf32, #tpu.memory_space<hbm>>
    tpu.wait_dma2 semaphore(%arg8 : memref<!tpu.dma_semaphore, #tpu.memory_space<semaphore_mem>>) src(%dma_wait3A_1963 : memref<2x8x128xf32, #tpu.memory_space<hbm>>) dst(%dma_wait3A_1960 : memref<2x8x128xf32, #tpu.memory_space<vmem>>)
    %dma_start3A_1964 = arith.constant 0 : i32
    %dma_start3A_1965 = arith.constant 1 : i32
    %dma_start3A_1966 = arith.constant 0 : i32
    %dma_start3A_1967 = tpu.memref_slice %arg5[%dma_start3A_1964, %dma_start3A_1965, %dma_start3A_1966] : memref<2x136x128xf32, #tpu.memory_space<vmem>> -> memref<2x128x128xf32, #tpu.memory_space<vmem>>
    %dma_start3A_1968 = arith.constant 44 : i32
    %dma_start3A_1969 = arith.constant 0 : i32
    %dma_start3A_1970 = tpu.memref_slice %arg3[%dma_start3A_1968, %mul3A_2, %dma_start3A_1969] : memref<50x4096x128xf32, #tpu.memory_space<hbm>> -> memref<2x128x128xf32, #tpu.memory_space<hbm>>
    %dma_start3A_1971 = arith.constant 44 : i32
    %dma_start3A_1972 = arith.constant 0 : i32
    %dma_start3A_1973 = tpu.memref_slice %arg3[%dma_start3A_1971, %mul3A_2, %dma_start3A_1972] : memref<50x4096x128xf32, #tpu.memory_space<hbm>> -> memref<2x128x128xf32, #tpu.memory_space<hbm>>
    %dma_start3A_1974 = arith.constant 0 : i32
    %dma_start3A_1975 = arith.constant 1 : i32
    %dma_start3A_1976 = arith.constant 0 : i32
    %dma_start3A_1977 = tpu.memref_slice %arg5[%dma_start3A_1974, %dma_start3A_1975, %dma_start3A_1976] : memref<2x136x128xf32, #tpu.memory_space<vmem>> -> memref<2x128x128xf32, #tpu.memory_space<vmem>>
    tpu.enqueue_dma source(%dma_start3A_1977 : memref<2x128x128xf32, #tpu.memory_space<vmem>>) target(%dma_start3A_1973 : memref<2x128x128xf32, #tpu.memory_space<hbm>>) target_semaphore(%arg11 : memref<!tpu.dma_semaphore, #tpu.memory_space<semaphore_mem>>)
    %dma_wait3A_1978 = arith.constant 0 : i32
    %dma_wait3A_1979 = arith.constant 0 : i32
    %dma_wait3A_1980 = arith.constant 0 : i32
    %dma_wait3A_1981 = tpu.memref_slice %arg6[%dma_wait3A_1978, %dma_wait3A_1979, %dma_wait3A_1980] : memref<2x136x128xf32, #tpu.memory_space<vmem>> -> memref<2x128x128xf32, #tpu.memory_space<vmem>>
    %dma_wait3A_1982 = arith.constant 46 : i32
    %dma_wait3A_1983 = arith.constant 0 : i32
    %dma_wait3A_1984 = tpu.memref_slice %arg2[%dma_wait3A_1982, %mul3A_2, %dma_wait3A_1983] : memref<50x4096x128xf32, #tpu.memory_space<hbm>> -> memref<2x128x128xf32, #tpu.memory_space<hbm>>
    %dma_wait3A_1985 = arith.constant 0 : i32
    %dma_wait3A_1986 = arith.constant 0 : i32
    %dma_wait3A_1987 = arith.constant 0 : i32
    %dma_wait3A_1988 = tpu.memref_slice %arg6[%dma_wait3A_1985, %dma_wait3A_1986, %dma_wait3A_1987] : memref<2x136x128xf32, #tpu.memory_space<vmem>> -> memref<2x128x128xf32, #tpu.memory_space<vmem>>
    %dma_wait3A_1989 = arith.constant 46 : i32
    %dma_wait3A_1990 = arith.constant 0 : i32
    %dma_wait3A_1991 = tpu.memref_slice %arg2[%dma_wait3A_1989, %mul3A_2, %dma_wait3A_1990] : memref<50x4096x128xf32, #tpu.memory_space<hbm>> -> memref<2x128x128xf32, #tpu.memory_space<hbm>>
    tpu.wait_dma2 semaphore(%arg9 : memref<!tpu.dma_semaphore, #tpu.memory_space<semaphore_mem>>) src(%dma_wait3A_1991 : memref<2x128x128xf32, #tpu.memory_space<hbm>>) dst(%dma_wait3A_1988 : memref<2x128x128xf32, #tpu.memory_space<vmem>>)
    %dma_wait3A_1992 = arith.constant 0 : i32
    %dma_wait3A_1993 = arith.constant 128 : i32
    %dma_wait3A_1994 = arith.constant 0 : i32
    %dma_wait3A_1995 = tpu.memref_slice %arg6[%dma_wait3A_1992, %dma_wait3A_1993, %dma_wait3A_1994] : memref<2x136x128xf32, #tpu.memory_space<vmem>> -> memref<2x8x128xf32, #tpu.memory_space<vmem>>
    %dma_wait3A_1996 = arith.constant 46 : i32
    %dma_wait3A_1997 = arith.constant 0 : i32
    %dma_wait3A_1998 = tpu.memref_slice %arg2[%dma_wait3A_1996, %rem3A_5, %dma_wait3A_1997] : memref<50x4096x128xf32, #tpu.memory_space<hbm>> -> memref<2x8x128xf32, #tpu.memory_space<hbm>>
    %dma_wait3A_1999 = arith.constant 0 : i32
    %dma_wait3A_2000 = arith.constant 128 : i32
    %dma_wait3A_2001 = arith.constant 0 : i32
    %dma_wait3A_2002 = tpu.memref_slice %arg6[%dma_wait3A_1999, %dma_wait3A_2000, %dma_wait3A_2001] : memref<2x136x128xf32, #tpu.memory_space<vmem>> -> memref<2x8x128xf32, #tpu.memory_space<vmem>>
    %dma_wait3A_2003 = arith.constant 46 : i32
    %dma_wait3A_2004 = arith.constant 0 : i32
    %dma_wait3A_2005 = tpu.memref_slice %arg2[%dma_wait3A_2003, %rem3A_5, %dma_wait3A_2004] : memref<50x4096x128xf32, #tpu.memory_space<hbm>> -> memref<2x8x128xf32, #tpu.memory_space<hbm>>
    tpu.wait_dma2 semaphore(%arg9 : memref<!tpu.dma_semaphore, #tpu.memory_space<semaphore_mem>>) src(%dma_wait3A_2005 : memref<2x8x128xf32, #tpu.memory_space<hbm>>) dst(%dma_wait3A_2002 : memref<2x8x128xf32, #tpu.memory_space<vmem>>)
    %dma_start3A_2006 = arith.constant 0 : i32
    %dma_start3A_2007 = arith.constant 1 : i32
    %dma_start3A_2008 = arith.constant 0 : i32
    %dma_start3A_2009 = tpu.memref_slice %arg6[%dma_start3A_2006, %dma_start3A_2007, %dma_start3A_2008] : memref<2x136x128xf32, #tpu.memory_space<vmem>> -> memref<2x128x128xf32, #tpu.memory_space<vmem>>
    %dma_start3A_2010 = arith.constant 46 : i32
    %dma_start3A_2011 = arith.constant 0 : i32
    %dma_start3A_2012 = tpu.memref_slice %arg3[%dma_start3A_2010, %mul3A_2, %dma_start3A_2011] : memref<50x4096x128xf32, #tpu.memory_space<hbm>> -> memref<2x128x128xf32, #tpu.memory_space<hbm>>
    %dma_start3A_2013 = arith.constant 46 : i32
    %dma_start3A_2014 = arith.constant 0 : i32
    %dma_start3A_2015 = tpu.memref_slice %arg3[%dma_start3A_2013, %mul3A_2, %dma_start3A_2014] : memref<50x4096x128xf32, #tpu.memory_space<hbm>> -> memref<2x128x128xf32, #tpu.memory_space<hbm>>
    %dma_start3A_2016 = arith.constant 0 : i32
    %dma_start3A_2017 = arith.constant 1 : i32
    %dma_start3A_2018 = arith.constant 0 : i32
    %dma_start3A_2019 = tpu.memref_slice %arg6[%dma_start3A_2016, %dma_start3A_2017, %dma_start3A_2018] : memref<2x136x128xf32, #tpu.memory_space<vmem>> -> memref<2x128x128xf32, #tpu.memory_space<vmem>>
    tpu.enqueue_dma source(%dma_start3A_2019 : memref<2x128x128xf32, #tpu.memory_space<vmem>>) target(%dma_start3A_2015 : memref<2x128x128xf32, #tpu.memory_space<hbm>>) target_semaphore(%arg12 : memref<!tpu.dma_semaphore, #tpu.memory_space<semaphore_mem>>)
    %dma_wait3A_2020 = arith.constant 0 : i32
    %dma_wait3A_2021 = arith.constant 0 : i32
    %dma_wait3A_2022 = arith.constant 0 : i32
    %dma_wait3A_2023 = tpu.memref_slice %arg4[%dma_wait3A_2020, %dma_wait3A_2021, %dma_wait3A_2022] : memref<2x136x128xf32, #tpu.memory_space<vmem>> -> memref<2x128x128xf32, #tpu.memory_space<vmem>>
    %dma_wait3A_2024 = arith.constant 48 : i32
    %dma_wait3A_2025 = arith.constant 0 : i32
    %dma_wait3A_2026 = tpu.memref_slice %arg2[%dma_wait3A_2024, %mul3A_2, %dma_wait3A_2025] : memref<50x4096x128xf32, #tpu.memory_space<hbm>> -> memref<2x128x128xf32, #tpu.memory_space<hbm>>
    %dma_wait3A_2027 = arith.constant 0 : i32
    %dma_wait3A_2028 = arith.constant 0 : i32
    %dma_wait3A_2029 = arith.constant 0 : i32
    %dma_wait3A_2030 = tpu.memref_slice %arg4[%dma_wait3A_2027, %dma_wait3A_2028, %dma_wait3A_2029] : memref<2x136x128xf32, #tpu.memory_space<vmem>> -> memref<2x128x128xf32, #tpu.memory_space<vmem>>
    %dma_wait3A_2031 = arith.constant 48 : i32
    %dma_wait3A_2032 = arith.constant 0 : i32
    %dma_wait3A_2033 = tpu.memref_slice %arg2[%dma_wait3A_2031, %mul3A_2, %dma_wait3A_2032] : memref<50x4096x128xf32, #tpu.memory_space<hbm>> -> memref<2x128x128xf32, #tpu.memory_space<hbm>>
    tpu.wait_dma2 semaphore(%arg7 : memref<!tpu.dma_semaphore, #tpu.memory_space<semaphore_mem>>) src(%dma_wait3A_2033 : memref<2x128x128xf32, #tpu.memory_space<hbm>>) dst(%dma_wait3A_2030 : memref<2x128x128xf32, #tpu.memory_space<vmem>>)
    %dma_wait3A_2034 = arith.constant 0 : i32
    %dma_wait3A_2035 = arith.constant 128 : i32
    %dma_wait3A_2036 = arith.constant 0 : i32
    %dma_wait3A_2037 = tpu.memref_slice %arg4[%dma_wait3A_2034, %dma_wait3A_2035, %dma_wait3A_2036] : memref<2x136x128xf32, #tpu.memory_space<vmem>> -> memref<2x8x128xf32, #tpu.memory_space<vmem>>
    %dma_wait3A_2038 = arith.constant 48 : i32
    %dma_wait3A_2039 = arith.constant 0 : i32
    %dma_wait3A_2040 = tpu.memref_slice %arg2[%dma_wait3A_2038, %rem3A_5, %dma_wait3A_2039] : memref<50x4096x128xf32, #tpu.memory_space<hbm>> -> memref<2x8x128xf32, #tpu.memory_space<hbm>>
    %dma_wait3A_2041 = arith.constant 0 : i32
    %dma_wait3A_2042 = arith.constant 128 : i32
    %dma_wait3A_2043 = arith.constant 0 : i32
    %dma_wait3A_2044 = tpu.memref_slice %arg4[%dma_wait3A_2041, %dma_wait3A_2042, %dma_wait3A_2043] : memref<2x136x128xf32, #tpu.memory_space<vmem>> -> memref<2x8x128xf32, #tpu.memory_space<vmem>>
    %dma_wait3A_2045 = arith.constant 48 : i32
    %dma_wait3A_2046 = arith.constant 0 : i32
    %dma_wait3A_2047 = tpu.memref_slice %arg2[%dma_wait3A_2045, %rem3A_5, %dma_wait3A_2046] : memref<50x4096x128xf32, #tpu.memory_space<hbm>> -> memref<2x8x128xf32, #tpu.memory_space<hbm>>
    tpu.wait_dma2 semaphore(%arg7 : memref<!tpu.dma_semaphore, #tpu.memory_space<semaphore_mem>>) src(%dma_wait3A_2047 : memref<2x8x128xf32, #tpu.memory_space<hbm>>) dst(%dma_wait3A_2044 : memref<2x8x128xf32, #tpu.memory_space<vmem>>)
    %dma_start3A_2048 = arith.constant 0 : i32
    %dma_start3A_2049 = arith.constant 1 : i32
    %dma_start3A_2050 = arith.constant 0 : i32
    %dma_start3A_2051 = tpu.memref_slice %arg4[%dma_start3A_2048, %dma_start3A_2049, %dma_start3A_2050] : memref<2x136x128xf32, #tpu.memory_space<vmem>> -> memref<2x128x128xf32, #tpu.memory_space<vmem>>
    %dma_start3A_2052 = arith.constant 48 : i32
    %dma_start3A_2053 = arith.constant 0 : i32
    %dma_start3A_2054 = tpu.memref_slice %arg3[%dma_start3A_2052, %mul3A_2, %dma_start3A_2053] : memref<50x4096x128xf32, #tpu.memory_space<hbm>> -> memref<2x128x128xf32, #tpu.memory_space<hbm>>
    %dma_start3A_2055 = arith.constant 48 : i32
    %dma_start3A_2056 = arith.constant 0 : i32
    %dma_start3A_2057 = tpu.memref_slice %arg3[%dma_start3A_2055, %mul3A_2, %dma_start3A_2056] : memref<50x4096x128xf32, #tpu.memory_space<hbm>> -> memref<2x128x128xf32, #tpu.memory_space<hbm>>
    %dma_start3A_2058 = arith.constant 0 : i32
    %dma_start3A_2059 = arith.constant 1 : i32
    %dma_start3A_2060 = arith.constant 0 : i32
    %dma_start3A_2061 = tpu.memref_slice %arg4[%dma_start3A_2058, %dma_start3A_2059, %dma_start3A_2060] : memref<2x136x128xf32, #tpu.memory_space<vmem>> -> memref<2x128x128xf32, #tpu.memory_space<vmem>>
    tpu.enqueue_dma source(%dma_start3A_2061 : memref<2x128x128xf32, #tpu.memory_space<vmem>>) target(%dma_start3A_2057 : memref<2x128x128xf32, #tpu.memory_space<hbm>>) target_semaphore(%arg10 : memref<!tpu.dma_semaphore, #tpu.memory_space<semaphore_mem>>)
    %dma_wait3A_2062 = arith.constant 0 : i32
    %dma_wait3A_2063 = arith.constant 1 : i32
    %dma_wait3A_2064 = arith.constant 0 : i32
    %dma_wait3A_2065 = tpu.memref_slice %arg5[%dma_wait3A_2062, %dma_wait3A_2063, %dma_wait3A_2064] : memref<2x136x128xf32, #tpu.memory_space<vmem>> -> memref<2x128x128xf32, #tpu.memory_space<vmem>>
    %dma_wait3A_2066 = arith.constant 44 : i32
    %dma_wait3A_2067 = arith.constant 0 : i32
    %dma_wait3A_2068 = tpu.memref_slice %arg3[%dma_wait3A_2066, %mul3A_2, %dma_wait3A_2067] : memref<50x4096x128xf32, #tpu.memory_space<hbm>> -> memref<2x128x128xf32, #tpu.memory_space<hbm>>
    %dma_wait3A_2069 = arith.constant 44 : i32
    %dma_wait3A_2070 = arith.constant 0 : i32
    %dma_wait3A_2071 = tpu.memref_slice %arg3[%dma_wait3A_2069, %mul3A_2, %dma_wait3A_2070] : memref<50x4096x128xf32, #tpu.memory_space<hbm>> -> memref<2x128x128xf32, #tpu.memory_space<hbm>>
    %dma_wait3A_2072 = arith.constant 0 : i32
    %dma_wait3A_2073 = arith.constant 1 : i32
    %dma_wait3A_2074 = arith.constant 0 : i32
    %dma_wait3A_2075 = tpu.memref_slice %arg5[%dma_wait3A_2072, %dma_wait3A_2073, %dma_wait3A_2074] : memref<2x136x128xf32, #tpu.memory_space<vmem>> -> memref<2x128x128xf32, #tpu.memory_space<vmem>>
    tpu.wait_dma2 semaphore(%arg11 : memref<!tpu.dma_semaphore, #tpu.memory_space<semaphore_mem>>) src(%dma_wait3A_2075 : memref<2x128x128xf32, #tpu.memory_space<vmem>>) dst(%dma_wait3A_2071 : memref<2x128x128xf32, #tpu.memory_space<hbm>>)
    %dma_wait3A_2076 = arith.constant 0 : i32
    %dma_wait3A_2077 = arith.constant 1 : i32
    %dma_wait3A_2078 = arith.constant 0 : i32
    %dma_wait3A_2079 = tpu.memref_slice %arg6[%dma_wait3A_2076, %dma_wait3A_2077, %dma_wait3A_2078] : memref<2x136x128xf32, #tpu.memory_space<vmem>> -> memref<2x128x128xf32, #tpu.memory_space<vmem>>
    %dma_wait3A_2080 = arith.constant 46 : i32
    %dma_wait3A_2081 = arith.constant 0 : i32
    %dma_wait3A_2082 = tpu.memref_slice %arg3[%dma_wait3A_2080, %mul3A_2, %dma_wait3A_2081] : memref<50x4096x128xf32, #tpu.memory_space<hbm>> -> memref<2x128x128xf32, #tpu.memory_space<hbm>>
    %dma_wait3A_2083 = arith.constant 46 : i32
    %dma_wait3A_2084 = arith.constant 0 : i32
    %dma_wait3A_2085 = tpu.memref_slice %arg3[%dma_wait3A_2083, %mul3A_2, %dma_wait3A_2084] : memref<50x4096x128xf32, #tpu.memory_space<hbm>> -> memref<2x128x128xf32, #tpu.memory_space<hbm>>
    %dma_wait3A_2086 = arith.constant 0 : i32
    %dma_wait3A_2087 = arith.constant 1 : i32
    %dma_wait3A_2088 = arith.constant 0 : i32
    %dma_wait3A_2089 = tpu.memref_slice %arg6[%dma_wait3A_2086, %dma_wait3A_2087, %dma_wait3A_2088] : memref<2x136x128xf32, #tpu.memory_space<vmem>> -> memref<2x128x128xf32, #tpu.memory_space<vmem>>
    tpu.wait_dma2 semaphore(%arg12 : memref<!tpu.dma_semaphore, #tpu.memory_space<semaphore_mem>>) src(%dma_wait3A_2089 : memref<2x128x128xf32, #tpu.memory_space<vmem>>) dst(%dma_wait3A_2085 : memref<2x128x128xf32, #tpu.memory_space<hbm>>)
    %dma_wait3A_2090 = arith.constant 0 : i32
    %dma_wait3A_2091 = arith.constant 1 : i32
    %dma_wait3A_2092 = arith.constant 0 : i32
    %dma_wait3A_2093 = tpu.memref_slice %arg4[%dma_wait3A_2090, %dma_wait3A_2091, %dma_wait3A_2092] : memref<2x136x128xf32, #tpu.memory_space<vmem>> -> memref<2x128x128xf32, #tpu.memory_space<vmem>>
    %dma_wait3A_2094 = arith.constant 48 : i32
    %dma_wait3A_2095 = arith.constant 0 : i32
    %dma_wait3A_2096 = tpu.memref_slice %arg3[%dma_wait3A_2094, %mul3A_2, %dma_wait3A_2095] : memref<50x4096x128xf32, #tpu.memory_space<hbm>> -> memref<2x128x128xf32, #tpu.memory_space<hbm>>
    %dma_wait3A_2097 = arith.constant 48 : i32
    %dma_wait3A_2098 = arith.constant 0 : i32
    %dma_wait3A_2099 = tpu.memref_slice %arg3[%dma_wait3A_2097, %mul3A_2, %dma_wait3A_2098] : memref<50x4096x128xf32, #tpu.memory_space<hbm>> -> memref<2x128x128xf32, #tpu.memory_space<hbm>>
    %dma_wait3A_2100 = arith.constant 0 : i32
    %dma_wait3A_2101 = arith.constant 1 : i32
    %dma_wait3A_2102 = arith.constant 0 : i32
    %dma_wait3A_2103 = tpu.memref_slice %arg4[%dma_wait3A_2100, %dma_wait3A_2101, %dma_wait3A_2102] : memref<2x136x128xf32, #tpu.memory_space<vmem>> -> memref<2x128x128xf32, #tpu.memory_space<vmem>>
    tpu.wait_dma2 semaphore(%arg10 : memref<!tpu.dma_semaphore, #tpu.memory_space<semaphore_mem>>) src(%dma_wait3A_2103 : memref<2x128x128xf32, #tpu.memory_space<vmem>>) dst(%dma_wait3A_2099 : memref<2x128x128xf32, #tpu.memory_space<hbm>>)
    return
  }
}

</mosaic_0001>

<sc_bundles>
// kernel: kernel.3.cloned.1.call-start
scs
__scs_entry_jumppad:
0x0: {  	(pc) =	sbr.rel $0x88, $3  }
0x1: {  	(tag) =	ssettag $0x0;
	lr =	simm.s32 $0x1  }
0x2: {  	[smem:$0x3FA0] =	sst lr;
	_ =	strace $0xD0000000  }
0x3: {  	_ = 	snop  }
0x4: {  	_ = 	snop  }
0x5: {  	_ = 	snop  }
0x6: {  	_ = 	snop  }
0x7: {  	_ = 	snop  }
__scs_overlays_trampoline_lowered:
0x8: {  	[smem:$0x3FAF] =	sst s0  }
0x9: {  	[smem:$0x3FB0] =	sst s1  }
0xa: {  	[smem:$0x3FB1] =	sst s2  }
0xb: {  	[smem:$0x3FB2] =	sst s3  }
0xc: {  	[smem:$0x3FB3] =	sst s4  }
0xd: {  	[smem:$0x3FB4] =	sst s5  }
0xe: {  	[smem:$0x3FB5] =	sst s6  }
0xf: {  	[smem:$0x3FB6] =	sst s7  }
0x10: {  	[smem:$0x3FB7] =	sst s8  }
0x11: {  	[smem:$0x3FB8] =	sst s9;
	s0 =	simm.s32 @!p0 $0x0  }
0x12: {  	s1 =	sld [smem:$0x3F9E];
	s0 =	simm.s32 @p0 $0x1  }
0x13: {  	[smem:$0x3FB9] =	sst s0;
	s0 =	simm.s32 @!p1 $0x0  }
0x14: {  	s2 =	sld [smem:$0x3F9D];
	s0 =	simm.s32 @p1 $0x1  }
0x15: {  	[smem:$0x3FBA] =	sst s0;
	s0 =	simm.s32 @!p2 $0x0  }
0x16: {  	s3 =	sld [smem:$0x3FDB];
	s0 =	simm.s32 @p2 $0x1  }
0x17: {  	s4 =	simm.s32 $0x1BF5;
	[smem:$0x3FBC] =	sst s0  }
0x18: {  	s0 =	sld [smem:$0x3F9F];
	_ =	swait.ge [sflag:s4], $0x0  }
0x19: {  	s7 =	sld [smem:$0x3FA0]  }
0x1a: {  	s8 =	sadd.s32 $0xFFFFE003, lr  }
0x1b: {  	s9 =	sadd.s32 $0xFFFFFEF7, lr;
	s5 =	simm.s32 $0xFFFFFFFF;
	p2 =	slt.u32 s8, $0xFFFFF086  }
0x1c: {  	p1 =	slt.u32 s9, $0xF7A;
	s5 =	simm.s32 @!p2 $0x0  }
0x1d: {  	s5 =	simm.s32 @p1 $0x1;
	p0 =	seq.s32 s7, s2  }
0x1e: {  	s7 =	smul.u32 @!p0 $0xF7A, s2;
	p2 =	seq.s32 @!p0 s5, $0x0  }
0x1f: {  	s9 =	smul.u32 $0xF7A, s1;
	s8 =	simm.s32 @!p0 $0x1BF5;
	p2 =	por !p2, p0  }
0x20: {  	[sflag:s8] =	ssyncset.s32 @!p0 $0xFFFFF086;
	s6 =	sadd.s32 @!p0 s3, s7;
	s7 =	simm.s32 @!p0 $0x108  }
0x21: {  	s3 =	sadd.s32 s3, s9;
	s6 =	sadd.s32 @!p0 $0x88, s6;
	s7 =	simm.s32 @p2 $0x1082  }
0x22: {  	[simem:s7], [sflag:s8] =	dma.local @!p0 [hbm:s6], $0xF7A  }
0x23: {  	s9 =	sor.u32 $0xD0000000, s2;
	s6 =	simm.s32 $0x108;
	_ =	swait.ge @!p0 [sflag:s8], $0x0  }
0x24: {  	s3 =	sadd.s32 $0x88, s3;
	s6 =	simm.s32 @!p1 $0x1082;
	[sflag:s4] =	ssyncset.s32 $0xFFFFF086  }
0x25: {  	[simem:s6], [sflag:s4] =	dma.local [hbm:s3], $0xF7A  }
0x26: {  	[smem:$0x3FA0] =	sst s1;
	(tag) =	ssettag s2;
	_ =	strace s9  }
0x27: {  	s1 =	sld [smem:$0x3FB0]  }
0x28: {  	s2 =	sld [smem:$0x3FB1]  }
0x29: {  	s4 =	sld [smem:$0x3FB3]  }
0x2a: {  	p0 =	seq.s32 s5, $0x0;
	s5 =	sld [smem:$0x3FB4]  }
0x2b: {  	s6 =	sld [smem:$0x3FB5]  }
0x2c: {  	s7 =	sld [smem:$0x3FB6]  }
0x2d: {  	s3 =	simm.s32 $0x108;
	s8 =	sld [smem:$0x3FB7]  }
0x2e: {  	s3 =	simm.s32 @!p0 $0x1082;
	s9 =	sld [smem:$0x3FB8]  }
0x2f: {  	lr =	sadd.s32 s0, s3;
	s0 =	sld [smem:$0x3FAF]  }
0x30: {  	s3 =	sld [smem:$0x3FB2]  }
0x31: {  	[smem:$0x3FBB] =	sst s10  }
0x32: {  	s10 =	sld [smem:$0x3FB9];
	_ =	sdelay $0x3  }
0x33: {  	p0 =	seq.s32 s10, $0x1;
	s10 =	sld [smem:$0x3FBB];
	_ =	sdelay $0x3  }
0x34: {  	[smem:$0x3FBB] =	sst s10  }
0x35: {  	s10 =	sld [smem:$0x3FBA];
	_ =	sdelay $0x3  }
0x36: {  	p1 =	seq.s32 s10, $0x1;
	s10 =	sld [smem:$0x3FBB];
	_ =	sdelay $0x3  }
0x37: {  	[smem:$0x3FBB] =	sst s10  }
0x38: {  	s10 =	sld [smem:$0x3FBC]  }
0x39: {  	_ = 	snop;
	(pc) =	sbr.ind lr, $3  }
0x3a: {  	_ = 	snop  }
0x3b: {  	_ = 	snop  }
0x3c: {  	p2 =	seq.s32 s10, $0x1;
	s10 =	sld [smem:$0x3FBB]  }
0x3d: {  	_ =	shalt  }
0x3e: {  	_ =	shalt  }
0x3f: {  	_ =	shalt  }
0x40: {  	_ =	shalt  }
0x41: {  	_ =	shalt  }
0x42: {  	_ =	shalt  }
0x43: {  	_ =	shalt  }
0x44: {  	_ =	shalt  }
0x45: {  	_ =	shalt  }
0x46: {  	_ =	shalt  }
0x47: {  	_ =	shalt  }
0x48: {  	_ =	shalt  }
0x49: {  	_ =	shalt  }
0x4a: {  	_ =	shalt  }
0x4b: {  	_ =	shalt  }
0x4c: {  	_ =	shalt  }
0x4d: {  	_ =	shalt  }
0x4e: {  	_ =	shalt  }
0x4f: {  	_ =	shalt  }
0x50: {  	_ =	shalt  }
0x51: {  	_ =	shalt  }
0x52: {  	_ =	shalt  }
0x53: {  	_ =	shalt  }
0x54: {  	_ =	shalt  }
0x55: {  	_ =	shalt  }
0x56: {  	_ =	shalt  }
0x57: {  	_ =	shalt  }
0x58: {  	_ =	shalt  }
0x59: {  	_ =	shalt  }
0x5a: {  	_ =	shalt  }
0x5b: {  	_ =	shalt  }
0x5c: {  	_ =	shalt  }
0x5d: {  	_ =	shalt  }
0x5e: {  	_ =	shalt  }
0x5f: {  	_ =	shalt  }
0x60: {  	_ =	shalt  }
0x61: {  	_ =	shalt  }
0x62: {  	_ =	shalt  }
0x63: {  	_ =	shalt  }
0x64: {  	_ =	shalt  }
0x65: {  	_ =	shalt  }
0x66: {  	_ =	shalt  }
0x67: {  	_ =	shalt  }
0x68: {  	_ =	shalt  }
0x69: {  	_ =	shalt  }
0x6a: {  	_ =	shalt  }
0x6b: {  	_ =	shalt  }
0x6c: {  	_ =	shalt  }
0x6d: {  	_ =	shalt  }
0x6e: {  	_ =	shalt  }
0x6f: {  	_ =	shalt  }
0x70: {  	_ =	shalt  }
0x71: {  	_ =	shalt  }
0x72: {  	_ =	shalt  }
0x73: {  	_ =	shalt  }
0x74: {  	_ =	shalt  }
0x75: {  	_ =	shalt  }
0x76: {  	_ =	shalt  }
0x77: {  	_ =	shalt  }
0x78: {  	_ =	shalt  }
0x79: {  	_ =	shalt  }
0x7a: {  	_ =	shalt  }
0x7b: {  	_ =	shalt  }
0x7c: {  	_ =	shalt  }
0x7d: {  	_ =	shalt  }
0x7e: {  	_ =	shalt  }
0x7f: {  	_ =	shalt  }
0x80: {  	_ =	shalt  }
0x81: {  	_ =	shalt  }
0x82: {  	_ =	shalt  }
0x83: {  	_ =	shalt  }
0x84: {  	_ =	shalt  }
0x85: {  	_ =	shalt  }
0x86: {  	_ =	shalt  }
0x87: {  	_ =	shalt  }
.Lfunc_end0:
.L_simem_size_0:
called_computation_lowered:
.L_overlay_start_0:
0x88: {  	s2 =	sld [smem:$0x3FD9]  }
0x89: {  	s3 =	sld [smem:$0x3FFE];
	_ =	sdelay $0x1  }
0x8a: {  	s1 =	srdreg.scid  }
0x8b: {  	s0 =	sand.u32 $0x1, s1  }
0x8c: {  	s18 =	sshll.u32 s0, $0xA;
	s2 =	sadd.s32 s3, s2  }
0x8d: {  	s2 =	sadd.s32 s2, s18  }
0x8e: {  	[smem:$0x3FC7] =	sst s2  }
0x8f: {  	_ = 	snop  }
0x90: {  	s2 =	sld [smem:$0x3FC9]  }
0x91: {  	s19 =	sld [smem:$0x3FD0];
	(tm) =	ssettm $0x1  }
0x92: {  	s4 =	sld [smem:$0x3FFB];
	_ =	sdelay $0x3  }
0x93: {  	_ =	strace s4  }
0x94: {  	s4 =	sld [smem:$0x3FFC];
	_ =	sdelay $0x3  }
0x95: {  	_ =	strace s4  }
0x96: {  	s4 =	sld [smem:$0x3FFD];
	_ =	sdelay $0x3  }
0x97: {  	_ =	strace s4  }
0x98: {  	_ =	strace $0x8FFFFFFF  }
0x99: {  	s20 =	sld [smem:$0x3FDB];
	_ =	sdelay $0x1  }
0x9a: {  	s5 =	simm.s32 $_scs_section_size  }
0x9b: {  	s6 =	simm.s32 $_size__tile_overlayer_lowered;
	s7 =	simm.s32 $_tile_overlayer_lowered  }
0x9c: {  	s23 =	simm.s32 $0x1BFF;
	s22 =	sshll.u32 s7, $0x1;
	s4 =	sadd.s32 s5, s20  }
0x9d: {  	s8 =	simm.s32 $0x0;
	s21 =	sshll.u32 s6, $0x1;
	s6 =	sadd.s32 s22, s4  }
0x9e: {  	[timem:s8], [sflag:s23] =	dma.local [hbm:s6], s21  }
0x9f: {  	_ =	swait.ge [sflag:s23], s21  }
0xa0: {  	s5 =	ssub.s32 $0x0, s21;
	[sflag:s23] =	ssyncset.done $0x0  }
0xa1: {  	[sflag:s23] =	ssyncadd.s32 s5;
	_ =	sdelay $0x1  }
0xa2: {  	s24 =	simm.s32 $0x1B8B  }
0xa3: {  	_ =	swait.ge [sflag:s24], $0x1  }
0xa4: {  	[sflag:s24] =	ssyncset.done $0x0  }
0xa5: {  	s25 =	simm.s32 $0x1B8E;
	[sflag:s24] =	ssyncadd.s32 $0xFFFFFFFF  }
0xa6: {  	s26 =	simm.s32 $execute0_lowered;
	[smem:$0x3FD2] =	sst s25  }
0xa7: {  	s5 =	sshll.u32 s26, $0x1;
	_ =	strace $0x80000046;
	[dreg:$0x1] =	wrdreg $0xFFFFFFFF  }
0xa8: {  	s28 =	simm.s32 $_size_execute0_lowered;
	s4 =	sadd.s32 s4, s5;
	[dreg:$0x0] =	wrdreg $0x0  }
0xa9: {  	s5 =	sshll.u32 s28, $0x1;
	[dreg:$0x2] =	wrdreg s4  }
0xaa: {  	[dreg:$0x3] =	wrdreg s5  }
0xab: {  	[dreg:$0x4] =	wrdreg $0xC0  }
0xac: {  	_ =	task [dreg:s8], $0x5FFFF  }
0xad: {  	[dreg:$0x1] =	wrdreg $0xFFFFFFFF  }
0xae: {  	[dreg:$0x0] =	wrdreg $0x60  }
0xaf: {  	[dreg:$0x2] =	wrdreg s2  }
0xb0: {  	[dreg:$0x3] =	wrdreg s19  }
0xb1: {  	[dreg:$0x4] =	wrdreg $0x9  }
0xb2: {  	_ =	task.clear_ibuf [dreg:s8], $0x5FFFF;
	_ =	strace $0x90000046  }
0xb3: {  	s29 =	simm.s32 $0x9;
	_ =	strace $0x80000048  }
0xb4: {  	_ =	swait.ge [sflag:s29], $0x1  }
0xb5: {  	[sflag:s29] =	ssyncadd.s32 $0xFFFFFFFF  }
0xb6: {  	_ =	strace $0x90000048  }
0xb7: {  	_ =	sfence  }
0xb8: {  	s30 =	sld [smem:$0x0];
	_ =	sdelay $0x2  }
0xb9: {  	s31 =	sshll.u32 s1, $0xD;
	s1 =	sshrl.u32 s1, $0x2  }
0xba: {  	s3 =	sand.u32 $0x4000, s31;
	s1 =	sadd.s32 s1, s30  }
0xbb: {  	s0 =	sor.u32 s3, s0;
	s1 =	sshll.u32 s1, $0x11  }
0xbc: {  	s0 =	sor.u32 s1, s0  }
0xbd: {  	s0 =	sadd.s32 $0x8F2B, s0  }
0xbe: {  	[sflag:s0] =	ssyncadd.remote.s32 $0x1  }
0xbf: {  	_ =	sfence.sel $0xFFFF  }
0xc0: {  	[dreg:$0x0] =	wrdreg $0xFFFFFFFF;
	(pc) =	sbr.abs _section_cstart, $3  }
0xc1: {  	[dreg:$0x1] =	wrdreg $0xFFFFFFFF  }
0xc2: {  	_ =	task.clear_ibuf [dreg:s8], $0x2FFFF;
	_ =	strace $0x9FFFFFFF  }
0xc3: {  	(tm) =	ssettm $0x7FFFFFFF  }
tec
execute0_lowered:
.L_overlay_start_1:
0x0: {  	(tag) =	ssettag $0x1  }
0x1: {  	s0 =	srdreg.scid;
	s1 =	rddreg [dreg:$0x0]  }
0x2: {  	s24 =	stileid.u32;
	s30 =	rddreg [dreg:$0x2];
	s2 =	simm.s32 $0x0  }
0x3: {  	s3 =	sand.u32 $0x1, s0;
	s0 =	rddreg [dreg:$0x1];
	s4 =	sshll.u32 s24, $0xC  }
0x4: {  	[smem:$0x7FF] =	sst s2;
	s5 =	sshll.u32 s3, $0xB;
	s3 =	ssub.s32 $0x2, s3  }
0x5: {  	_ =	strace $0x80000047;
	s4 =	sor.u32 s5, s4;
	s6 =	sshrl.u32 s3, $0x1  }
0x6: {  	s3 =	ssub.s32 s3, s6;
	s9 =	sadd.s32 s1, s4;
	s22 =	sor.u32 $0x60000, s4  }
0x7: {  	s23 =	sor.u32 $0x80000, s4;
	s8 =	sadd.s32 s1, s22;
	[smem:$0x7D5] =	sst s9  }
0x8: {  	s21 =	sor.u32 $0x40000, s4;
	s25 =	sadd.s32 s1, s23;
	[smem:$0x7CD] =	sst s8  }
0x9: {  	s26 =	sor.u32 $0xA0000, s4;
	s6 =	sadd.s32 s0, s21;
	[smem:$0x7CF] =	sst s25  }
0xa: {  	s14 =	sor.u32 $0xC0000, s4;
	s13 =	sadd.s32 s1, s26;
	[smem:$0x7D0] =	sst s6  }
0xb: {  	s5 =	sadd.s32 $0x800, s4;
	s15 =	sadd.s32 s1, s14;
	[smem:$0x7D1] =	sst s13  }
0xc: {  	s19 =	sor.u32 $0x20000, s4;
	s16 =	sadd.s32 $0x10000, s9;
	[smem:$0x7D3] =	sst s15  }
0xd: {  	s17 =	sor.u32 $0xE0000, s4;
	s12 =	sadd.s32 s1, s19;
	[dreg:$0x3] =	wrdreg s16  }
0xe: {  	s5 =	sand.u32 $0xF800, s5;
	s10 =	sadd.s32 s1, s21;
	[smem:$0x7D7] =	sst s12  }
0xf: {  	s11 =	sadd.s32 s1, s5;
	s5 =	sadd.s32 s0, s19;
	[smem:$0x7D9] =	sst s10  }
0x10: {  	s19 =	sadd.s32 s1, s17;
	[smem:$0x7CE] =	sst s5  }
0x11: {  	s6 =	sadd.s32 s0, s26;
	[smem:$0x7D6] =	sst s19  }
0x12: {  	s8 =	sadd.s32 s0, s17;
	[smem:$0x7D8] =	sst s6  }
0x13: {  	s20 =	sadd.s32 $0x20000, s11;
	[smem:$0x7DC] =	sst s8  }
0x14: {  	s7 =	sadd.s32 $0x40000, s11;
	[dreg:$0x6] =	wrdreg s20  }
0x15: {  	s5 =	sadd.s32 s0, s23;
	[dreg:$0x9] =	wrdreg s7  }
0x16: {  	s18 =	sadd.s32 $0x10000, s11;
	[smem:$0x7D4] =	sst s5  }
0x17: {  	s21 =	sadd.s32 $0x30000, s11;
	[dreg:$0x4] =	wrdreg s18  }
0x18: {  	s26 =	sor.u32 $0x120000, s4;
	s23 =	sadd.s32 $0x10000, s10;
	[dreg:$0x7] =	wrdreg s21  }
0x19: {  	s15 =	sor.u32 $0x180000, s4;
	s9 =	sadd.s32 s1, s26;
	[dreg:$0x8] =	wrdreg s23  }
0x1a: {  	s16 =	sadd.s32 s1, s15;
	[smem:$0x7DE] =	sst s9  }
0x1b: {  	s7 =	sadd.s32 s0, s22;
	[smem:$0x7E4] =	sst s16  }
0x1c: {  	s20 =	sadd.s32 $0x10000, s12;
	[smem:$0x7D2] =	sst s7  }
0x1d: {  	s10 =	sor.u32 $0x140000, s4;
	s5 =	sadd.s32 s0, s26;
	[dreg:$0x5] =	wrdreg s20  }
0x1e: {  	s17 =	sor.u32 $0x1A0000, s4;
	s12 =	sadd.s32 s1, s10;
	[smem:$0x7DF] =	sst s5  }
0x1f: {  	s8 =	sor.u32 $0x240000, s4;
	s18 =	sadd.s32 s1, s17;
	[smem:$0x7E0] =	sst s12  }
0x20: {  	s22 =	sor.u32 $0x100000, s4;
	s9 =	sadd.s32 s1, s8;
	[smem:$0x7E6] =	sst s18  }
0x21: {  	s25 =	sadd.s32 s1, s22;
	[dreg:$0x1d] =	wrdreg s9  }
0x22: {  	s7 =	sadd.s32 s0, s14;
	[smem:$0x7DA] =	sst s25  }
0x23: {  	s6 =	sadd.s32 s0, s22;
	[smem:$0x7DB] =	sst s7  }
0x24: {  	s13 =	sor.u32 $0x160000, s4;
	s5 =	sadd.s32 s0, s10;
	[smem:$0x7DD] =	sst s6  }
0x25: {  	s19 =	sor.u32 $0x1C0000, s4;
	s14 =	sadd.s32 s1, s13;
	[smem:$0x7E1] =	sst s5  }
0x26: {  	s21 =	sor.u32 $0x1E0000, s4;
	s20 =	sadd.s32 s1, s19;
	[smem:$0x7E2] =	sst s14  }
0x27: {  	s22 =	sadd.s32 s1, s21;
	[smem:$0x7E8] =	sst s20  }
0x28: {  	s9 =	sadd.s32 $0x120000, s11;
	[smem:$0x7E9] =	sst s22  }
0x29: {  	s23 =	sor.u32 $0x200000, s4;
	s5 =	sadd.s32 s0, s13;
	[smem:$0x7F3] =	sst s9  }
0x2a: {  	s26 =	sor.u32 $0x220000, s4;
	s25 =	sadd.s32 s1, s23;
	[smem:$0x7E3] =	sst s5  }
0x2b: {  	s10 =	sor.u32 $0x260000, s4;
	s7 =	sadd.s32 s1, s26;
	[smem:$0x7EA] =	sst s25  }
0x2c: {  	s18 =	sor.u32 $0x2C0000, s4;
	s12 =	sadd.s32 s1, s10;
	[smem:$0x7EB] =	sst s7  }
0x2d: {  	s20 =	sadd.s32 s1, s18;
	[dreg:$0x1a] =	wrdreg s12  }
0x2e: {  	s22 =	sadd.s32 s0, s18;
	[dreg:$0x12] =	wrdreg s20  }
0x2f: {  	s18 =	sadd.s32 $0x220000, s11;
	[dreg:$0xb] =	wrdreg s22  }
0x30: {  	s13 =	sor.u32 $0x280000, s4;
	s5 =	sadd.s32 s0, s15;
	[smem:$0x7FB] =	sst s18  }
0x31: {  	s14 =	sadd.s32 s1, s13;
	[smem:$0x7E5] =	sst s5  }
0x32: {  	s25 =	smax.u32 s3, $0x1;
	s3 =	sadd.s32 $0xA0000, s11;
	[dreg:$0x17] =	wrdreg s14  }
0x33: {  	s12 =	sadd.s32 $0x160000, s11;
	[smem:$0x7EF] =	sst s3  }
0x34: {  	s20 =	sadd.s32 $0x260000, s11;
	[smem:$0x7F5] =	sst s12  }
0x35: {  	p0 =	por $0x0, $0x0;
	s22 =	sadd.s32 $0x2A0000, s11;
	[smem:$0x7FD] =	sst s20  }
0x36: {  	s15 =	sor.u32 $0x2A0000, s4;
	s5 =	sadd.s32 s0, s17;
	[dreg:$0x1b] =	wrdreg s22  }
0x37: {  	s28 =	simm.s32 $0x8880;
	s16 =	sadd.s32 s1, s15;
	[smem:$0x7E7] =	sst s5  }
0x38: {  	s6 =	smov.u32 s11;
	s17 =	sadd.s32 s0, s4;
	[dreg:$0x15] =	wrdreg s16  }
0x39: {  	p1 =	sne.s32 s25, $0x1;
	s14 =	sadd.s32 $0x1A0000, s11;
	[smem:$0x7EC] =	sst s17  }
0x3a: {  	s29 =	sadd.s32 $0xFFFFFFFF, s25;
	s25 =	sadd.s32 $0x2E0000, s11;
	[smem:$0x7F7] =	sst s14  }
0x3b: {  	s9 =	simm.s32 $0x10C00;
	s5 =	sadd.s32 s0, s19;
	[dreg:$0x14] =	wrdreg s25  }
0x3c: {  	s18 =	simm.s32 $0x8400;
	s16 =	sadd.s32 $0x1E0000, s11;
	[dreg:$0x1f] =	wrdreg s5  }
0x3d: {  	s20 =	simm.s32 $0x4000;
	s17 =	sadd.s32 $0x200000, s11;
	[smem:$0x7F9] =	sst s16  }
0x3e: {  	s19 =	sor.u32 $0x2E0000, s4;
	s5 =	sadd.s32 s0, s21;
	[smem:$0x7FA] =	sst s17  }
0x3f: {  	s4 =	sor.u32 $0x300000, s4;
	s21 =	sadd.s32 s1, s19;
	[dreg:$0x1c] =	wrdreg s5  }
0x40: {  	s3 =	simm.s32 $0x15000;
	s1 =	sadd.s32 s1, s4;
	[dreg:$0xf] =	wrdreg s21  }
0x41: {  	s7 =	sadd.s32 s0, s4;
	s4 =	sadd.s32 $0xC0000, s11;
	[dreg:$0xd] =	wrdreg s1  }
0x42: {  	s31 =	sadd.s32 s0, s19;
	s19 =	sadd.s32 $0x240000, s11;
	[smem:$0x7F0] =	sst s4  }
0x43: {  	s12 =	simm.s32 $0x80;
	s5 =	sadd.s32 s0, s23;
	[smem:$0x7FC] =	sst s19  }
0x44: {  	s22 =	simm.s32 $0x3;
	s23 =	sadd.s32 $0x50000, s11;
	[dreg:$0x19] =	wrdreg s5  }
0x45: {  	s14 =	simm.s32 $0xCC00;
	s1 =	sadd.s32 $0x80000, s11;
	[dreg:$0xa] =	wrdreg s23  }
0x46: {  	s25 =	simm.s32 $0xCC80;
	s21 =	sadd.s32 $0x280000, s11;
	[smem:$0x7EE] =	sst s1  }
0x47: {  	s17 =	simm.s32 $0x8800;
	s5 =	sadd.s32 s0, s26;
	[dreg:$0x1e] =	wrdreg s21  }
0x48: {  	s16 =	simm.s32 $0xC800;
	s26 =	sadd.s32 $0x60000, s11;
	[dreg:$0x16] =	wrdreg s5  }
0x49: {  	s19 =	simm.s32 $0x4400;
	s23 =	sadd.s32 $0x2C0000, s11;
	[smem:$0x7ED] =	sst s26  }
0x4a: {  	s4 =	simm.s32 $0x11000;
	s5 =	sadd.s32 s0, s8;
	[dreg:$0x18] =	wrdreg s23  }
0x4b: {  	s1 =	simm.s32 $0x19400;
	s8 =	sadd.s32 $0x100000, s11;
	[dreg:$0x13] =	wrdreg s5  }
0x4c: {  	s21 =	simm.s32 $0x15480;
	s26 =	sadd.s32 $0x300000, s11;
	[smem:$0x7F2] =	sst s8  }
0x4d: {  	s23 =	simm.s32 $0x11080;
	s5 =	sadd.s32 s0, s10;
	[dreg:$0x10] =	wrdreg s26  }
0x4e: {  	s10 =	sadd.s32 $0x140000, s11;
	s8 =	simm.s32 $0x4;
	[dreg:$0x11] =	wrdreg s5  }
0x4f: {  	s26 =	simm.s32 $0x2;
	s5 =	sadd.s32 s0, s13;
	[smem:$0x7F4] =	sst s10  }
.Ltmp0:
0x50: {  	s13 =	sadd.s32 $0x180000, s11;
	[dreg:$0xe] =	wrdreg s5;
	(pc) =	sbr.rel @!p1 .LBB2_5-.Ltmp0, $4  }
0x51: {  	s10 =	simm.s32 $0x4480;
	s5 =	sadd.s32 s0, s15;
	[smem:$0x7F6] =	sst s13  }
0x52: {  	s15 =	sadd.s32 $0x1C0000, s11;
	s0 =	simm.s32 $0x15400;
	[dreg:$0xc] =	wrdreg s5  }
0x53: {  	s13 =	simm.s32 $0x5;
	s5 =	sadd.s32 $0xE0000, s11;
	[smem:$0x7F8] =	sst s15  }
0x54: {  	s11 =	simm.s32 $0x1;
	s15 =	simm.s32 $0x6;
	[smem:$0x7F1] =	sst s5  }
0x55: {  	s24 =	sld [smem:$0x7D5];
	_ =	sdelay $0x2  }
0x56: {  	[tilespmem:s2], [sflag:$0x1] =	stream.linear.gather [hbm4b:s24+s2], $0x4000, $0x38;
	[tilespmem:$0x19800] =	vst v63  }
0x57: {  	s5 =	rddreg [dreg:$0x3]  }
0x58: {  	[tilespmem:s19], [sflag:$0x1] =	stream.linear.gather [hbm4b:s5+s2], $0x4000, $0x38;
	[tilespmem:$0x19800] =	vst v63  }
0x59: {  	s30 =	sld [smem:$0x7D7]  }
0x5a: {  	[tilespmem:s20], [sflag:$0x1] =	stream.linear.gather [hbm4b:s6+s2], $0x400, $0x38;
	[tilespmem:$0x19800] =	vst v63  }
0x5b: {  	s24 =	rddreg [dreg:$0x4]  }
0x5c: {  	[tilespmem:s18], [sflag:$0x1] =	stream.linear.gather [hbm4b:s24+s2], $0x400, $0x38;
	[tilespmem:$0x19800] =	vst v63  }
0x5d: {  	s5 =	rddreg [dreg:$0x5]  }
0x5e: {  	[tilespmem:s17], [sflag:$0x2] =	stream.linear.gather [hbm4b:s30+s2], $0x4000, $0x38;
	[tilespmem:$0x19800] =	vst v63  }
0x5f: {  	s24 =	rddreg [dreg:$0x6]  }
0x60: {  	[tilespmem:s14], [sflag:$0x2] =	stream.linear.gather [hbm4b:s5+s2], $0x4000, $0x38;
	[tilespmem:$0x19800] =	vst v63  }
0x61: {  	s30 =	rddreg [dreg:$0x7]  }
0x62: {  	[tilespmem:s16], [sflag:$0x2] =	stream.linear.gather [hbm4b:s24+s2], $0x400, $0x38;
	[tilespmem:$0x19800] =	vst v63  }
0x63: {  	s24 =	sld [smem:$0x7D9]  }
0x64: {  	[tilespmem:s9], [sflag:$0x2] =	stream.linear.gather [hbm4b:s30+s2], $0x400, $0x38;
	[tilespmem:$0x19800] =	vst v63  }
0x65: {  	[smem:$0x789] =	sst s6  }
0x66: {  	[tilespmem:s4], [sflag:$0x3] =	stream.linear.gather [hbm4b:s24+s2], $0x4000, $0x38;
	[tilespmem:$0x19800] =	vst v63  }
0x67: {  	s5 =	rddreg [dreg:$0x8]  }
0x68: {  	[tilespmem:s0], [sflag:$0x3] =	stream.linear.gather [hbm4b:s5+s2], $0x4000, $0x38;
	[tilespmem:$0x19800] =	vst v63  }
0x69: {  	s30 =	rddreg [dreg:$0x9]  }
0x6a: {  	[tilespmem:s3], [sflag:$0x3] =	stream.linear.gather [hbm4b:s30+s2], $0x400, $0x38;
	[tilespmem:$0x19800] =	vst v63  }
0x6b: {  	s24 =	rddreg [dreg:$0xa]  }
0x6c: {  	[tilespmem:s1], [sflag:$0x3] =	stream.linear.gather [hbm4b:s24+s2], $0x400, $0x38;
	[tilespmem:$0x19800] =	vst v63  }
0x6d: {  	_ =	swait.ge [sflag:s11], $0x8000  }
0x6e: {  	[sflag:s11] =	ssyncset.done $0x0  }
0x6f: {  	[sflag:s11] =	ssyncadd.s32 $0xFFFF8000  }
0x70: {  	_ =	swait.ge [sflag:s11], $0x800  }
0x71: {  	s30 =	sld [smem:$0x7EC]  }
0x72: {  	[sflag:s11] =	ssyncset.done $0x0  }
0x73: {  	[sflag:s11] =	ssyncadd.s32 $0xFFFFF800  }
0x74: {  	[hbm4b:s30+s2] =	stream.linear.scatter [tilespmem:s12], [sflag:$0x4], $0x4000, $0x38;
	[tilespmem:$0x19800] =	vst v63  }
0x75: {  	s5 =	sadd.s32 $0x10000, s30  }
0x76: {  	[smem:$0x78A] =	sst s5  }
0x77: {  	[hbm4b:s5+s2] =	stream.linear.scatter [tilespmem:s10], [sflag:$0x4], $0x4000, $0x38;
	[tilespmem:$0x19800] =	vst v63  }
0x78: {  	_ =	swait.ge [sflag:s8], $0x8000  }
0x79: {  	s6 =	sld [smem:$0x7CD]  }
0x7a: {  	[sflag:s8] =	ssyncset.done $0x0  }
0x7b: {  	s24 =	sld [smem:$0x7ED];
	[sflag:s8] =	ssyncadd.s32 $0xFFFF8000  }
0x7c: {  	[tilespmem:s2], [sflag:$0x1] =	stream.linear.gather [hbm4b:s6+s2], $0x4000, $0x38;
	[tilespmem:$0x19800] =	vst v63  }
0x7d: {  	s5 =	sadd.s32 $0x10000, s6  }
0x7e: {  	[tilespmem:s19], [sflag:$0x1] =	stream.linear.gather [hbm4b:s5+s2], $0x4000, $0x38;
	[tilespmem:$0x19800] =	vst v63  }
0x7f: {  	[smem:$0x78B] =	sst s5;
	s5 =	sadd.s32 $0x10000, s24  }
0x80: {  	[tilespmem:s20], [sflag:$0x1] =	stream.linear.gather [hbm4b:s24+s2], $0x400, $0x38;
	[tilespmem:$0x19800] =	vst v63  }
0x81: {  	[smem:$0x78C] =	sst s5  }
0x82: {  	[tilespmem:s18], [sflag:$0x1] =	stream.linear.gather [hbm4b:s5+s2], $0x400, $0x38;
	[tilespmem:$0x19800] =	vst v63  }
0x83: {  	_ =	swait.ge [sflag:s26], $0x8000  }
0x84: {  	[sflag:s26] =	ssyncset.done $0x0  }
0x85: {  	[sflag:s26] =	ssyncadd.s32 $0xFFFF8000  }
0x86: {  	_ =	swait.ge [sflag:s26], $0x800  }
0x87: {  	s30 =	sld [smem:$0x7CE]  }
0x88: {  	[sflag:s26] =	ssyncset.done $0x0  }
0x89: {  	[sflag:s26] =	ssyncadd.s32 $0xFFFFF800  }
0x8a: {  	[hbm4b:s30+s2] =	stream.linear.scatter [tilespmem:s28], [sflag:$0x5], $0x4000, $0x38;
	[tilespmem:$0x19800] =	vst v63  }
0x8b: {  	s5 =	sadd.s32 $0x10000, s30  }
0x8c: {  	[smem:$0x78D] =	sst s5  }
0x8d: {  	[hbm4b:s5+s2] =	stream.linear.scatter [tilespmem:s25], [sflag:$0x5], $0x4000, $0x38;
	[tilespmem:$0x19800] =	vst v63  }
0x8e: {  	_ =	swait.ge [sflag:s13], $0x8000  }
0x8f: {  	s6 =	sld [smem:$0x7CF]  }
0x90: {  	[sflag:s13] =	ssyncset.done $0x0  }
0x91: {  	s24 =	sld [smem:$0x7EE];
	[sflag:s13] =	ssyncadd.s32 $0xFFFF8000  }
0x92: {  	[tilespmem:s17], [sflag:$0x2] =	stream.linear.gather [hbm4b:s6+s2], $0x4000, $0x38;
	[tilespmem:$0x19800] =	vst v63  }
0x93: {  	s5 =	sadd.s32 $0x10000, s6  }
0x94: {  	[tilespmem:s14], [sflag:$0x2] =	stream.linear.gather [hbm4b:s5+s2], $0x4000, $0x38;
	[tilespmem:$0x19800] =	vst v63  }
0x95: {  	[smem:$0x78E] =	sst s5;
	s5 =	sadd.s32 $0x10000, s24  }
0x96: {  	[tilespmem:s16], [sflag:$0x2] =	stream.linear.gather [hbm4b:s24+s2], $0x400, $0x38;
	[tilespmem:$0x19800] =	vst v63  }
0x97: {  	[smem:$0x78F] =	sst s5  }
0x98: {  	[tilespmem:s9], [sflag:$0x2] =	stream.linear.gather [hbm4b:s5+s2], $0x400, $0x38;
	[tilespmem:$0x19800] =	vst v63  }
0x99: {  	_ =	swait.ge [sflag:s22], $0x8000  }
0x9a: {  	[sflag:s22] =	ssyncset.done $0x0  }
0x9b: {  	[sflag:s22] =	ssyncadd.s32 $0xFFFF8000  }
0x9c: {  	_ =	swait.ge [sflag:s22], $0x800  }
0x9d: {  	s30 =	sld [smem:$0x7D0]  }
0x9e: {  	[sflag:s22] =	ssyncset.done $0x0  }
0x9f: {  	[sflag:s22] =	ssyncadd.s32 $0xFFFFF800  }
0xa0: {  	[hbm4b:s30+s2] =	stream.linear.scatter [tilespmem:s23], [sflag:$0x6], $0x4000, $0x38;
	[tilespmem:$0x19800] =	vst v63  }
0xa1: {  	s5 =	sadd.s32 $0x10000, s30  }
0xa2: {  	[smem:$0x790] =	sst s5  }
0xa3: {  	[hbm4b:s5+s2] =	stream.linear.scatter [tilespmem:s21], [sflag:$0x6], $0x4000, $0x38;
	[tilespmem:$0x19800] =	vst v63  }
0xa4: {  	_ =	swait.ge [sflag:s15], $0x8000  }
0xa5: {  	s6 =	sld [smem:$0x7D1]  }
0xa6: {  	[sflag:s15] =	ssyncset.done $0x0  }
0xa7: {  	s24 =	sld [smem:$0x7EF];
	[sflag:s15] =	ssyncadd.s32 $0xFFFF8000  }
0xa8: {  	[tilespmem:s4], [sflag:$0x3] =	stream.linear.gather [hbm4b:s6+s2], $0x4000, $0x38;
	[tilespmem:$0x19800] =	vst v63  }
0xa9: {  	s5 =	sadd.s32 $0x10000, s6  }
0xaa: {  	[tilespmem:s0], [sflag:$0x3] =	stream.linear.gather [hbm4b:s5+s2], $0x4000, $0x38;
	[tilespmem:$0x19800] =	vst v63  }
0xab: {  	[smem:$0x791] =	sst s5;
	s5 =	sadd.s32 $0x10000, s24  }
0xac: {  	[tilespmem:s3], [sflag:$0x3] =	stream.linear.gather [hbm4b:s24+s2], $0x400, $0x38;
	[tilespmem:$0x19800] =	vst v63  }
0xad: {  	[smem:$0x792] =	sst s5  }
0xae: {  	[tilespmem:s1], [sflag:$0x3] =	stream.linear.gather [hbm4b:s5+s2], $0x400, $0x38;
	[tilespmem:$0x19800] =	vst v63  }
0xaf: {  	_ =	swait.ge [sflag:s11], $0x8000  }
0xb0: {  	[sflag:s11] =	ssyncset.done $0x0  }
0xb1: {  	[sflag:s11] =	ssyncadd.s32 $0xFFFF8000  }
0xb2: {  	_ =	swait.ge [sflag:s11], $0x800  }
0xb3: {  	s30 =	sld [smem:$0x7D2]  }
0xb4: {  	[sflag:s11] =	ssyncset.done $0x0  }
0xb5: {  	[sflag:s11] =	ssyncadd.s32 $0xFFFFF800  }
0xb6: {  	[hbm4b:s30+s2] =	stream.linear.scatter [tilespmem:s12], [sflag:$0x4], $0x4000, $0x38;
	[tilespmem:$0x19800] =	vst v63  }
0xb7: {  	s5 =	sadd.s32 $0x10000, s30  }
0xb8: {  	[smem:$0x793] =	sst s5  }
0xb9: {  	[hbm4b:s5+s2] =	stream.linear.scatter [tilespmem:s10], [sflag:$0x4], $0x4000, $0x38;
	[tilespmem:$0x19800] =	vst v63  }
0xba: {  	_ =	swait.ge [sflag:s8], $0x8000  }
0xbb: {  	s6 =	sld [smem:$0x7D3]  }
0xbc: {  	[sflag:s8] =	ssyncset.done $0x0  }
0xbd: {  	s24 =	sld [smem:$0x7F0];
	[sflag:s8] =	ssyncadd.s32 $0xFFFF8000  }
0xbe: {  	[tilespmem:s2], [sflag:$0x1] =	stream.linear.gather [hbm4b:s6+s2], $0x4000, $0x38;
	[tilespmem:$0x19800] =	vst v63  }
0xbf: {  	s5 =	sadd.s32 $0x10000, s6  }
0xc0: {  	[tilespmem:s19], [sflag:$0x1] =	stream.linear.gather [hbm4b:s5+s2], $0x4000, $0x38;
	[tilespmem:$0x19800] =	vst v63  }
0xc1: {  	[smem:$0x794] =	sst s5;
	s5 =	sadd.s32 $0x10000, s24  }
0xc2: {  	[tilespmem:s20], [sflag:$0x1] =	stream.linear.gather [hbm4b:s24+s2], $0x400, $0x38;
	[tilespmem:$0x19800] =	vst v63  }
0xc3: {  	[smem:$0x795] =	sst s5  }
0xc4: {  	[tilespmem:s18], [sflag:$0x1] =	stream.linear.gather [hbm4b:s5+s2], $0x400, $0x38;
	[tilespmem:$0x19800] =	vst v63  }
0xc5: {  	_ =	swait.ge [sflag:s26], $0x8000  }
0xc6: {  	[sflag:s26] =	ssyncset.done $0x0  }
0xc7: {  	[sflag:s26] =	ssyncadd.s32 $0xFFFF8000  }
0xc8: {  	_ =	swait.ge [sflag:s26], $0x800  }
0xc9: {  	s30 =	sld [smem:$0x7D4]  }
0xca: {  	[sflag:s26] =	ssyncset.done $0x0  }
0xcb: {  	[sflag:s26] =	ssyncadd.s32 $0xFFFFF800  }
0xcc: {  	[hbm4b:s30+s2] =	stream.linear.scatter [tilespmem:s28], [sflag:$0x5], $0x4000, $0x38;
	[tilespmem:$0x19800] =	vst v63  }
0xcd: {  	s5 =	sadd.s32 $0x10000, s30  }
0xce: {  	[smem:$0x796] =	sst s5  }
0xcf: {  	[hbm4b:s5+s2] =	stream.linear.scatter [tilespmem:s25], [sflag:$0x5], $0x4000, $0x38;
	[tilespmem:$0x19800] =	vst v63  }
0xd0: {  	_ =	swait.ge [sflag:s13], $0x8000  }
0xd1: {  	s6 =	sld [smem:$0x7D6]  }
0xd2: {  	[sflag:s13] =	ssyncset.done $0x0  }
0xd3: {  	s24 =	sld [smem:$0x7F1];
	[sflag:s13] =	ssyncadd.s32 $0xFFFF8000  }
0xd4: {  	[tilespmem:s17], [sflag:$0x2] =	stream.linear.gather [hbm4b:s6+s2], $0x4000, $0x38;
	[tilespmem:$0x19800] =	vst v63  }
0xd5: {  	s5 =	sadd.s32 $0x10000, s6  }
0xd6: {  	[tilespmem:s14], [sflag:$0x2] =	stream.linear.gather [hbm4b:s5+s2], $0x4000, $0x38;
	[tilespmem:$0x19800] =	vst v63  }
0xd7: {  	[smem:$0x797] =	sst s5;
	s5 =	sadd.s32 $0x10000, s24  }
0xd8: {  	[tilespmem:s16], [sflag:$0x2] =	stream.linear.gather [hbm4b:s24+s2], $0x400, $0x38;
	[tilespmem:$0x19800] =	vst v63  }
0xd9: {  	[smem:$0x798] =	sst s5  }
0xda: {  	[tilespmem:s9], [sflag:$0x2] =	stream.linear.gather [hbm4b:s5+s2], $0x400, $0x38;
	[tilespmem:$0x19800] =	vst v63  }
0xdb: {  	_ =	swait.ge [sflag:s22], $0x8000  }
0xdc: {  	[sflag:s22] =	ssyncset.done $0x0  }
0xdd: {  	[sflag:s22] =	ssyncadd.s32 $0xFFFF8000  }
0xde: {  	_ =	swait.ge [sflag:s22], $0x800  }
0xdf: {  	s30 =	sld [smem:$0x7D8]  }
0xe0: {  	[sflag:s22] =	ssyncset.done $0x0  }
0xe1: {  	[sflag:s22] =	ssyncadd.s32 $0xFFFFF800  }
0xe2: {  	[hbm4b:s30+s2] =	stream.linear.scatter [tilespmem:s23], [sflag:$0x6], $0x4000, $0x38;
	[tilespmem:$0x19800] =	vst v63  }
0xe3: {  	s5 =	sadd.s32 $0x10000, s30  }
0xe4: {  	[smem:$0x799] =	sst s5  }
0xe5: {  	[hbm4b:s5+s2] =	stream.linear.scatter [tilespmem:s21], [sflag:$0x6], $0x4000, $0x38;
	[tilespmem:$0x19800] =	vst v63  }
0xe6: {  	_ =	swait.ge [sflag:s15], $0x8000  }
0xe7: {  	s6 =	sld [smem:$0x7DA]  }
0xe8: {  	[sflag:s15] =	ssyncset.done $0x0  }
0xe9: {  	s24 =	sld [smem:$0x7F2];
	[sflag:s15] =	ssyncadd.s32 $0xFFFF8000  }
0xea: {  	[tilespmem:s4], [sflag:$0x3] =	stream.linear.gather [hbm4b:s6+s2], $0x4000, $0x38;
	[tilespmem:$0x19800] =	vst v63  }
0xeb: {  	s5 =	sadd.s32 $0x10000, s6  }
0xec: {  	[tilespmem:s0], [sflag:$0x3] =	stream.linear.gather [hbm4b:s5+s2], $0x4000, $0x38;
	[tilespmem:$0x19800] =	vst v63  }
0xed: {  	[smem:$0x79A] =	sst s5;
	s5 =	sadd.s32 $0x10000, s24  }
0xee: {  	[tilespmem:s3], [sflag:$0x3] =	stream.linear.gather [hbm4b:s24+s2], $0x400, $0x38;
	[tilespmem:$0x19800] =	vst v63  }
0xef: {  	[smem:$0x79B] =	sst s5  }
0xf0: {  	[tilespmem:s1], [sflag:$0x3] =	stream.linear.gather [hbm4b:s5+s2], $0x400, $0x38;
	[tilespmem:$0x19800] =	vst v63  }
0xf1: {  	_ =	swait.ge [sflag:s11], $0x8000  }
0xf2: {  	[sflag:s11] =	ssyncset.done $0x0  }
0xf3: {  	[sflag:s11] =	ssyncadd.s32 $0xFFFF8000  }
0xf4: {  	_ =	swait.ge [sflag:s11], $0x800  }
0xf5: {  	s30 =	sld [smem:$0x7DB]  }
0xf6: {  	[sflag:s11] =	ssyncset.done $0x0  }
0xf7: {  	[sflag:s11] =	ssyncadd.s32 $0xFFFFF800  }
0xf8: {  	[hbm4b:s30+s2] =	stream.linear.scatter [tilespmem:s12], [sflag:$0x4], $0x4000, $0x38;
	[tilespmem:$0x19800] =	vst v63  }
0xf9: {  	s5 =	sadd.s32 $0x10000, s30  }
0xfa: {  	[smem:$0x79C] =	sst s5  }
0xfb: {  	[hbm4b:s5+s2] =	stream.linear.scatter [tilespmem:s10], [sflag:$0x4], $0x4000, $0x38;
	[tilespmem:$0x19800] =	vst v63  }
0xfc: {  	_ =	swait.ge [sflag:s8], $0x8000  }
0xfd: {  	s6 =	sld [smem:$0x7DE]  }
0xfe: {  	[sflag:s8] =	ssyncset.done $0x0  }
0xff: {  	s24 =	sld [smem:$0x7F3];
	[sflag:s8] =	ssyncadd.s32 $0xFFFF8000  }
0x100: {  	[tilespmem:s2], [sflag:$0x1] =	stream.linear.gather [hbm4b:s6+s2], $0x4000, $0x38;
	[tilespmem:$0x19800] =	vst v63  }
0x101: {  	s5 =	sadd.s32 $0x10000, s6  }
0x102: {  	[tilespmem:s19], [sflag:$0x1] =	stream.linear.gather [hbm4b:s5+s2], $0x4000, $0x38;
	[tilespmem:$0x19800] =	vst v63  }
0x103: {  	[smem:$0x79D] =	sst s5;
	s5 =	sadd.s32 $0x10000, s24  }
0x104: {  	[tilespmem:s20], [sflag:$0x1] =	stream.linear.gather [hbm4b:s24+s2], $0x400, $0x38;
	[tilespmem:$0x19800] =	vst v63  }
0x105: {  	[smem:$0x79E] =	sst s5  }
0x106: {  	[tilespmem:s18], [sflag:$0x1] =	stream.linear.gather [hbm4b:s5+s2], $0x400, $0x38;
	[tilespmem:$0x19800] =	vst v63  }
0x107: {  	_ =	swait.ge [sflag:s26], $0x8000  }
0x108: {  	[sflag:s26] =	ssyncset.done $0x0  }
0x109: {  	[sflag:s26] =	ssyncadd.s32 $0xFFFF8000  }
0x10a: {  	_ =	swait.ge [sflag:s26], $0x800  }
0x10b: {  	s30 =	sld [smem:$0x7DC]  }
0x10c: {  	[sflag:s26] =	ssyncset.done $0x0  }
0x10d: {  	[sflag:s26] =	ssyncadd.s32 $0xFFFFF800  }
0x10e: {  	[hbm4b:s30+s2] =	stream.linear.scatter [tilespmem:s28], [sflag:$0x5], $0x4000, $0x38;
	[tilespmem:$0x19800] =	vst v63  }
0x10f: {  	s5 =	sadd.s32 $0x10000, s30  }
0x110: {  	[smem:$0x79F] =	sst s5  }
0x111: {  	[hbm4b:s5+s2] =	stream.linear.scatter [tilespmem:s25], [sflag:$0x5], $0x4000, $0x38;
	[tilespmem:$0x19800] =	vst v63  }
0x112: {  	_ =	swait.ge [sflag:s13], $0x8000  }
0x113: {  	s6 =	sld [smem:$0x7E0]  }
0x114: {  	[sflag:s13] =	ssyncset.done $0x0  }
0x115: {  	s24 =	sld [smem:$0x7F4];
	[sflag:s13] =	ssyncadd.s32 $0xFFFF8000  }
0x116: {  	[tilespmem:s17], [sflag:$0x2] =	stream.linear.gather [hbm4b:s6+s2], $0x4000, $0x38;
	[tilespmem:$0x19800] =	vst v63  }
0x117: {  	s5 =	sadd.s32 $0x10000, s6  }
0x118: {  	[tilespmem:s14], [sflag:$0x2] =	stream.linear.gather [hbm4b:s5+s2], $0x4000, $0x38;
	[tilespmem:$0x19800] =	vst v63  }
0x119: {  	[smem:$0x7A0] =	sst s5;
	s5 =	sadd.s32 $0x10000, s24  }
0x11a: {  	[tilespmem:s16], [sflag:$0x2] =	stream.linear.gather [hbm4b:s24+s2], $0x400, $0x38;
	[tilespmem:$0x19800] =	vst v63  }
0x11b: {  	[smem:$0x7A1] =	sst s5  }
0x11c: {  	[tilespmem:s9], [sflag:$0x2] =	stream.linear.gather [hbm4b:s5+s2], $0x400, $0x38;
	[tilespmem:$0x19800] =	vst v63  }
0x11d: {  	_ =	swait.ge [sflag:s22], $0x8000  }
0x11e: {  	[sflag:s22] =	ssyncset.done $0x0  }
0x11f: {  	[sflag:s22] =	ssyncadd.s32 $0xFFFF8000  }
0x120: {  	_ =	swait.ge [sflag:s22], $0x800  }
0x121: {  	s30 =	sld [smem:$0x7DD]  }
0x122: {  	[sflag:s22] =	ssyncset.done $0x0  }
0x123: {  	[sflag:s22] =	ssyncadd.s32 $0xFFFFF800  }
0x124: {  	[hbm4b:s30+s2] =	stream.linear.scatter [tilespmem:s23], [sflag:$0x6], $0x4000, $0x38;
	[tilespmem:$0x19800] =	vst v63  }
0x125: {  	s5 =	sadd.s32 $0x10000, s30  }
0x126: {  	[smem:$0x7A2] =	sst s5  }
0x127: {  	[hbm4b:s5+s2] =	stream.linear.scatter [tilespmem:s21], [sflag:$0x6], $0x4000, $0x38;
	[tilespmem:$0x19800] =	vst v63  }
0x128: {  	_ =	swait.ge [sflag:s15], $0x8000  }
0x129: {  	s6 =	sld [smem:$0x7E2]  }
0x12a: {  	[sflag:s15] =	ssyncset.done $0x0  }
0x12b: {  	s24 =	sld [smem:$0x7F5];
	[sflag:s15] =	ssyncadd.s32 $0xFFFF8000  }
0x12c: {  	[tilespmem:s4], [sflag:$0x3] =	stream.linear.gather [hbm4b:s6+s2], $0x4000, $0x38;
	[tilespmem:$0x19800] =	vst v63  }
0x12d: {  	s5 =	sadd.s32 $0x10000, s6  }
0x12e: {  	[tilespmem:s0], [sflag:$0x3] =	stream.linear.gather [hbm4b:s5+s2], $0x4000, $0x38;
	[tilespmem:$0x19800] =	vst v63  }
0x12f: {  	[smem:$0x7A3] =	sst s5;
	s5 =	sadd.s32 $0x10000, s24  }
0x130: {  	[tilespmem:s3], [sflag:$0x3] =	stream.linear.gather [hbm4b:s24+s2], $0x400, $0x38;
	[tilespmem:$0x19800] =	vst v63  }
0x131: {  	[smem:$0x7A4] =	sst s5  }
0x132: {  	[tilespmem:s1], [sflag:$0x3] =	stream.linear.gather [hbm4b:s5+s2], $0x400, $0x38;
	[tilespmem:$0x19800] =	vst v63  }
0x133: {  	_ =	swait.ge [sflag:s11], $0x8000  }
0x134: {  	[sflag:s11] =	ssyncset.done $0x0  }
0x135: {  	[sflag:s11] =	ssyncadd.s32 $0xFFFF8000  }
0x136: {  	_ =	swait.ge [sflag:s11], $0x800  }
0x137: {  	s30 =	sld [smem:$0x7DF]  }
0x138: {  	[sflag:s11] =	ssyncset.done $0x0  }
0x139: {  	[sflag:s11] =	ssyncadd.s32 $0xFFFFF800  }
0x13a: {  	[hbm4b:s30+s2] =	stream.linear.scatter [tilespmem:s12], [sflag:$0x4], $0x4000, $0x38;
	[tilespmem:$0x19800] =	vst v63  }
0x13b: {  	s5 =	sadd.s32 $0x10000, s30  }
0x13c: {  	[smem:$0x7A5] =	sst s5  }
0x13d: {  	[hbm4b:s5+s2] =	stream.linear.scatter [tilespmem:s10], [sflag:$0x4], $0x4000, $0x38;
	[tilespmem:$0x19800] =	vst v63  }
0x13e: {  	_ =	swait.ge [sflag:s8], $0x8000  }
0x13f: {  	s6 =	sld [smem:$0x7E4]  }
0x140: {  	[sflag:s8] =	ssyncset.done $0x0  }
0x141: {  	s24 =	sld [smem:$0x7F6];
	[sflag:s8] =	ssyncadd.s32 $0xFFFF8000  }
0x142: {  	[tilespmem:s2], [sflag:$0x1] =	stream.linear.gather [hbm4b:s6+s2], $0x4000, $0x38;
	[tilespmem:$0x19800] =	vst v63  }
0x143: {  	s5 =	sadd.s32 $0x10000, s6  }
0x144: {  	[tilespmem:s19], [sflag:$0x1] =	stream.linear.gather [hbm4b:s5+s2], $0x4000, $0x38;
	[tilespmem:$0x19800] =	vst v63  }
0x145: {  	[smem:$0x7A6] =	sst s5;
	s5 =	sadd.s32 $0x10000, s24  }
0x146: {  	[tilespmem:s20], [sflag:$0x1] =	stream.linear.gather [hbm4b:s24+s2], $0x400, $0x38;
	[tilespmem:$0x19800] =	vst v63  }
0x147: {  	[smem:$0x7A7] =	sst s5  }
0x148: {  	[tilespmem:s18], [sflag:$0x1] =	stream.linear.gather [hbm4b:s5+s2], $0x400, $0x38;
	[tilespmem:$0x19800] =	vst v63  }
0x149: {  	_ =	swait.ge [sflag:s26], $0x8000  }
0x14a: {  	[sflag:s26] =	ssyncset.done $0x0  }
0x14b: {  	[sflag:s26] =	ssyncadd.s32 $0xFFFF8000  }
0x14c: {  	_ =	swait.ge [sflag:s26], $0x800  }
0x14d: {  	s30 =	sld [smem:$0x7E1]  }
0x14e: {  	[sflag:s26] =	ssyncset.done $0x0  }
0x14f: {  	[sflag:s26] =	ssyncadd.s32 $0xFFFFF800  }
0x150: {  	[hbm4b:s30+s2] =	stream.linear.scatter [tilespmem:s28], [sflag:$0x5], $0x4000, $0x38;
	[tilespmem:$0x19800] =	vst v63  }
0x151: {  	s5 =	sadd.s32 $0x10000, s30  }
0x152: {  	[smem:$0x7A8] =	sst s5  }
0x153: {  	[hbm4b:s5+s2] =	stream.linear.scatter [tilespmem:s25], [sflag:$0x5], $0x4000, $0x38;
	[tilespmem:$0x19800] =	vst v63  }
0x154: {  	_ =	swait.ge [sflag:s13], $0x8000  }
0x155: {  	s6 =	sld [smem:$0x7E6]  }
0x156: {  	[sflag:s13] =	ssyncset.done $0x0  }
0x157: {  	s24 =	sld [smem:$0x7F7];
	[sflag:s13] =	ssyncadd.s32 $0xFFFF8000  }
0x158: {  	[tilespmem:s17], [sflag:$0x2] =	stream.linear.gather [hbm4b:s6+s2], $0x4000, $0x38;
	[tilespmem:$0x19800] =	vst v63  }
0x159: {  	s5 =	sadd.s32 $0x10000, s6  }
0x15a: {  	[tilespmem:s14], [sflag:$0x2] =	stream.linear.gather [hbm4b:s5+s2], $0x4000, $0x38;
	[tilespmem:$0x19800] =	vst v63  }
0x15b: {  	[smem:$0x7A9] =	sst s5;
	s5 =	sadd.s32 $0x10000, s24  }
0x15c: {  	[tilespmem:s16], [sflag:$0x2] =	stream.linear.gather [hbm4b:s24+s2], $0x400, $0x38;
	[tilespmem:$0x19800] =	vst v63  }
0x15d: {  	[smem:$0x7AA] =	sst s5  }
0x15e: {  	[tilespmem:s9], [sflag:$0x2] =	stream.linear.gather [hbm4b:s5+s2], $0x400, $0x38;
	[tilespmem:$0x19800] =	vst v63  }
0x15f: {  	_ =	swait.ge [sflag:s22], $0x8000  }
0x160: {  	[sflag:s22] =	ssyncset.done $0x0  }
0x161: {  	[sflag:s22] =	ssyncadd.s32 $0xFFFF8000  }
0x162: {  	_ =	swait.ge [sflag:s22], $0x800  }
0x163: {  	s30 =	sld [smem:$0x7E3]  }
0x164: {  	[sflag:s22] =	ssyncset.done $0x0  }
0x165: {  	[sflag:s22] =	ssyncadd.s32 $0xFFFFF800  }
0x166: {  	[hbm4b:s30+s2] =	stream.linear.scatter [tilespmem:s23], [sflag:$0x6], $0x4000, $0x38;
	[tilespmem:$0x19800] =	vst v63  }
0x167: {  	s5 =	sadd.s32 $0x10000, s30  }
0x168: {  	[smem:$0x7AB] =	sst s5  }
0x169: {  	[hbm4b:s5+s2] =	stream.linear.scatter [tilespmem:s21], [sflag:$0x6], $0x4000, $0x38;
	[tilespmem:$0x19800] =	vst v63  }
0x16a: {  	_ =	swait.ge [sflag:s15], $0x8000  }
0x16b: {  	s6 =	sld [smem:$0x7E8]  }
0x16c: {  	[sflag:s15] =	ssyncset.done $0x0  }
0x16d: {  	s24 =	sld [smem:$0x7F8];
	[sflag:s15] =	ssyncadd.s32 $0xFFFF8000  }
0x16e: {  	[tilespmem:s4], [sflag:$0x3] =	stream.linear.gather [hbm4b:s6+s2], $0x4000, $0x38;
	[tilespmem:$0x19800] =	vst v63  }
0x16f: {  	s5 =	sadd.s32 $0x10000, s6  }
0x170: {  	[tilespmem:s0], [sflag:$0x3] =	stream.linear.gather [hbm4b:s5+s2], $0x4000, $0x38;
	[tilespmem:$0x19800] =	vst v63  }
0x171: {  	[smem:$0x7AC] =	sst s5;
	s5 =	sadd.s32 $0x10000, s24  }
0x172: {  	[tilespmem:s3], [sflag:$0x3] =	stream.linear.gather [hbm4b:s24+s2], $0x400, $0x38;
	[tilespmem:$0x19800] =	vst v63  }
0x173: {  	[smem:$0x7AD] =	sst s5  }
0x174: {  	[tilespmem:s1], [sflag:$0x3] =	stream.linear.gather [hbm4b:s5+s2], $0x400, $0x38;
	[tilespmem:$0x19800] =	vst v63  }
0x175: {  	_ =	swait.ge [sflag:s11], $0x8000  }
0x176: {  	[sflag:s11] =	ssyncset.done $0x0  }
0x177: {  	[sflag:s11] =	ssyncadd.s32 $0xFFFF8000  }
0x178: {  	_ =	swait.ge [sflag:s11], $0x800  }
0x179: {  	s30 =	sld [smem:$0x7E5]  }
0x17a: {  	[sflag:s11] =	ssyncset.done $0x0  }
0x17b: {  	[sflag:s11] =	ssyncadd.s32 $0xFFFFF800  }
0x17c: {  	[hbm4b:s30+s2] =	stream.linear.scatter [tilespmem:s12], [sflag:$0x4], $0x4000, $0x38;
	[tilespmem:$0x19800] =	vst v63  }
0x17d: {  	s5 =	sadd.s32 $0x10000, s30  }
0x17e: {  	[smem:$0x7AE] =	sst s5  }
0x17f: {  	[hbm4b:s5+s2] =	stream.linear.scatter [tilespmem:s10], [sflag:$0x4], $0x4000, $0x38;
	[tilespmem:$0x19800] =	vst v63  }
0x180: {  	_ =	swait.ge [sflag:s8], $0x8000  }
0x181: {  	s6 =	sld [smem:$0x7E9]  }
0x182: {  	[sflag:s8] =	ssyncset.done $0x0  }
0x183: {  	s24 =	sld [smem:$0x7F9];
	[sflag:s8] =	ssyncadd.s32 $0xFFFF8000  }
0x184: {  	[tilespmem:s2], [sflag:$0x1] =	stream.linear.gather [hbm4b:s6+s2], $0x4000, $0x38;
	[tilespmem:$0x19800] =	vst v63  }
0x185: {  	s5 =	sadd.s32 $0x10000, s6  }
0x186: {  	[tilespmem:s19], [sflag:$0x1] =	stream.linear.gather [hbm4b:s5+s2], $0x4000, $0x38;
	[tilespmem:$0x19800] =	vst v63  }
0x187: {  	[smem:$0x7AF] =	sst s5;
	s5 =	sadd.s32 $0x10000, s24  }
0x188: {  	[tilespmem:s20], [sflag:$0x1] =	stream.linear.gather [hbm4b:s24+s2], $0x400, $0x38;
	[tilespmem:$0x19800] =	vst v63  }
0x189: {  	[smem:$0x7B0] =	sst s5  }
0x18a: {  	[tilespmem:s18], [sflag:$0x1] =	stream.linear.gather [hbm4b:s5+s2], $0x400, $0x38;
	[tilespmem:$0x19800] =	vst v63  }
0x18b: {  	_ =	swait.ge [sflag:s26], $0x8000  }
0x18c: {  	[sflag:s26] =	ssyncset.done $0x0  }
0x18d: {  	[sflag:s26] =	ssyncadd.s32 $0xFFFF8000  }
0x18e: {  	_ =	swait.ge [sflag:s26], $0x800  }
0x18f: {  	s30 =	sld [smem:$0x7E7]  }
0x190: {  	[sflag:s26] =	ssyncset.done $0x0  }
0x191: {  	[sflag:s26] =	ssyncadd.s32 $0xFFFFF800  }
0x192: {  	[hbm4b:s30+s2] =	stream.linear.scatter [tilespmem:s28], [sflag:$0x5], $0x4000, $0x38;
	[tilespmem:$0x19800] =	vst v63  }
0x193: {  	s5 =	sadd.s32 $0x10000, s30  }
0x194: {  	[smem:$0x7B1] =	sst s5  }
0x195: {  	[hbm4b:s5+s2] =	stream.linear.scatter [tilespmem:s25], [sflag:$0x5], $0x4000, $0x38;
	[tilespmem:$0x19800] =	vst v63  }
0x196: {  	_ =	swait.ge [sflag:s13], $0x8000  }
0x197: {  	s6 =	sld [smem:$0x7EA]  }
0x198: {  	[sflag:s13] =	ssyncset.done $0x0  }
0x199: {  	s24 =	sld [smem:$0x7FA];
	[sflag:s13] =	ssyncadd.s32 $0xFFFF8000  }
0x19a: {  	[tilespmem:s17], [sflag:$0x2] =	stream.linear.gather [hbm4b:s6+s2], $0x4000, $0x38;
	[tilespmem:$0x19800] =	vst v63  }
0x19b: {  	s5 =	sadd.s32 $0x10000, s6  }
0x19c: {  	[tilespmem:s14], [sflag:$0x2] =	stream.linear.gather [hbm4b:s5+s2], $0x4000, $0x38;
	[tilespmem:$0x19800] =	vst v63  }
0x19d: {  	[smem:$0x7B2] =	sst s5;
	s5 =	sadd.s32 $0x10000, s24  }
0x19e: {  	[tilespmem:s16], [sflag:$0x2] =	stream.linear.gather [hbm4b:s24+s2], $0x400, $0x38;
	[tilespmem:$0x19800] =	vst v63  }
0x19f: {  	[smem:$0x7B3] =	sst s5  }
0x1a0: {  	[tilespmem:s9], [sflag:$0x2] =	stream.linear.gather [hbm4b:s5+s2], $0x400, $0x38;
	[tilespmem:$0x19800] =	vst v63  }
0x1a1: {  	_ =	swait.ge [sflag:s22], $0x8000  }
0x1a2: {  	[sflag:s22] =	ssyncset.done $0x0  }
0x1a3: {  	[sflag:s22] =	ssyncadd.s32 $0xFFFF8000  }
0x1a4: {  	_ =	swait.ge [sflag:s22], $0x800  }
0x1a5: {  	[sflag:s22] =	ssyncset.done $0x0;
	s30 =	rddreg [dreg:$0x1f]  }
0x1a6: {  	[sflag:s22] =	ssyncadd.s32 $0xFFFFF800;
	s5 =	sadd.s32 $0x10000, s30  }
0x1a7: {  	[hbm4b:s30+s2] =	stream.linear.scatter [tilespmem:s23], [sflag:$0x6], $0x4000, $0x38;
	[tilespmem:$0x19800] =	vst v63  }
0x1a8: {  	[smem:$0x7B4] =	sst s5  }
0x1a9: {  	[hbm4b:s5+s2] =	stream.linear.scatter [tilespmem:s21], [sflag:$0x6], $0x4000, $0x38;
	[tilespmem:$0x19800] =	vst v63  }
0x1aa: {  	_ =	swait.ge [sflag:s15], $0x8000  }
0x1ab: {  	s6 =	sld [smem:$0x7EB]  }
0x1ac: {  	[sflag:s15] =	ssyncset.done $0x0  }
0x1ad: {  	s24 =	sld [smem:$0x7FB];
	[sflag:s15] =	ssyncadd.s32 $0xFFFF8000  }
0x1ae: {  	[tilespmem:s4], [sflag:$0x3] =	stream.linear.gather [hbm4b:s6+s2], $0x4000, $0x38;
	[tilespmem:$0x19800] =	vst v63  }
0x1af: {  	s5 =	sadd.s32 $0x10000, s6  }
0x1b0: {  	[tilespmem:s0], [sflag:$0x3] =	stream.linear.gather [hbm4b:s5+s2], $0x4000, $0x38;
	[tilespmem:$0x19800] =	vst v63  }
0x1b1: {  	[smem:$0x7B5] =	sst s5;
	s5 =	sadd.s32 $0x10000, s24  }
0x1b2: {  	[tilespmem:s3], [sflag:$0x3] =	stream.linear.gather [hbm4b:s24+s2], $0x400, $0x38;
	[tilespmem:$0x19800] =	vst v63  }
0x1b3: {  	[smem:$0x7B6] =	sst s5  }
0x1b4: {  	[tilespmem:s1], [sflag:$0x3] =	stream.linear.gather [hbm4b:s5+s2], $0x400, $0x38;
	[tilespmem:$0x19800] =	vst v63  }
0x1b5: {  	_ =	swait.ge [sflag:s11], $0x8000  }
0x1b6: {  	[sflag:s11] =	ssyncset.done $0x0  }
0x1b7: {  	[sflag:s11] =	ssyncadd.s32 $0xFFFF8000  }
0x1b8: {  	_ =	swait.ge [sflag:s11], $0x800  }
0x1b9: {  	[sflag:s11] =	ssyncset.done $0x0;
	s30 =	rddreg [dreg:$0x1c]  }
0x1ba: {  	[sflag:s11] =	ssyncadd.s32 $0xFFFFF800;
	s5 =	sadd.s32 $0x10000, s30  }
0x1bb: {  	[hbm4b:s30+s2] =	stream.linear.scatter [tilespmem:s12], [sflag:$0x4], $0x4000, $0x38;
	[tilespmem:$0x19800] =	vst v63  }
0x1bc: {  	[smem:$0x7B7] =	sst s5  }
0x1bd: {  	[hbm4b:s5+s2] =	stream.linear.scatter [tilespmem:s10], [sflag:$0x4], $0x4000, $0x38;
	[tilespmem:$0x19800] =	vst v63  }
0x1be: {  	_ =	swait.ge [sflag:s8], $0x8000  }
0x1bf: {  	[sflag:s8] =	ssyncset.done $0x0;
	s6 =	rddreg [dreg:$0x1d]  }
0x1c0: {  	s24 =	sld [smem:$0x7FC];
	[sflag:s8] =	ssyncadd.s32 $0xFFFF8000  }
0x1c1: {  	[tilespmem:s2], [sflag:$0x1] =	stream.linear.gather [hbm4b:s6+s2], $0x4000, $0x38;
	[tilespmem:$0x19800] =	vst v63  }
0x1c2: {  	s5 =	sadd.s32 $0x10000, s6  }
0x1c3: {  	[tilespmem:s19], [sflag:$0x1] =	stream.linear.gather [hbm4b:s5+s2], $0x4000, $0x38;
	[tilespmem:$0x19800] =	vst v63  }
0x1c4: {  	[smem:$0x7B8] =	sst s5;
	s5 =	sadd.s32 $0x10000, s24  }
0x1c5: {  	[tilespmem:s20], [sflag:$0x1] =	stream.linear.gather [hbm4b:s24+s2], $0x400, $0x38;
	[tilespmem:$0x19800] =	vst v63  }
0x1c6: {  	[smem:$0x7B9] =	sst s5  }
0x1c7: {  	[tilespmem:s18], [sflag:$0x1] =	stream.linear.gather [hbm4b:s5+s2], $0x400, $0x38;
	[tilespmem:$0x19800] =	vst v63  }
0x1c8: {  	_ =	swait.ge [sflag:s26], $0x8000  }
0x1c9: {  	[sflag:s26] =	ssyncset.done $0x0  }
0x1ca: {  	[sflag:s26] =	ssyncadd.s32 $0xFFFF8000  }
0x1cb: {  	_ =	swait.ge [sflag:s26], $0x800  }
0x1cc: {  	[sflag:s26] =	ssyncset.done $0x0;
	s30 =	rddreg [dreg:$0x19]  }
0x1cd: {  	[sflag:s26] =	ssyncadd.s32 $0xFFFFF800;
	s5 =	sadd.s32 $0x10000, s30  }
0x1ce: {  	[hbm4b:s30+s2] =	stream.linear.scatter [tilespmem:s28], [sflag:$0x5], $0x4000, $0x38;
	[tilespmem:$0x19800] =	vst v63  }
0x1cf: {  	[smem:$0x7BA] =	sst s5  }
0x1d0: {  	[hbm4b:s5+s2] =	stream.linear.scatter [tilespmem:s25], [sflag:$0x5], $0x4000, $0x38;
	[tilespmem:$0x19800] =	vst v63  }
0x1d1: {  	_ =	swait.ge [sflag:s13], $0x8000  }
0x1d2: {  	[sflag:s13] =	ssyncset.done $0x0;
	s6 =	rddreg [dreg:$0x1a]  }
0x1d3: {  	s24 =	sld [smem:$0x7FD];
	[sflag:s13] =	ssyncadd.s32 $0xFFFF8000  }
0x1d4: {  	[tilespmem:s17], [sflag:$0x2] =	stream.linear.gather [hbm4b:s6+s2], $0x4000, $0x38;
	[tilespmem:$0x19800] =	vst v63  }
0x1d5: {  	s5 =	sadd.s32 $0x10000, s6  }
0x1d6: {  	[tilespmem:s14], [sflag:$0x2] =	stream.linear.gather [hbm4b:s5+s2], $0x4000, $0x38;
	[tilespmem:$0x19800] =	vst v63  }
0x1d7: {  	[smem:$0x7BB] =	sst s5;
	s5 =	sadd.s32 $0x10000, s24  }
0x1d8: {  	[tilespmem:s16], [sflag:$0x2] =	stream.linear.gather [hbm4b:s24+s2], $0x400, $0x38;
	[tilespmem:$0x19800] =	vst v63  }
0x1d9: {  	[smem:$0x7BC] =	sst s5  }
0x1da: {  	[tilespmem:s9], [sflag:$0x2] =	stream.linear.gather [hbm4b:s5+s2], $0x400, $0x38;
	[tilespmem:$0x19800] =	vst v63  }
0x1db: {  	_ =	swait.ge [sflag:s22], $0x8000  }
0x1dc: {  	[sflag:s22] =	ssyncset.done $0x0  }
0x1dd: {  	[sflag:s22] =	ssyncadd.s32 $0xFFFF8000  }
0x1de: {  	_ =	swait.ge [sflag:s22], $0x800  }
0x1df: {  	[sflag:s22] =	ssyncset.done $0x0;
	s30 =	rddreg [dreg:$0x16]  }
0x1e0: {  	[sflag:s22] =	ssyncadd.s32 $0xFFFFF800;
	s5 =	sadd.s32 $0x10000, s30  }
0x1e1: {  	[hbm4b:s30+s2] =	stream.linear.scatter [tilespmem:s23], [sflag:$0x6], $0x4000, $0x38;
	[tilespmem:$0x19800] =	vst v63  }
0x1e2: {  	[smem:$0x7BD] =	sst s5  }
0x1e3: {  	[hbm4b:s5+s2] =	stream.linear.scatter [tilespmem:s21], [sflag:$0x6], $0x4000, $0x38;
	[tilespmem:$0x19800] =	vst v63  }
0x1e4: {  	_ =	swait.ge [sflag:s15], $0x8000  }
0x1e5: {  	[sflag:s15] =	ssyncset.done $0x0  }
0x1e6: {  	s6 =	rddreg [dreg:$0x17];
	[sflag:s15] =	ssyncadd.s32 $0xFFFF8000  }
0x1e7: {  	[tilespmem:s4], [sflag:$0x3] =	stream.linear.gather [hbm4b:s6+s2], $0x4000, $0x38;
	[tilespmem:$0x19800] =	vst v63  }
0x1e8: {  	s24 =	rddreg [dreg:$0x1e];
	s5 =	sadd.s32 $0x10000, s6  }
0x1e9: {  	[tilespmem:s0], [sflag:$0x3] =	stream.linear.gather [hbm4b:s5+s2], $0x4000, $0x38;
	[tilespmem:$0x19800] =	vst v63  }
0x1ea: {  	[smem:$0x7BE] =	sst s5;
	s5 =	sadd.s32 $0x10000, s24  }
0x1eb: {  	[tilespmem:s3], [sflag:$0x3] =	stream.linear.gather [hbm4b:s24+s2], $0x400, $0x38;
	[tilespmem:$0x19800] =	vst v63  }
0x1ec: {  	[smem:$0x7BF] =	sst s5  }
0x1ed: {  	[tilespmem:s1], [sflag:$0x3] =	stream.linear.gather [hbm4b:s5+s2], $0x400, $0x38;
	[tilespmem:$0x19800] =	vst v63  }
0x1ee: {  	_ =	swait.ge [sflag:s11], $0x8000  }
0x1ef: {  	[sflag:s11] =	ssyncset.done $0x0  }
0x1f0: {  	[sflag:s11] =	ssyncadd.s32 $0xFFFF8000  }
0x1f1: {  	_ =	swait.ge [sflag:s11], $0x800  }
0x1f2: {  	[sflag:s11] =	ssyncset.done $0x0;
	s30 =	rddreg [dreg:$0x13]  }
0x1f3: {  	[sflag:s11] =	ssyncadd.s32 $0xFFFFF800;
	s5 =	sadd.s32 $0x10000, s30  }
0x1f4: {  	[hbm4b:s30+s2] =	stream.linear.scatter [tilespmem:s12], [sflag:$0x4], $0x4000, $0x38;
	[tilespmem:$0x19800] =	vst v63  }
0x1f5: {  	[smem:$0x7C0] =	sst s5  }
0x1f6: {  	[hbm4b:s5+s2] =	stream.linear.scatter [tilespmem:s10], [sflag:$0x4], $0x4000, $0x38;
	[tilespmem:$0x19800] =	vst v63  }
0x1f7: {  	_ =	swait.ge [sflag:s8], $0x8000  }
0x1f8: {  	[sflag:s8] =	ssyncset.done $0x0  }
0x1f9: {  	s6 =	rddreg [dreg:$0x15];
	[sflag:s8] =	ssyncadd.s32 $0xFFFF8000  }
0x1fa: {  	[tilespmem:s2], [sflag:$0x1] =	stream.linear.gather [hbm4b:s6+s2], $0x4000, $0x38;
	[tilespmem:$0x19800] =	vst v63  }
0x1fb: {  	s24 =	rddreg [dreg:$0x1b];
	s5 =	sadd.s32 $0x10000, s6  }
0x1fc: {  	[tilespmem:s19], [sflag:$0x1] =	stream.linear.gather [hbm4b:s5+s2], $0x4000, $0x38;
	[tilespmem:$0x19800] =	vst v63  }
0x1fd: {  	[smem:$0x7C1] =	sst s5;
	s5 =	sadd.s32 $0x10000, s24  }
0x1fe: {  	[tilespmem:s20], [sflag:$0x1] =	stream.linear.gather [hbm4b:s24+s2], $0x400, $0x38;
	[tilespmem:$0x19800] =	vst v63  }
0x1ff: {  	[smem:$0x7C2] =	sst s5  }
0x200: {  	[tilespmem:s18], [sflag:$0x1] =	stream.linear.gather [hbm4b:s5+s2], $0x400, $0x38;
	[tilespmem:$0x19800] =	vst v63  }
0x201: {  	_ =	swait.ge [sflag:s26], $0x8000  }
0x202: {  	[sflag:s26] =	ssyncset.done $0x0  }
0x203: {  	[sflag:s26] =	ssyncadd.s32 $0xFFFF8000  }
0x204: {  	_ =	swait.ge [sflag:s26], $0x800  }
0x205: {  	[sflag:s26] =	ssyncset.done $0x0;
	s30 =	rddreg [dreg:$0x11]  }
0x206: {  	[sflag:s26] =	ssyncadd.s32 $0xFFFFF800;
	s5 =	sadd.s32 $0x10000, s30  }
0x207: {  	[hbm4b:s30+s2] =	stream.linear.scatter [tilespmem:s28], [sflag:$0x5], $0x4000, $0x38;
	[tilespmem:$0x19800] =	vst v63  }
0x208: {  	[smem:$0x7C3] =	sst s5  }
0x209: {  	[hbm4b:s5+s2] =	stream.linear.scatter [tilespmem:s25], [sflag:$0x5], $0x4000, $0x38;
	[tilespmem:$0x19800] =	vst v63  }
0x20a: {  	_ =	swait.ge [sflag:s13], $0x8000  }
0x20b: {  	[sflag:s13] =	ssyncset.done $0x0  }
0x20c: {  	s6 =	rddreg [dreg:$0x12];
	[sflag:s13] =	ssyncadd.s32 $0xFFFF8000  }
0x20d: {  	[tilespmem:s17], [sflag:$0x2] =	stream.linear.gather [hbm4b:s6+s2], $0x4000, $0x38;
	[tilespmem:$0x19800] =	vst v63  }
0x20e: {  	s24 =	rddreg [dreg:$0x18];
	s5 =	sadd.s32 $0x10000, s6  }
0x20f: {  	[tilespmem:s14], [sflag:$0x2] =	stream.linear.gather [hbm4b:s5+s2], $0x4000, $0x38;
	[tilespmem:$0x19800] =	vst v63  }
0x210: {  	[smem:$0x7C4] =	sst s5;
	s5 =	sadd.s32 $0x10000, s24  }
0x211: {  	[tilespmem:s16], [sflag:$0x2] =	stream.linear.gather [hbm4b:s24+s2], $0x400, $0x38;
	[tilespmem:$0x19800] =	vst v63  }
0x212: {  	[smem:$0x7C5] =	sst s5  }
0x213: {  	[tilespmem:s9], [sflag:$0x2] =	stream.linear.gather [hbm4b:s5+s2], $0x400, $0x38;
	[tilespmem:$0x19800] =	vst v63  }
0x214: {  	_ =	swait.ge [sflag:s22], $0x8000  }
0x215: {  	[sflag:s22] =	ssyncset.done $0x0  }
0x216: {  	[sflag:s22] =	ssyncadd.s32 $0xFFFF8000  }
0x217: {  	_ =	swait.ge [sflag:s22], $0x800  }
0x218: {  	[sflag:s22] =	ssyncset.done $0x0;
	s30 =	rddreg [dreg:$0xe]  }
0x219: {  	[sflag:s22] =	ssyncadd.s32 $0xFFFFF800;
	s5 =	sadd.s32 $0x10000, s30  }
0x21a: {  	[hbm4b:s30+s2] =	stream.linear.scatter [tilespmem:s23], [sflag:$0x6], $0x4000, $0x38;
	[tilespmem:$0x19800] =	vst v63  }
0x21b: {  	[smem:$0x7C6] =	sst s5  }
0x21c: {  	[hbm4b:s5+s2] =	stream.linear.scatter [tilespmem:s21], [sflag:$0x6], $0x4000, $0x38;
	[tilespmem:$0x19800] =	vst v63  }
0x21d: {  	_ =	swait.ge [sflag:s15], $0x8000  }
0x21e: {  	[sflag:s15] =	ssyncset.done $0x0  }
0x21f: {  	s6 =	rddreg [dreg:$0xf];
	[sflag:s15] =	ssyncadd.s32 $0xFFFF8000  }
0x220: {  	[tilespmem:s4], [sflag:$0x3] =	stream.linear.gather [hbm4b:s6+s2], $0x4000, $0x38;
	[tilespmem:$0x19800] =	vst v63  }
0x221: {  	s24 =	rddreg [dreg:$0x14];
	s5 =	sadd.s32 $0x10000, s6  }
0x222: {  	[tilespmem:s0], [sflag:$0x3] =	stream.linear.gather [hbm4b:s5+s2], $0x4000, $0x38;
	[tilespmem:$0x19800] =	vst v63  }
0x223: {  	[smem:$0x7C7] =	sst s5;
	s5 =	sadd.s32 $0x10000, s24  }
0x224: {  	[tilespmem:s3], [sflag:$0x3] =	stream.linear.gather [hbm4b:s24+s2], $0x400, $0x38;
	[tilespmem:$0x19800] =	vst v63  }
0x225: {  	[smem:$0x7C8] =	sst s5  }
0x226: {  	[tilespmem:s1], [sflag:$0x3] =	stream.linear.gather [hbm4b:s5+s2], $0x400, $0x38;
	[tilespmem:$0x19800] =	vst v63  }
0x227: {  	_ =	swait.ge [sflag:s11], $0x8000  }
0x228: {  	[sflag:s11] =	ssyncset.done $0x0  }
0x229: {  	[sflag:s11] =	ssyncadd.s32 $0xFFFF8000  }
0x22a: {  	_ =	swait.ge [sflag:s11], $0x800  }
0x22b: {  	[sflag:s11] =	ssyncset.done $0x0;
	s30 =	rddreg [dreg:$0xc]  }
0x22c: {  	[sflag:s11] =	ssyncadd.s32 $0xFFFFF800;
	s5 =	sadd.s32 $0x10000, s30  }
0x22d: {  	[hbm4b:s30+s2] =	stream.linear.scatter [tilespmem:s12], [sflag:$0x4], $0x4000, $0x38;
	[tilespmem:$0x19800] =	vst v63  }
0x22e: {  	[smem:$0x7C9] =	sst s5  }
0x22f: {  	[hbm4b:s5+s2] =	stream.linear.scatter [tilespmem:s10], [sflag:$0x4], $0x4000, $0x38;
	[tilespmem:$0x19800] =	vst v63  }
0x230: {  	_ =	swait.ge [sflag:s8], $0x8000  }
0x231: {  	[sflag:s8] =	ssyncset.done $0x0  }
0x232: {  	s6 =	rddreg [dreg:$0xd];
	[sflag:s8] =	ssyncadd.s32 $0xFFFF8000  }
0x233: {  	[tilespmem:s2], [sflag:$0x1] =	stream.linear.gather [hbm4b:s6+s2], $0x4000, $0x38;
	[tilespmem:$0x19800] =	vst v63  }
0x234: {  	s24 =	rddreg [dreg:$0x10];
	s5 =	sadd.s32 $0x10000, s6  }
0x235: {  	[tilespmem:s19], [sflag:$0x1] =	stream.linear.gather [hbm4b:s5+s2], $0x4000, $0x38;
	[tilespmem:$0x19800] =	vst v63  }
0x236: {  	[smem:$0x7CA] =	sst s5;
	s5 =	sadd.s32 $0x10000, s24  }
0x237: {  	[tilespmem:s20], [sflag:$0x1] =	stream.linear.gather [hbm4b:s24+s2], $0x400, $0x38;
	[tilespmem:$0x19800] =	vst v63  }
0x238: {  	[smem:$0x7CB] =	sst s5  }
0x239: {  	[tilespmem:s18], [sflag:$0x1] =	stream.linear.gather [hbm4b:s5+s2], $0x400, $0x38;
	[tilespmem:$0x19800] =	vst v63  }
0x23a: {  	_ =	swait.ge [sflag:s26], $0x8000  }
0x23b: {  	[sflag:s26] =	ssyncset.done $0x0  }
0x23c: {  	[sflag:s26] =	ssyncadd.s32 $0xFFFF8000  }
0x23d: {  	_ =	swait.ge [sflag:s26], $0x800  }
0x23e: {  	[sflag:s26] =	ssyncset.done $0x0;
	s30 =	rddreg [dreg:$0xb]  }
0x23f: {  	[sflag:s26] =	ssyncadd.s32 $0xFFFFF800;
	s5 =	sadd.s32 $0x10000, s30  }
0x240: {  	[hbm4b:s30+s2] =	stream.linear.scatter [tilespmem:s28], [sflag:$0x5], $0x4000, $0x38;
	[tilespmem:$0x19800] =	vst v63  }
0x241: {  	[smem:$0x7CC] =	sst s5  }
0x242: {  	[hbm4b:s5+s2] =	stream.linear.scatter [tilespmem:s25], [sflag:$0x5], $0x4000, $0x38;
	[tilespmem:$0x19800] =	vst v63  }
0x243: {  	_ =	swait.ge [sflag:s22], $0x8000  }
0x244: {  	[sflag:s22] =	ssyncset.done $0x0  }
0x245: {  	[sflag:s22] =	ssyncadd.s32 $0xFFFF8000  }
0x246: {  	_ =	swait.ge [sflag:s22], $0x800  }
0x247: {  	[sflag:s22] =	ssyncset.done $0x0  }
0x248: {  	[sflag:s22] =	ssyncadd.s32 $0xFFFFF800  }
0x249: {  	[hbm4b:s31+s2] =	stream.linear.scatter [tilespmem:s23], [sflag:$0x6], $0x4000, $0x38;
	[tilespmem:$0x19800] =	vst v63  }
0x24a: {  	s5 =	sadd.s32 $0x10000, s31  }
0x24b: {  	[hbm4b:s5+s2] =	stream.linear.scatter [tilespmem:s21], [sflag:$0x6], $0x4000, $0x38;
	[tilespmem:$0x19800] =	vst v63  }
0x24c: {  	_ =	swait.ge [sflag:s11], $0x8000  }
0x24d: {  	[sflag:s11] =	ssyncset.done $0x0  }
0x24e: {  	[sflag:s11] =	ssyncadd.s32 $0xFFFF8000  }
0x24f: {  	_ =	swait.ge [sflag:s11], $0x800  }
0x250: {  	[sflag:s11] =	ssyncset.done $0x0  }
0x251: {  	[sflag:s11] =	ssyncadd.s32 $0xFFFFF800  }
0x252: {  	[hbm4b:s7+s2] =	stream.linear.scatter [tilespmem:s12], [sflag:$0x4], $0x4000, $0x38;
	[tilespmem:$0x19800] =	vst v63  }
0x253: {  	s6 =	sadd.s32 $0x10000, s7  }
0x254: {  	[hbm4b:s6+s2] =	stream.linear.scatter [tilespmem:s10], [sflag:$0x4], $0x4000, $0x38;
	[tilespmem:$0x19800] =	vst v63  }
0x255: {  	_ =	swait.ge [sflag:s13], $0x8000  }
0x256: {  	[sflag:s13] =	ssyncset.done $0x0  }
0x257: {  	p1 =	sne.s32 s29, $0x1;
	[sflag:s13] =	ssyncadd.s32 $0xFFFF8000  }
.Ltmp1:
0x258: {  	_ =	swait.ge [sflag:s15], $0x8000;
	(pc) =	sbr.rel @!p1 .LBB2_6-.Ltmp1, $4  }
0x259: {  	[sflag:s15] =	ssyncset.done $0x0  }
0x25a: {  	[sflag:s15] =	ssyncadd.s32 $0xFFFF8000  }
0x25b: {  	_ =	swait.ge [sflag:s8], $0x8000  }
0x25c: {  	s29 =	sadd.s32 $0xFFFFFFFF, s29;
	p0 =	por $0x1, $0x1;
	[sflag:s8] =	ssyncset.done $0x0  }
0x25d: {  	s24 =	smov.u32 s5  }
.LBB2_3:
0x25e: {  	s5 =	sld [smem:$0x7D5];
	_ =	sdelay $0x1  }
0x25f: {  	s30 =	rddreg [dreg:$0x3];
	[sflag:s8] =	ssyncadd.s32 $0xFFFF8000  }
0x260: {  	[tilespmem:s2], [sflag:$0x1] =	stream.linear.gather [hbm4b:s5+s2], $0x4000, $0x38;
	[tilespmem:$0x19800] =	vst v63  }
0x261: {  	s5 =	sld [smem:$0x789]  }
0x262: {  	[tilespmem:s19], [sflag:$0x1] =	stream.linear.gather [hbm4b:s30+s2], $0x4000, $0x38;
	[tilespmem:$0x19800] =	vst v63  }
0x263: {  	s30 =	rddreg [dreg:$0x4]  }
0x264: {  	[tilespmem:s20], [sflag:$0x1] =	stream.linear.gather [hbm4b:s5+s2], $0x400, $0x38;
	[tilespmem:$0x19800] =	vst v63  }
0x265: {  	s5 =	sld [smem:$0x7D7]  }
0x266: {  	[tilespmem:s18], [sflag:$0x1] =	stream.linear.gather [hbm4b:s30+s2], $0x400, $0x38;
	[tilespmem:$0x19800] =	vst v63  }
0x267: {  	_ = 	snop  }
0x268: {  	[tilespmem:s17], [sflag:$0x2] =	stream.linear.gather [hbm4b:s5+s2], $0x4000, $0x38;
	[tilespmem:$0x19800] =	vst v63  }
0x269: {  	s30 =	rddreg [dreg:$0x5]  }
0x26a: {  	[tilespmem:s14], [sflag:$0x2] =	stream.linear.gather [hbm4b:s30+s2], $0x4000, $0x38;
	[tilespmem:$0x19800] =	vst v63  }
0x26b: {  	s5 =	rddreg [dreg:$0x6]  }
0x26c: {  	[tilespmem:s16], [sflag:$0x2] =	stream.linear.gather [hbm4b:s5+s2], $0x400, $0x38;
	[tilespmem:$0x19800] =	vst v63  }
0x26d: {  	s30 =	rddreg [dreg:$0x7]  }
0x26e: {  	[tilespmem:s9], [sflag:$0x2] =	stream.linear.gather [hbm4b:s30+s2], $0x400, $0x38;
	[tilespmem:$0x19800] =	vst v63  }
0x26f: {  	s30 =	sld [smem:$0x7D9];
	_ =	sdelay $0x2  }
0x270: {  	[tilespmem:s4], [sflag:$0x3] =	stream.linear.gather [hbm4b:s30+s2], $0x4000, $0x38;
	[tilespmem:$0x19800] =	vst v63  }
0x271: {  	s5 =	rddreg [dreg:$0x8]  }
0x272: {  	[tilespmem:s0], [sflag:$0x3] =	stream.linear.gather [hbm4b:s5+s2], $0x4000, $0x38;
	[tilespmem:$0x19800] =	vst v63  }
0x273: {  	s30 =	rddreg [dreg:$0x9]  }
0x274: {  	[tilespmem:s3], [sflag:$0x3] =	stream.linear.gather [hbm4b:s30+s2], $0x400, $0x38;
	[tilespmem:$0x19800] =	vst v63  }
0x275: {  	s5 =	rddreg [dreg:$0xa]  }
0x276: {  	[tilespmem:s1], [sflag:$0x3] =	stream.linear.gather [hbm4b:s5+s2], $0x400, $0x38;
	[tilespmem:$0x19800] =	vst v63  }
0x277: {  	_ =	swait.ge [sflag:s11], $0x8000  }
0x278: {  	[sflag:s11] =	ssyncset.done $0x0  }
0x279: {  	[sflag:s11] =	ssyncadd.s32 $0xFFFF8000  }
0x27a: {  	_ =	swait.ge [sflag:s11], $0x800  }
0x27b: {  	s30 =	sld [smem:$0x7EC]  }
0x27c: {  	[sflag:s11] =	ssyncset.done $0x0  }
0x27d: {  	[sflag:s11] =	ssyncadd.s32 $0xFFFFF800  }
0x27e: {  	[hbm4b:s30+s2] =	stream.linear.scatter [tilespmem:s12], [sflag:$0x4], $0x4000, $0x38;
	[tilespmem:$0x19800] =	vst v63  }
0x27f: {  	s30 =	sld [smem:$0x78A];
	_ =	sdelay $0x2  }
0x280: {  	[hbm4b:s30+s2] =	stream.linear.scatter [tilespmem:s10], [sflag:$0x4], $0x4000, $0x38;
	[tilespmem:$0x19800] =	vst v63  }
0x281: {  	_ =	swait.ge [sflag:s8], $0x8000  }
0x282: {  	s30 =	sld [smem:$0x7CD]  }
0x283: {  	[sflag:s8] =	ssyncset.done $0x0  }
0x284: {  	[sflag:s8] =	ssyncadd.s32 $0xFFFF8000  }
0x285: {  	[tilespmem:s2], [sflag:$0x1] =	stream.linear.gather [hbm4b:s30+s2], $0x4000, $0x38;
	[tilespmem:$0x19800] =	vst v63  }
0x286: {  	s30 =	sld [smem:$0x78B];
	_ =	sdelay $0x2  }
0x287: {  	[tilespmem:s19], [sflag:$0x1] =	stream.linear.gather [hbm4b:s30+s2], $0x4000, $0x38;
	[tilespmem:$0x19800] =	vst v63  }
0x288: {  	s30 =	sld [smem:$0x7ED];
	_ =	sdelay $0x2  }
0x289: {  	[tilespmem:s20], [sflag:$0x1] =	stream.linear.gather [hbm4b:s30+s2], $0x400, $0x38;
	[tilespmem:$0x19800] =	vst v63  }
0x28a: {  	s30 =	sld [smem:$0x78C];
	_ =	sdelay $0x2  }
0x28b: {  	[tilespmem:s18], [sflag:$0x1] =	stream.linear.gather [hbm4b:s30+s2], $0x400, $0x38;
	[tilespmem:$0x19800] =	vst v63  }
0x28c: {  	_ =	swait.ge [sflag:s26], $0x8000  }
0x28d: {  	[sflag:s26] =	ssyncset.done $0x0  }
0x28e: {  	[sflag:s26] =	ssyncadd.s32 $0xFFFF8000  }
0x28f: {  	_ =	swait.ge [sflag:s26], $0x800  }
0x290: {  	s30 =	sld [smem:$0x7CE]  }
0x291: {  	[sflag:s26] =	ssyncset.done $0x0  }
0x292: {  	[sflag:s26] =	ssyncadd.s32 $0xFFFFF800  }
0x293: {  	[hbm4b:s30+s2] =	stream.linear.scatter [tilespmem:s28], [sflag:$0x5], $0x4000, $0x38;
	[tilespmem:$0x19800] =	vst v63  }
0x294: {  	s30 =	sld [smem:$0x78D];
	_ =	sdelay $0x2  }
0x295: {  	[hbm4b:s30+s2] =	stream.linear.scatter [tilespmem:s25], [sflag:$0x5], $0x4000, $0x38;
	[tilespmem:$0x19800] =	vst v63  }
0x296: {  	_ =	swait.ge [sflag:s13], $0x8000  }
0x297: {  	s30 =	sld [smem:$0x7CF]  }
0x298: {  	[sflag:s13] =	ssyncset.done $0x0  }
0x299: {  	[sflag:s13] =	ssyncadd.s32 $0xFFFF8000  }
0x29a: {  	[tilespmem:s17], [sflag:$0x2] =	stream.linear.gather [hbm4b:s30+s2], $0x4000, $0x38;
	[tilespmem:$0x19800] =	vst v63  }
0x29b: {  	s30 =	sld [smem:$0x78E];
	_ =	sdelay $0x2  }
0x29c: {  	[tilespmem:s14], [sflag:$0x2] =	stream.linear.gather [hbm4b:s30+s2], $0x4000, $0x38;
	[tilespmem:$0x19800] =	vst v63  }
0x29d: {  	s30 =	sld [smem:$0x7EE];
	_ =	sdelay $0x2  }
0x29e: {  	[tilespmem:s16], [sflag:$0x2] =	stream.linear.gather [hbm4b:s30+s2], $0x400, $0x38;
	[tilespmem:$0x19800] =	vst v63  }
0x29f: {  	s30 =	sld [smem:$0x78F];
	_ =	sdelay $0x2  }
0x2a0: {  	[tilespmem:s9], [sflag:$0x2] =	stream.linear.gather [hbm4b:s30+s2], $0x400, $0x38;
	[tilespmem:$0x19800] =	vst v63  }
0x2a1: {  	_ =	swait.ge [sflag:s22], $0x8000  }
0x2a2: {  	[sflag:s22] =	ssyncset.done $0x0  }
0x2a3: {  	[sflag:s22] =	ssyncadd.s32 $0xFFFF8000  }
0x2a4: {  	_ =	swait.ge [sflag:s22], $0x800  }
0x2a5: {  	s30 =	sld [smem:$0x7D0]  }
0x2a6: {  	[sflag:s22] =	ssyncset.done $0x0  }
0x2a7: {  	[sflag:s22] =	ssyncadd.s32 $0xFFFFF800  }
0x2a8: {  	[hbm4b:s30+s2] =	stream.linear.scatter [tilespmem:s23], [sflag:$0x6], $0x4000, $0x38;
	[tilespmem:$0x19800] =	vst v63  }
0x2a9: {  	s30 =	sld [smem:$0x790];
	_ =	sdelay $0x2  }
0x2aa: {  	[hbm4b:s30+s2] =	stream.linear.scatter [tilespmem:s21], [sflag:$0x6], $0x4000, $0x38;
	[tilespmem:$0x19800] =	vst v63  }
0x2ab: {  	_ =	swait.ge [sflag:s15], $0x8000  }
0x2ac: {  	s30 =	sld [smem:$0x7D1]  }
0x2ad: {  	[sflag:s15] =	ssyncset.done $0x0  }
0x2ae: {  	[sflag:s15] =	ssyncadd.s32 $0xFFFF8000  }
0x2af: {  	[tilespmem:s4], [sflag:$0x3] =	stream.linear.gather [hbm4b:s30+s2], $0x4000, $0x38;
	[tilespmem:$0x19800] =	vst v63  }
0x2b0: {  	s30 =	sld [smem:$0x791];
	_ =	sdelay $0x2  }
0x2b1: {  	[tilespmem:s0], [sflag:$0x3] =	stream.linear.gather [hbm4b:s30+s2], $0x4000, $0x38;
	[tilespmem:$0x19800] =	vst v63  }
0x2b2: {  	s30 =	sld [smem:$0x7EF];
	_ =	sdelay $0x2  }
0x2b3: {  	[tilespmem:s3], [sflag:$0x3] =	stream.linear.gather [hbm4b:s30+s2], $0x400, $0x38;
	[tilespmem:$0x19800] =	vst v63  }
0x2b4: {  	s30 =	sld [smem:$0x792];
	_ =	sdelay $0x2  }
0x2b5: {  	[tilespmem:s1], [sflag:$0x3] =	stream.linear.gather [hbm4b:s30+s2], $0x400, $0x38;
	[tilespmem:$0x19800] =	vst v63  }
0x2b6: {  	_ =	swait.ge [sflag:s11], $0x8000  }
0x2b7: {  	[sflag:s11] =	ssyncset.done $0x0  }
0x2b8: {  	[sflag:s11] =	ssyncadd.s32 $0xFFFF8000  }
0x2b9: {  	_ =	swait.ge [sflag:s11], $0x800  }
0x2ba: {  	s30 =	sld [smem:$0x7D2]  }
0x2bb: {  	[sflag:s11] =	ssyncset.done $0x0  }
0x2bc: {  	[sflag:s11] =	ssyncadd.s32 $0xFFFFF800  }
0x2bd: {  	[hbm4b:s30+s2] =	stream.linear.scatter [tilespmem:s12], [sflag:$0x4], $0x4000, $0x38;
	[tilespmem:$0x19800] =	vst v63  }
0x2be: {  	s30 =	sld [smem:$0x793];
	_ =	sdelay $0x2  }
0x2bf: {  	[hbm4b:s30+s2] =	stream.linear.scatter [tilespmem:s10], [sflag:$0x4], $0x4000, $0x38;
	[tilespmem:$0x19800] =	vst v63  }
0x2c0: {  	_ =	swait.ge [sflag:s8], $0x8000  }
0x2c1: {  	s30 =	sld [smem:$0x7D3]  }
0x2c2: {  	[sflag:s8] =	ssyncset.done $0x0  }
0x2c3: {  	[sflag:s8] =	ssyncadd.s32 $0xFFFF8000  }
0x2c4: {  	[tilespmem:s2], [sflag:$0x1] =	stream.linear.gather [hbm4b:s30+s2], $0x4000, $0x38;
	[tilespmem:$0x19800] =	vst v63  }
0x2c5: {  	s30 =	sld [smem:$0x794];
	_ =	sdelay $0x2  }
0x2c6: {  	[tilespmem:s19], [sflag:$0x1] =	stream.linear.gather [hbm4b:s30+s2], $0x4000, $0x38;
	[tilespmem:$0x19800] =	vst v63  }
0x2c7: {  	s30 =	sld [smem:$0x7F0];
	_ =	sdelay $0x2  }
0x2c8: {  	[tilespmem:s20], [sflag:$0x1] =	stream.linear.gather [hbm4b:s30+s2], $0x400, $0x38;
	[tilespmem:$0x19800] =	vst v63  }
0x2c9: {  	s30 =	sld [smem:$0x795];
	_ =	sdelay $0x2  }
0x2ca: {  	[tilespmem:s18], [sflag:$0x1] =	stream.linear.gather [hbm4b:s30+s2], $0x400, $0x38;
	[tilespmem:$0x19800] =	vst v63  }
0x2cb: {  	_ =	swait.ge [sflag:s26], $0x8000  }
0x2cc: {  	[sflag:s26] =	ssyncset.done $0x0  }
0x2cd: {  	[sflag:s26] =	ssyncadd.s32 $0xFFFF8000  }
0x2ce: {  	_ =	swait.ge [sflag:s26], $0x800  }
0x2cf: {  	s30 =	sld [smem:$0x7D4]  }
0x2d0: {  	[sflag:s26] =	ssyncset.done $0x0  }
0x2d1: {  	[sflag:s26] =	ssyncadd.s32 $0xFFFFF800  }
0x2d2: {  	[hbm4b:s30+s2] =	stream.linear.scatter [tilespmem:s28], [sflag:$0x5], $0x4000, $0x38;
	[tilespmem:$0x19800] =	vst v63  }
0x2d3: {  	s30 =	sld [smem:$0x796];
	_ =	sdelay $0x2  }
0x2d4: {  	[hbm4b:s30+s2] =	stream.linear.scatter [tilespmem:s25], [sflag:$0x5], $0x4000, $0x38;
	[tilespmem:$0x19800] =	vst v63  }
0x2d5: {  	_ =	swait.ge [sflag:s13], $0x8000  }
0x2d6: {  	s30 =	sld [smem:$0x7D6]  }
0x2d7: {  	[sflag:s13] =	ssyncset.done $0x0  }
0x2d8: {  	[sflag:s13] =	ssyncadd.s32 $0xFFFF8000  }
0x2d9: {  	[tilespmem:s17], [sflag:$0x2] =	stream.linear.gather [hbm4b:s30+s2], $0x4000, $0x38;
	[tilespmem:$0x19800] =	vst v63  }
0x2da: {  	s30 =	sld [smem:$0x797];
	_ =	sdelay $0x2  }
0x2db: {  	[tilespmem:s14], [sflag:$0x2] =	stream.linear.gather [hbm4b:s30+s2], $0x4000, $0x38;
	[tilespmem:$0x19800] =	vst v63  }
0x2dc: {  	s30 =	sld [smem:$0x7F1];
	_ =	sdelay $0x2  }
0x2dd: {  	[tilespmem:s16], [sflag:$0x2] =	stream.linear.gather [hbm4b:s30+s2], $0x400, $0x38;
	[tilespmem:$0x19800] =	vst v63  }
0x2de: {  	s30 =	sld [smem:$0x798];
	_ =	sdelay $0x2  }
0x2df: {  	[tilespmem:s9], [sflag:$0x2] =	stream.linear.gather [hbm4b:s30+s2], $0x400, $0x38;
	[tilespmem:$0x19800] =	vst v63  }
0x2e0: {  	_ =	swait.ge [sflag:s22], $0x8000  }
0x2e1: {  	[sflag:s22] =	ssyncset.done $0x0  }
0x2e2: {  	[sflag:s22] =	ssyncadd.s32 $0xFFFF8000  }
0x2e3: {  	_ =	swait.ge [sflag:s22], $0x800  }
0x2e4: {  	s30 =	sld [smem:$0x7D8]  }
0x2e5: {  	[sflag:s22] =	ssyncset.done $0x0  }
0x2e6: {  	[sflag:s22] =	ssyncadd.s32 $0xFFFFF800  }
0x2e7: {  	[hbm4b:s30+s2] =	stream.linear.scatter [tilespmem:s23], [sflag:$0x6], $0x4000, $0x38;
	[tilespmem:$0x19800] =	vst v63  }
0x2e8: {  	s30 =	sld [smem:$0x799];
	_ =	sdelay $0x2  }
0x2e9: {  	[hbm4b:s30+s2] =	stream.linear.scatter [tilespmem:s21], [sflag:$0x6], $0x4000, $0x38;
	[tilespmem:$0x19800] =	vst v63  }
0x2ea: {  	_ =	swait.ge [sflag:s15], $0x8000  }
0x2eb: {  	s30 =	sld [smem:$0x7DA]  }
0x2ec: {  	[sflag:s15] =	ssyncset.done $0x0  }
0x2ed: {  	[sflag:s15] =	ssyncadd.s32 $0xFFFF8000  }
0x2ee: {  	[tilespmem:s4], [sflag:$0x3] =	stream.linear.gather [hbm4b:s30+s2], $0x4000, $0x38;
	[tilespmem:$0x19800] =	vst v63  }
0x2ef: {  	s30 =	sld [smem:$0x79A];
	_ =	sdelay $0x2  }
0x2f0: {  	[tilespmem:s0], [sflag:$0x3] =	stream.linear.gather [hbm4b:s30+s2], $0x4000, $0x38;
	[tilespmem:$0x19800] =	vst v63  }
0x2f1: {  	s30 =	sld [smem:$0x7F2];
	_ =	sdelay $0x2  }
0x2f2: {  	[tilespmem:s3], [sflag:$0x3] =	stream.linear.gather [hbm4b:s30+s2], $0x400, $0x38;
	[tilespmem:$0x19800] =	vst v63  }
0x2f3: {  	s30 =	sld [smem:$0x79B];
	_ =	sdelay $0x2  }
0x2f4: {  	[tilespmem:s1], [sflag:$0x3] =	stream.linear.gather [hbm4b:s30+s2], $0x400, $0x38;
	[tilespmem:$0x19800] =	vst v63  }
0x2f5: {  	_ =	swait.ge [sflag:s11], $0x8000  }
0x2f6: {  	[sflag:s11] =	ssyncset.done $0x0  }
0x2f7: {  	[sflag:s11] =	ssyncadd.s32 $0xFFFF8000  }
0x2f8: {  	_ =	swait.ge [sflag:s11], $0x800  }
0x2f9: {  	s30 =	sld [smem:$0x7DB]  }
0x2fa: {  	[sflag:s11] =	ssyncset.done $0x0  }
0x2fb: {  	[sflag:s11] =	ssyncadd.s32 $0xFFFFF800  }
0x2fc: {  	[hbm4b:s30+s2] =	stream.linear.scatter [tilespmem:s12], [sflag:$0x4], $0x4000, $0x38;
	[tilespmem:$0x19800] =	vst v63  }
0x2fd: {  	s30 =	sld [smem:$0x79C];
	_ =	sdelay $0x2  }
0x2fe: {  	[hbm4b:s30+s2] =	stream.linear.scatter [tilespmem:s10], [sflag:$0x4], $0x4000, $0x38;
	[tilespmem:$0x19800] =	vst v63  }
0x2ff: {  	_ =	swait.ge [sflag:s8], $0x8000  }
0x300: {  	s30 =	sld [smem:$0x7DE]  }
0x301: {  	[sflag:s8] =	ssyncset.done $0x0  }
0x302: {  	[sflag:s8] =	ssyncadd.s32 $0xFFFF8000  }
0x303: {  	[tilespmem:s2], [sflag:$0x1] =	stream.linear.gather [hbm4b:s30+s2], $0x4000, $0x38;
	[tilespmem:$0x19800] =	vst v63  }
0x304: {  	s30 =	sld [smem:$0x79D];
	_ =	sdelay $0x2  }
0x305: {  	[tilespmem:s19], [sflag:$0x1] =	stream.linear.gather [hbm4b:s30+s2], $0x4000, $0x38;
	[tilespmem:$0x19800] =	vst v63  }
0x306: {  	s30 =	sld [smem:$0x7F3];
	_ =	sdelay $0x2  }
0x307: {  	[tilespmem:s20], [sflag:$0x1] =	stream.linear.gather [hbm4b:s30+s2], $0x400, $0x38;
	[tilespmem:$0x19800] =	vst v63  }
0x308: {  	s30 =	sld [smem:$0x79E];
	_ =	sdelay $0x2  }
0x309: {  	[tilespmem:s18], [sflag:$0x1] =	stream.linear.gather [hbm4b:s30+s2], $0x400, $0x38;
	[tilespmem:$0x19800] =	vst v63  }
0x30a: {  	_ =	swait.ge [sflag:s26], $0x8000  }
0x30b: {  	[sflag:s26] =	ssyncset.done $0x0  }
0x30c: {  	[sflag:s26] =	ssyncadd.s32 $0xFFFF8000  }
0x30d: {  	_ =	swait.ge [sflag:s26], $0x800  }
0x30e: {  	s30 =	sld [smem:$0x7DC]  }
0x30f: {  	[sflag:s26] =	ssyncset.done $0x0  }
0x310: {  	[sflag:s26] =	ssyncadd.s32 $0xFFFFF800  }
0x311: {  	[hbm4b:s30+s2] =	stream.linear.scatter [tilespmem:s28], [sflag:$0x5], $0x4000, $0x38;
	[tilespmem:$0x19800] =	vst v63  }
0x312: {  	s30 =	sld [smem:$0x79F];
	_ =	sdelay $0x2  }
0x313: {  	[hbm4b:s30+s2] =	stream.linear.scatter [tilespmem:s25], [sflag:$0x5], $0x4000, $0x38;
	[tilespmem:$0x19800] =	vst v63  }
0x314: {  	_ =	swait.ge [sflag:s13], $0x8000  }
0x315: {  	s30 =	sld [smem:$0x7E0]  }
0x316: {  	[sflag:s13] =	ssyncset.done $0x0  }
0x317: {  	[sflag:s13] =	ssyncadd.s32 $0xFFFF8000  }
0x318: {  	[tilespmem:s17], [sflag:$0x2] =	stream.linear.gather [hbm4b:s30+s2], $0x4000, $0x38;
	[tilespmem:$0x19800] =	vst v63  }
0x319: {  	s30 =	sld [smem:$0x7A0];
	_ =	sdelay $0x2  }
0x31a: {  	[tilespmem:s14], [sflag:$0x2] =	stream.linear.gather [hbm4b:s30+s2], $0x4000, $0x38;
	[tilespmem:$0x19800] =	vst v63  }
0x31b: {  	s30 =	sld [smem:$0x7F4];
	_ =	sdelay $0x2  }
0x31c: {  	[tilespmem:s16], [sflag:$0x2] =	stream.linear.gather [hbm4b:s30+s2], $0x400, $0x38;
	[tilespmem:$0x19800] =	vst v63  }
0x31d: {  	s30 =	sld [smem:$0x7A1];
	_ =	sdelay $0x2  }
0x31e: {  	[tilespmem:s9], [sflag:$0x2] =	stream.linear.gather [hbm4b:s30+s2], $0x400, $0x38;
	[tilespmem:$0x19800] =	vst v63  }
0x31f: {  	_ =	swait.ge [sflag:s22], $0x8000  }
0x320: {  	[sflag:s22] =	ssyncset.done $0x0  }
0x321: {  	[sflag:s22] =	ssyncadd.s32 $0xFFFF8000  }
0x322: {  	_ =	swait.ge [sflag:s22], $0x800  }
0x323: {  	s30 =	sld [smem:$0x7DD]  }
0x324: {  	[sflag:s22] =	ssyncset.done $0x0  }
0x325: {  	[sflag:s22] =	ssyncadd.s32 $0xFFFFF800  }
0x326: {  	[hbm4b:s30+s2] =	stream.linear.scatter [tilespmem:s23], [sflag:$0x6], $0x4000, $0x38;
	[tilespmem:$0x19800] =	vst v63  }
0x327: {  	s30 =	sld [smem:$0x7A2];
	_ =	sdelay $0x2  }
0x328: {  	[hbm4b:s30+s2] =	stream.linear.scatter [tilespmem:s21], [sflag:$0x6], $0x4000, $0x38;
	[tilespmem:$0x19800] =	vst v63  }
0x329: {  	_ =	swait.ge [sflag:s15], $0x8000  }
0x32a: {  	s30 =	sld [smem:$0x7E2]  }
0x32b: {  	[sflag:s15] =	ssyncset.done $0x0  }
0x32c: {  	[sflag:s15] =	ssyncadd.s32 $0xFFFF8000  }
0x32d: {  	[tilespmem:s4], [sflag:$0x3] =	stream.linear.gather [hbm4b:s30+s2], $0x4000, $0x38;
	[tilespmem:$0x19800] =	vst v63  }
0x32e: {  	s30 =	sld [smem:$0x7A3];
	_ =	sdelay $0x2  }
0x32f: {  	[tilespmem:s0], [sflag:$0x3] =	stream.linear.gather [hbm4b:s30+s2], $0x4000, $0x38;
	[tilespmem:$0x19800] =	vst v63  }
0x330: {  	s30 =	sld [smem:$0x7F5];
	_ =	sdelay $0x2  }
0x331: {  	[tilespmem:s3], [sflag:$0x3] =	stream.linear.gather [hbm4b:s30+s2], $0x400, $0x38;
	[tilespmem:$0x19800] =	vst v63  }
0x332: {  	s30 =	sld [smem:$0x7A4];
	_ =	sdelay $0x2  }
0x333: {  	[tilespmem:s1], [sflag:$0x3] =	stream.linear.gather [hbm4b:s30+s2], $0x400, $0x38;
	[tilespmem:$0x19800] =	vst v63  }
0x334: {  	_ =	swait.ge [sflag:s11], $0x8000  }
0x335: {  	[sflag:s11] =	ssyncset.done $0x0  }
0x336: {  	[sflag:s11] =	ssyncadd.s32 $0xFFFF8000  }
0x337: {  	_ =	swait.ge [sflag:s11], $0x800  }
0x338: {  	s30 =	sld [smem:$0x7DF]  }
0x339: {  	[sflag:s11] =	ssyncset.done $0x0  }
0x33a: {  	[sflag:s11] =	ssyncadd.s32 $0xFFFFF800  }
0x33b: {  	[hbm4b:s30+s2] =	stream.linear.scatter [tilespmem:s12], [sflag:$0x4], $0x4000, $0x38;
	[tilespmem:$0x19800] =	vst v63  }
0x33c: {  	s30 =	sld [smem:$0x7A5];
	_ =	sdelay $0x2  }
0x33d: {  	[hbm4b:s30+s2] =	stream.linear.scatter [tilespmem:s10], [sflag:$0x4], $0x4000, $0x38;
	[tilespmem:$0x19800] =	vst v63  }
0x33e: {  	_ =	swait.ge [sflag:s8], $0x8000  }
0x33f: {  	s30 =	sld [smem:$0x7E4]  }
0x340: {  	[sflag:s8] =	ssyncset.done $0x0  }
0x341: {  	[sflag:s8] =	ssyncadd.s32 $0xFFFF8000  }
0x342: {  	[tilespmem:s2], [sflag:$0x1] =	stream.linear.gather [hbm4b:s30+s2], $0x4000, $0x38;
	[tilespmem:$0x19800] =	vst v63  }
0x343: {  	s30 =	sld [smem:$0x7A6];
	_ =	sdelay $0x2  }
0x344: {  	[tilespmem:s19], [sflag:$0x1] =	stream.linear.gather [hbm4b:s30+s2], $0x4000, $0x38;
	[tilespmem:$0x19800] =	vst v63  }
0x345: {  	s30 =	sld [smem:$0x7F6];
	_ =	sdelay $0x2  }
0x346: {  	[tilespmem:s20], [sflag:$0x1] =	stream.linear.gather [hbm4b:s30+s2], $0x400, $0x38;
	[tilespmem:$0x19800] =	vst v63  }
0x347: {  	s30 =	sld [smem:$0x7A7];
	_ =	sdelay $0x2  }
0x348: {  	[tilespmem:s18], [sflag:$0x1] =	stream.linear.gather [hbm4b:s30+s2], $0x400, $0x38;
	[tilespmem:$0x19800] =	vst v63  }
0x349: {  	_ =	swait.ge [sflag:s26], $0x8000  }
0x34a: {  	[sflag:s26] =	ssyncset.done $0x0  }
0x34b: {  	[sflag:s26] =	ssyncadd.s32 $0xFFFF8000  }
0x34c: {  	_ =	swait.ge [sflag:s26], $0x800  }
0x34d: {  	s30 =	sld [smem:$0x7E1]  }
0x34e: {  	[sflag:s26] =	ssyncset.done $0x0  }
0x34f: {  	[sflag:s26] =	ssyncadd.s32 $0xFFFFF800  }
0x350: {  	[hbm4b:s30+s2] =	stream.linear.scatter [tilespmem:s28], [sflag:$0x5], $0x4000, $0x38;
	[tilespmem:$0x19800] =	vst v63  }
0x351: {  	s30 =	sld [smem:$0x7A8];
	_ =	sdelay $0x2  }
0x352: {  	[hbm4b:s30+s2] =	stream.linear.scatter [tilespmem:s25], [sflag:$0x5], $0x4000, $0x38;
	[tilespmem:$0x19800] =	vst v63  }
0x353: {  	_ =	swait.ge [sflag:s13], $0x8000  }
0x354: {  	s30 =	sld [smem:$0x7E6]  }
0x355: {  	[sflag:s13] =	ssyncset.done $0x0  }
0x356: {  	[sflag:s13] =	ssyncadd.s32 $0xFFFF8000  }
0x357: {  	[tilespmem:s17], [sflag:$0x2] =	stream.linear.gather [hbm4b:s30+s2], $0x4000, $0x38;
	[tilespmem:$0x19800] =	vst v63  }
0x358: {  	s30 =	sld [smem:$0x7A9];
	_ =	sdelay $0x2  }
0x359: {  	[tilespmem:s14], [sflag:$0x2] =	stream.linear.gather [hbm4b:s30+s2], $0x4000, $0x38;
	[tilespmem:$0x19800] =	vst v63  }
0x35a: {  	s30 =	sld [smem:$0x7F7];
	_ =	sdelay $0x2  }
0x35b: {  	[tilespmem:s16], [sflag:$0x2] =	stream.linear.gather [hbm4b:s30+s2], $0x400, $0x38;
	[tilespmem:$0x19800] =	vst v63  }
0x35c: {  	s30 =	sld [smem:$0x7AA];
	_ =	sdelay $0x2  }
0x35d: {  	[tilespmem:s9], [sflag:$0x2] =	stream.linear.gather [hbm4b:s30+s2], $0x400, $0x38;
	[tilespmem:$0x19800] =	vst v63  }
0x35e: {  	_ =	swait.ge [sflag:s22], $0x8000  }
0x35f: {  	[sflag:s22] =	ssyncset.done $0x0  }
0x360: {  	[sflag:s22] =	ssyncadd.s32 $0xFFFF8000  }
0x361: {  	_ =	swait.ge [sflag:s22], $0x800  }
0x362: {  	s30 =	sld [smem:$0x7E3]  }
0x363: {  	[sflag:s22] =	ssyncset.done $0x0  }
0x364: {  	[sflag:s22] =	ssyncadd.s32 $0xFFFFF800  }
0x365: {  	[hbm4b:s30+s2] =	stream.linear.scatter [tilespmem:s23], [sflag:$0x6], $0x4000, $0x38;
	[tilespmem:$0x19800] =	vst v63  }
0x366: {  	s30 =	sld [smem:$0x7AB];
	_ =	sdelay $0x2  }
0x367: {  	[hbm4b:s30+s2] =	stream.linear.scatter [tilespmem:s21], [sflag:$0x6], $0x4000, $0x38;
	[tilespmem:$0x19800] =	vst v63  }
0x368: {  	_ =	swait.ge [sflag:s15], $0x8000  }
0x369: {  	s30 =	sld [smem:$0x7E8]  }
0x36a: {  	[sflag:s15] =	ssyncset.done $0x0  }
0x36b: {  	[sflag:s15] =	ssyncadd.s32 $0xFFFF8000  }
0x36c: {  	[tilespmem:s4], [sflag:$0x3] =	stream.linear.gather [hbm4b:s30+s2], $0x4000, $0x38;
	[tilespmem:$0x19800] =	vst v63  }
0x36d: {  	s30 =	sld [smem:$0x7AC];
	_ =	sdelay $0x2  }
0x36e: {  	[tilespmem:s0], [sflag:$0x3] =	stream.linear.gather [hbm4b:s30+s2], $0x4000, $0x38;
	[tilespmem:$0x19800] =	vst v63  }
0x36f: {  	s30 =	sld [smem:$0x7F8];
	_ =	sdelay $0x2  }
0x370: {  	[tilespmem:s3], [sflag:$0x3] =	stream.linear.gather [hbm4b:s30+s2], $0x400, $0x38;
	[tilespmem:$0x19800] =	vst v63  }
0x371: {  	s30 =	sld [smem:$0x7AD];
	_ =	sdelay $0x2  }
0x372: {  	[tilespmem:s1], [sflag:$0x3] =	stream.linear.gather [hbm4b:s30+s2], $0x400, $0x38;
	[tilespmem:$0x19800] =	vst v63  }
0x373: {  	_ =	swait.ge [sflag:s11], $0x8000  }
0x374: {  	[sflag:s11] =	ssyncset.done $0x0  }
0x375: {  	[sflag:s11] =	ssyncadd.s32 $0xFFFF8000  }
0x376: {  	_ =	swait.ge [sflag:s11], $0x800  }
0x377: {  	s30 =	sld [smem:$0x7E5]  }
0x378: {  	[sflag:s11] =	ssyncset.done $0x0  }
0x379: {  	[sflag:s11] =	ssyncadd.s32 $0xFFFFF800  }
0x37a: {  	[hbm4b:s30+s2] =	stream.linear.scatter [tilespmem:s12], [sflag:$0x4], $0x4000, $0x38;
	[tilespmem:$0x19800] =	vst v63  }
0x37b: {  	s30 =	sld [smem:$0x7AE];
	_ =	sdelay $0x2  }
0x37c: {  	[hbm4b:s30+s2] =	stream.linear.scatter [tilespmem:s10], [sflag:$0x4], $0x4000, $0x38;
	[tilespmem:$0x19800] =	vst v63  }
0x37d: {  	_ =	swait.ge [sflag:s8], $0x8000  }
0x37e: {  	s30 =	sld [smem:$0x7E9]  }
0x37f: {  	[sflag:s8] =	ssyncset.done $0x0  }
0x380: {  	[sflag:s8] =	ssyncadd.s32 $0xFFFF8000  }
0x381: {  	[tilespmem:s2], [sflag:$0x1] =	stream.linear.gather [hbm4b:s30+s2], $0x4000, $0x38;
	[tilespmem:$0x19800] =	vst v63  }
0x382: {  	s30 =	sld [smem:$0x7AF];
	_ =	sdelay $0x2  }
0x383: {  	[tilespmem:s19], [sflag:$0x1] =	stream.linear.gather [hbm4b:s30+s2], $0x4000, $0x38;
	[tilespmem:$0x19800] =	vst v63  }
0x384: {  	s30 =	sld [smem:$0x7F9];
	_ =	sdelay $0x2  }
0x385: {  	[tilespmem:s20], [sflag:$0x1] =	stream.linear.gather [hbm4b:s30+s2], $0x400, $0x38;
	[tilespmem:$0x19800] =	vst v63  }
0x386: {  	s30 =	sld [smem:$0x7B0];
	_ =	sdelay $0x2  }
0x387: {  	[tilespmem:s18], [sflag:$0x1] =	stream.linear.gather [hbm4b:s30+s2], $0x400, $0x38;
	[tilespmem:$0x19800] =	vst v63  }
0x388: {  	_ =	swait.ge [sflag:s26], $0x8000  }
0x389: {  	[sflag:s26] =	ssyncset.done $0x0  }
0x38a: {  	[sflag:s26] =	ssyncadd.s32 $0xFFFF8000  }
0x38b: {  	_ =	swait.ge [sflag:s26], $0x800  }
0x38c: {  	s30 =	sld [smem:$0x7E7]  }
0x38d: {  	[sflag:s26] =	ssyncset.done $0x0  }
0x38e: {  	[sflag:s26] =	ssyncadd.s32 $0xFFFFF800  }
0x38f: {  	[hbm4b:s30+s2] =	stream.linear.scatter [tilespmem:s28], [sflag:$0x5], $0x4000, $0x38;
	[tilespmem:$0x19800] =	vst v63  }
0x390: {  	s30 =	sld [smem:$0x7B1];
	_ =	sdelay $0x2  }
0x391: {  	[hbm4b:s30+s2] =	stream.linear.scatter [tilespmem:s25], [sflag:$0x5], $0x4000, $0x38;
	[tilespmem:$0x19800] =	vst v63  }
0x392: {  	_ =	swait.ge [sflag:s13], $0x8000  }
0x393: {  	s30 =	sld [smem:$0x7EA]  }
0x394: {  	[sflag:s13] =	ssyncset.done $0x0  }
0x395: {  	[sflag:s13] =	ssyncadd.s32 $0xFFFF8000  }
0x396: {  	[tilespmem:s17], [sflag:$0x2] =	stream.linear.gather [hbm4b:s30+s2], $0x4000, $0x38;
	[tilespmem:$0x19800] =	vst v63  }
0x397: {  	s30 =	sld [smem:$0x7B2];
	_ =	sdelay $0x2  }
0x398: {  	[tilespmem:s14], [sflag:$0x2] =	stream.linear.gather [hbm4b:s30+s2], $0x4000, $0x38;
	[tilespmem:$0x19800] =	vst v63  }
0x399: {  	s30 =	sld [smem:$0x7FA];
	_ =	sdelay $0x2  }
0x39a: {  	[tilespmem:s16], [sflag:$0x2] =	stream.linear.gather [hbm4b:s30+s2], $0x400, $0x38;
	[tilespmem:$0x19800] =	vst v63  }
0x39b: {  	s30 =	sld [smem:$0x7B3];
	_ =	sdelay $0x2  }
0x39c: {  	[tilespmem:s9], [sflag:$0x2] =	stream.linear.gather [hbm4b:s30+s2], $0x400, $0x38;
	[tilespmem:$0x19800] =	vst v63  }
0x39d: {  	_ =	swait.ge [sflag:s22], $0x8000  }
0x39e: {  	[sflag:s22] =	ssyncset.done $0x0  }
0x39f: {  	[sflag:s22] =	ssyncadd.s32 $0xFFFF8000  }
0x3a0: {  	_ =	swait.ge [sflag:s22], $0x800  }
0x3a1: {  	[sflag:s22] =	ssyncset.done $0x0  }
0x3a2: {  	s30 =	rddreg [dreg:$0x1f];
	[sflag:s22] =	ssyncadd.s32 $0xFFFFF800  }
0x3a3: {  	[hbm4b:s30+s2] =	stream.linear.scatter [tilespmem:s23], [sflag:$0x6], $0x4000, $0x38;
	[tilespmem:$0x19800] =	vst v63  }
0x3a4: {  	s30 =	sld [smem:$0x7B4];
	_ =	sdelay $0x2  }
0x3a5: {  	[hbm4b:s30+s2] =	stream.linear.scatter [tilespmem:s21], [sflag:$0x6], $0x4000, $0x38;
	[tilespmem:$0x19800] =	vst v63  }
0x3a6: {  	_ =	swait.ge [sflag:s15], $0x8000  }
0x3a7: {  	s30 =	sld [smem:$0x7EB]  }
0x3a8: {  	[sflag:s15] =	ssyncset.done $0x0  }
0x3a9: {  	[sflag:s15] =	ssyncadd.s32 $0xFFFF8000  }
0x3aa: {  	[tilespmem:s4], [sflag:$0x3] =	stream.linear.gather [hbm4b:s30+s2], $0x4000, $0x38;
	[tilespmem:$0x19800] =	vst v63  }
0x3ab: {  	s30 =	sld [smem:$0x7B5];
	_ =	sdelay $0x2  }
0x3ac: {  	[tilespmem:s0], [sflag:$0x3] =	stream.linear.gather [hbm4b:s30+s2], $0x4000, $0x38;
	[tilespmem:$0x19800] =	vst v63  }
0x3ad: {  	s30 =	sld [smem:$0x7FB];
	_ =	sdelay $0x2  }
0x3ae: {  	[tilespmem:s3], [sflag:$0x3] =	stream.linear.gather [hbm4b:s30+s2], $0x400, $0x38;
	[tilespmem:$0x19800] =	vst v63  }
0x3af: {  	s30 =	sld [smem:$0x7B6];
	_ =	sdelay $0x2  }
0x3b0: {  	[tilespmem:s1], [sflag:$0x3] =	stream.linear.gather [hbm4b:s30+s2], $0x400, $0x38;
	[tilespmem:$0x19800] =	vst v63  }
0x3b1: {  	_ =	swait.ge [sflag:s11], $0x8000  }
0x3b2: {  	[sflag:s11] =	ssyncset.done $0x0  }
0x3b3: {  	[sflag:s11] =	ssyncadd.s32 $0xFFFF8000  }
0x3b4: {  	_ =	swait.ge [sflag:s11], $0x800  }
0x3b5: {  	[sflag:s11] =	ssyncset.done $0x0  }
0x3b6: {  	s30 =	rddreg [dreg:$0x1c];
	[sflag:s11] =	ssyncadd.s32 $0xFFFFF800  }
0x3b7: {  	[hbm4b:s30+s2] =	stream.linear.scatter [tilespmem:s12], [sflag:$0x4], $0x4000, $0x38;
	[tilespmem:$0x19800] =	vst v63  }
0x3b8: {  	s30 =	sld [smem:$0x7B7];
	_ =	sdelay $0x2  }
0x3b9: {  	[hbm4b:s30+s2] =	stream.linear.scatter [tilespmem:s10], [sflag:$0x4], $0x4000, $0x38;
	[tilespmem:$0x19800] =	vst v63  }
0x3ba: {  	_ =	swait.ge [sflag:s8], $0x8000  }
0x3bb: {  	[sflag:s8] =	ssyncset.done $0x0  }
0x3bc: {  	s30 =	rddreg [dreg:$0x1d];
	[sflag:s8] =	ssyncadd.s32 $0xFFFF8000  }
0x3bd: {  	[tilespmem:s2], [sflag:$0x1] =	stream.linear.gather [hbm4b:s30+s2], $0x4000, $0x38;
	[tilespmem:$0x19800] =	vst v63  }
0x3be: {  	s30 =	sld [smem:$0x7B8];
	_ =	sdelay $0x2  }
0x3bf: {  	[tilespmem:s19], [sflag:$0x1] =	stream.linear.gather [hbm4b:s30+s2], $0x4000, $0x38;
	[tilespmem:$0x19800] =	vst v63  }
0x3c0: {  	s30 =	sld [smem:$0x7FC];
	_ =	sdelay $0x2  }
0x3c1: {  	[tilespmem:s20], [sflag:$0x1] =	stream.linear.gather [hbm4b:s30+s2], $0x400, $0x38;
	[tilespmem:$0x19800] =	vst v63  }
0x3c2: {  	s30 =	sld [smem:$0x7B9];
	_ =	sdelay $0x2  }
0x3c3: {  	[tilespmem:s18], [sflag:$0x1] =	stream.linear.gather [hbm4b:s30+s2], $0x400, $0x38;
	[tilespmem:$0x19800] =	vst v63  }
0x3c4: {  	_ =	swait.ge [sflag:s26], $0x8000  }
0x3c5: {  	[sflag:s26] =	ssyncset.done $0x0  }
0x3c6: {  	[sflag:s26] =	ssyncadd.s32 $0xFFFF8000  }
0x3c7: {  	_ =	swait.ge [sflag:s26], $0x800  }
0x3c8: {  	[sflag:s26] =	ssyncset.done $0x0  }
0x3c9: {  	s30 =	rddreg [dreg:$0x19];
	[sflag:s26] =	ssyncadd.s32 $0xFFFFF800  }
0x3ca: {  	[hbm4b:s30+s2] =	stream.linear.scatter [tilespmem:s28], [sflag:$0x5], $0x4000, $0x38;
	[tilespmem:$0x19800] =	vst v63  }
0x3cb: {  	s30 =	sld [smem:$0x7BA];
	_ =	sdelay $0x2  }
0x3cc: {  	[hbm4b:s30+s2] =	stream.linear.scatter [tilespmem:s25], [sflag:$0x5], $0x4000, $0x38;
	[tilespmem:$0x19800] =	vst v63  }
0x3cd: {  	_ =	swait.ge [sflag:s13], $0x8000  }
0x3ce: {  	[sflag:s13] =	ssyncset.done $0x0  }
0x3cf: {  	s30 =	rddreg [dreg:$0x1a];
	[sflag:s13] =	ssyncadd.s32 $0xFFFF8000  }
0x3d0: {  	[tilespmem:s17], [sflag:$0x2] =	stream.linear.gather [hbm4b:s30+s2], $0x4000, $0x38;
	[tilespmem:$0x19800] =	vst v63  }
0x3d1: {  	s30 =	sld [smem:$0x7BB];
	_ =	sdelay $0x2  }
0x3d2: {  	[tilespmem:s14], [sflag:$0x2] =	stream.linear.gather [hbm4b:s30+s2], $0x4000, $0x38;
	[tilespmem:$0x19800] =	vst v63  }
0x3d3: {  	s30 =	sld [smem:$0x7FD];
	_ =	sdelay $0x2  }
0x3d4: {  	[tilespmem:s16], [sflag:$0x2] =	stream.linear.gather [hbm4b:s30+s2], $0x400, $0x38;
	[tilespmem:$0x19800] =	vst v63  }
0x3d5: {  	s30 =	sld [smem:$0x7BC];
	_ =	sdelay $0x2  }
0x3d6: {  	[tilespmem:s9], [sflag:$0x2] =	stream.linear.gather [hbm4b:s30+s2], $0x400, $0x38;
	[tilespmem:$0x19800] =	vst v63  }
0x3d7: {  	_ =	swait.ge [sflag:s22], $0x8000  }
0x3d8: {  	[sflag:s22] =	ssyncset.done $0x0  }
0x3d9: {  	[sflag:s22] =	ssyncadd.s32 $0xFFFF8000  }
0x3da: {  	_ =	swait.ge [sflag:s22], $0x800  }
0x3db: {  	[sflag:s22] =	ssyncset.done $0x0  }
0x3dc: {  	s30 =	rddreg [dreg:$0x16];
	[sflag:s22] =	ssyncadd.s32 $0xFFFFF800  }
0x3dd: {  	[hbm4b:s30+s2] =	stream.linear.scatter [tilespmem:s23], [sflag:$0x6], $0x4000, $0x38;
	[tilespmem:$0x19800] =	vst v63  }
0x3de: {  	s30 =	sld [smem:$0x7BD];
	_ =	sdelay $0x2  }
0x3df: {  	[hbm4b:s30+s2] =	stream.linear.scatter [tilespmem:s21], [sflag:$0x6], $0x4000, $0x38;
	[tilespmem:$0x19800] =	vst v63  }
0x3e0: {  	_ =	swait.ge [sflag:s15], $0x8000  }
0x3e1: {  	[sflag:s15] =	ssyncset.done $0x0  }
0x3e2: {  	s30 =	rddreg [dreg:$0x17];
	[sflag:s15] =	ssyncadd.s32 $0xFFFF8000  }
0x3e3: {  	[tilespmem:s4], [sflag:$0x3] =	stream.linear.gather [hbm4b:s30+s2], $0x4000, $0x38;
	[tilespmem:$0x19800] =	vst v63  }
0x3e4: {  	s30 =	sld [smem:$0x7BE];
	_ =	sdelay $0x2  }
0x3e5: {  	[tilespmem:s0], [sflag:$0x3] =	stream.linear.gather [hbm4b:s30+s2], $0x4000, $0x38;
	[tilespmem:$0x19800] =	vst v63  }
0x3e6: {  	s30 =	rddreg [dreg:$0x1e]  }
0x3e7: {  	[tilespmem:s3], [sflag:$0x3] =	stream.linear.gather [hbm4b:s30+s2], $0x400, $0x38;
	[tilespmem:$0x19800] =	vst v63  }
0x3e8: {  	s30 =	sld [smem:$0x7BF];
	_ =	sdelay $0x2  }
0x3e9: {  	[tilespmem:s1], [sflag:$0x3] =	stream.linear.gather [hbm4b:s30+s2], $0x400, $0x38;
	[tilespmem:$0x19800] =	vst v63  }
0x3ea: {  	_ =	swait.ge [sflag:s11], $0x8000  }
0x3eb: {  	[sflag:s11] =	ssyncset.done $0x0  }
0x3ec: {  	[sflag:s11] =	ssyncadd.s32 $0xFFFF8000  }
0x3ed: {  	_ =	swait.ge [sflag:s11], $0x800  }
0x3ee: {  	[sflag:s11] =	ssyncset.done $0x0  }
0x3ef: {  	s30 =	rddreg [dreg:$0x13];
	[sflag:s11] =	ssyncadd.s32 $0xFFFFF800  }
0x3f0: {  	[hbm4b:s30+s2] =	stream.linear.scatter [tilespmem:s12], [sflag:$0x4], $0x4000, $0x38;
	[tilespmem:$0x19800] =	vst v63  }
0x3f1: {  	s30 =	sld [smem:$0x7C0];
	_ =	sdelay $0x2  }
0x3f2: {  	[hbm4b:s30+s2] =	stream.linear.scatter [tilespmem:s10], [sflag:$0x4], $0x4000, $0x38;
	[tilespmem:$0x19800] =	vst v63  }
0x3f3: {  	_ =	swait.ge [sflag:s8], $0x8000  }
0x3f4: {  	[sflag:s8] =	ssyncset.done $0x0  }
0x3f5: {  	s30 =	rddreg [dreg:$0x15];
	[sflag:s8] =	ssyncadd.s32 $0xFFFF8000  }
0x3f6: {  	[tilespmem:s2], [sflag:$0x1] =	stream.linear.gather [hbm4b:s30+s2], $0x4000, $0x38;
	[tilespmem:$0x19800] =	vst v63  }
0x3f7: {  	s30 =	sld [smem:$0x7C1];
	_ =	sdelay $0x2  }
0x3f8: {  	[tilespmem:s19], [sflag:$0x1] =	stream.linear.gather [hbm4b:s30+s2], $0x4000, $0x38;
	[tilespmem:$0x19800] =	vst v63  }
0x3f9: {  	s30 =	rddreg [dreg:$0x1b]  }
0x3fa: {  	[tilespmem:s20], [sflag:$0x1] =	stream.linear.gather [hbm4b:s30+s2], $0x400, $0x38;
	[tilespmem:$0x19800] =	vst v63  }
0x3fb: {  	s30 =	sld [smem:$0x7C2];
	_ =	sdelay $0x2  }
0x3fc: {  	[tilespmem:s18], [sflag:$0x1] =	stream.linear.gather [hbm4b:s30+s2], $0x400, $0x38;
	[tilespmem:$0x19800] =	vst v63  }
0x3fd: {  	_ =	swait.ge [sflag:s26], $0x8000  }
0x3fe: {  	[sflag:s26] =	ssyncset.done $0x0  }
0x3ff: {  	[sflag:s26] =	ssyncadd.s32 $0xFFFF8000  }
0x400: {  	_ =	swait.ge [sflag:s26], $0x800  }
0x401: {  	[sflag:s26] =	ssyncset.done $0x0  }
0x402: {  	s30 =	rddreg [dreg:$0x11];
	[sflag:s26] =	ssyncadd.s32 $0xFFFFF800  }
0x403: {  	[hbm4b:s30+s2] =	stream.linear.scatter [tilespmem:s28], [sflag:$0x5], $0x4000, $0x38;
	[tilespmem:$0x19800] =	vst v63  }
0x404: {  	s30 =	sld [smem:$0x7C3];
	_ =	sdelay $0x2  }
0x405: {  	[hbm4b:s30+s2] =	stream.linear.scatter [tilespmem:s25], [sflag:$0x5], $0x4000, $0x38;
	[tilespmem:$0x19800] =	vst v63  }
0x406: {  	_ =	swait.ge [sflag:s13], $0x8000  }
0x407: {  	[sflag:s13] =	ssyncset.done $0x0  }
0x408: {  	s30 =	rddreg [dreg:$0x12];
	[sflag:s13] =	ssyncadd.s32 $0xFFFF8000  }
0x409: {  	[tilespmem:s17], [sflag:$0x2] =	stream.linear.gather [hbm4b:s30+s2], $0x4000, $0x38;
	[tilespmem:$0x19800] =	vst v63  }
0x40a: {  	s30 =	sld [smem:$0x7C4];
	_ =	sdelay $0x2  }
0x40b: {  	[tilespmem:s14], [sflag:$0x2] =	stream.linear.gather [hbm4b:s30+s2], $0x4000, $0x38;
	[tilespmem:$0x19800] =	vst v63  }
0x40c: {  	s30 =	rddreg [dreg:$0x18]  }
0x40d: {  	[tilespmem:s16], [sflag:$0x2] =	stream.linear.gather [hbm4b:s30+s2], $0x400, $0x38;
	[tilespmem:$0x19800] =	vst v63  }
0x40e: {  	s30 =	sld [smem:$0x7C5];
	_ =	sdelay $0x2  }
0x40f: {  	[tilespmem:s9], [sflag:$0x2] =	stream.linear.gather [hbm4b:s30+s2], $0x400, $0x38;
	[tilespmem:$0x19800] =	vst v63  }
0x410: {  	_ =	swait.ge [sflag:s22], $0x8000  }
0x411: {  	[sflag:s22] =	ssyncset.done $0x0  }
0x412: {  	[sflag:s22] =	ssyncadd.s32 $0xFFFF8000  }
0x413: {  	_ =	swait.ge [sflag:s22], $0x800  }
0x414: {  	[sflag:s22] =	ssyncset.done $0x0  }
0x415: {  	s30 =	rddreg [dreg:$0xe];
	[sflag:s22] =	ssyncadd.s32 $0xFFFFF800  }
0x416: {  	[hbm4b:s30+s2] =	stream.linear.scatter [tilespmem:s23], [sflag:$0x6], $0x4000, $0x38;
	[tilespmem:$0x19800] =	vst v63  }
0x417: {  	s30 =	sld [smem:$0x7C6];
	_ =	sdelay $0x2  }
0x418: {  	[hbm4b:s30+s2] =	stream.linear.scatter [tilespmem:s21], [sflag:$0x6], $0x4000, $0x38;
	[tilespmem:$0x19800] =	vst v63  }
0x419: {  	_ =	swait.ge [sflag:s15], $0x8000  }
0x41a: {  	[sflag:s15] =	ssyncset.done $0x0  }
0x41b: {  	s30 =	rddreg [dreg:$0xf];
	[sflag:s15] =	ssyncadd.s32 $0xFFFF8000  }
0x41c: {  	[tilespmem:s4], [sflag:$0x3] =	stream.linear.gather [hbm4b:s30+s2], $0x4000, $0x38;
	[tilespmem:$0x19800] =	vst v63  }
0x41d: {  	s30 =	sld [smem:$0x7C7];
	_ =	sdelay $0x2  }
0x41e: {  	[tilespmem:s0], [sflag:$0x3] =	stream.linear.gather [hbm4b:s30+s2], $0x4000, $0x38;
	[tilespmem:$0x19800] =	vst v63  }
0x41f: {  	s30 =	rddreg [dreg:$0x14]  }
0x420: {  	[tilespmem:s3], [sflag:$0x3] =	stream.linear.gather [hbm4b:s30+s2], $0x400, $0x38;
	[tilespmem:$0x19800] =	vst v63  }
0x421: {  	s30 =	sld [smem:$0x7C8];
	_ =	sdelay $0x2  }
0x422: {  	[tilespmem:s1], [sflag:$0x3] =	stream.linear.gather [hbm4b:s30+s2], $0x400, $0x38;
	[tilespmem:$0x19800] =	vst v63  }
0x423: {  	_ =	swait.ge [sflag:s11], $0x8000  }
0x424: {  	[sflag:s11] =	ssyncset.done $0x0  }
0x425: {  	[sflag:s11] =	ssyncadd.s32 $0xFFFF8000  }
0x426: {  	_ =	swait.ge [sflag:s11], $0x800  }
0x427: {  	[sflag:s11] =	ssyncset.done $0x0  }
0x428: {  	s30 =	rddreg [dreg:$0xc];
	[sflag:s11] =	ssyncadd.s32 $0xFFFFF800  }
0x429: {  	[hbm4b:s30+s2] =	stream.linear.scatter [tilespmem:s12], [sflag:$0x4], $0x4000, $0x38;
	[tilespmem:$0x19800] =	vst v63  }
0x42a: {  	s30 =	sld [smem:$0x7C9];
	_ =	sdelay $0x2  }
0x42b: {  	[hbm4b:s30+s2] =	stream.linear.scatter [tilespmem:s10], [sflag:$0x4], $0x4000, $0x38;
	[tilespmem:$0x19800] =	vst v63  }
0x42c: {  	_ =	swait.ge [sflag:s8], $0x8000  }
0x42d: {  	[sflag:s8] =	ssyncset.done $0x0  }
0x42e: {  	s30 =	rddreg [dreg:$0xd];
	[sflag:s8] =	ssyncadd.s32 $0xFFFF8000  }
0x42f: {  	[tilespmem:s2], [sflag:$0x1] =	stream.linear.gather [hbm4b:s30+s2], $0x4000, $0x38;
	[tilespmem:$0x19800] =	vst v63  }
0x430: {  	s30 =	sld [smem:$0x7CA];
	_ =	sdelay $0x2  }
0x431: {  	[tilespmem:s19], [sflag:$0x1] =	stream.linear.gather [hbm4b:s30+s2], $0x4000, $0x38;
	[tilespmem:$0x19800] =	vst v63  }
0x432: {  	s30 =	rddreg [dreg:$0x10]  }
0x433: {  	[tilespmem:s20], [sflag:$0x1] =	stream.linear.gather [hbm4b:s30+s2], $0x400, $0x38;
	[tilespmem:$0x19800] =	vst v63  }
0x434: {  	s30 =	sld [smem:$0x7CB];
	_ =	sdelay $0x2  }
0x435: {  	[tilespmem:s18], [sflag:$0x1] =	stream.linear.gather [hbm4b:s30+s2], $0x400, $0x38;
	[tilespmem:$0x19800] =	vst v63  }
0x436: {  	_ =	swait.ge [sflag:s26], $0x8000  }
0x437: {  	[sflag:s26] =	ssyncset.done $0x0  }
0x438: {  	[sflag:s26] =	ssyncadd.s32 $0xFFFF8000  }
0x439: {  	_ =	swait.ge [sflag:s26], $0x800  }
0x43a: {  	[sflag:s26] =	ssyncset.done $0x0  }
0x43b: {  	s30 =	rddreg [dreg:$0xb];
	[sflag:s26] =	ssyncadd.s32 $0xFFFFF800  }
0x43c: {  	[hbm4b:s30+s2] =	stream.linear.scatter [tilespmem:s28], [sflag:$0x5], $0x4000, $0x38;
	[tilespmem:$0x19800] =	vst v63  }
0x43d: {  	s30 =	sld [smem:$0x7CC];
	_ =	sdelay $0x2  }
0x43e: {  	[hbm4b:s30+s2] =	stream.linear.scatter [tilespmem:s25], [sflag:$0x5], $0x4000, $0x38;
	[tilespmem:$0x19800] =	vst v63  }
0x43f: {  	_ =	swait.ge [sflag:s22], $0x8000  }
0x440: {  	[sflag:s22] =	ssyncset.done $0x0  }
0x441: {  	[sflag:s22] =	ssyncadd.s32 $0xFFFF8000  }
0x442: {  	_ =	swait.ge [sflag:s22], $0x800  }
0x443: {  	[sflag:s22] =	ssyncset.done $0x0  }
0x444: {  	[sflag:s22] =	ssyncadd.s32 $0xFFFFF800  }
0x445: {  	[hbm4b:s31+s2] =	stream.linear.scatter [tilespmem:s23], [sflag:$0x6], $0x4000, $0x38;
	[tilespmem:$0x19800] =	vst v63  }
0x446: {  	_ = 	snop  }
0x447: {  	[hbm4b:s24+s2] =	stream.linear.scatter [tilespmem:s21], [sflag:$0x6], $0x4000, $0x38;
	[tilespmem:$0x19800] =	vst v63  }
0x448: {  	_ =	swait.ge [sflag:s11], $0x8000  }
0x449: {  	[sflag:s11] =	ssyncset.done $0x0  }
0x44a: {  	[sflag:s11] =	ssyncadd.s32 $0xFFFF8000  }
0x44b: {  	_ =	swait.ge [sflag:s11], $0x800  }
0x44c: {  	[sflag:s11] =	ssyncset.done $0x0  }
0x44d: {  	[sflag:s11] =	ssyncadd.s32 $0xFFFFF800  }
0x44e: {  	[hbm4b:s7+s2] =	stream.linear.scatter [tilespmem:s12], [sflag:$0x4], $0x4000, $0x38;
	[tilespmem:$0x19800] =	vst v63  }
0x44f: {  	_ = 	snop  }
0x450: {  	[hbm4b:s6+s2] =	stream.linear.scatter [tilespmem:s10], [sflag:$0x4], $0x4000, $0x38;
	[tilespmem:$0x19800] =	vst v63  }
0x451: {  	_ =	swait.ge [sflag:s13], $0x8000  }
0x452: {  	[sflag:s13] =	ssyncset.done $0x0  }
0x453: {  	p1 =	sne.s32 s29, $0x1;
	[sflag:s13] =	ssyncadd.s32 $0xFFFF8000  }
.Ltmp2:
0x454: {  	_ =	swait.ge [sflag:s15], $0x8000;
	(pc) =	sbr.rel @p1 .LBB2_3-.Ltmp2, $4  }
0x455: {  	[sflag:s15] =	ssyncset.done $0x0  }
0x456: {  	[sflag:s15] =	ssyncadd.s32 $0xFFFF8000  }
0x457: {  	_ =	swait.ge [sflag:s8], $0x8000  }
0x458: {  	s29 =	sadd.s32 $0xFFFFFFFF, s29;
	[sflag:s8] =	ssyncset.done $0x0  }
0x459: {  	s30 =	rddreg [dreg:$0x2]  }
0x45a: {  	s24 =	stileid.u32;
	s6 =	sld [smem:$0x789]  }
.LBB2_5:
0x45b: {  	s29 =	sld [smem:$0x7D5];
	_ =	sdelay $0x1  }
0x45c: {  	[sflag:s8] =	ssyncadd.s32 @p0 $0xFFFF8000  }
0x45d: {  	[tilespmem:s2], [sflag:$0x1] =	stream.linear.gather [hbm4b:s29+s2], $0x4000, $0x38;
	[tilespmem:$0x19800] =	vst v63  }
0x45e: {  	s5 =	rddreg [dreg:$0x3]  }
0x45f: {  	[tilespmem:s19], [sflag:$0x1] =	stream.linear.gather [hbm4b:s5+s2], $0x4000, $0x38;
	[tilespmem:$0x19800] =	vst v63  }
0x460: {  	_ = 	snop  }
0x461: {  	[tilespmem:s20], [sflag:$0x1] =	stream.linear.gather [hbm4b:s6+s2], $0x400, $0x38;
	[tilespmem:$0x19800] =	vst v63  }
0x462: {  	s29 =	rddreg [dreg:$0x4]  }
0x463: {  	[tilespmem:s18], [sflag:$0x1] =	stream.linear.gather [hbm4b:s29+s2], $0x400, $0x38;
	[tilespmem:$0x19800] =	vst v63  }
0x464: {  	s29 =	sld [smem:$0x7D7];
	_ =	sdelay $0x2  }
0x465: {  	[tilespmem:s17], [sflag:$0x2] =	stream.linear.gather [hbm4b:s29+s2], $0x4000, $0x38;
	[tilespmem:$0x19800] =	vst v63  }
0x466: {  	s5 =	rddreg [dreg:$0x5]  }
0x467: {  	[tilespmem:s14], [sflag:$0x2] =	stream.linear.gather [hbm4b:s5+s2], $0x4000, $0x38;
	[tilespmem:$0x19800] =	vst v63  }
0x468: {  	s6 =	rddreg [dreg:$0x6]  }
0x469: {  	[tilespmem:s16], [sflag:$0x2] =	stream.linear.gather [hbm4b:s6+s2], $0x400, $0x38;
	[tilespmem:$0x19800] =	vst v63  }
0x46a: {  	s29 =	rddreg [dreg:$0x7]  }
0x46b: {  	[tilespmem:s9], [sflag:$0x2] =	stream.linear.gather [hbm4b:s29+s2], $0x400, $0x38;
	[tilespmem:$0x19800] =	vst v63  }
0x46c: {  	s29 =	sld [smem:$0x7D9];
	_ =	sdelay $0x2  }
0x46d: {  	[tilespmem:s4], [sflag:$0x3] =	stream.linear.gather [hbm4b:s29+s2], $0x4000, $0x38;
	[tilespmem:$0x19800] =	vst v63  }
0x46e: {  	s5 =	rddreg [dreg:$0x8]  }
0x46f: {  	[tilespmem:s0], [sflag:$0x3] =	stream.linear.gather [hbm4b:s5+s2], $0x4000, $0x38;
	[tilespmem:$0x19800] =	vst v63  }
0x470: {  	s6 =	rddreg [dreg:$0x9]  }
0x471: {  	[tilespmem:s3], [sflag:$0x3] =	stream.linear.gather [hbm4b:s6+s2], $0x400, $0x38;
	[tilespmem:$0x19800] =	vst v63  }
0x472: {  	s29 =	rddreg [dreg:$0xa]  }
0x473: {  	[tilespmem:s1], [sflag:$0x3] =	stream.linear.gather [hbm4b:s29+s2], $0x400, $0x38;
	[tilespmem:$0x19800] =	vst v63  }
0x474: {  	_ =	swait.ge [sflag:s11], $0x8000  }
0x475: {  	[sflag:s11] =	ssyncset.done $0x0  }
0x476: {  	[sflag:s11] =	ssyncadd.s32 $0xFFFF8000  }
0x477: {  	_ =	swait.ge [sflag:s11], $0x800  }
0x478: {  	s6 =	sld [smem:$0x7EC]  }
0x479: {  	[sflag:s11] =	ssyncset.done $0x0  }
0x47a: {  	[sflag:s11] =	ssyncadd.s32 $0xFFFFF800  }
0x47b: {  	[hbm4b:s6+s2] =	stream.linear.scatter [tilespmem:s12], [sflag:$0x4], $0x4000, $0x38;
	[tilespmem:$0x19800] =	vst v63  }
0x47c: {  	s5 =	sadd.s32 $0x10000, s6  }
0x47d: {  	[hbm4b:s5+s2] =	stream.linear.scatter [tilespmem:s10], [sflag:$0x4], $0x4000, $0x38;
	[tilespmem:$0x19800] =	vst v63  }
0x47e: {  	_ =	swait.ge [sflag:s8], $0x8000  }
0x47f: {  	s29 =	sld [smem:$0x7CD]  }
0x480: {  	[sflag:s8] =	ssyncset.done $0x0  }
0x481: {  	[sflag:s8] =	ssyncadd.s32 $0xFFFF8000  }
0x482: {  	[tilespmem:s2], [sflag:$0x1] =	stream.linear.gather [hbm4b:s29+s2], $0x4000, $0x38;
	[tilespmem:$0x19800] =	vst v63  }
0x483: {  	s6 =	sld [smem:$0x7ED];
	s5 =	sadd.s32 $0x10000, s29  }
0x484: {  	[tilespmem:s19], [sflag:$0x1] =	stream.linear.gather [hbm4b:s5+s2], $0x4000, $0x38;
	[tilespmem:$0x19800] =	vst v63  }
0x485: {  	_ = 	snop  }
0x486: {  	[tilespmem:s20], [sflag:$0x1] =	stream.linear.gather [hbm4b:s6+s2], $0x400, $0x38;
	[tilespmem:$0x19800] =	vst v63  }
0x487: {  	s5 =	sadd.s32 $0x10000, s6  }
0x488: {  	[tilespmem:s18], [sflag:$0x1] =	stream.linear.gather [hbm4b:s5+s2], $0x400, $0x38;
	[tilespmem:$0x19800] =	vst v63  }
0x489: {  	_ =	swait.ge [sflag:s26], $0x8000  }
0x48a: {  	[sflag:s26] =	ssyncset.done $0x0  }
0x48b: {  	[sflag:s26] =	ssyncadd.s32 $0xFFFF8000  }
0x48c: {  	_ =	swait.ge [sflag:s26], $0x800  }
0x48d: {  	s29 =	sld [smem:$0x7CE]  }
0x48e: {  	[sflag:s26] =	ssyncset.done $0x0  }
0x48f: {  	[sflag:s26] =	ssyncadd.s32 $0xFFFFF800  }
0x490: {  	[hbm4b:s29+s2] =	stream.linear.scatter [tilespmem:s28], [sflag:$0x5], $0x4000, $0x38;
	[tilespmem:$0x19800] =	vst v63  }
0x491: {  	s5 =	sadd.s32 $0x10000, s29  }
0x492: {  	[hbm4b:s5+s2] =	stream.linear.scatter [tilespmem:s25], [sflag:$0x5], $0x4000, $0x38;
	[tilespmem:$0x19800] =	vst v63  }
0x493: {  	_ =	swait.ge [sflag:s13], $0x8000  }
0x494: {  	s6 =	sld [smem:$0x7CF]  }
0x495: {  	[sflag:s13] =	ssyncset.done $0x0  }
0x496: {  	[sflag:s13] =	ssyncadd.s32 $0xFFFF8000  }
0x497: {  	[tilespmem:s17], [sflag:$0x2] =	stream.linear.gather [hbm4b:s6+s2], $0x4000, $0x38;
	[tilespmem:$0x19800] =	vst v63  }
0x498: {  	s29 =	sld [smem:$0x7EE];
	s5 =	sadd.s32 $0x10000, s6  }
0x499: {  	[tilespmem:s14], [sflag:$0x2] =	stream.linear.gather [hbm4b:s5+s2], $0x4000, $0x38;
	[tilespmem:$0x19800] =	vst v63  }
0x49a: {  	_ = 	snop  }
0x49b: {  	[tilespmem:s16], [sflag:$0x2] =	stream.linear.gather [hbm4b:s29+s2], $0x400, $0x38;
	[tilespmem:$0x19800] =	vst v63  }
0x49c: {  	s5 =	sadd.s32 $0x10000, s29  }
0x49d: {  	[tilespmem:s9], [sflag:$0x2] =	stream.linear.gather [hbm4b:s5+s2], $0x400, $0x38;
	[tilespmem:$0x19800] =	vst v63  }
0x49e: {  	_ =	swait.ge [sflag:s22], $0x8000  }
0x49f: {  	[sflag:s22] =	ssyncset.done $0x0  }
0x4a0: {  	[sflag:s22] =	ssyncadd.s32 $0xFFFF8000  }
0x4a1: {  	_ =	swait.ge [sflag:s22], $0x800  }
0x4a2: {  	s6 =	sld [smem:$0x7D0]  }
0x4a3: {  	[sflag:s22] =	ssyncset.done $0x0  }
0x4a4: {  	[sflag:s22] =	ssyncadd.s32 $0xFFFFF800  }
0x4a5: {  	[hbm4b:s6+s2] =	stream.linear.scatter [tilespmem:s23], [sflag:$0x6], $0x4000, $0x38;
	[tilespmem:$0x19800] =	vst v63  }
0x4a6: {  	s5 =	sadd.s32 $0x10000, s6  }
0x4a7: {  	[hbm4b:s5+s2] =	stream.linear.scatter [tilespmem:s21], [sflag:$0x6], $0x4000, $0x38;
	[tilespmem:$0x19800] =	vst v63  }
0x4a8: {  	_ =	swait.ge [sflag:s15], $0x8000  }
0x4a9: {  	s29 =	sld [smem:$0x7D1]  }
0x4aa: {  	[sflag:s15] =	ssyncset.done $0x0  }
0x4ab: {  	[sflag:s15] =	ssyncadd.s32 $0xFFFF8000  }
0x4ac: {  	[tilespmem:s4], [sflag:$0x3] =	stream.linear.gather [hbm4b:s29+s2], $0x4000, $0x38;
	[tilespmem:$0x19800] =	vst v63  }
0x4ad: {  	s6 =	sld [smem:$0x7EF];
	s5 =	sadd.s32 $0x10000, s29  }
0x4ae: {  	[tilespmem:s0], [sflag:$0x3] =	stream.linear.gather [hbm4b:s5+s2], $0x4000, $0x38;
	[tilespmem:$0x19800] =	vst v63  }
0x4af: {  	_ = 	snop  }
0x4b0: {  	[tilespmem:s3], [sflag:$0x3] =	stream.linear.gather [hbm4b:s6+s2], $0x400, $0x38;
	[tilespmem:$0x19800] =	vst v63  }
0x4b1: {  	s5 =	sadd.s32 $0x10000, s6  }
0x4b2: {  	[tilespmem:s1], [sflag:$0x3] =	stream.linear.gather [hbm4b:s5+s2], $0x400, $0x38;
	[tilespmem:$0x19800] =	vst v63  }
0x4b3: {  	_ =	swait.ge [sflag:s11], $0x8000  }
0x4b4: {  	[sflag:s11] =	ssyncset.done $0x0  }
0x4b5: {  	[sflag:s11] =	ssyncadd.s32 $0xFFFF8000  }
0x4b6: {  	_ =	swait.ge [sflag:s11], $0x800  }
0x4b7: {  	s29 =	sld [smem:$0x7D2]  }
0x4b8: {  	[sflag:s11] =	ssyncset.done $0x0  }
0x4b9: {  	[sflag:s11] =	ssyncadd.s32 $0xFFFFF800  }
0x4ba: {  	[hbm4b:s29+s2] =	stream.linear.scatter [tilespmem:s12], [sflag:$0x4], $0x4000, $0x38;
	[tilespmem:$0x19800] =	vst v63  }
0x4bb: {  	s5 =	sadd.s32 $0x10000, s29  }
0x4bc: {  	[hbm4b:s5+s2] =	stream.linear.scatter [tilespmem:s10], [sflag:$0x4], $0x4000, $0x38;
	[tilespmem:$0x19800] =	vst v63  }
0x4bd: {  	_ =	swait.ge [sflag:s8], $0x8000  }
0x4be: {  	s6 =	sld [smem:$0x7D3]  }
0x4bf: {  	[sflag:s8] =	ssyncset.done $0x0  }
0x4c0: {  	[sflag:s8] =	ssyncadd.s32 $0xFFFF8000  }
0x4c1: {  	[tilespmem:s2], [sflag:$0x1] =	stream.linear.gather [hbm4b:s6+s2], $0x4000, $0x38;
	[tilespmem:$0x19800] =	vst v63  }
0x4c2: {  	s29 =	sld [smem:$0x7F0];
	s5 =	sadd.s32 $0x10000, s6  }
0x4c3: {  	[tilespmem:s19], [sflag:$0x1] =	stream.linear.gather [hbm4b:s5+s2], $0x4000, $0x38;
	[tilespmem:$0x19800] =	vst v63  }
0x4c4: {  	_ = 	snop  }
0x4c5: {  	[tilespmem:s20], [sflag:$0x1] =	stream.linear.gather [hbm4b:s29+s2], $0x400, $0x38;
	[tilespmem:$0x19800] =	vst v63  }
0x4c6: {  	s5 =	sadd.s32 $0x10000, s29  }
0x4c7: {  	[tilespmem:s18], [sflag:$0x1] =	stream.linear.gather [hbm4b:s5+s2], $0x400, $0x38;
	[tilespmem:$0x19800] =	vst v63  }
0x4c8: {  	_ =	swait.ge [sflag:s26], $0x8000  }
0x4c9: {  	[sflag:s26] =	ssyncset.done $0x0  }
0x4ca: {  	[sflag:s26] =	ssyncadd.s32 $0xFFFF8000  }
0x4cb: {  	_ =	swait.ge [sflag:s26], $0x800  }
0x4cc: {  	s6 =	sld [smem:$0x7D4]  }
0x4cd: {  	[sflag:s26] =	ssyncset.done $0x0  }
0x4ce: {  	[sflag:s26] =	ssyncadd.s32 $0xFFFFF800  }
0x4cf: {  	[hbm4b:s6+s2] =	stream.linear.scatter [tilespmem:s28], [sflag:$0x5], $0x4000, $0x38;
	[tilespmem:$0x19800] =	vst v63  }
0x4d0: {  	s5 =	sadd.s32 $0x10000, s6  }
0x4d1: {  	[hbm4b:s5+s2] =	stream.linear.scatter [tilespmem:s25], [sflag:$0x5], $0x4000, $0x38;
	[tilespmem:$0x19800] =	vst v63  }
0x4d2: {  	_ =	swait.ge [sflag:s13], $0x8000  }
0x4d3: {  	s29 =	sld [smem:$0x7D6]  }
0x4d4: {  	[sflag:s13] =	ssyncset.done $0x0  }
0x4d5: {  	[sflag:s13] =	ssyncadd.s32 $0xFFFF8000  }
0x4d6: {  	[tilespmem:s17], [sflag:$0x2] =	stream.linear.gather [hbm4b:s29+s2], $0x4000, $0x38;
	[tilespmem:$0x19800] =	vst v63  }
0x4d7: {  	s6 =	sld [smem:$0x7F1];
	s5 =	sadd.s32 $0x10000, s29  }
0x4d8: {  	[tilespmem:s14], [sflag:$0x2] =	stream.linear.gather [hbm4b:s5+s2], $0x4000, $0x38;
	[tilespmem:$0x19800] =	vst v63  }
0x4d9: {  	_ = 	snop  }
0x4da: {  	[tilespmem:s16], [sflag:$0x2] =	stream.linear.gather [hbm4b:s6+s2], $0x400, $0x38;
	[tilespmem:$0x19800] =	vst v63  }
0x4db: {  	s5 =	sadd.s32 $0x10000, s6  }
0x4dc: {  	[tilespmem:s9], [sflag:$0x2] =	stream.linear.gather [hbm4b:s5+s2], $0x400, $0x38;
	[tilespmem:$0x19800] =	vst v63  }
0x4dd: {  	_ =	swait.ge [sflag:s22], $0x8000  }
0x4de: {  	[sflag:s22] =	ssyncset.done $0x0  }
0x4df: {  	[sflag:s22] =	ssyncadd.s32 $0xFFFF8000  }
0x4e0: {  	_ =	swait.ge [sflag:s22], $0x800  }
0x4e1: {  	s29 =	sld [smem:$0x7D8]  }
0x4e2: {  	[sflag:s22] =	ssyncset.done $0x0  }
0x4e3: {  	[sflag:s22] =	ssyncadd.s32 $0xFFFFF800  }
0x4e4: {  	[hbm4b:s29+s2] =	stream.linear.scatter [tilespmem:s23], [sflag:$0x6], $0x4000, $0x38;
	[tilespmem:$0x19800] =	vst v63  }
0x4e5: {  	s5 =	sadd.s32 $0x10000, s29  }
0x4e6: {  	[hbm4b:s5+s2] =	stream.linear.scatter [tilespmem:s21], [sflag:$0x6], $0x4000, $0x38;
	[tilespmem:$0x19800] =	vst v63  }
0x4e7: {  	_ =	swait.ge [sflag:s15], $0x8000  }
0x4e8: {  	s6 =	sld [smem:$0x7DA]  }
0x4e9: {  	[sflag:s15] =	ssyncset.done $0x0  }
0x4ea: {  	[sflag:s15] =	ssyncadd.s32 $0xFFFF8000  }
0x4eb: {  	[tilespmem:s4], [sflag:$0x3] =	stream.linear.gather [hbm4b:s6+s2], $0x4000, $0x38;
	[tilespmem:$0x19800] =	vst v63  }
0x4ec: {  	s29 =	sld [smem:$0x7F2];
	s5 =	sadd.s32 $0x10000, s6  }
0x4ed: {  	[tilespmem:s0], [sflag:$0x3] =	stream.linear.gather [hbm4b:s5+s2], $0x4000, $0x38;
	[tilespmem:$0x19800] =	vst v63  }
0x4ee: {  	_ = 	snop  }
0x4ef: {  	[tilespmem:s3], [sflag:$0x3] =	stream.linear.gather [hbm4b:s29+s2], $0x400, $0x38;
	[tilespmem:$0x19800] =	vst v63  }
0x4f0: {  	s5 =	sadd.s32 $0x10000, s29  }
0x4f1: {  	[tilespmem:s1], [sflag:$0x3] =	stream.linear.gather [hbm4b:s5+s2], $0x400, $0x38;
	[tilespmem:$0x19800] =	vst v63  }
0x4f2: {  	_ =	swait.ge [sflag:s11], $0x8000  }
0x4f3: {  	[sflag:s11] =	ssyncset.done $0x0  }
0x4f4: {  	[sflag:s11] =	ssyncadd.s32 $0xFFFF8000  }
0x4f5: {  	_ =	swait.ge [sflag:s11], $0x800  }
0x4f6: {  	s6 =	sld [smem:$0x7DB]  }
0x4f7: {  	[sflag:s11] =	ssyncset.done $0x0  }
0x4f8: {  	[sflag:s11] =	ssyncadd.s32 $0xFFFFF800  }
0x4f9: {  	[hbm4b:s6+s2] =	stream.linear.scatter [tilespmem:s12], [sflag:$0x4], $0x4000, $0x38;
	[tilespmem:$0x19800] =	vst v63  }
0x4fa: {  	s5 =	sadd.s32 $0x10000, s6  }
0x4fb: {  	[hbm4b:s5+s2] =	stream.linear.scatter [tilespmem:s10], [sflag:$0x4], $0x4000, $0x38;
	[tilespmem:$0x19800] =	vst v63  }
0x4fc: {  	_ =	swait.ge [sflag:s8], $0x8000  }
0x4fd: {  	s29 =	sld [smem:$0x7DE]  }
0x4fe: {  	[sflag:s8] =	ssyncset.done $0x0  }
0x4ff: {  	[sflag:s8] =	ssyncadd.s32 $0xFFFF8000  }
0x500: {  	[tilespmem:s2], [sflag:$0x1] =	stream.linear.gather [hbm4b:s29+s2], $0x4000, $0x38;
	[tilespmem:$0x19800] =	vst v63  }
0x501: {  	s6 =	sld [smem:$0x7F3];
	s5 =	sadd.s32 $0x10000, s29  }
0x502: {  	[tilespmem:s19], [sflag:$0x1] =	stream.linear.gather [hbm4b:s5+s2], $0x4000, $0x38;
	[tilespmem:$0x19800] =	vst v63  }
0x503: {  	_ = 	snop  }
0x504: {  	[tilespmem:s20], [sflag:$0x1] =	stream.linear.gather [hbm4b:s6+s2], $0x400, $0x38;
	[tilespmem:$0x19800] =	vst v63  }
0x505: {  	s5 =	sadd.s32 $0x10000, s6  }
0x506: {  	[tilespmem:s18], [sflag:$0x1] =	stream.linear.gather [hbm4b:s5+s2], $0x400, $0x38;
	[tilespmem:$0x19800] =	vst v63  }
0x507: {  	_ =	swait.ge [sflag:s26], $0x8000  }
0x508: {  	[sflag:s26] =	ssyncset.done $0x0  }
0x509: {  	[sflag:s26] =	ssyncadd.s32 $0xFFFF8000  }
0x50a: {  	_ =	swait.ge [sflag:s26], $0x800  }
0x50b: {  	s29 =	sld [smem:$0x7DC]  }
0x50c: {  	[sflag:s26] =	ssyncset.done $0x0  }
0x50d: {  	[sflag:s26] =	ssyncadd.s32 $0xFFFFF800  }
0x50e: {  	[hbm4b:s29+s2] =	stream.linear.scatter [tilespmem:s28], [sflag:$0x5], $0x4000, $0x38;
	[tilespmem:$0x19800] =	vst v63  }
0x50f: {  	s5 =	sadd.s32 $0x10000, s29  }
0x510: {  	[hbm4b:s5+s2] =	stream.linear.scatter [tilespmem:s25], [sflag:$0x5], $0x4000, $0x38;
	[tilespmem:$0x19800] =	vst v63  }
0x511: {  	_ =	swait.ge [sflag:s13], $0x8000  }
0x512: {  	s6 =	sld [smem:$0x7E0]  }
0x513: {  	[sflag:s13] =	ssyncset.done $0x0  }
0x514: {  	[sflag:s13] =	ssyncadd.s32 $0xFFFF8000  }
0x515: {  	[tilespmem:s17], [sflag:$0x2] =	stream.linear.gather [hbm4b:s6+s2], $0x4000, $0x38;
	[tilespmem:$0x19800] =	vst v63  }
0x516: {  	s29 =	sld [smem:$0x7F4];
	s5 =	sadd.s32 $0x10000, s6  }
0x517: {  	[tilespmem:s14], [sflag:$0x2] =	stream.linear.gather [hbm4b:s5+s2], $0x4000, $0x38;
	[tilespmem:$0x19800] =	vst v63  }
0x518: {  	_ = 	snop  }
0x519: {  	[tilespmem:s16], [sflag:$0x2] =	stream.linear.gather [hbm4b:s29+s2], $0x400, $0x38;
	[tilespmem:$0x19800] =	vst v63  }
0x51a: {  	s5 =	sadd.s32 $0x10000, s29  }
0x51b: {  	[tilespmem:s9], [sflag:$0x2] =	stream.linear.gather [hbm4b:s5+s2], $0x400, $0x38;
	[tilespmem:$0x19800] =	vst v63  }
0x51c: {  	_ =	swait.ge [sflag:s22], $0x8000  }
0x51d: {  	[sflag:s22] =	ssyncset.done $0x0  }
0x51e: {  	[sflag:s22] =	ssyncadd.s32 $0xFFFF8000  }
0x51f: {  	_ =	swait.ge [sflag:s22], $0x800  }
0x520: {  	s6 =	sld [smem:$0x7DD]  }
0x521: {  	[sflag:s22] =	ssyncset.done $0x0  }
0x522: {  	[sflag:s22] =	ssyncadd.s32 $0xFFFFF800  }
0x523: {  	[hbm4b:s6+s2] =	stream.linear.scatter [tilespmem:s23], [sflag:$0x6], $0x4000, $0x38;
	[tilespmem:$0x19800] =	vst v63  }
0x524: {  	s5 =	sadd.s32 $0x10000, s6  }
0x525: {  	[hbm4b:s5+s2] =	stream.linear.scatter [tilespmem:s21], [sflag:$0x6], $0x4000, $0x38;
	[tilespmem:$0x19800] =	vst v63  }
0x526: {  	_ =	swait.ge [sflag:s15], $0x8000  }
0x527: {  	s29 =	sld [smem:$0x7E2]  }
0x528: {  	[sflag:s15] =	ssyncset.done $0x0  }
0x529: {  	[sflag:s15] =	ssyncadd.s32 $0xFFFF8000  }
0x52a: {  	[tilespmem:s4], [sflag:$0x3] =	stream.linear.gather [hbm4b:s29+s2], $0x4000, $0x38;
	[tilespmem:$0x19800] =	vst v63  }
0x52b: {  	s6 =	sld [smem:$0x7F5];
	s5 =	sadd.s32 $0x10000, s29  }
0x52c: {  	[tilespmem:s0], [sflag:$0x3] =	stream.linear.gather [hbm4b:s5+s2], $0x4000, $0x38;
	[tilespmem:$0x19800] =	vst v63  }
0x52d: {  	_ = 	snop  }
0x52e: {  	[tilespmem:s3], [sflag:$0x3] =	stream.linear.gather [hbm4b:s6+s2], $0x400, $0x38;
	[tilespmem:$0x19800] =	vst v63  }
0x52f: {  	s5 =	sadd.s32 $0x10000, s6  }
0x530: {  	[tilespmem:s1], [sflag:$0x3] =	stream.linear.gather [hbm4b:s5+s2], $0x400, $0x38;
	[tilespmem:$0x19800] =	vst v63  }
0x531: {  	_ =	swait.ge [sflag:s11], $0x8000  }
0x532: {  	[sflag:s11] =	ssyncset.done $0x0  }
0x533: {  	[sflag:s11] =	ssyncadd.s32 $0xFFFF8000  }
0x534: {  	_ =	swait.ge [sflag:s11], $0x800  }
0x535: {  	s29 =	sld [smem:$0x7DF]  }
0x536: {  	[sflag:s11] =	ssyncset.done $0x0  }
0x537: {  	[sflag:s11] =	ssyncadd.s32 $0xFFFFF800  }
0x538: {  	[hbm4b:s29+s2] =	stream.linear.scatter [tilespmem:s12], [sflag:$0x4], $0x4000, $0x38;
	[tilespmem:$0x19800] =	vst v63  }
0x539: {  	s5 =	sadd.s32 $0x10000, s29  }
0x53a: {  	[hbm4b:s5+s2] =	stream.linear.scatter [tilespmem:s10], [sflag:$0x4], $0x4000, $0x38;
	[tilespmem:$0x19800] =	vst v63  }
0x53b: {  	_ =	swait.ge [sflag:s8], $0x8000  }
0x53c: {  	s6 =	sld [smem:$0x7E4]  }
0x53d: {  	[sflag:s8] =	ssyncset.done $0x0  }
0x53e: {  	[sflag:s8] =	ssyncadd.s32 $0xFFFF8000  }
0x53f: {  	[tilespmem:s2], [sflag:$0x1] =	stream.linear.gather [hbm4b:s6+s2], $0x4000, $0x38;
	[tilespmem:$0x19800] =	vst v63  }
0x540: {  	s29 =	sld [smem:$0x7F6];
	s5 =	sadd.s32 $0x10000, s6  }
0x541: {  	[tilespmem:s19], [sflag:$0x1] =	stream.linear.gather [hbm4b:s5+s2], $0x4000, $0x38;
	[tilespmem:$0x19800] =	vst v63  }
0x542: {  	_ = 	snop  }
0x543: {  	[tilespmem:s20], [sflag:$0x1] =	stream.linear.gather [hbm4b:s29+s2], $0x400, $0x38;
	[tilespmem:$0x19800] =	vst v63  }
0x544: {  	s5 =	sadd.s32 $0x10000, s29  }
0x545: {  	[tilespmem:s18], [sflag:$0x1] =	stream.linear.gather [hbm4b:s5+s2], $0x400, $0x38;
	[tilespmem:$0x19800] =	vst v63  }
0x546: {  	_ =	swait.ge [sflag:s26], $0x8000  }
0x547: {  	[sflag:s26] =	ssyncset.done $0x0  }
0x548: {  	[sflag:s26] =	ssyncadd.s32 $0xFFFF8000  }
0x549: {  	_ =	swait.ge [sflag:s26], $0x800  }
0x54a: {  	s6 =	sld [smem:$0x7E1]  }
0x54b: {  	[sflag:s26] =	ssyncset.done $0x0  }
0x54c: {  	[sflag:s26] =	ssyncadd.s32 $0xFFFFF800  }
0x54d: {  	[hbm4b:s6+s2] =	stream.linear.scatter [tilespmem:s28], [sflag:$0x5], $0x4000, $0x38;
	[tilespmem:$0x19800] =	vst v63  }
0x54e: {  	s5 =	sadd.s32 $0x10000, s6  }
0x54f: {  	[hbm4b:s5+s2] =	stream.linear.scatter [tilespmem:s25], [sflag:$0x5], $0x4000, $0x38;
	[tilespmem:$0x19800] =	vst v63  }
0x550: {  	_ =	swait.ge [sflag:s13], $0x8000  }
0x551: {  	s29 =	sld [smem:$0x7E6]  }
0x552: {  	[sflag:s13] =	ssyncset.done $0x0  }
0x553: {  	[sflag:s13] =	ssyncadd.s32 $0xFFFF8000  }
0x554: {  	[tilespmem:s17], [sflag:$0x2] =	stream.linear.gather [hbm4b:s29+s2], $0x4000, $0x38;
	[tilespmem:$0x19800] =	vst v63  }
0x555: {  	s6 =	sld [smem:$0x7F7];
	s5 =	sadd.s32 $0x10000, s29  }
0x556: {  	[tilespmem:s14], [sflag:$0x2] =	stream.linear.gather [hbm4b:s5+s2], $0x4000, $0x38;
	[tilespmem:$0x19800] =	vst v63  }
0x557: {  	_ = 	snop  }
0x558: {  	[tilespmem:s16], [sflag:$0x2] =	stream.linear.gather [hbm4b:s6+s2], $0x400, $0x38;
	[tilespmem:$0x19800] =	vst v63  }
0x559: {  	s5 =	sadd.s32 $0x10000, s6  }
0x55a: {  	[tilespmem:s9], [sflag:$0x2] =	stream.linear.gather [hbm4b:s5+s2], $0x400, $0x38;
	[tilespmem:$0x19800] =	vst v63  }
0x55b: {  	_ =	swait.ge [sflag:s22], $0x8000  }
0x55c: {  	[sflag:s22] =	ssyncset.done $0x0  }
0x55d: {  	[sflag:s22] =	ssyncadd.s32 $0xFFFF8000  }
0x55e: {  	_ =	swait.ge [sflag:s22], $0x800  }
0x55f: {  	s29 =	sld [smem:$0x7E3]  }
0x560: {  	[sflag:s22] =	ssyncset.done $0x0  }
0x561: {  	[sflag:s22] =	ssyncadd.s32 $0xFFFFF800  }
0x562: {  	[hbm4b:s29+s2] =	stream.linear.scatter [tilespmem:s23], [sflag:$0x6], $0x4000, $0x38;
	[tilespmem:$0x19800] =	vst v63  }
0x563: {  	s5 =	sadd.s32 $0x10000, s29  }
0x564: {  	[hbm4b:s5+s2] =	stream.linear.scatter [tilespmem:s21], [sflag:$0x6], $0x4000, $0x38;
	[tilespmem:$0x19800] =	vst v63  }
0x565: {  	_ =	swait.ge [sflag:s15], $0x8000  }
0x566: {  	s6 =	sld [smem:$0x7E8]  }
0x567: {  	[sflag:s15] =	ssyncset.done $0x0  }
0x568: {  	[sflag:s15] =	ssyncadd.s32 $0xFFFF8000  }
0x569: {  	[tilespmem:s4], [sflag:$0x3] =	stream.linear.gather [hbm4b:s6+s2], $0x4000, $0x38;
	[tilespmem:$0x19800] =	vst v63  }
0x56a: {  	s29 =	sld [smem:$0x7F8];
	s5 =	sadd.s32 $0x10000, s6  }
0x56b: {  	[tilespmem:s0], [sflag:$0x3] =	stream.linear.gather [hbm4b:s5+s2], $0x4000, $0x38;
	[tilespmem:$0x19800] =	vst v63  }
0x56c: {  	_ = 	snop  }
0x56d: {  	[tilespmem:s3], [sflag:$0x3] =	stream.linear.gather [hbm4b:s29+s2], $0x400, $0x38;
	[tilespmem:$0x19800] =	vst v63  }
0x56e: {  	s5 =	sadd.s32 $0x10000, s29  }
0x56f: {  	[tilespmem:s1], [sflag:$0x3] =	stream.linear.gather [hbm4b:s5+s2], $0x400, $0x38;
	[tilespmem:$0x19800] =	vst v63  }
0x570: {  	_ =	swait.ge [sflag:s11], $0x8000  }
0x571: {  	[sflag:s11] =	ssyncset.done $0x0  }
0x572: {  	[sflag:s11] =	ssyncadd.s32 $0xFFFF8000  }
0x573: {  	_ =	swait.ge [sflag:s11], $0x800  }
0x574: {  	s6 =	sld [smem:$0x7E5]  }
0x575: {  	[sflag:s11] =	ssyncset.done $0x0  }
0x576: {  	[sflag:s11] =	ssyncadd.s32 $0xFFFFF800  }
0x577: {  	[hbm4b:s6+s2] =	stream.linear.scatter [tilespmem:s12], [sflag:$0x4], $0x4000, $0x38;
	[tilespmem:$0x19800] =	vst v63  }
0x578: {  	s5 =	sadd.s32 $0x10000, s6  }
0x579: {  	[hbm4b:s5+s2] =	stream.linear.scatter [tilespmem:s10], [sflag:$0x4], $0x4000, $0x38;
	[tilespmem:$0x19800] =	vst v63  }
0x57a: {  	_ =	swait.ge [sflag:s8], $0x8000  }
0x57b: {  	s29 =	sld [smem:$0x7E9]  }
0x57c: {  	[sflag:s8] =	ssyncset.done $0x0  }
0x57d: {  	[sflag:s8] =	ssyncadd.s32 $0xFFFF8000  }
0x57e: {  	[tilespmem:s2], [sflag:$0x1] =	stream.linear.gather [hbm4b:s29+s2], $0x4000, $0x38;
	[tilespmem:$0x19800] =	vst v63  }
0x57f: {  	s6 =	sld [smem:$0x7F9];
	s5 =	sadd.s32 $0x10000, s29  }
0x580: {  	[tilespmem:s19], [sflag:$0x1] =	stream.linear.gather [hbm4b:s5+s2], $0x4000, $0x38;
	[tilespmem:$0x19800] =	vst v63  }
0x581: {  	_ = 	snop  }
0x582: {  	[tilespmem:s20], [sflag:$0x1] =	stream.linear.gather [hbm4b:s6+s2], $0x400, $0x38;
	[tilespmem:$0x19800] =	vst v63  }
0x583: {  	s5 =	sadd.s32 $0x10000, s6  }
0x584: {  	[tilespmem:s18], [sflag:$0x1] =	stream.linear.gather [hbm4b:s5+s2], $0x400, $0x38;
	[tilespmem:$0x19800] =	vst v63  }
0x585: {  	_ =	swait.ge [sflag:s26], $0x8000  }
0x586: {  	[sflag:s26] =	ssyncset.done $0x0  }
0x587: {  	[sflag:s26] =	ssyncadd.s32 $0xFFFF8000  }
0x588: {  	_ =	swait.ge [sflag:s26], $0x800  }
0x589: {  	s29 =	sld [smem:$0x7E7]  }
0x58a: {  	[sflag:s26] =	ssyncset.done $0x0  }
0x58b: {  	[sflag:s26] =	ssyncadd.s32 $0xFFFFF800  }
0x58c: {  	[hbm4b:s29+s2] =	stream.linear.scatter [tilespmem:s28], [sflag:$0x5], $0x4000, $0x38;
	[tilespmem:$0x19800] =	vst v63  }
0x58d: {  	s5 =	sadd.s32 $0x10000, s29  }
0x58e: {  	[hbm4b:s5+s2] =	stream.linear.scatter [tilespmem:s25], [sflag:$0x5], $0x4000, $0x38;
	[tilespmem:$0x19800] =	vst v63  }
0x58f: {  	_ =	swait.ge [sflag:s13], $0x8000  }
0x590: {  	s6 =	sld [smem:$0x7EA]  }
0x591: {  	[sflag:s13] =	ssyncset.done $0x0  }
0x592: {  	[sflag:s13] =	ssyncadd.s32 $0xFFFF8000  }
0x593: {  	[tilespmem:s17], [sflag:$0x2] =	stream.linear.gather [hbm4b:s6+s2], $0x4000, $0x38;
	[tilespmem:$0x19800] =	vst v63  }
0x594: {  	s29 =	sld [smem:$0x7FA];
	s5 =	sadd.s32 $0x10000, s6  }
0x595: {  	[tilespmem:s14], [sflag:$0x2] =	stream.linear.gather [hbm4b:s5+s2], $0x4000, $0x38;
	[tilespmem:$0x19800] =	vst v63  }
0x596: {  	_ = 	snop  }
0x597: {  	[tilespmem:s16], [sflag:$0x2] =	stream.linear.gather [hbm4b:s29+s2], $0x400, $0x38;
	[tilespmem:$0x19800] =	vst v63  }
0x598: {  	s5 =	sadd.s32 $0x10000, s29  }
0x599: {  	[tilespmem:s9], [sflag:$0x2] =	stream.linear.gather [hbm4b:s5+s2], $0x400, $0x38;
	[tilespmem:$0x19800] =	vst v63  }
0x59a: {  	_ =	swait.ge [sflag:s22], $0x8000  }
0x59b: {  	[sflag:s22] =	ssyncset.done $0x0  }
0x59c: {  	[sflag:s22] =	ssyncadd.s32 $0xFFFF8000  }
0x59d: {  	_ =	swait.ge [sflag:s22], $0x800  }
0x59e: {  	[sflag:s22] =	ssyncset.done $0x0  }
0x59f: {  	s6 =	rddreg [dreg:$0x1f];
	[sflag:s22] =	ssyncadd.s32 $0xFFFFF800  }
0x5a0: {  	[hbm4b:s6+s2] =	stream.linear.scatter [tilespmem:s23], [sflag:$0x6], $0x4000, $0x38;
	[tilespmem:$0x19800] =	vst v63  }
0x5a1: {  	s5 =	sadd.s32 $0x10000, s6  }
0x5a2: {  	[hbm4b:s5+s2] =	stream.linear.scatter [tilespmem:s21], [sflag:$0x6], $0x4000, $0x38;
	[tilespmem:$0x19800] =	vst v63  }
0x5a3: {  	_ =	swait.ge [sflag:s15], $0x8000  }
0x5a4: {  	s29 =	sld [smem:$0x7EB]  }
0x5a5: {  	[sflag:s15] =	ssyncset.done $0x0  }
0x5a6: {  	[sflag:s15] =	ssyncadd.s32 $0xFFFF8000  }
0x5a7: {  	[tilespmem:s4], [sflag:$0x3] =	stream.linear.gather [hbm4b:s29+s2], $0x4000, $0x38;
	[tilespmem:$0x19800] =	vst v63  }
0x5a8: {  	s6 =	sld [smem:$0x7FB];
	s5 =	sadd.s32 $0x10000, s29  }
0x5a9: {  	[tilespmem:s0], [sflag:$0x3] =	stream.linear.gather [hbm4b:s5+s2], $0x4000, $0x38;
	[tilespmem:$0x19800] =	vst v63  }
0x5aa: {  	_ = 	snop  }
0x5ab: {  	[tilespmem:s3], [sflag:$0x3] =	stream.linear.gather [hbm4b:s6+s2], $0x400, $0x38;
	[tilespmem:$0x19800] =	vst v63  }
0x5ac: {  	s5 =	sadd.s32 $0x10000, s6  }
0x5ad: {  	[tilespmem:s1], [sflag:$0x3] =	stream.linear.gather [hbm4b:s5+s2], $0x400, $0x38;
	[tilespmem:$0x19800] =	vst v63  }
0x5ae: {  	_ =	swait.ge [sflag:s11], $0x8000  }
0x5af: {  	[sflag:s11] =	ssyncset.done $0x0  }
0x5b0: {  	[sflag:s11] =	ssyncadd.s32 $0xFFFF8000  }
0x5b1: {  	_ =	swait.ge [sflag:s11], $0x800  }
0x5b2: {  	[sflag:s11] =	ssyncset.done $0x0  }
0x5b3: {  	s29 =	rddreg [dreg:$0x1c];
	[sflag:s11] =	ssyncadd.s32 $0xFFFFF800  }
0x5b4: {  	[hbm4b:s29+s2] =	stream.linear.scatter [tilespmem:s12], [sflag:$0x4], $0x4000, $0x38;
	[tilespmem:$0x19800] =	vst v63  }
0x5b5: {  	s5 =	sadd.s32 $0x10000, s29  }
0x5b6: {  	[hbm4b:s5+s2] =	stream.linear.scatter [tilespmem:s10], [sflag:$0x4], $0x4000, $0x38;
	[tilespmem:$0x19800] =	vst v63  }
0x5b7: {  	_ =	swait.ge [sflag:s8], $0x8000  }
0x5b8: {  	[sflag:s8] =	ssyncset.done $0x0  }
0x5b9: {  	s6 =	rddreg [dreg:$0x1d];
	[sflag:s8] =	ssyncadd.s32 $0xFFFF8000  }
0x5ba: {  	[tilespmem:s2], [sflag:$0x1] =	stream.linear.gather [hbm4b:s6+s2], $0x4000, $0x38;
	[tilespmem:$0x19800] =	vst v63  }
0x5bb: {  	s29 =	sld [smem:$0x7FC];
	s5 =	sadd.s32 $0x10000, s6  }
0x5bc: {  	[tilespmem:s19], [sflag:$0x1] =	stream.linear.gather [hbm4b:s5+s2], $0x4000, $0x38;
	[tilespmem:$0x19800] =	vst v63  }
0x5bd: {  	_ = 	snop  }
0x5be: {  	[tilespmem:s20], [sflag:$0x1] =	stream.linear.gather [hbm4b:s29+s2], $0x400, $0x38;
	[tilespmem:$0x19800] =	vst v63  }
0x5bf: {  	s5 =	sadd.s32 $0x10000, s29  }
0x5c0: {  	[tilespmem:s18], [sflag:$0x1] =	stream.linear.gather [hbm4b:s5+s2], $0x400, $0x38;
	[tilespmem:$0x19800] =	vst v63  }
0x5c1: {  	_ =	swait.ge [sflag:s26], $0x8000  }
0x5c2: {  	[sflag:s26] =	ssyncset.done $0x0  }
0x5c3: {  	[sflag:s26] =	ssyncadd.s32 $0xFFFF8000  }
0x5c4: {  	_ =	swait.ge [sflag:s26], $0x800  }
0x5c5: {  	[sflag:s26] =	ssyncset.done $0x0  }
0x5c6: {  	s6 =	rddreg [dreg:$0x19];
	[sflag:s26] =	ssyncadd.s32 $0xFFFFF800  }
0x5c7: {  	[hbm4b:s6+s2] =	stream.linear.scatter [tilespmem:s28], [sflag:$0x5], $0x4000, $0x38;
	[tilespmem:$0x19800] =	vst v63  }
0x5c8: {  	s5 =	sadd.s32 $0x10000, s6  }
0x5c9: {  	[hbm4b:s5+s2] =	stream.linear.scatter [tilespmem:s25], [sflag:$0x5], $0x4000, $0x38;
	[tilespmem:$0x19800] =	vst v63  }
0x5ca: {  	_ =	swait.ge [sflag:s13], $0x8000  }
0x5cb: {  	[sflag:s13] =	ssyncset.done $0x0  }
0x5cc: {  	s29 =	rddreg [dreg:$0x1a];
	[sflag:s13] =	ssyncadd.s32 $0xFFFF8000  }
0x5cd: {  	[tilespmem:s17], [sflag:$0x2] =	stream.linear.gather [hbm4b:s29+s2], $0x4000, $0x38;
	[tilespmem:$0x19800] =	vst v63  }
0x5ce: {  	s6 =	sld [smem:$0x7FD];
	s5 =	sadd.s32 $0x10000, s29  }
0x5cf: {  	[tilespmem:s14], [sflag:$0x2] =	stream.linear.gather [hbm4b:s5+s2], $0x4000, $0x38;
	[tilespmem:$0x19800] =	vst v63  }
0x5d0: {  	_ = 	snop  }
0x5d1: {  	[tilespmem:s16], [sflag:$0x2] =	stream.linear.gather [hbm4b:s6+s2], $0x400, $0x38;
	[tilespmem:$0x19800] =	vst v63  }
0x5d2: {  	s5 =	sadd.s32 $0x10000, s6  }
0x5d3: {  	[tilespmem:s9], [sflag:$0x2] =	stream.linear.gather [hbm4b:s5+s2], $0x400, $0x38;
	[tilespmem:$0x19800] =	vst v63  }
0x5d4: {  	_ =	swait.ge [sflag:s22], $0x8000  }
0x5d5: {  	[sflag:s22] =	ssyncset.done $0x0  }
0x5d6: {  	[sflag:s22] =	ssyncadd.s32 $0xFFFF8000  }
0x5d7: {  	_ =	swait.ge [sflag:s22], $0x800  }
0x5d8: {  	[sflag:s22] =	ssyncset.done $0x0  }
0x5d9: {  	s29 =	rddreg [dreg:$0x16];
	[sflag:s22] =	ssyncadd.s32 $0xFFFFF800  }
0x5da: {  	[hbm4b:s29+s2] =	stream.linear.scatter [tilespmem:s23], [sflag:$0x6], $0x4000, $0x38;
	[tilespmem:$0x19800] =	vst v63  }
0x5db: {  	s5 =	sadd.s32 $0x10000, s29  }
0x5dc: {  	[hbm4b:s5+s2] =	stream.linear.scatter [tilespmem:s21], [sflag:$0x6], $0x4000, $0x38;
	[tilespmem:$0x19800] =	vst v63  }
0x5dd: {  	_ =	swait.ge [sflag:s15], $0x8000  }
0x5de: {  	[sflag:s15] =	ssyncset.done $0x0  }
0x5df: {  	s6 =	rddreg [dreg:$0x17];
	[sflag:s15] =	ssyncadd.s32 $0xFFFF8000  }
0x5e0: {  	[tilespmem:s4], [sflag:$0x3] =	stream.linear.gather [hbm4b:s6+s2], $0x4000, $0x38;
	[tilespmem:$0x19800] =	vst v63  }
0x5e1: {  	s5 =	sadd.s32 $0x10000, s6  }
0x5e2: {  	[tilespmem:s0], [sflag:$0x3] =	stream.linear.gather [hbm4b:s5+s2], $0x4000, $0x38;
	[tilespmem:$0x19800] =	vst v63  }
0x5e3: {  	s29 =	rddreg [dreg:$0x1e]  }
0x5e4: {  	[tilespmem:s3], [sflag:$0x3] =	stream.linear.gather [hbm4b:s29+s2], $0x400, $0x38;
	[tilespmem:$0x19800] =	vst v63  }
0x5e5: {  	s5 =	sadd.s32 $0x10000, s29  }
0x5e6: {  	[tilespmem:s1], [sflag:$0x3] =	stream.linear.gather [hbm4b:s5+s2], $0x400, $0x38;
	[tilespmem:$0x19800] =	vst v63  }
0x5e7: {  	_ =	swait.ge [sflag:s11], $0x8000  }
0x5e8: {  	[sflag:s11] =	ssyncset.done $0x0  }
0x5e9: {  	[sflag:s11] =	ssyncadd.s32 $0xFFFF8000  }
0x5ea: {  	_ =	swait.ge [sflag:s11], $0x800  }
0x5eb: {  	[sflag:s11] =	ssyncset.done $0x0  }
0x5ec: {  	s6 =	rddreg [dreg:$0x13];
	[sflag:s11] =	ssyncadd.s32 $0xFFFFF800  }
0x5ed: {  	[hbm4b:s6+s2] =	stream.linear.scatter [tilespmem:s12], [sflag:$0x4], $0x4000, $0x38;
	[tilespmem:$0x19800] =	vst v63  }
0x5ee: {  	s5 =	sadd.s32 $0x10000, s6  }
0x5ef: {  	[hbm4b:s5+s2] =	stream.linear.scatter [tilespmem:s10], [sflag:$0x4], $0x4000, $0x38;
	[tilespmem:$0x19800] =	vst v63  }
0x5f0: {  	_ =	swait.ge [sflag:s8], $0x8000  }
0x5f1: {  	[sflag:s8] =	ssyncset.done $0x0  }
0x5f2: {  	s29 =	rddreg [dreg:$0x15];
	[sflag:s8] =	ssyncadd.s32 $0xFFFF8000  }
0x5f3: {  	[tilespmem:s2], [sflag:$0x1] =	stream.linear.gather [hbm4b:s29+s2], $0x4000, $0x38;
	[tilespmem:$0x19800] =	vst v63  }
0x5f4: {  	s5 =	sadd.s32 $0x10000, s29  }
0x5f5: {  	[tilespmem:s19], [sflag:$0x1] =	stream.linear.gather [hbm4b:s5+s2], $0x4000, $0x38;
	[tilespmem:$0x19800] =	vst v63  }
0x5f6: {  	s6 =	rddreg [dreg:$0x1b]  }
0x5f7: {  	[tilespmem:s20], [sflag:$0x1] =	stream.linear.gather [hbm4b:s6+s2], $0x400, $0x38;
	[tilespmem:$0x19800] =	vst v63  }
0x5f8: {  	s5 =	sadd.s32 $0x10000, s6  }
0x5f9: {  	[tilespmem:s18], [sflag:$0x1] =	stream.linear.gather [hbm4b:s5+s2], $0x400, $0x38;
	[tilespmem:$0x19800] =	vst v63  }
0x5fa: {  	_ =	swait.ge [sflag:s26], $0x8000  }
0x5fb: {  	[sflag:s26] =	ssyncset.done $0x0  }
0x5fc: {  	[sflag:s26] =	ssyncadd.s32 $0xFFFF8000  }
0x5fd: {  	_ =	swait.ge [sflag:s26], $0x800  }
0x5fe: {  	[sflag:s26] =	ssyncset.done $0x0  }
0x5ff: {  	s29 =	rddreg [dreg:$0x11];
	[sflag:s26] =	ssyncadd.s32 $0xFFFFF800  }
0x600: {  	[hbm4b:s29+s2] =	stream.linear.scatter [tilespmem:s28], [sflag:$0x5], $0x4000, $0x38;
	[tilespmem:$0x19800] =	vst v63  }
0x601: {  	s5 =	sadd.s32 $0x10000, s29  }
0x602: {  	[hbm4b:s5+s2] =	stream.linear.scatter [tilespmem:s25], [sflag:$0x5], $0x4000, $0x38;
	[tilespmem:$0x19800] =	vst v63  }
0x603: {  	_ =	swait.ge [sflag:s13], $0x8000  }
0x604: {  	[sflag:s13] =	ssyncset.done $0x0  }
0x605: {  	s6 =	rddreg [dreg:$0x12];
	[sflag:s13] =	ssyncadd.s32 $0xFFFF8000  }
0x606: {  	[tilespmem:s17], [sflag:$0x2] =	stream.linear.gather [hbm4b:s6+s2], $0x4000, $0x38;
	[tilespmem:$0x19800] =	vst v63  }
0x607: {  	s5 =	sadd.s32 $0x10000, s6  }
0x608: {  	[tilespmem:s14], [sflag:$0x2] =	stream.linear.gather [hbm4b:s5+s2], $0x4000, $0x38;
	[tilespmem:$0x19800] =	vst v63  }
0x609: {  	s17 =	rddreg [dreg:$0x18]  }
0x60a: {  	[tilespmem:s16], [sflag:$0x2] =	stream.linear.gather [hbm4b:s17+s2], $0x400, $0x38;
	[tilespmem:$0x19800] =	vst v63  }
0x60b: {  	s5 =	sadd.s32 $0x10000, s17  }
0x60c: {  	[tilespmem:s9], [sflag:$0x2] =	stream.linear.gather [hbm4b:s5+s2], $0x400, $0x38;
	[tilespmem:$0x19800] =	vst v63  }
0x60d: {  	_ =	swait.ge [sflag:s22], $0x8000  }
0x60e: {  	[sflag:s22] =	ssyncset.done $0x0  }
0x60f: {  	[sflag:s22] =	ssyncadd.s32 $0xFFFF8000  }
0x610: {  	_ =	swait.ge [sflag:s22], $0x800  }
0x611: {  	[sflag:s22] =	ssyncset.done $0x0  }
0x612: {  	s29 =	rddreg [dreg:$0xe];
	[sflag:s22] =	ssyncadd.s32 $0xFFFFF800  }
0x613: {  	[hbm4b:s29+s2] =	stream.linear.scatter [tilespmem:s23], [sflag:$0x6], $0x4000, $0x38;
	[tilespmem:$0x19800] =	vst v63  }
0x614: {  	s5 =	sadd.s32 $0x10000, s29  }
0x615: {  	[hbm4b:s5+s2] =	stream.linear.scatter [tilespmem:s21], [sflag:$0x6], $0x4000, $0x38;
	[tilespmem:$0x19800] =	vst v63  }
0x616: {  	_ =	swait.ge [sflag:s15], $0x8000  }
0x617: {  	[sflag:s15] =	ssyncset.done $0x0  }
0x618: {  	s6 =	rddreg [dreg:$0xf];
	[sflag:s15] =	ssyncadd.s32 $0xFFFF8000  }
0x619: {  	[tilespmem:s4], [sflag:$0x3] =	stream.linear.gather [hbm4b:s6+s2], $0x4000, $0x38;
	[tilespmem:$0x19800] =	vst v63  }
0x61a: {  	s9 =	sadd.s32 $0x10000, s6  }
0x61b: {  	[tilespmem:s0], [sflag:$0x3] =	stream.linear.gather [hbm4b:s9+s2], $0x4000, $0x38;
	[tilespmem:$0x19800] =	vst v63  }
0x61c: {  	s14 =	rddreg [dreg:$0x14]  }
0x61d: {  	[tilespmem:s3], [sflag:$0x3] =	stream.linear.gather [hbm4b:s14+s2], $0x400, $0x38;
	[tilespmem:$0x19800] =	vst v63  }
0x61e: {  	s0 =	sadd.s32 $0x10000, s14  }
0x61f: {  	[tilespmem:s1], [sflag:$0x3] =	stream.linear.gather [hbm4b:s0+s2], $0x400, $0x38;
	[tilespmem:$0x19800] =	vst v63  }
0x620: {  	_ =	swait.ge [sflag:s11], $0x8000  }
0x621: {  	[sflag:s11] =	ssyncset.done $0x0  }
0x622: {  	[sflag:s11] =	ssyncadd.s32 $0xFFFF8000  }
0x623: {  	_ =	swait.ge [sflag:s11], $0x800  }
0x624: {  	[sflag:s11] =	ssyncset.done $0x0  }
0x625: {  	s16 =	rddreg [dreg:$0xc];
	[sflag:s11] =	ssyncadd.s32 $0xFFFFF800  }
0x626: {  	[hbm4b:s16+s2] =	stream.linear.scatter [tilespmem:s12], [sflag:$0x4], $0x4000, $0x38;
	[tilespmem:$0x19800] =	vst v63  }
0x627: {  	s0 =	sadd.s32 $0x10000, s16  }
0x628: {  	[hbm4b:s0+s2] =	stream.linear.scatter [tilespmem:s10], [sflag:$0x4], $0x4000, $0x38;
	[tilespmem:$0x19800] =	vst v63  }
0x629: {  	_ =	swait.ge [sflag:s8], $0x8000  }
0x62a: {  	[sflag:s8] =	ssyncset.done $0x0  }
0x62b: {  	s17 =	rddreg [dreg:$0xd];
	[sflag:s8] =	ssyncadd.s32 $0xFFFF8000  }
0x62c: {  	[tilespmem:s2], [sflag:$0x1] =	stream.linear.gather [hbm4b:s17+s2], $0x4000, $0x38;
	[tilespmem:$0x19800] =	vst v63  }
0x62d: {  	s0 =	sadd.s32 $0x10000, s17  }
0x62e: {  	[tilespmem:s19], [sflag:$0x1] =	stream.linear.gather [hbm4b:s0+s2], $0x4000, $0x38;
	[tilespmem:$0x19800] =	vst v63  }
0x62f: {  	s19 =	rddreg [dreg:$0x10]  }
0x630: {  	[tilespmem:s20], [sflag:$0x1] =	stream.linear.gather [hbm4b:s19+s2], $0x400, $0x38;
	[tilespmem:$0x19800] =	vst v63  }
0x631: {  	s0 =	sadd.s32 $0x10000, s19  }
0x632: {  	[tilespmem:s18], [sflag:$0x1] =	stream.linear.gather [hbm4b:s0+s2], $0x400, $0x38;
	[tilespmem:$0x19800] =	vst v63  }
0x633: {  	_ =	swait.ge [sflag:s26], $0x8000  }
0x634: {  	[sflag:s26] =	ssyncset.done $0x0  }
0x635: {  	[sflag:s26] =	ssyncadd.s32 $0xFFFF8000  }
0x636: {  	_ =	swait.ge [sflag:s26], $0x800  }
0x637: {  	[sflag:s26] =	ssyncset.done $0x0  }
0x638: {  	[sflag:s26] =	ssyncadd.s32 $0xFFFFF800;
	s26 =	rddreg [dreg:$0xb]  }
0x639: {  	[hbm4b:s26+s2] =	stream.linear.scatter [tilespmem:s28], [sflag:$0x5], $0x4000, $0x38;
	[tilespmem:$0x19800] =	vst v63  }
0x63a: {  	s0 =	sadd.s32 $0x10000, s26  }
0x63b: {  	[hbm4b:s0+s2] =	stream.linear.scatter [tilespmem:s25], [sflag:$0x5], $0x4000, $0x38;
	[tilespmem:$0x19800] =	vst v63  }
0x63c: {  	_ =	swait.ge [sflag:s22], $0x8000  }
0x63d: {  	[sflag:s22] =	ssyncset.done $0x0  }
0x63e: {  	[sflag:s22] =	ssyncadd.s32 $0xFFFF8000  }
0x63f: {  	_ =	swait.ge [sflag:s22], $0x800  }
0x640: {  	[sflag:s22] =	ssyncset.done $0x0  }
0x641: {  	[sflag:s22] =	ssyncadd.s32 $0xFFFFF800  }
0x642: {  	[hbm4b:s31+s2] =	stream.linear.scatter [tilespmem:s23], [sflag:$0x6], $0x4000, $0x38;
	[tilespmem:$0x19800] =	vst v63  }
0x643: {  	s29 =	sadd.s32 $0x10000, s31  }
0x644: {  	[hbm4b:s29+s2] =	stream.linear.scatter [tilespmem:s21], [sflag:$0x6], $0x4000, $0x38;
	[tilespmem:$0x19800] =	vst v63  }
0x645: {  	_ =	swait.ge [sflag:s11], $0x8000  }
0x646: {  	[sflag:s11] =	ssyncset.done $0x0  }
0x647: {  	[sflag:s11] =	ssyncadd.s32 $0xFFFF8000  }
0x648: {  	_ =	swait.ge [sflag:s11], $0x800  }
0x649: {  	[sflag:s11] =	ssyncset.done $0x0  }
0x64a: {  	[sflag:s11] =	ssyncadd.s32 $0xFFFFF800  }
0x64b: {  	[hbm4b:s7+s2] =	stream.linear.scatter [tilespmem:s12], [sflag:$0x4], $0x4000, $0x38;
	[tilespmem:$0x19800] =	vst v63  }
0x64c: {  	s31 =	sadd.s32 $0x10000, s7  }
0x64d: {  	[hbm4b:s31+s2] =	stream.linear.scatter [tilespmem:s10], [sflag:$0x4], $0x4000, $0x38;
	[tilespmem:$0x19800] =	vst v63  }
0x64e: {  	_ =	swait.ge [sflag:s13], $0x8000  }
0x64f: {  	[sflag:s13] =	ssyncset.done $0x0  }
0x650: {  	[sflag:s13] =	ssyncadd.s32 $0xFFFF8000  }
0x651: {  	_ =	swait.ge [sflag:s15], $0x8000  }
0x652: {  	[sflag:s15] =	ssyncset.done $0x0  }
0x653: {  	[sflag:s15] =	ssyncadd.s32 $0xFFFF8000  }
0x654: {  	_ =	swait.ge [sflag:s8], $0x8000  }
0x655: {  	[sflag:s8] =	ssyncset.done $0x0  }
0x656: {  	[sflag:s8] =	ssyncadd.s32 $0xFFFF8000  }
0x657: {  	_ =	sfence.sel $0x180000  }
0x658: {  	[bflag:$0x0] =	sbarrier.arrive $0xFFFF  }
0x659: {  	p0 =	sne.s32 s24, $0x0;
	_ =	strace $0x90000047  }
0x65a: {  	s0 =	sadd.s32 @!p0 $0x100000, s30;
	[bflag:$0x2] =	sbarrier.arrive $0xFFFF  }
0x65b: {  	[sflag:s0] =	ssyncadd.tile.s32 @!p0 $0x1;
	_ =	shalt  }
.LBB2_6:
.Ltmp3:
0x65c: {  	(pc) =	sbr.rel .LBB2_5-.Ltmp3, $3  }
0x65d: {  	_ =	sdelay $0x1  }
0x65e: {  	s30 =	rddreg [dreg:$0x2]  }
0x65f: {  	s24 =	stileid.u32;
	s6 =	sld [smem:$0x789]  }
.Lfunc_end2:
_tile_overlayer_lowered:
.L_overlay_start_2:
0x660: {  	(tag) =	ssettag $0x2  }
0x661: {  	s0 =	rddreg [dreg:$0x0];
	s2 =	stileid.u32  }
0x662: {  	s1 =	rddreg [dreg:$0x1];
	p0 =	sne.s32 s2, $0x0  }
0x663: {  	s3 =	rddreg [dreg:$0x2];
	[bflag:$0x3] =	sbarrier.arrive $0xFFFF;
	s2 =	simm.s32 @!p0 $0x1C07  }
0x664: {  	[timem:s3], [sflag:s2] =	dma.local @!p0 [hbm:s0], s1  }
0x665: {  	s0 =	simm.s32 @!p0 $0x7  }
0x666: {  	_ =	swait.ge @!p0 [sflag:s0], s1  }
0x667: {  	s1 =	ssub.s32 @!p0 $0x0, s1;
	[sflag:s0] =	ssyncset.done @!p0 $0x0  }
0x668: {  	[sflag:s0] =	ssyncadd.s32 @!p0 s1  }
0x669: {  	[bflag:$0x3] =	sbarrier.arrive $0xFFFF  }
0x66a: {  	_ =	shalt  }

</sc_bundles>
